<compile_context>
chip_gen: v7x
topology: tpu7x:2x2x1
jax: 0.10.2.dev20260603
libtpu: 0.0.44.dev20260713+nightly
codegen_flags: <defaults>
</compile_context>

<pallas_src>
import functools

import numpy as np
import jax
import jax.numpy as jnp
from jax.experimental import pallas as pl
from jax.experimental.pallas import tpu as pltpu
from jax.experimental.pallas import tpu_sc as plsc

_N = 10000
_E = 160000
_DIN = 256
_HID = 128
_H = 8
_DH = 128
_HD = _H * _DH
_KP = 32
_PDIM = 32


def _mk_pairs(kp=_KP, pdim=_PDIM):
    ii, jj = [], []
    done = False
    for i in range(kp):
        for j in range(i + 1, kp):
            ii.append(i)
            jj.append(j)
            if len(ii) >= pdim:
                done = True
                break
        if done:
            break
    return np.array(ii), np.array(jj)


_PI, _PJ = _mk_pairs()


def _layer_norm(x, g, b, eps=1e-5):
    m = x.mean(-1, keepdims=True)
    v = ((x - m) ** 2).mean(-1, keepdims=True)
    return (x - m) / jnp.sqrt(v + eps) * g + b


def _sc_gather_call(Ts, Td, src, dst):
    info = plsc.get_sparse_core_info()
    NC, NS = info.num_cores, info.num_subcores
    NW = NC * NS
    per_w = _E // NW
    C = 8
    n_it = per_w // C
    W2 = 2 * _HD
    mesh = plsc.VectorSubcoreMesh(core_axis_name="c", subcore_axis_name="s")

    @functools.partial(
        pl.kernel,
        mesh=mesh,
        out_type=[
            jax.ShapeDtypeStruct((_E, W2), jnp.float32),
            jax.ShapeDtypeStruct((_E, W2), jnp.float32),
        ],
        scratch_types=[
            pltpu.VMEM((2, C), jnp.int32),
            pltpu.VMEM((2, C), jnp.int32),
            pltpu.VMEM((2, C, W2), jnp.float32),
            pltpu.VMEM((2, C, W2), jnp.float32),
            pltpu.SemaphoreType.DMA,
            pltpu.SemaphoreType.DMA,
        ],
    )
    def k(ts_hbm, td_hbm, src_hbm, dst_hbm, gs_hbm, gd_hbm,
          sidx, didx, bufs, bufd, sem0, sem1):
        wid = jax.lax.axis_index("s") * NC + jax.lax.axis_index("c")
        base = wid * per_w
        sems = (sem0, sem1)

        def fire(j, b):
            e0 = base + j * C
            pltpu.sync_copy(src_hbm.at[pl.ds(e0, C)], sidx.at[b])
            pltpu.sync_copy(dst_hbm.at[pl.ds(e0, C)], didx.at[b])
            pltpu.async_copy(ts_hbm.at[sidx.at[b]], bufs.at[b], sems[b])
            pltpu.async_copy(td_hbm.at[didx.at[b]], bufd.at[b], sems[b])

        def consume(j, b):
            pltpu.make_async_copy(ts_hbm.at[sidx.at[b]], bufs.at[b],
                                  sems[b]).wait()
            pltpu.make_async_copy(td_hbm.at[didx.at[b]], bufd.at[b],
                                  sems[b]).wait()
            e0 = base + j * C
            pltpu.sync_copy(bufs.at[b], gs_hbm.at[pl.ds(e0, C)])
            pltpu.sync_copy(bufd.at[b], gd_hbm.at[pl.ds(e0, C)])

        fire(0, 0)

        def body(i, carry):
            j0 = 2 * i
            fire(j0 + 1, 1)
            consume(j0, 0)

            @pl.when(j0 + 2 < n_it)
            def _():
                fire(j0 + 2, 0)

            consume(j0 + 1, 1)
            return carry

        jax.lax.fori_loop(0, n_it // 2, body, 0)
        if n_it % 2 == 1:
            consume(n_it - 1, 0)

    return k(Ts, Td, src, dst)


def _attn_msg_body(gs_ref, gd_ref, a_ref, msg_ref, *, eb):
    h1s = gs_ref[:, :_HD]
    hps = gs_ref[:, _HD:]
    h2d = gd_ref[:, :_HD]
    hpd = gd_ref[:, _HD:]
    t = h1s + h2d + hps * hpd
    t = jnp.where(t > 0, t, jnp.exp(t) - 1.0)
    w = (t * a_ref[...]).reshape(eb, _H, _DH)
    logits = jnp.sum(w, axis=-1) * np.float32(1.0 / np.sqrt(_DH))
    m = jnp.max(logits, axis=1, keepdims=True)
    ex = jnp.exp(logits - m)
    attn = ex / jnp.sum(ex, axis=1, keepdims=True)
    msg = attn[:, :, None] * h1s.reshape(eb, _H, _DH)
    msg_ref[...] = msg.reshape(eb, _HD)


def _attn_msg_call(Gs, Gd, a_flat):
    eb = 640
    W2 = 2 * _HD
    return pl.pallas_call(
        functools.partial(_attn_msg_body, eb=eb),
        grid=(_E // eb,),
        in_specs=[
            pl.BlockSpec((eb, W2), lambda i: (i, 0)),
            pl.BlockSpec((eb, W2), lambda i: (i, 0)),
            pl.BlockSpec((1, _HD), lambda i: (0, 0)),
        ],
        out_specs=pl.BlockSpec((eb, _HD), lambda i: (i, 0)),
        out_shape=jax.ShapeDtypeStruct((_E, _HD), jnp.float32),
    )(Gs, Gd, a_flat)


def _sc_scatter_call(msg, dst, zrows):
    info = plsc.get_sparse_core_info()
    NC, NS = info.num_cores, info.num_subcores
    per_t = _E // NS
    C2 = 80
    n_it = per_t // C2
    NPAD = 10240
    zpt = NPAD // NS
    opt = 624
    hpc = _H // NC
    mesh = plsc.VectorSubcoreMesh(core_axis_name="c", subcore_axis_name="s")

    @functools.partial(
        pl.kernel,
        mesh=mesh,
        out_type=jax.ShapeDtypeStruct((_N, _HD), jnp.float32),
        scratch_types=[
            pltpu.VMEM((C2,), jnp.int32),
            pltpu.VMEM((C2,), jnp.int32),
            pltpu.VMEM((C2, _DH), jnp.float32),
            pltpu.VMEM((C2, _DH), jnp.float32),
            pltpu.VMEM_SHARED((NPAD, _DH), jnp.float32),
            pltpu.SemaphoreType.DMA,
            pltpu.SemaphoreType.DMA,
        ],
    )
    def k(msg_hbm, dst_hbm, z_hbm, out_hbm, didx0, didx1, mbuf0, mbuf1,
          acc_sh, sem0, sem1):
        c = jax.lax.axis_index("c")
        s = jax.lax.axis_index("s")
        didxs = (didx0, didx1)
        mbufs = (mbuf0, mbuf1)
        sems = (sem0, sem1)
        for hh in range(hpc):
            h = c * hpc + hh
            col = h * _DH
            pltpu.sync_copy(z_hbm, acc_sh.at[pl.ds(s * zpt, zpt)])
            plsc.subcore_barrier()

            def fire(j, b):
                e0 = s * per_t + j * C2
                pltpu.async_copy(dst_hbm.at[pl.ds(e0, C2)], didxs[b],
                                 sems[b])
                pltpu.async_copy(
                    msg_hbm.at[pl.ds(e0, C2), pl.ds(col, _DH)],
                    mbufs[b], sems[b])

            def consume(j, b):
                e0 = s * per_t + j * C2
                pltpu.make_async_copy(dst_hbm.at[pl.ds(e0, C2)], didxs[b],
                                      sems[b]).wait()
                pltpu.make_async_copy(
                    msg_hbm.at[pl.ds(e0, C2), pl.ds(col, _DH)],
                    mbufs[b], sems[b]).wait()
                pltpu.sync_copy(mbufs[b], acc_sh.at[didxs[b]], add=True)

            fire(0, 0)

            def body(i, carry):
                j0 = 2 * i
                fire(j0 + 1, 1)
                consume(j0, 0)

                @pl.when(j0 + 2 < n_it)
                def _():
                    fire(j0 + 2, 0)

                consume(j0 + 1, 1)
                return carry

            jax.lax.fori_loop(0, n_it // 2, body, 0)
            if n_it % 2 == 1:
                consume(n_it - 1, 0)
            plsc.subcore_barrier()
            pltpu.sync_copy(
                acc_sh.at[pl.ds(s * opt, opt)],
                out_hbm.at[pl.ds(s * opt, opt), pl.ds(col, _DH)])

            @pl.when(s == NS - 1)
            def _():
                pltpu.sync_copy(
                    acc_sh.at[pl.ds(NS * opt, _N - NS * opt)],
                    out_hbm.at[pl.ds(NS * opt, _N - NS * opt),
                               pl.ds(col, _DH)])

            plsc.subcore_barrier()

    return k(msg, dst, zrows)


def _gat_edge_stage(Ts, Td, src, dst, zrows, a):
    Gs, Gd = _sc_gather_call(Ts, Td, src, dst)
    msg = _attn_msg_call(Gs, Gd, a.reshape(1, _HD))
    return _sc_scatter_call(msg, dst, zrows)


def _elu(v):
    return jnp.where(v > 0, v, jnp.exp(v) - 1.0)


def _front_stats_body(x_ref, w_ref, b_ref, phi_ref, s_ref, ss_ref):
    z = jnp.dot(x_ref[...], w_ref[...],
                preferred_element_type=jnp.float32) + b_ref[...]
    phi_ref[...] = jnp.tanh(z)

    @pl.when(pl.program_id(0) == 0)
    def _():
        s_ref[...] = jnp.zeros_like(s_ref)
        ss_ref[...] = jnp.zeros_like(ss_ref)

    s_ref[...] += jnp.sum(z, axis=0, keepdims=True)
    ss_ref[...] += jnp.sum(z * z, axis=0, keepdims=True)


def _front_stats(x, Wp, bp):
    blk = 2000
    return pl.pallas_call(
        _front_stats_body,
        grid=(_N // blk,),
        in_specs=[
            pl.BlockSpec((blk, _DIN), lambda i: (i, 0)),
            pl.BlockSpec((_DIN, _DIN), lambda i: (0, 0)),
            pl.BlockSpec((1, _DIN), lambda i: (0, 0)),
        ],
        out_specs=[
            pl.BlockSpec((blk, _DIN), lambda i: (i, 0)),
            pl.BlockSpec((1, _DIN), lambda i: (0, 0)),
            pl.BlockSpec((1, _DIN), lambda i: (0, 0)),
        ],
        out_shape=[
            jax.ShapeDtypeStruct((_N, _DIN), jnp.float32),
            jax.ShapeDtypeStruct((1, _DIN), jnp.float32),
            jax.ShapeDtypeStruct((1, _DIN), jnp.float32),
        ],
    )(x, Wp.T, bp.reshape(1, _DIN))


def _front_feat_body(phi_ref, si_ref, sj_ref, wa_ref, wb_ref, wc_ref,
                     bc_ref, lg_ref, lb_ref, al_ref, wl_ref, blc_ref,
                     cg_ref, cb_ref, xc_ref):
    phi = phi_ref[...]
    qc = jnp.cos(np.float32(np.pi) * phi)
    qs = jnp.sin(np.float32(np.pi) * phi)
    phi_i = jnp.dot(phi, si_ref[...], preferred_element_type=jnp.float32)
    phi_j = jnp.dot(phi, sj_ref[...], preferred_element_type=jnp.float32)
    qp = jnp.cos(phi_i - phi_j)
    Q = (jnp.dot(qc, wa_ref[...], preferred_element_type=jnp.float32)
         + jnp.dot(qs, wb_ref[...], preferred_element_type=jnp.float32)
         + jnp.dot(qp, wc_ref[...], preferred_element_type=jnp.float32)
         + bc_ref[...])
    Q = _layer_norm(Q, lg_ref[...], lb_ref[...]) * al_ref[0, 0]
    xc = jnp.dot(Q, wl_ref[...],
                 preferred_element_type=jnp.float32) + blc_ref[...]
    xc_ref[...] = _elu(_layer_norm(xc, cg_ref[...], cb_ref[...]))


def _front_feat(phi, Si, Sj, Wc, bc, lnq_g, lnq_b, alpha, Wlc, blc,
                lnc_g, lnc_b):
    blk = 2000
    WcT = Wc.T
    return pl.pallas_call(
        _front_feat_body,
        grid=(_N // blk,),
        in_specs=[
            pl.BlockSpec((blk, _DIN), lambda i: (i, 0)),
            pl.BlockSpec((_DIN, _PDIM), lambda i: (0, 0)),
            pl.BlockSpec((_DIN, _PDIM), lambda i: (0, 0)),
            pl.BlockSpec((_DIN, _DIN), lambda i: (0, 0)),
            pl.BlockSpec((_DIN, _DIN), lambda i: (0, 0)),
            pl.BlockSpec((_PDIM, _DIN), lambda i: (0, 0)),
            pl.BlockSpec((1, _DIN), lambda i: (0, 0)),
            pl.BlockSpec((1, _DIN), lambda i: (0, 0)),
            pl.BlockSpec((1, _DIN), lambda i: (0, 0)),
            pl.BlockSpec((1, 1), lambda i: (0, 0)),
            pl.BlockSpec((_DIN, _HID), lambda i: (0, 0)),
            pl.BlockSpec((1, _HID), lambda i: (0, 0)),
            pl.BlockSpec((1, _HID), lambda i: (0, 0)),
            pl.BlockSpec((1, _HID), lambda i: (0, 0)),
        ],
        out_specs=pl.BlockSpec((blk, _HID), lambda i: (i, 0)),
        out_shape=jax.ShapeDtypeStruct((_N, _HID), jnp.float32),
    )(phi, Si, Sj, WcT[:_DIN], WcT[_DIN:2 * _DIN], WcT[2 * _DIN:],
      bc.reshape(1, _DIN), lnq_g.reshape(1, _DIN), lnq_b.reshape(1, _DIN),
      alpha.reshape(1, 1), Wlc.T, blc.reshape(1, _HID),
      lnc_g.reshape(1, _HID), lnc_b.reshape(1, _HID))


def _proj_body(h_ref, w1_ref, b1_ref, w2_ref, b2_ref, g_ref, b_ref,
               ts_ref, td_ref, hout_ref, *, pre_ln):
    hin = h_ref[...]
    if pre_ln:
        hin = _elu(_layer_norm(hin, g_ref[...], b_ref[...]))
        hout_ref[...] = hin
    h1 = jnp.dot(hin, w1_ref[...],
                 preferred_element_type=jnp.float32) + b1_ref[...]
    h2 = jnp.dot(hin, w2_ref[...],
                 preferred_element_type=jnp.float32) + b2_ref[...]
    hp = h1 * h2
    ts_ref[:, :_HD] = h1
    ts_ref[:, _HD:] = hp
    td_ref[:, :_HD] = h2
    td_ref[:, _HD:] = hp


def _layer_proj(hin, W1, b1, W2, b2, ln_g, ln_b, pre_ln):
    blk = 400
    k = hin.shape[1]
    outs = [
        jax.ShapeDtypeStruct((_N, 2 * _HD), jnp.float32),
        jax.ShapeDtypeStruct((_N, 2 * _HD), jnp.float32),
        jax.ShapeDtypeStruct((_N, k), jnp.float32),
    ]
    res = pl.pallas_call(
        functools.partial(_proj_body, pre_ln=pre_ln),
        grid=(_N // blk,),
        in_specs=[
            pl.BlockSpec((blk, k), lambda i: (i, 0)),
            pl.BlockSpec((k, _HD), lambda i: (0, 0)),
            pl.BlockSpec((1, _HD), lambda i: (0, 0)),
            pl.BlockSpec((k, _HD), lambda i: (0, 0)),
            pl.BlockSpec((1, _HD), lambda i: (0, 0)),
            pl.BlockSpec((1, k), lambda i: (0, 0)),
            pl.BlockSpec((1, k), lambda i: (0, 0)),
        ],
        out_specs=[
            pl.BlockSpec((blk, 2 * _HD), lambda i: (i, 0)),
            pl.BlockSpec((blk, 2 * _HD), lambda i: (i, 0)),
            pl.BlockSpec((blk, k), lambda i: (i, 0)),
        ],
        out_shape=outs,
    )(hin, W1.T, b1.reshape(1, _HD), W2.T, b2.reshape(1, _HD),
      ln_g.reshape(1, k), ln_b.reshape(1, k))
    return res[0], res[1], res[2]


def _final_body(o1_ref, r_ref, g_ref, b_ref, w_ref, bo_ref, y_ref):
    h = _elu(_layer_norm(o1_ref[...], g_ref[...], b_ref[...])) + r_ref[...]
    y_ref[...] = jnp.dot(h, w_ref[...],
                         preferred_element_type=jnp.float32) + bo_ref[...]


def _final_proj(out1, hres, ln_g, ln_b, Wo, bo):
    blk = 1000
    out_d = Wo.shape[0]
    return pl.pallas_call(
        _final_body,
        grid=(_N // blk,),
        in_specs=[
            pl.BlockSpec((blk, _HD), lambda i: (i, 0)),
            pl.BlockSpec((blk, _HD), lambda i: (i, 0)),
            pl.BlockSpec((1, _HD), lambda i: (0, 0)),
            pl.BlockSpec((1, _HD), lambda i: (0, 0)),
            pl.BlockSpec((_HD, out_d), lambda i: (0, 0)),
            pl.BlockSpec((1, out_d), lambda i: (0, 0)),
        ],
        out_specs=pl.BlockSpec((blk, out_d), lambda i: (i, 0)),
        out_shape=jax.ShapeDtypeStruct((_N, out_d), jnp.float32),
    )(out1, hres, ln_g.reshape(1, _HD), ln_b.reshape(1, _HD), Wo.T,
      bo.reshape(1, out_d))


def kernel(x, params, edge_index):
    p = params
    src = edge_index[0]
    dst = edge_index[1]
    zrows = jnp.zeros((10240 // 16, _DH), jnp.float32)

    phi, ssum, ssq = _front_stats(x, p['Wp'], p['bp'])
    zv = ((ssq - ssum * ssum / _N) / (_N - 1)).reshape(_DIN)
    _, topk = jax.lax.top_k(zv, _KP)
    ar = jnp.arange(_DIN, dtype=jnp.int32)
    Si = (ar[:, None] == topk[_PI][None, :]).astype(jnp.float32)
    Sj = (ar[:, None] == topk[_PJ][None, :]).astype(jnp.float32)
    xc = _front_feat(phi, Si, Sj, p['Wc'], p['bc'], p['lnq_g'], p['lnq_b'],
                     p['alpha'], p['Wlc'], p['blc'], p['lnc_g'], p['lnc_b'])

    Ts0, Td0, _unused = _layer_proj(xc, p['g0_W1'], p['g0_b1'],
                                    p['g0_W2'], p['g0_b2'],
                                    p['lnc_g'], p['lnc_b'], pre_ln=False)
    out0 = _gat_edge_stage(Ts0, Td0, src, dst, zrows, p['g0_a'])

    Ts1, Td1, hres = _layer_proj(out0, p['g1_W1'], p['g1_b1'],
                                 p['g1_W2'], p['g1_b2'],
                                 p['ln0_g'], p['ln0_b'], pre_ln=True)
    out1 = _gat_edge_stage(Ts1, Td1, src, dst, zrows, p['g1_a'])

    return _final_proj(out1, hres, p['ln1_g'], p['ln1_b'], p['Wo'], p['bo'])

# --- scband reference (transcript-rebuilt; emitter-appended) ---
"""Pipeline reference for scband-qigat-39608188404043 (READ-ONLY COPY).

The authoritative reference and input builder live on the scoring server;
editing this copy changes nothing except your own understanding.
"""

import jax, jax.numpy as jnp
import numpy as np

N = 10000
E = 160000
D_IN = 256
HID = 128
H = 8
DH = 128
OUT = 128
KP = 32
PDIM = 32


def _pairs():
    ii, jj = [], []
    done = False
    for i in range(KP):
        for j in range(i + 1, KP):
            ii.append(i); jj.append(j)
            if len(ii) >= PDIM:
                done = True
                break
        if done:
            break
    return np.array(ii), np.array(jj)

PAIR_I, PAIR_J = _pairs()


def layer_norm(x, g, b, eps=1e-5):
    m = x.mean(-1, keepdims=True)
    v = ((x - m) ** 2).mean(-1, keepdims=True)
    return (x - m) / jnp.sqrt(v + eps) * g + b


def gat_layer(x, edge_index, W1, b1, W2, b2, W3, b3, a):
    n = x.shape[0]
    h, d = a.shape
    h1 = (x @ W1.T + b1).reshape(n, h, d)
    h2 = (x @ W2.T + b2).reshape(n, h, d)
    h3 = (x @ W3.T + b3).reshape(n, h, d)  # computed in original but unused downstream
    hp = h1 * h2
    src = edge_index[0]
    dst = edge_index[1]
    attn_in = jax.nn.elu(h1[src] + h2[dst] + hp[src] * hp[dst])
    logits = jnp.einsum('hd,ehd->eh', a, attn_in) / np.sqrt(d)
    attn = jax.nn.softmax(logits, axis=1)  # softmax over heads, faithful to original
    msg = attn[:, :, None] * h1[src]
    out = jax.ops.segment_sum(msg, dst, num_segments=n)
    return out.reshape(n, -1)


def _forward(x, params, edge_index):
    p = params
    z = x @ p['Wp'].T + p['bp']
    phi = jnp.tanh(z)
    qc = jnp.cos(np.pi * phi)
    qs = jnp.sin(np.pi * phi)
    zv = jnp.var(z, axis=0, ddof=1)
    _, topk = jax.lax.top_k(zv, KP)
    phi_i = jnp.take(phi, topk[PAIR_I], axis=1)
    phi_j = jnp.take(phi, topk[PAIR_J], axis=1)
    qp = jnp.cos(phi_i - phi_j)
    Q = jnp.concatenate([qc, qs, qp], axis=1)
    Q = Q @ p['Wc'].T + p['bc']
    Q = layer_norm(Q, p['lnq_g'], p['lnq_b']) * p['alpha']
    xc = Q @ p['Wlc'].T + p['blc']
    xc = jax.nn.elu(layer_norm(xc, p['lnc_g'], p['lnc_b']))
    hcur = xc
    for li in range(2):
        res = hcur
        hcur = gat_layer(hcur, edge_index,
                         p['g%d_W1' % li], p['g%d_b1' % li],
                         p['g%d_W2' % li], p['g%d_b2' % li],
                         p['g%d_W3' % li], p['g%d_b3' % li],
                         p['g%d_a' % li])
        hcur = layer_norm(hcur, p['ln%d_g' % li], p['ln%d_b' % li])
        hcur = jax.nn.elu(hcur)
        if res.shape == hcur.shape:
            hcur = hcur + res
    return hcur @ p['Wo'].T + p['bo']


def setup_inputs(seed: int = 0):
    key = jax.random.key(seed)
    ks = jax.random.split(key, 20)

    def nrm(k, shape, s=0.05):
        return jax.random.normal(k, shape, dtype=jnp.float32) * s

    x = jax.random.normal(ks[0], (N, D_IN), dtype=jnp.float32)
    edge_index = jax.random.randint(ks[1], (2, E), 0, N, dtype=jnp.int32)
    HD = H * DH
    params = {
        'Wp': nrm(ks[2], (D_IN, D_IN)), 'bp': jnp.zeros((D_IN,), jnp.float32),
        'Wc': nrm(ks[3], (D_IN, 2 * D_IN + PDIM)), 'bc': jnp.zeros((D_IN,), jnp.float32),
        'lnq_g': jnp.ones((D_IN,), jnp.float32), 'lnq_b': jnp.zeros((D_IN,), jnp.float32),
        'alpha': jnp.ones((1,), jnp.float32),
        'Wlc': nrm(ks[4], (HID, D_IN)), 'blc': jnp.zeros((HID,), jnp.float32),
        'lnc_g': jnp.ones((HID,), jnp.float32), 'lnc_b': jnp.zeros((HID,), jnp.float32),
        'g0_W1': nrm(ks[5], (HD, HID)), 'g0_b1': jnp.zeros((HD,), jnp.float32),
        'g0_W2': nrm(ks[6], (HD, HID)), 'g0_b2': jnp.zeros((HD,), jnp.float32),
        'g0_W3': nrm(ks[7], (HD, HID)), 'g0_b3': jnp.zeros((HD,), jnp.float32),
        'g0_a': nrm(ks[8], (H, DH), 0.1),
        'ln0_g': jnp.ones((HD,), jnp.float32), 'ln0_b': jnp.zeros((HD,), jnp.float32),
        'g1_W1': nrm(ks[9], (HD, HD)), 'g1_b1': jnp.zeros((HD,), jnp.float32),
        'g1_W2': nrm(ks[10], (HD, HD)), 'g1_b2': jnp.zeros((HD,), jnp.float32),
        'g1_W3': nrm(ks[11], (HD, HD)), 'g1_b3': jnp.zeros((HD,), jnp.float32),
        'g1_a': nrm(ks[12], (H, DH), 0.1),
        'ln1_g': jnp.ones((HD,), jnp.float32), 'ln1_b': jnp.zeros((HD,), jnp.float32),
        'Wo': nrm(ks[13], (OUT, HD)), 'bo': jnp.zeros((OUT,), jnp.float32),
    }
    return {'x': x, 'params': params, 'edge_index': edge_index}


def reference(x, params, edge_index):
    return _forward(x, params, edge_index)

if __name__ == "__main__":
    import jax
    _d = setup_inputs()
    print(jax.jit(kernel)(*tuple(_d.values())))

</pallas_src>

<mosaic_0001>
#map = affine_map<(d0, d1) -> (0, 0)>
#map1 = affine_map<(d0, d1) -> (0)>
module attributes {stable_mosaic.version = 14 : i64} {
  func.func @k(%arg0: i32, %arg1: i32, %arg2: memref<10000x2048xf32, #tpu.memory_space<hbm>>, %arg3: memref<10000x2048xf32, #tpu.memory_space<hbm>>, %arg4: memref<160000xi32, #tpu.memory_space<hbm>>, %arg5: memref<160000xi32, #tpu.memory_space<hbm>>, %arg6: memref<160000x2048xf32, #tpu.memory_space<hbm>>, %arg7: memref<160000x2048xf32, #tpu.memory_space<hbm>>, %arg8: memref<2x8xi32, #tpu.memory_space<vmem>>, %arg9: memref<2x8xi32, #tpu.memory_space<vmem>>, %arg10: memref<2x8x2048xf32, #tpu.memory_space<vmem>>, %arg11: memref<2x8x2048xf32, #tpu.memory_space<vmem>>, %arg12: memref<!tpu.dma_semaphore, #tpu.memory_space<semaphore_mem>>, %arg13: memref<!tpu.dma_semaphore, #tpu.memory_space<semaphore_mem>>) attributes {dimension_semantics = [#tpu.dimension_semantics<core_parallel>, #tpu.dimension_semantics<subcore_parallel>], iteration_bounds = array<i64: 2, 16>, scalar_prefetch = 0 : i64, scratch_operands = 6 : i64, tpu.core_type = #tpu.core_type<sc_vector_subcore>, window_params = [{transform_indices = #map}, {transform_indices = #map}, {transform_indices = #map1}, {transform_indices = #map1}, {transform_indices = #map}, {transform_indices = #map}]} {
    %mul3A = arith.constant 2 : i32
    %mul3A_0 = arith.muli %arg1, %mul3A : i32
    %add3A = arith.addi %mul3A_0, %arg0 : i32
    %mul3A_1 = arith.constant 5000 : i32
    %mul3A_2 = arith.muli %add3A, %mul3A_1 : i32
    %add3A_3 = arith.constant 0 : i32
    %add3A_4 = arith.addi %mul3A_2, %add3A_3 : i32
    %run_scoped3A = arith.constant 0 : i32
    "tpu.region"() ({
      %run_scoped3A_61 = tpu.sem_alloc : memref<!tpu.dma_semaphore, #tpu.memory_space<semaphore_mem>>
      %dma_start3A_62 = arith.constant 0 : i32
      %dma_start3A_63 = tpu.memref_slice %arg8[%run_scoped3A, %dma_start3A_62] : memref<2x8xi32, #tpu.memory_space<vmem>> -> memref<1x8xi32, #tpu.memory_space<vmem>>
      %dma_start3A_64 = tpu.memref_squeeze %dma_start3A_63 : memref<1x8xi32, #tpu.memory_space<vmem>> -> memref<8xi32, #tpu.memory_space<vmem>>
      %dma_start3A_65 = tpu.memref_slice %arg4[%add3A_4] : memref<160000xi32, #tpu.memory_space<hbm>> -> memref<8xi32, #tpu.memory_space<hbm>>
      %dma_start3A_66 = arith.constant 0 : i32
      %dma_start3A_67 = tpu.memref_slice %arg8[%run_scoped3A, %dma_start3A_66] : memref<2x8xi32, #tpu.memory_space<vmem>> -> memref<1x8xi32, #tpu.memory_space<vmem>>
      %dma_start3A_68 = tpu.memref_squeeze %dma_start3A_67 : memref<1x8xi32, #tpu.memory_space<vmem>> -> memref<8xi32, #tpu.memory_space<vmem>>
      %dma_start3A_69 = tpu.memref_slice %arg4[%add3A_4] : memref<160000xi32, #tpu.memory_space<hbm>> -> memref<8xi32, #tpu.memory_space<hbm>>
      tpu.enqueue_dma source(%dma_start3A_69 : memref<8xi32, #tpu.memory_space<hbm>>) target(%dma_start3A_68 : memref<8xi32, #tpu.memory_space<vmem>>) target_semaphore(%run_scoped3A_61 : memref<!tpu.dma_semaphore, #tpu.memory_space<semaphore_mem>>)
      %dma_wait3A_70 = arith.constant 0 : i32
      %dma_wait3A_71 = tpu.memref_slice %arg8[%run_scoped3A, %dma_wait3A_70] : memref<2x8xi32, #tpu.memory_space<vmem>> -> memref<1x8xi32, #tpu.memory_space<vmem>>
      %dma_wait3A_72 = tpu.memref_squeeze %dma_wait3A_71 : memref<1x8xi32, #tpu.memory_space<vmem>> -> memref<8xi32, #tpu.memory_space<vmem>>
      %dma_wait3A_73 = tpu.memref_slice %arg4[%add3A_4] : memref<160000xi32, #tpu.memory_space<hbm>> -> memref<8xi32, #tpu.memory_space<hbm>>
      %dma_wait3A_74 = arith.constant 0 : i32
      %dma_wait3A_75 = tpu.memref_slice %arg8[%run_scoped3A, %dma_wait3A_74] : memref<2x8xi32, #tpu.memory_space<vmem>> -> memref<1x8xi32, #tpu.memory_space<vmem>>
      %dma_wait3A_76 = tpu.memref_squeeze %dma_wait3A_75 : memref<1x8xi32, #tpu.memory_space<vmem>> -> memref<8xi32, #tpu.memory_space<vmem>>
      %dma_wait3A_77 = tpu.memref_slice %arg4[%add3A_4] : memref<160000xi32, #tpu.memory_space<hbm>> -> memref<8xi32, #tpu.memory_space<hbm>>
      tpu.wait_dma2 semaphore(%run_scoped3A_61 : memref<!tpu.dma_semaphore, #tpu.memory_space<semaphore_mem>>) src(%dma_wait3A_77 : memref<8xi32, #tpu.memory_space<hbm>>) dst(%dma_wait3A_76 : memref<8xi32, #tpu.memory_space<vmem>>)
      tpu.yield
    }) : () -> ()
    %run_scoped3A_5 = arith.constant 0 : i32
    "tpu.region"() ({
      %run_scoped3A_61 = tpu.sem_alloc : memref<!tpu.dma_semaphore, #tpu.memory_space<semaphore_mem>>
      %dma_start3A_62 = arith.constant 0 : i32
      %dma_start3A_63 = tpu.memref_slice %arg9[%run_scoped3A_5, %dma_start3A_62] : memref<2x8xi32, #tpu.memory_space<vmem>> -> memref<1x8xi32, #tpu.memory_space<vmem>>
      %dma_start3A_64 = tpu.memref_squeeze %dma_start3A_63 : memref<1x8xi32, #tpu.memory_space<vmem>> -> memref<8xi32, #tpu.memory_space<vmem>>
      %dma_start3A_65 = tpu.memref_slice %arg5[%add3A_4] : memref<160000xi32, #tpu.memory_space<hbm>> -> memref<8xi32, #tpu.memory_space<hbm>>
      %dma_start3A_66 = arith.constant 0 : i32
      %dma_start3A_67 = tpu.memref_slice %arg9[%run_scoped3A_5, %dma_start3A_66] : memref<2x8xi32, #tpu.memory_space<vmem>> -> memref<1x8xi32, #tpu.memory_space<vmem>>
      %dma_start3A_68 = tpu.memref_squeeze %dma_start3A_67 : memref<1x8xi32, #tpu.memory_space<vmem>> -> memref<8xi32, #tpu.memory_space<vmem>>
      %dma_start3A_69 = tpu.memref_slice %arg5[%add3A_4] : memref<160000xi32, #tpu.memory_space<hbm>> -> memref<8xi32, #tpu.memory_space<hbm>>
      tpu.enqueue_dma source(%dma_start3A_69 : memref<8xi32, #tpu.memory_space<hbm>>) target(%dma_start3A_68 : memref<8xi32, #tpu.memory_space<vmem>>) target_semaphore(%run_scoped3A_61 : memref<!tpu.dma_semaphore, #tpu.memory_space<semaphore_mem>>)
      %dma_wait3A_70 = arith.constant 0 : i32
      %dma_wait3A_71 = tpu.memref_slice %arg9[%run_scoped3A_5, %dma_wait3A_70] : memref<2x8xi32, #tpu.memory_space<vmem>> -> memref<1x8xi32, #tpu.memory_space<vmem>>
      %dma_wait3A_72 = tpu.memref_squeeze %dma_wait3A_71 : memref<1x8xi32, #tpu.memory_space<vmem>> -> memref<8xi32, #tpu.memory_space<vmem>>
      %dma_wait3A_73 = tpu.memref_slice %arg5[%add3A_4] : memref<160000xi32, #tpu.memory_space<hbm>> -> memref<8xi32, #tpu.memory_space<hbm>>
      %dma_wait3A_74 = arith.constant 0 : i32
      %dma_wait3A_75 = tpu.memref_slice %arg9[%run_scoped3A_5, %dma_wait3A_74] : memref<2x8xi32, #tpu.memory_space<vmem>> -> memref<1x8xi32, #tpu.memory_space<vmem>>
      %dma_wait3A_76 = tpu.memref_squeeze %dma_wait3A_75 : memref<1x8xi32, #tpu.memory_space<vmem>> -> memref<8xi32, #tpu.memory_space<vmem>>
      %dma_wait3A_77 = tpu.memref_slice %arg5[%add3A_4] : memref<160000xi32, #tpu.memory_space<hbm>> -> memref<8xi32, #tpu.memory_space<hbm>>
      tpu.wait_dma2 semaphore(%run_scoped3A_61 : memref<!tpu.dma_semaphore, #tpu.memory_space<semaphore_mem>>) src(%dma_wait3A_77 : memref<8xi32, #tpu.memory_space<hbm>>) dst(%dma_wait3A_76 : memref<8xi32, #tpu.memory_space<vmem>>)
      tpu.yield
    }) : () -> ()
    %dma_start3A = arith.constant 0 : i32
    %dma_start3A_6 = arith.constant 0 : i32
    %dma_start3A_7 = arith.constant 0 : i32
    %dma_start3A_8 = arith.constant 0 : i32
    %dma_start3A_9 = tpu.memref_slice %arg10[%dma_start3A_6, %dma_start3A_7, %dma_start3A_8] : memref<2x8x2048xf32, #tpu.memory_space<vmem>> -> memref<1x8x2048xf32, #tpu.memory_space<vmem>>
    %dma_start3A_10 = tpu.memref_squeeze %dma_start3A_9 : memref<1x8x2048xf32, #tpu.memory_space<vmem>> -> memref<8x2048xf32, #tpu.memory_space<vmem>>
    %dma_start3A_11 = arith.constant 0 : i32
    %dma_start3A_12 = tpu.memref_slice %arg8[%dma_start3A, %dma_start3A_11] : memref<2x8xi32, #tpu.memory_space<vmem>> -> memref<1x8xi32, #tpu.memory_space<vmem>>
    %dma_start3A_13 = tpu.memref_squeeze %dma_start3A_12 : memref<1x8xi32, #tpu.memory_space<vmem>> -> memref<8xi32, #tpu.memory_space<vmem>>
    %dma_start3A_14 = arith.constant 0 : i32
    %dma_start3A_15 = arith.constant 0 : i32
    %dma_start3A_16 = tpu.memref_slice %arg2[%dma_start3A_14, %dma_start3A_15] : memref<10000x2048xf32, #tpu.memory_space<hbm>> -> memref<10000x2048xf32, #tpu.memory_space<hbm>>
    tpu.enqueue_indirect_dma source(%dma_start3A_16 : memref<10000x2048xf32, #tpu.memory_space<hbm>>) target(%dma_start3A_10 : memref<8x2048xf32, #tpu.memory_space<vmem>>) offsets(%dma_start3A_13 : memref<8xi32, #tpu.memory_space<vmem>>) semaphore(%arg12 : memref<!tpu.dma_semaphore, #tpu.memory_space<semaphore_mem>>)
    %dma_start3A_17 = arith.constant 0 : i32
    %dma_start3A_18 = arith.constant 0 : i32
    %dma_start3A_19 = arith.constant 0 : i32
    %dma_start3A_20 = arith.constant 0 : i32
    %dma_start3A_21 = tpu.memref_slice %arg11[%dma_start3A_18, %dma_start3A_19, %dma_start3A_20] : memref<2x8x2048xf32, #tpu.memory_space<vmem>> -> memref<1x8x2048xf32, #tpu.memory_space<vmem>>
    %dma_start3A_22 = tpu.memref_squeeze %dma_start3A_21 : memref<1x8x2048xf32, #tpu.memory_space<vmem>> -> memref<8x2048xf32, #tpu.memory_space<vmem>>
    %dma_start3A_23 = arith.constant 0 : i32
    %dma_start3A_24 = tpu.memref_slice %arg9[%dma_start3A_17, %dma_start3A_23] : memref<2x8xi32, #tpu.memory_space<vmem>> -> memref<1x8xi32, #tpu.memory_space<vmem>>
    %dma_start3A_25 = tpu.memref_squeeze %dma_start3A_24 : memref<1x8xi32, #tpu.memory_space<vmem>> -> memref<8xi32, #tpu.memory_space<vmem>>
    %dma_start3A_26 = arith.constant 0 : i32
    %dma_start3A_27 = arith.constant 0 : i32
    %dma_start3A_28 = tpu.memref_slice %arg3[%dma_start3A_26, %dma_start3A_27] : memref<10000x2048xf32, #tpu.memory_space<hbm>> -> memref<10000x2048xf32, #tpu.memory_space<hbm>>
    tpu.enqueue_indirect_dma source(%dma_start3A_28 : memref<10000x2048xf32, #tpu.memory_space<hbm>>) target(%dma_start3A_22 : memref<8x2048xf32, #tpu.memory_space<vmem>>) offsets(%dma_start3A_25 : memref<8xi32, #tpu.memory_space<vmem>>) semaphore(%arg12 : memref<!tpu.dma_semaphore, #tpu.memory_space<semaphore_mem>>)
    %scan3A = arith.constant 0 : i32
    %scan3A_29 = arith.constant 0 : i32
    %scan3A_30 = arith.constant 312 : i32
    %scan3A_31 = arith.addi %scan3A_29, %scan3A_30 : i32
    %scan3A_32 = arith.constant 1 : i32
    scf.for %scan3A_61 = %scan3A_29 to %scan3A_31 step %scan3A_32  : i32 {
      %mul3A_62 = arith.constant 2 : i32
      %mul3A_63 = arith.muli %mul3A_62, %scan3A_61 : i32
      %add3A_64 = arith.constant 1 : i32
      %add3A_65 = arith.addi %mul3A_63, %add3A_64 : i32
      %mul3A_66 = arith.constant 8 : i32
      %mul3A_67 = arith.muli %add3A_65, %mul3A_66 : i32
      %add3A_68 = arith.addi %mul3A_2, %mul3A_67 : i32
      %run_scoped3A_69 = arith.constant 1 : i32
      "tpu.region"() ({
        %run_scoped3A_159 = tpu.sem_alloc : memref<!tpu.dma_semaphore, #tpu.memory_space<semaphore_mem>>
        %dma_start3A_160 = arith.constant 0 : i32
        %dma_start3A_161 = tpu.memref_slice %arg8[%run_scoped3A_69, %dma_start3A_160] : memref<2x8xi32, #tpu.memory_space<vmem>> -> memref<1x8xi32, #tpu.memory_space<vmem>>
        %dma_start3A_162 = tpu.memref_squeeze %dma_start3A_161 : memref<1x8xi32, #tpu.memory_space<vmem>> -> memref<8xi32, #tpu.memory_space<vmem>>
        %dma_start3A_163 = tpu.memref_slice %arg4[%add3A_68] : memref<160000xi32, #tpu.memory_space<hbm>> -> memref<8xi32, #tpu.memory_space<hbm>>
        %dma_start3A_164 = arith.constant 0 : i32
        %dma_start3A_165 = tpu.memref_slice %arg8[%run_scoped3A_69, %dma_start3A_164] : memref<2x8xi32, #tpu.memory_space<vmem>> -> memref<1x8xi32, #tpu.memory_space<vmem>>
        %dma_start3A_166 = tpu.memref_squeeze %dma_start3A_165 : memref<1x8xi32, #tpu.memory_space<vmem>> -> memref<8xi32, #tpu.memory_space<vmem>>
        %dma_start3A_167 = tpu.memref_slice %arg4[%add3A_68] : memref<160000xi32, #tpu.memory_space<hbm>> -> memref<8xi32, #tpu.memory_space<hbm>>
        tpu.enqueue_dma source(%dma_start3A_167 : memref<8xi32, #tpu.memory_space<hbm>>) target(%dma_start3A_166 : memref<8xi32, #tpu.memory_space<vmem>>) target_semaphore(%run_scoped3A_159 : memref<!tpu.dma_semaphore, #tpu.memory_space<semaphore_mem>>)
        %dma_wait3A_168 = arith.constant 0 : i32
        %dma_wait3A_169 = tpu.memref_slice %arg8[%run_scoped3A_69, %dma_wait3A_168] : memref<2x8xi32, #tpu.memory_space<vmem>> -> memref<1x8xi32, #tpu.memory_space<vmem>>
        %dma_wait3A_170 = tpu.memref_squeeze %dma_wait3A_169 : memref<1x8xi32, #tpu.memory_space<vmem>> -> memref<8xi32, #tpu.memory_space<vmem>>
        %dma_wait3A_171 = tpu.memref_slice %arg4[%add3A_68] : memref<160000xi32, #tpu.memory_space<hbm>> -> memref<8xi32, #tpu.memory_space<hbm>>
        %dma_wait3A_172 = arith.constant 0 : i32
        %dma_wait3A_173 = tpu.memref_slice %arg8[%run_scoped3A_69, %dma_wait3A_172] : memref<2x8xi32, #tpu.memory_space<vmem>> -> memref<1x8xi32, #tpu.memory_space<vmem>>
        %dma_wait3A_174 = tpu.memref_squeeze %dma_wait3A_173 : memref<1x8xi32, #tpu.memory_space<vmem>> -> memref<8xi32, #tpu.memory_space<vmem>>
        %dma_wait3A_175 = tpu.memref_slice %arg4[%add3A_68] : memref<160000xi32, #tpu.memory_space<hbm>> -> memref<8xi32, #tpu.memory_space<hbm>>
        tpu.wait_dma2 semaphore(%run_scoped3A_159 : memref<!tpu.dma_semaphore, #tpu.memory_space<semaphore_mem>>) src(%dma_wait3A_175 : memref<8xi32, #tpu.memory_space<hbm>>) dst(%dma_wait3A_174 : memref<8xi32, #tpu.memory_space<vmem>>)
        tpu.yield
      }) : () -> ()
      %run_scoped3A_70 = arith.constant 1 : i32
      "tpu.region"() ({
        %run_scoped3A_159 = tpu.sem_alloc : memref<!tpu.dma_semaphore, #tpu.memory_space<semaphore_mem>>
        %dma_start3A_160 = arith.constant 0 : i32
        %dma_start3A_161 = tpu.memref_slice %arg9[%run_scoped3A_70, %dma_start3A_160] : memref<2x8xi32, #tpu.memory_space<vmem>> -> memref<1x8xi32, #tpu.memory_space<vmem>>
        %dma_start3A_162 = tpu.memref_squeeze %dma_start3A_161 : memref<1x8xi32, #tpu.memory_space<vmem>> -> memref<8xi32, #tpu.memory_space<vmem>>
        %dma_start3A_163 = tpu.memref_slice %arg5[%add3A_68] : memref<160000xi32, #tpu.memory_space<hbm>> -> memref<8xi32, #tpu.memory_space<hbm>>
        %dma_start3A_164 = arith.constant 0 : i32
        %dma_start3A_165 = tpu.memref_slice %arg9[%run_scoped3A_70, %dma_start3A_164] : memref<2x8xi32, #tpu.memory_space<vmem>> -> memref<1x8xi32, #tpu.memory_space<vmem>>
        %dma_start3A_166 = tpu.memref_squeeze %dma_start3A_165 : memref<1x8xi32, #tpu.memory_space<vmem>> -> memref<8xi32, #tpu.memory_space<vmem>>
        %dma_start3A_167 = tpu.memref_slice %arg5[%add3A_68] : memref<160000xi32, #tpu.memory_space<hbm>> -> memref<8xi32, #tpu.memory_space<hbm>>
        tpu.enqueue_dma source(%dma_start3A_167 : memref<8xi32, #tpu.memory_space<hbm>>) target(%dma_start3A_166 : memref<8xi32, #tpu.memory_space<vmem>>) target_semaphore(%run_scoped3A_159 : memref<!tpu.dma_semaphore, #tpu.memory_space<semaphore_mem>>)
        %dma_wait3A_168 = arith.constant 0 : i32
        %dma_wait3A_169 = tpu.memref_slice %arg9[%run_scoped3A_70, %dma_wait3A_168] : memref<2x8xi32, #tpu.memory_space<vmem>> -> memref<1x8xi32, #tpu.memory_space<vmem>>
        %dma_wait3A_170 = tpu.memref_squeeze %dma_wait3A_169 : memref<1x8xi32, #tpu.memory_space<vmem>> -> memref<8xi32, #tpu.memory_space<vmem>>
        %dma_wait3A_171 = tpu.memref_slice %arg5[%add3A_68] : memref<160000xi32, #tpu.memory_space<hbm>> -> memref<8xi32, #tpu.memory_space<hbm>>
        %dma_wait3A_172 = arith.constant 0 : i32
        %dma_wait3A_173 = tpu.memref_slice %arg9[%run_scoped3A_70, %dma_wait3A_172] : memref<2x8xi32, #tpu.memory_space<vmem>> -> memref<1x8xi32, #tpu.memory_space<vmem>>
        %dma_wait3A_174 = tpu.memref_squeeze %dma_wait3A_173 : memref<1x8xi32, #tpu.memory_space<vmem>> -> memref<8xi32, #tpu.memory_space<vmem>>
        %dma_wait3A_175 = tpu.memref_slice %arg5[%add3A_68] : memref<160000xi32, #tpu.memory_space<hbm>> -> memref<8xi32, #tpu.memory_space<hbm>>
        tpu.wait_dma2 semaphore(%run_scoped3A_159 : memref<!tpu.dma_semaphore, #tpu.memory_space<semaphore_mem>>) src(%dma_wait3A_175 : memref<8xi32, #tpu.memory_space<hbm>>) dst(%dma_wait3A_174 : memref<8xi32, #tpu.memory_space<vmem>>)
        tpu.yield
      }) : () -> ()
      %dma_start3A_71 = arith.constant 1 : i32
      %dma_start3A_72 = arith.constant 1 : i32
      %dma_start3A_73 = arith.constant 0 : i32
      %dma_start3A_74 = arith.constant 0 : i32
      %dma_start3A_75 = tpu.memref_slice %arg10[%dma_start3A_72, %dma_start3A_73, %dma_start3A_74] : memref<2x8x2048xf32, #tpu.memory_space<vmem>> -> memref<1x8x2048xf32, #tpu.memory_space<vmem>>
      %dma_start3A_76 = tpu.memref_squeeze %dma_start3A_75 : memref<1x8x2048xf32, #tpu.memory_space<vmem>> -> memref<8x2048xf32, #tpu.memory_space<vmem>>
      %dma_start3A_77 = arith.constant 0 : i32
      %dma_start3A_78 = tpu.memref_slice %arg8[%dma_start3A_71, %dma_start3A_77] : memref<2x8xi32, #tpu.memory_space<vmem>> -> memref<1x8xi32, #tpu.memory_space<vmem>>
      %dma_start3A_79 = tpu.memref_squeeze %dma_start3A_78 : memref<1x8xi32, #tpu.memory_space<vmem>> -> memref<8xi32, #tpu.memory_space<vmem>>
      %dma_start3A_80 = arith.constant 0 : i32
      %dma_start3A_81 = arith.constant 0 : i32
      %dma_start3A_82 = tpu.memref_slice %arg2[%dma_start3A_80, %dma_start3A_81] : memref<10000x2048xf32, #tpu.memory_space<hbm>> -> memref<10000x2048xf32, #tpu.memory_space<hbm>>
      tpu.enqueue_indirect_dma source(%dma_start3A_82 : memref<10000x2048xf32, #tpu.memory_space<hbm>>) target(%dma_start3A_76 : memref<8x2048xf32, #tpu.memory_space<vmem>>) offsets(%dma_start3A_79 : memref<8xi32, #tpu.memory_space<vmem>>) semaphore(%arg13 : memref<!tpu.dma_semaphore, #tpu.memory_space<semaphore_mem>>)
      %dma_start3A_83 = arith.constant 1 : i32
      %dma_start3A_84 = arith.constant 1 : i32
      %dma_start3A_85 = arith.constant 0 : i32
      %dma_start3A_86 = arith.constant 0 : i32
      %dma_start3A_87 = tpu.memref_slice %arg11[%dma_start3A_84, %dma_start3A_85, %dma_start3A_86] : memref<2x8x2048xf32, #tpu.memory_space<vmem>> -> memref<1x8x2048xf32, #tpu.memory_space<vmem>>
      %dma_start3A_88 = tpu.memref_squeeze %dma_start3A_87 : memref<1x8x2048xf32, #tpu.memory_space<vmem>> -> memref<8x2048xf32, #tpu.memory_space<vmem>>
      %dma_start3A_89 = arith.constant 0 : i32
      %dma_start3A_90 = tpu.memref_slice %arg9[%dma_start3A_83, %dma_start3A_89] : memref<2x8xi32, #tpu.memory_space<vmem>> -> memref<1x8xi32, #tpu.memory_space<vmem>>
      %dma_start3A_91 = tpu.memref_squeeze %dma_start3A_90 : memref<1x8xi32, #tpu.memory_space<vmem>> -> memref<8xi32, #tpu.memory_space<vmem>>
      %dma_start3A_92 = arith.constant 0 : i32
      %dma_start3A_93 = arith.constant 0 : i32
      %dma_start3A_94 = tpu.memref_slice %arg3[%dma_start3A_92, %dma_start3A_93] : memref<10000x2048xf32, #tpu.memory_space<hbm>> -> memref<10000x2048xf32, #tpu.memory_space<hbm>>
      tpu.enqueue_indirect_dma source(%dma_start3A_94 : memref<10000x2048xf32, #tpu.memory_space<hbm>>) target(%dma_start3A_88 : memref<8x2048xf32, #tpu.memory_space<vmem>>) offsets(%dma_start3A_91 : memref<8xi32, #tpu.memory_space<vmem>>) semaphore(%arg13 : memref<!tpu.dma_semaphore, #tpu.memory_space<semaphore_mem>>)
      %dma_wait3A_95 = arith.constant 0 : i32
      %dma_wait3A_96 = arith.constant 0 : i32
      %dma_wait3A_97 = arith.constant 0 : i32
      %dma_wait3A_98 = arith.constant 0 : i32
      %dma_wait3A_99 = tpu.memref_slice %arg10[%dma_wait3A_96, %dma_wait3A_97, %dma_wait3A_98] : memref<2x8x2048xf32, #tpu.memory_space<vmem>> -> memref<1x8x2048xf32, #tpu.memory_space<vmem>>
      %dma_wait3A_100 = tpu.memref_squeeze %dma_wait3A_99 : memref<1x8x2048xf32, #tpu.memory_space<vmem>> -> memref<8x2048xf32, #tpu.memory_space<vmem>>
      %dma_wait3A_101 = arith.constant 0 : i32
      %dma_wait3A_102 = tpu.memref_slice %arg8[%dma_wait3A_95, %dma_wait3A_101] : memref<2x8xi32, #tpu.memory_space<vmem>> -> memref<1x8xi32, #tpu.memory_space<vmem>>
      %dma_wait3A_103 = tpu.memref_squeeze %dma_wait3A_102 : memref<1x8xi32, #tpu.memory_space<vmem>> -> memref<8xi32, #tpu.memory_space<vmem>>
      %dma_wait3A_104 = arith.constant 0 : i32
      %dma_wait3A_105 = arith.constant 0 : i32
      %dma_wait3A_106 = tpu.memref_slice %arg2[%dma_wait3A_104, %dma_wait3A_105] : memref<10000x2048xf32, #tpu.memory_space<hbm>> -> memref<10000x2048xf32, #tpu.memory_space<hbm>>
      tpu.wait_indirect_dma semaphore(%arg12 : memref<!tpu.dma_semaphore, #tpu.memory_space<semaphore_mem>>) src(%dma_wait3A_106 : memref<10000x2048xf32, #tpu.memory_space<hbm>>) dst(%dma_wait3A_100 : memref<8x2048xf32, #tpu.memory_space<vmem>>)
      %dma_wait3A_107 = arith.constant 0 : i32
      %dma_wait3A_108 = arith.constant 0 : i32
      %dma_wait3A_109 = arith.constant 0 : i32
      %dma_wait3A_110 = arith.constant 0 : i32
      %dma_wait3A_111 = tpu.memref_slice %arg11[%dma_wait3A_108, %dma_wait3A_109, %dma_wait3A_110] : memref<2x8x2048xf32, #tpu.memory_space<vmem>> -> memref<1x8x2048xf32, #tpu.memory_space<vmem>>
      %dma_wait3A_112 = tpu.memref_squeeze %dma_wait3A_111 : memref<1x8x2048xf32, #tpu.memory_space<vmem>> -> memref<8x2048xf32, #tpu.memory_space<vmem>>
      %dma_wait3A_113 = arith.constant 0 : i32
      %dma_wait3A_114 = tpu.memref_slice %arg9[%dma_wait3A_107, %dma_wait3A_113] : memref<2x8xi32, #tpu.memory_space<vmem>> -> memref<1x8xi32, #tpu.memory_space<vmem>>
      %dma_wait3A_115 = tpu.memref_squeeze %dma_wait3A_114 : memref<1x8xi32, #tpu.memory_space<vmem>> -> memref<8xi32, #tpu.memory_space<vmem>>
      %dma_wait3A_116 = arith.constant 0 : i32
      %dma_wait3A_117 = arith.constant 0 : i32
      %dma_wait3A_118 = tpu.memref_slice %arg3[%dma_wait3A_116, %dma_wait3A_117] : memref<10000x2048xf32, #tpu.memory_space<hbm>> -> memref<10000x2048xf32, #tpu.memory_space<hbm>>
      tpu.wait_indirect_dma semaphore(%arg12 : memref<!tpu.dma_semaphore, #tpu.memory_space<semaphore_mem>>) src(%dma_wait3A_118 : memref<10000x2048xf32, #tpu.memory_space<hbm>>) dst(%dma_wait3A_112 : memref<8x2048xf32, #tpu.memory_space<vmem>>)
      %mul3A_119 = arith.constant 8 : i32
      %mul3A_120 = arith.muli %mul3A_63, %mul3A_119 : i32
      %add3A_121 = arith.addi %mul3A_2, %mul3A_120 : i32
      %run_scoped3A_122 = arith.constant 0 : i32
      "tpu.region"() ({
        %run_scoped3A_159 = tpu.sem_alloc : memref<!tpu.dma_semaphore, #tpu.memory_space<semaphore_mem>>
        %dma_start3A_160 = arith.constant 0 : i32
        %dma_start3A_161 = arith.constant 0 : i32
        %dma_start3A_162 = tpu.memref_slice %arg10[%run_scoped3A_122, %dma_start3A_160, %dma_start3A_161] : memref<2x8x2048xf32, #tpu.memory_space<vmem>> -> memref<1x8x2048xf32, #tpu.memory_space<vmem>>
        %dma_start3A_163 = tpu.memref_squeeze %dma_start3A_162 : memref<1x8x2048xf32, #tpu.memory_space<vmem>> -> memref<8x2048xf32, #tpu.memory_space<vmem>>
        %dma_start3A_164 = arith.constant 0 : i32
        %dma_start3A_165 = tpu.memref_slice %arg6[%add3A_121, %dma_start3A_164] : memref<160000x2048xf32, #tpu.memory_space<hbm>> -> memref<8x2048xf32, #tpu.memory_space<hbm>>
        %dma_start3A_166 = arith.constant 0 : i32
        %dma_start3A_167 = tpu.memref_slice %arg6[%add3A_121, %dma_start3A_166] : memref<160000x2048xf32, #tpu.memory_space<hbm>> -> memref<8x2048xf32, #tpu.memory_space<hbm>>
        %dma_start3A_168 = arith.constant 0 : i32
        %dma_start3A_169 = arith.constant 0 : i32
        %dma_start3A_170 = tpu.memref_slice %arg10[%run_scoped3A_122, %dma_start3A_168, %dma_start3A_169] : memref<2x8x2048xf32, #tpu.memory_space<vmem>> -> memref<1x8x2048xf32, #tpu.memory_space<vmem>>
        %dma_start3A_171 = tpu.memref_squeeze %dma_start3A_170 : memref<1x8x2048xf32, #tpu.memory_space<vmem>> -> memref<8x2048xf32, #tpu.memory_space<vmem>>
        tpu.enqueue_dma source(%dma_start3A_171 : memref<8x2048xf32, #tpu.memory_space<vmem>>) target(%dma_start3A_167 : memref<8x2048xf32, #tpu.memory_space<hbm>>) target_semaphore(%run_scoped3A_159 : memref<!tpu.dma_semaphore, #tpu.memory_space<semaphore_mem>>)
        %dma_wait3A_172 = arith.constant 0 : i32
        %dma_wait3A_173 = arith.constant 0 : i32
        %dma_wait3A_174 = tpu.memref_slice %arg10[%run_scoped3A_122, %dma_wait3A_172, %dma_wait3A_173] : memref<2x8x2048xf32, #tpu.memory_space<vmem>> -> memref<1x8x2048xf32, #tpu.memory_space<vmem>>
        %dma_wait3A_175 = tpu.memref_squeeze %dma_wait3A_174 : memref<1x8x2048xf32, #tpu.memory_space<vmem>> -> memref<8x2048xf32, #tpu.memory_space<vmem>>
        %dma_wait3A_176 = arith.constant 0 : i32
        %dma_wait3A_177 = tpu.memref_slice %arg6[%add3A_121, %dma_wait3A_176] : memref<160000x2048xf32, #tpu.memory_space<hbm>> -> memref<8x2048xf32, #tpu.memory_space<hbm>>
        %dma_wait3A_178 = arith.constant 0 : i32
        %dma_wait3A_179 = tpu.memref_slice %arg6[%add3A_121, %dma_wait3A_178] : memref<160000x2048xf32, #tpu.memory_space<hbm>> -> memref<8x2048xf32, #tpu.memory_space<hbm>>
        %dma_wait3A_180 = arith.constant 0 : i32
        %dma_wait3A_181 = arith.constant 0 : i32
        %dma_wait3A_182 = tpu.memref_slice %arg10[%run_scoped3A_122, %dma_wait3A_180, %dma_wait3A_181] : memref<2x8x2048xf32, #tpu.memory_space<vmem>> -> memref<1x8x2048xf32, #tpu.memory_space<vmem>>
        %dma_wait3A_183 = tpu.memref_squeeze %dma_wait3A_182 : memref<1x8x2048xf32, #tpu.memory_space<vmem>> -> memref<8x2048xf32, #tpu.memory_space<vmem>>
        tpu.wait_dma2 semaphore(%run_scoped3A_159 : memref<!tpu.dma_semaphore, #tpu.memory_space<semaphore_mem>>) src(%dma_wait3A_183 : memref<8x2048xf32, #tpu.memory_space<vmem>>) dst(%dma_wait3A_179 : memref<8x2048xf32, #tpu.memory_space<hbm>>)
        tpu.yield
      }) : () -> ()
      %run_scoped3A_123 = arith.constant 0 : i32
      "tpu.region"() ({
        %run_scoped3A_159 = tpu.sem_alloc : memref<!tpu.dma_semaphore, #tpu.memory_space<semaphore_mem>>
        %dma_start3A_160 = arith.constant 0 : i32
        %dma_start3A_161 = arith.constant 0 : i32
        %dma_start3A_162 = tpu.memref_slice %arg11[%run_scoped3A_123, %dma_start3A_160, %dma_start3A_161] : memref<2x8x2048xf32, #tpu.memory_space<vmem>> -> memref<1x8x2048xf32, #tpu.memory_space<vmem>>
        %dma_start3A_163 = tpu.memref_squeeze %dma_start3A_162 : memref<1x8x2048xf32, #tpu.memory_space<vmem>> -> memref<8x2048xf32, #tpu.memory_space<vmem>>
        %dma_start3A_164 = arith.constant 0 : i32
        %dma_start3A_165 = tpu.memref_slice %arg7[%add3A_121, %dma_start3A_164] : memref<160000x2048xf32, #tpu.memory_space<hbm>> -> memref<8x2048xf32, #tpu.memory_space<hbm>>
        %dma_start3A_166 = arith.constant 0 : i32
        %dma_start3A_167 = tpu.memref_slice %arg7[%add3A_121, %dma_start3A_166] : memref<160000x2048xf32, #tpu.memory_space<hbm>> -> memref<8x2048xf32, #tpu.memory_space<hbm>>
        %dma_start3A_168 = arith.constant 0 : i32
        %dma_start3A_169 = arith.constant 0 : i32
        %dma_start3A_170 = tpu.memref_slice %arg11[%run_scoped3A_123, %dma_start3A_168, %dma_start3A_169] : memref<2x8x2048xf32, #tpu.memory_space<vmem>> -> memref<1x8x2048xf32, #tpu.memory_space<vmem>>
        %dma_start3A_171 = tpu.memref_squeeze %dma_start3A_170 : memref<1x8x2048xf32, #tpu.memory_space<vmem>> -> memref<8x2048xf32, #tpu.memory_space<vmem>>
        tpu.enqueue_dma source(%dma_start3A_171 : memref<8x2048xf32, #tpu.memory_space<vmem>>) target(%dma_start3A_167 : memref<8x2048xf32, #tpu.memory_space<hbm>>) target_semaphore(%run_scoped3A_159 : memref<!tpu.dma_semaphore, #tpu.memory_space<semaphore_mem>>)
        %dma_wait3A_172 = arith.constant 0 : i32
        %dma_wait3A_173 = arith.constant 0 : i32
        %dma_wait3A_174 = tpu.memref_slice %arg11[%run_scoped3A_123, %dma_wait3A_172, %dma_wait3A_173] : memref<2x8x2048xf32, #tpu.memory_space<vmem>> -> memref<1x8x2048xf32, #tpu.memory_space<vmem>>
        %dma_wait3A_175 = tpu.memref_squeeze %dma_wait3A_174 : memref<1x8x2048xf32, #tpu.memory_space<vmem>> -> memref<8x2048xf32, #tpu.memory_space<vmem>>
        %dma_wait3A_176 = arith.constant 0 : i32
        %dma_wait3A_177 = tpu.memref_slice %arg7[%add3A_121, %dma_wait3A_176] : memref<160000x2048xf32, #tpu.memory_space<hbm>> -> memref<8x2048xf32, #tpu.memory_space<hbm>>
        %dma_wait3A_178 = arith.constant 0 : i32
        %dma_wait3A_179 = tpu.memref_slice %arg7[%add3A_121, %dma_wait3A_178] : memref<160000x2048xf32, #tpu.memory_space<hbm>> -> memref<8x2048xf32, #tpu.memory_space<hbm>>
        %dma_wait3A_180 = arith.constant 0 : i32
        %dma_wait3A_181 = arith.constant 0 : i32
        %dma_wait3A_182 = tpu.memref_slice %arg11[%run_scoped3A_123, %dma_wait3A_180, %dma_wait3A_181] : memref<2x8x2048xf32, #tpu.memory_space<vmem>> -> memref<1x8x2048xf32, #tpu.memory_space<vmem>>
        %dma_wait3A_183 = tpu.memref_squeeze %dma_wait3A_182 : memref<1x8x2048xf32, #tpu.memory_space<vmem>> -> memref<8x2048xf32, #tpu.memory_space<vmem>>
        tpu.wait_dma2 semaphore(%run_scoped3A_159 : memref<!tpu.dma_semaphore, #tpu.memory_space<semaphore_mem>>) src(%dma_wait3A_183 : memref<8x2048xf32, #tpu.memory_space<vmem>>) dst(%dma_wait3A_179 : memref<8x2048xf32, #tpu.memory_space<hbm>>)
        tpu.yield
      }) : () -> ()
      %add3A_124 = arith.constant 2 : i32
      %add3A_125 = arith.addi %mul3A_63, %add3A_124 : i32
      %lt3A = arith.constant 625 : i32
      %lt3A_126 = arith.cmpi slt, %add3A_125, %lt3A : i32
      %convert_element_type3A = arith.extui %lt3A_126 : i1 to i32
      %cond3A = arith.constant 0 : i32
      %cond3A_127 = arith.cmpi ne, %convert_element_type3A, %cond3A : i32
      scf.if %cond3A_127 {
        %add3A_159 = arith.constant 2 : i32
        %add3A_160 = arith.addi %mul3A_63, %add3A_159 : i32
        %mul3A_161 = arith.constant 8 : i32
        %mul3A_162 = arith.muli %add3A_160, %mul3A_161 : i32
        %add3A_163 = arith.addi %mul3A_2, %mul3A_162 : i32
        %run_scoped3A_164 = arith.constant 0 : i32
        "tpu.region"() ({
          %run_scoped3A_190 = tpu.sem_alloc : memref<!tpu.dma_semaphore, #tpu.memory_space<semaphore_mem>>
          %dma_start3A_191 = arith.constant 0 : i32
          %dma_start3A_192 = tpu.memref_slice %arg8[%run_scoped3A_164, %dma_start3A_191] : memref<2x8xi32, #tpu.memory_space<vmem>> -> memref<1x8xi32, #tpu.memory_space<vmem>>
          %dma_start3A_193 = tpu.memref_squeeze %dma_start3A_192 : memref<1x8xi32, #tpu.memory_space<vmem>> -> memref<8xi32, #tpu.memory_space<vmem>>
          %dma_start3A_194 = tpu.memref_slice %arg4[%add3A_163] : memref<160000xi32, #tpu.memory_space<hbm>> -> memref<8xi32, #tpu.memory_space<hbm>>
          %dma_start3A_195 = arith.constant 0 : i32
          %dma_start3A_196 = tpu.memref_slice %arg8[%run_scoped3A_164, %dma_start3A_195] : memref<2x8xi32, #tpu.memory_space<vmem>> -> memref<1x8xi32, #tpu.memory_space<vmem>>
          %dma_start3A_197 = tpu.memref_squeeze %dma_start3A_196 : memref<1x8xi32, #tpu.memory_space<vmem>> -> memref<8xi32, #tpu.memory_space<vmem>>
          %dma_start3A_198 = tpu.memref_slice %arg4[%add3A_163] : memref<160000xi32, #tpu.memory_space<hbm>> -> memref<8xi32, #tpu.memory_space<hbm>>
          tpu.enqueue_dma source(%dma_start3A_198 : memref<8xi32, #tpu.memory_space<hbm>>) target(%dma_start3A_197 : memref<8xi32, #tpu.memory_space<vmem>>) target_semaphore(%run_scoped3A_190 : memref<!tpu.dma_semaphore, #tpu.memory_space<semaphore_mem>>)
          %dma_wait3A_199 = arith.constant 0 : i32
          %dma_wait3A_200 = tpu.memref_slice %arg8[%run_scoped3A_164, %dma_wait3A_199] : memref<2x8xi32, #tpu.memory_space<vmem>> -> memref<1x8xi32, #tpu.memory_space<vmem>>
          %dma_wait3A_201 = tpu.memref_squeeze %dma_wait3A_200 : memref<1x8xi32, #tpu.memory_space<vmem>> -> memref<8xi32, #tpu.memory_space<vmem>>
          %dma_wait3A_202 = tpu.memref_slice %arg4[%add3A_163] : memref<160000xi32, #tpu.memory_space<hbm>> -> memref<8xi32, #tpu.memory_space<hbm>>
          %dma_wait3A_203 = arith.constant 0 : i32
          %dma_wait3A_204 = tpu.memref_slice %arg8[%run_scoped3A_164, %dma_wait3A_203] : memref<2x8xi32, #tpu.memory_space<vmem>> -> memref<1x8xi32, #tpu.memory_space<vmem>>
          %dma_wait3A_205 = tpu.memref_squeeze %dma_wait3A_204 : memref<1x8xi32, #tpu.memory_space<vmem>> -> memref<8xi32, #tpu.memory_space<vmem>>
          %dma_wait3A_206 = tpu.memref_slice %arg4[%add3A_163] : memref<160000xi32, #tpu.memory_space<hbm>> -> memref<8xi32, #tpu.memory_space<hbm>>
          tpu.wait_dma2 semaphore(%run_scoped3A_190 : memref<!tpu.dma_semaphore, #tpu.memory_space<semaphore_mem>>) src(%dma_wait3A_206 : memref<8xi32, #tpu.memory_space<hbm>>) dst(%dma_wait3A_205 : memref<8xi32, #tpu.memory_space<vmem>>)
          tpu.yield
        }) : () -> ()
        %run_scoped3A_165 = arith.constant 0 : i32
        "tpu.region"() ({
          %run_scoped3A_190 = tpu.sem_alloc : memref<!tpu.dma_semaphore, #tpu.memory_space<semaphore_mem>>
          %dma_start3A_191 = arith.constant 0 : i32
          %dma_start3A_192 = tpu.memref_slice %arg9[%run_scoped3A_165, %dma_start3A_191] : memref<2x8xi32, #tpu.memory_space<vmem>> -> memref<1x8xi32, #tpu.memory_space<vmem>>
          %dma_start3A_193 = tpu.memref_squeeze %dma_start3A_192 : memref<1x8xi32, #tpu.memory_space<vmem>> -> memref<8xi32, #tpu.memory_space<vmem>>
          %dma_start3A_194 = tpu.memref_slice %arg5[%add3A_163] : memref<160000xi32, #tpu.memory_space<hbm>> -> memref<8xi32, #tpu.memory_space<hbm>>
          %dma_start3A_195 = arith.constant 0 : i32
          %dma_start3A_196 = tpu.memref_slice %arg9[%run_scoped3A_165, %dma_start3A_195] : memref<2x8xi32, #tpu.memory_space<vmem>> -> memref<1x8xi32, #tpu.memory_space<vmem>>
          %dma_start3A_197 = tpu.memref_squeeze %dma_start3A_196 : memref<1x8xi32, #tpu.memory_space<vmem>> -> memref<8xi32, #tpu.memory_space<vmem>>
          %dma_start3A_198 = tpu.memref_slice %arg5[%add3A_163] : memref<160000xi32, #tpu.memory_space<hbm>> -> memref<8xi32, #tpu.memory_space<hbm>>
          tpu.enqueue_dma source(%dma_start3A_198 : memref<8xi32, #tpu.memory_space<hbm>>) target(%dma_start3A_197 : memref<8xi32, #tpu.memory_space<vmem>>) target_semaphore(%run_scoped3A_190 : memref<!tpu.dma_semaphore, #tpu.memory_space<semaphore_mem>>)
          %dma_wait3A_199 = arith.constant 0 : i32
          %dma_wait3A_200 = tpu.memref_slice %arg9[%run_scoped3A_165, %dma_wait3A_199] : memref<2x8xi32, #tpu.memory_space<vmem>> -> memref<1x8xi32, #tpu.memory_space<vmem>>
          %dma_wait3A_201 = tpu.memref_squeeze %dma_wait3A_200 : memref<1x8xi32, #tpu.memory_space<vmem>> -> memref<8xi32, #tpu.memory_space<vmem>>
          %dma_wait3A_202 = tpu.memref_slice %arg5[%add3A_163] : memref<160000xi32, #tpu.memory_space<hbm>> -> memref<8xi32, #tpu.memory_space<hbm>>
          %dma_wait3A_203 = arith.constant 0 : i32
          %dma_wait3A_204 = tpu.memref_slice %arg9[%run_scoped3A_165, %dma_wait3A_203] : memref<2x8xi32, #tpu.memory_space<vmem>> -> memref<1x8xi32, #tpu.memory_space<vmem>>
          %dma_wait3A_205 = tpu.memref_squeeze %dma_wait3A_204 : memref<1x8xi32, #tpu.memory_space<vmem>> -> memref<8xi32, #tpu.memory_space<vmem>>
          %dma_wait3A_206 = tpu.memref_slice %arg5[%add3A_163] : memref<160000xi32, #tpu.memory_space<hbm>> -> memref<8xi32, #tpu.memory_space<hbm>>
          tpu.wait_dma2 semaphore(%run_scoped3A_190 : memref<!tpu.dma_semaphore, #tpu.memory_space<semaphore_mem>>) src(%dma_wait3A_206 : memref<8xi32, #tpu.memory_space<hbm>>) dst(%dma_wait3A_205 : memref<8xi32, #tpu.memory_space<vmem>>)
          tpu.yield
        }) : () -> ()
        %dma_start3A_166 = arith.constant 0 : i32
        %dma_start3A_167 = arith.constant 0 : i32
        %dma_start3A_168 = arith.constant 0 : i32
        %dma_start3A_169 = arith.constant 0 : i32
        %dma_start3A_170 = tpu.memref_slice %arg10[%dma_start3A_167, %dma_start3A_168, %dma_start3A_169] : memref<2x8x2048xf32, #tpu.memory_space<vmem>> -> memref<1x8x2048xf32, #tpu.memory_space<vmem>>
        %dma_start3A_171 = tpu.memref_squeeze %dma_start3A_170 : memref<1x8x2048xf32, #tpu.memory_space<vmem>> -> memref<8x2048xf32, #tpu.memory_space<vmem>>
        %dma_start3A_172 = arith.constant 0 : i32
        %dma_start3A_173 = tpu.memref_slice %arg8[%dma_start3A_166, %dma_start3A_172] : memref<2x8xi32, #tpu.memory_space<vmem>> -> memref<1x8xi32, #tpu.memory_space<vmem>>
        %dma_start3A_174 = tpu.memref_squeeze %dma_start3A_173 : memref<1x8xi32, #tpu.memory_space<vmem>> -> memref<8xi32, #tpu.memory_space<vmem>>
        %dma_start3A_175 = arith.constant 0 : i32
        %dma_start3A_176 = arith.constant 0 : i32
        %dma_start3A_177 = tpu.memref_slice %arg2[%dma_start3A_175, %dma_start3A_176] : memref<10000x2048xf32, #tpu.memory_space<hbm>> -> memref<10000x2048xf32, #tpu.memory_space<hbm>>
        tpu.enqueue_indirect_dma source(%dma_start3A_177 : memref<10000x2048xf32, #tpu.memory_space<hbm>>) target(%dma_start3A_171 : memref<8x2048xf32, #tpu.memory_space<vmem>>) offsets(%dma_start3A_174 : memref<8xi32, #tpu.memory_space<vmem>>) semaphore(%arg12 : memref<!tpu.dma_semaphore, #tpu.memory_space<semaphore_mem>>)
        %dma_start3A_178 = arith.constant 0 : i32
        %dma_start3A_179 = arith.constant 0 : i32
        %dma_start3A_180 = arith.constant 0 : i32
        %dma_start3A_181 = arith.constant 0 : i32
        %dma_start3A_182 = tpu.memref_slice %arg11[%dma_start3A_179, %dma_start3A_180, %dma_start3A_181] : memref<2x8x2048xf32, #tpu.memory_space<vmem>> -> memref<1x8x2048xf32, #tpu.memory_space<vmem>>
        %dma_start3A_183 = tpu.memref_squeeze %dma_start3A_182 : memref<1x8x2048xf32, #tpu.memory_space<vmem>> -> memref<8x2048xf32, #tpu.memory_space<vmem>>
        %dma_start3A_184 = arith.constant 0 : i32
        %dma_start3A_185 = tpu.memref_slice %arg9[%dma_start3A_178, %dma_start3A_184] : memref<2x8xi32, #tpu.memory_space<vmem>> -> memref<1x8xi32, #tpu.memory_space<vmem>>
        %dma_start3A_186 = tpu.memref_squeeze %dma_start3A_185 : memref<1x8xi32, #tpu.memory_space<vmem>> -> memref<8xi32, #tpu.memory_space<vmem>>
        %dma_start3A_187 = arith.constant 0 : i32
        %dma_start3A_188 = arith.constant 0 : i32
        %dma_start3A_189 = tpu.memref_slice %arg3[%dma_start3A_187, %dma_start3A_188] : memref<10000x2048xf32, #tpu.memory_space<hbm>> -> memref<10000x2048xf32, #tpu.memory_space<hbm>>
        tpu.enqueue_indirect_dma source(%dma_start3A_189 : memref<10000x2048xf32, #tpu.memory_space<hbm>>) target(%dma_start3A_183 : memref<8x2048xf32, #tpu.memory_space<vmem>>) offsets(%dma_start3A_186 : memref<8xi32, #tpu.memory_space<vmem>>) semaphore(%arg12 : memref<!tpu.dma_semaphore, #tpu.memory_space<semaphore_mem>>)
      } else {
      }
      %add3A_128 = arith.constant 1 : i32
      %add3A_129 = arith.addi %mul3A_63, %add3A_128 : i32
      %dma_wait3A_130 = arith.constant 1 : i32
      %dma_wait3A_131 = arith.constant 1 : i32
      %dma_wait3A_132 = arith.constant 0 : i32
      %dma_wait3A_133 = arith.constant 0 : i32
      %dma_wait3A_134 = tpu.memref_slice %arg10[%dma_wait3A_131, %dma_wait3A_132, %dma_wait3A_133] : memref<2x8x2048xf32, #tpu.memory_space<vmem>> -> memref<1x8x2048xf32, #tpu.memory_space<vmem>>
      %dma_wait3A_135 = tpu.memref_squeeze %dma_wait3A_134 : memref<1x8x2048xf32, #tpu.memory_space<vmem>> -> memref<8x2048xf32, #tpu.memory_space<vmem>>
      %dma_wait3A_136 = arith.constant 0 : i32
      %dma_wait3A_137 = tpu.memref_slice %arg8[%dma_wait3A_130, %dma_wait3A_136] : memref<2x8xi32, #tpu.memory_space<vmem>> -> memref<1x8xi32, #tpu.memory_space<vmem>>
      %dma_wait3A_138 = tpu.memref_squeeze %dma_wait3A_137 : memref<1x8xi32, #tpu.memory_space<vmem>> -> memref<8xi32, #tpu.memory_space<vmem>>
      %dma_wait3A_139 = arith.constant 0 : i32
      %dma_wait3A_140 = arith.constant 0 : i32
      %dma_wait3A_141 = tpu.memref_slice %arg2[%dma_wait3A_139, %dma_wait3A_140] : memref<10000x2048xf32, #tpu.memory_space<hbm>> -> memref<10000x2048xf32, #tpu.memory_space<hbm>>
      tpu.wait_indirect_dma semaphore(%arg13 : memref<!tpu.dma_semaphore, #tpu.memory_space<semaphore_mem>>) src(%dma_wait3A_141 : memref<10000x2048xf32, #tpu.memory_space<hbm>>) dst(%dma_wait3A_135 : memref<8x2048xf32, #tpu.memory_space<vmem>>)
      %dma_wait3A_142 = arith.constant 1 : i32
      %dma_wait3A_143 = arith.constant 1 : i32
      %dma_wait3A_144 = arith.constant 0 : i32
      %dma_wait3A_145 = arith.constant 0 : i32
      %dma_wait3A_146 = tpu.memref_slice %arg11[%dma_wait3A_143, %dma_wait3A_144, %dma_wait3A_145] : memref<2x8x2048xf32, #tpu.memory_space<vmem>> -> memref<1x8x2048xf32, #tpu.memory_space<vmem>>
      %dma_wait3A_147 = tpu.memref_squeeze %dma_wait3A_146 : memref<1x8x2048xf32, #tpu.memory_space<vmem>> -> memref<8x2048xf32, #tpu.memory_space<vmem>>
      %dma_wait3A_148 = arith.constant 0 : i32
      %dma_wait3A_149 = tpu.memref_slice %arg9[%dma_wait3A_142, %dma_wait3A_148] : memref<2x8xi32, #tpu.memory_space<vmem>> -> memref<1x8xi32, #tpu.memory_space<vmem>>
      %dma_wait3A_150 = tpu.memref_squeeze %dma_wait3A_149 : memref<1x8xi32, #tpu.memory_space<vmem>> -> memref<8xi32, #tpu.memory_space<vmem>>
      %dma_wait3A_151 = arith.constant 0 : i32
      %dma_wait3A_152 = arith.constant 0 : i32
      %dma_wait3A_153 = tpu.memref_slice %arg3[%dma_wait3A_151, %dma_wait3A_152] : memref<10000x2048xf32, #tpu.memory_space<hbm>> -> memref<10000x2048xf32, #tpu.memory_space<hbm>>
      tpu.wait_indirect_dma semaphore(%arg13 : memref<!tpu.dma_semaphore, #tpu.memory_space<semaphore_mem>>) src(%dma_wait3A_153 : memref<10000x2048xf32, #tpu.memory_space<hbm>>) dst(%dma_wait3A_147 : memref<8x2048xf32, #tpu.memory_space<vmem>>)
      %mul3A_154 = arith.constant 8 : i32
      %mul3A_155 = arith.muli %add3A_129, %mul3A_154 : i32
      %add3A_156 = arith.addi %mul3A_2, %mul3A_155 : i32
      %run_scoped3A_157 = arith.constant 1 : i32
      "tpu.region"() ({
        %run_scoped3A_159 = tpu.sem_alloc : memref<!tpu.dma_semaphore, #tpu.memory_space<semaphore_mem>>
        %dma_start3A_160 = arith.constant 0 : i32
        %dma_start3A_161 = arith.constant 0 : i32
        %dma_start3A_162 = tpu.memref_slice %arg10[%run_scoped3A_157, %dma_start3A_160, %dma_start3A_161] : memref<2x8x2048xf32, #tpu.memory_space<vmem>> -> memref<1x8x2048xf32, #tpu.memory_space<vmem>>
        %dma_start3A_163 = tpu.memref_squeeze %dma_start3A_162 : memref<1x8x2048xf32, #tpu.memory_space<vmem>> -> memref<8x2048xf32, #tpu.memory_space<vmem>>
        %dma_start3A_164 = arith.constant 0 : i32
        %dma_start3A_165 = tpu.memref_slice %arg6[%add3A_156, %dma_start3A_164] : memref<160000x2048xf32, #tpu.memory_space<hbm>> -> memref<8x2048xf32, #tpu.memory_space<hbm>>
        %dma_start3A_166 = arith.constant 0 : i32
        %dma_start3A_167 = tpu.memref_slice %arg6[%add3A_156, %dma_start3A_166] : memref<160000x2048xf32, #tpu.memory_space<hbm>> -> memref<8x2048xf32, #tpu.memory_space<hbm>>
        %dma_start3A_168 = arith.constant 0 : i32
        %dma_start3A_169 = arith.constant 0 : i32
        %dma_start3A_170 = tpu.memref_slice %arg10[%run_scoped3A_157, %dma_start3A_168, %dma_start3A_169] : memref<2x8x2048xf32, #tpu.memory_space<vmem>> -> memref<1x8x2048xf32, #tpu.memory_space<vmem>>
        %dma_start3A_171 = tpu.memref_squeeze %dma_start3A_170 : memref<1x8x2048xf32, #tpu.memory_space<vmem>> -> memref<8x2048xf32, #tpu.memory_space<vmem>>
        tpu.enqueue_dma source(%dma_start3A_171 : memref<8x2048xf32, #tpu.memory_space<vmem>>) target(%dma_start3A_167 : memref<8x2048xf32, #tpu.memory_space<hbm>>) target_semaphore(%run_scoped3A_159 : memref<!tpu.dma_semaphore, #tpu.memory_space<semaphore_mem>>)
        %dma_wait3A_172 = arith.constant 0 : i32
        %dma_wait3A_173 = arith.constant 0 : i32
        %dma_wait3A_174 = tpu.memref_slice %arg10[%run_scoped3A_157, %dma_wait3A_172, %dma_wait3A_173] : memref<2x8x2048xf32, #tpu.memory_space<vmem>> -> memref<1x8x2048xf32, #tpu.memory_space<vmem>>
        %dma_wait3A_175 = tpu.memref_squeeze %dma_wait3A_174 : memref<1x8x2048xf32, #tpu.memory_space<vmem>> -> memref<8x2048xf32, #tpu.memory_space<vmem>>
        %dma_wait3A_176 = arith.constant 0 : i32
        %dma_wait3A_177 = tpu.memref_slice %arg6[%add3A_156, %dma_wait3A_176] : memref<160000x2048xf32, #tpu.memory_space<hbm>> -> memref<8x2048xf32, #tpu.memory_space<hbm>>
        %dma_wait3A_178 = arith.constant 0 : i32
        %dma_wait3A_179 = tpu.memref_slice %arg6[%add3A_156, %dma_wait3A_178] : memref<160000x2048xf32, #tpu.memory_space<hbm>> -> memref<8x2048xf32, #tpu.memory_space<hbm>>
        %dma_wait3A_180 = arith.constant 0 : i32
        %dma_wait3A_181 = arith.constant 0 : i32
        %dma_wait3A_182 = tpu.memref_slice %arg10[%run_scoped3A_157, %dma_wait3A_180, %dma_wait3A_181] : memref<2x8x2048xf32, #tpu.memory_space<vmem>> -> memref<1x8x2048xf32, #tpu.memory_space<vmem>>
        %dma_wait3A_183 = tpu.memref_squeeze %dma_wait3A_182 : memref<1x8x2048xf32, #tpu.memory_space<vmem>> -> memref<8x2048xf32, #tpu.memory_space<vmem>>
        tpu.wait_dma2 semaphore(%run_scoped3A_159 : memref<!tpu.dma_semaphore, #tpu.memory_space<semaphore_mem>>) src(%dma_wait3A_183 : memref<8x2048xf32, #tpu.memory_space<vmem>>) dst(%dma_wait3A_179 : memref<8x2048xf32, #tpu.memory_space<hbm>>)
        tpu.yield
      }) : () -> ()
      %run_scoped3A_158 = arith.constant 1 : i32
      "tpu.region"() ({
        %run_scoped3A_159 = tpu.sem_alloc : memref<!tpu.dma_semaphore, #tpu.memory_space<semaphore_mem>>
        %dma_start3A_160 = arith.constant 0 : i32
        %dma_start3A_161 = arith.constant 0 : i32
        %dma_start3A_162 = tpu.memref_slice %arg11[%run_scoped3A_158, %dma_start3A_160, %dma_start3A_161] : memref<2x8x2048xf32, #tpu.memory_space<vmem>> -> memref<1x8x2048xf32, #tpu.memory_space<vmem>>
        %dma_start3A_163 = tpu.memref_squeeze %dma_start3A_162 : memref<1x8x2048xf32, #tpu.memory_space<vmem>> -> memref<8x2048xf32, #tpu.memory_space<vmem>>
        %dma_start3A_164 = arith.constant 0 : i32
        %dma_start3A_165 = tpu.memref_slice %arg7[%add3A_156, %dma_start3A_164] : memref<160000x2048xf32, #tpu.memory_space<hbm>> -> memref<8x2048xf32, #tpu.memory_space<hbm>>
        %dma_start3A_166 = arith.constant 0 : i32
        %dma_start3A_167 = tpu.memref_slice %arg7[%add3A_156, %dma_start3A_166] : memref<160000x2048xf32, #tpu.memory_space<hbm>> -> memref<8x2048xf32, #tpu.memory_space<hbm>>
        %dma_start3A_168 = arith.constant 0 : i32
        %dma_start3A_169 = arith.constant 0 : i32
        %dma_start3A_170 = tpu.memref_slice %arg11[%run_scoped3A_158, %dma_start3A_168, %dma_start3A_169] : memref<2x8x2048xf32, #tpu.memory_space<vmem>> -> memref<1x8x2048xf32, #tpu.memory_space<vmem>>
        %dma_start3A_171 = tpu.memref_squeeze %dma_start3A_170 : memref<1x8x2048xf32, #tpu.memory_space<vmem>> -> memref<8x2048xf32, #tpu.memory_space<vmem>>
        tpu.enqueue_dma source(%dma_start3A_171 : memref<8x2048xf32, #tpu.memory_space<vmem>>) target(%dma_start3A_167 : memref<8x2048xf32, #tpu.memory_space<hbm>>) target_semaphore(%run_scoped3A_159 : memref<!tpu.dma_semaphore, #tpu.memory_space<semaphore_mem>>)
        %dma_wait3A_172 = arith.constant 0 : i32
        %dma_wait3A_173 = arith.constant 0 : i32
        %dma_wait3A_174 = tpu.memref_slice %arg11[%run_scoped3A_158, %dma_wait3A_172, %dma_wait3A_173] : memref<2x8x2048xf32, #tpu.memory_space<vmem>> -> memref<1x8x2048xf32, #tpu.memory_space<vmem>>
        %dma_wait3A_175 = tpu.memref_squeeze %dma_wait3A_174 : memref<1x8x2048xf32, #tpu.memory_space<vmem>> -> memref<8x2048xf32, #tpu.memory_space<vmem>>
        %dma_wait3A_176 = arith.constant 0 : i32
        %dma_wait3A_177 = tpu.memref_slice %arg7[%add3A_156, %dma_wait3A_176] : memref<160000x2048xf32, #tpu.memory_space<hbm>> -> memref<8x2048xf32, #tpu.memory_space<hbm>>
        %dma_wait3A_178 = arith.constant 0 : i32
        %dma_wait3A_179 = tpu.memref_slice %arg7[%add3A_156, %dma_wait3A_178] : memref<160000x2048xf32, #tpu.memory_space<hbm>> -> memref<8x2048xf32, #tpu.memory_space<hbm>>
        %dma_wait3A_180 = arith.constant 0 : i32
        %dma_wait3A_181 = arith.constant 0 : i32
        %dma_wait3A_182 = tpu.memref_slice %arg11[%run_scoped3A_158, %dma_wait3A_180, %dma_wait3A_181] : memref<2x8x2048xf32, #tpu.memory_space<vmem>> -> memref<1x8x2048xf32, #tpu.memory_space<vmem>>
        %dma_wait3A_183 = tpu.memref_squeeze %dma_wait3A_182 : memref<1x8x2048xf32, #tpu.memory_space<vmem>> -> memref<8x2048xf32, #tpu.memory_space<vmem>>
        tpu.wait_dma2 semaphore(%run_scoped3A_159 : memref<!tpu.dma_semaphore, #tpu.memory_space<semaphore_mem>>) src(%dma_wait3A_183 : memref<8x2048xf32, #tpu.memory_space<vmem>>) dst(%dma_wait3A_179 : memref<8x2048xf32, #tpu.memory_space<hbm>>)
        tpu.yield
      }) : () -> ()
    }
    %scan3A_33 = arith.constant 312 : i32
    %dma_wait3A = arith.constant 0 : i32
    %dma_wait3A_34 = arith.constant 0 : i32
    %dma_wait3A_35 = arith.constant 0 : i32
    %dma_wait3A_36 = arith.constant 0 : i32
    %dma_wait3A_37 = tpu.memref_slice %arg10[%dma_wait3A_34, %dma_wait3A_35, %dma_wait3A_36] : memref<2x8x2048xf32, #tpu.memory_space<vmem>> -> memref<1x8x2048xf32, #tpu.memory_space<vmem>>
    %dma_wait3A_38 = tpu.memref_squeeze %dma_wait3A_37 : memref<1x8x2048xf32, #tpu.memory_space<vmem>> -> memref<8x2048xf32, #tpu.memory_space<vmem>>
    %dma_wait3A_39 = arith.constant 0 : i32
    %dma_wait3A_40 = tpu.memref_slice %arg8[%dma_wait3A, %dma_wait3A_39] : memref<2x8xi32, #tpu.memory_space<vmem>> -> memref<1x8xi32, #tpu.memory_space<vmem>>
    %dma_wait3A_41 = tpu.memref_squeeze %dma_wait3A_40 : memref<1x8xi32, #tpu.memory_space<vmem>> -> memref<8xi32, #tpu.memory_space<vmem>>
    %dma_wait3A_42 = arith.constant 0 : i32
    %dma_wait3A_43 = arith.constant 0 : i32
    %dma_wait3A_44 = tpu.memref_slice %arg2[%dma_wait3A_42, %dma_wait3A_43] : memref<10000x2048xf32, #tpu.memory_space<hbm>> -> memref<10000x2048xf32, #tpu.memory_space<hbm>>
    tpu.wait_indirect_dma semaphore(%arg12 : memref<!tpu.dma_semaphore, #tpu.memory_space<semaphore_mem>>) src(%dma_wait3A_44 : memref<10000x2048xf32, #tpu.memory_space<hbm>>) dst(%dma_wait3A_38 : memref<8x2048xf32, #tpu.memory_space<vmem>>)
    %dma_wait3A_45 = arith.constant 0 : i32
    %dma_wait3A_46 = arith.constant 0 : i32
    %dma_wait3A_47 = arith.constant 0 : i32
    %dma_wait3A_48 = arith.constant 0 : i32
    %dma_wait3A_49 = tpu.memref_slice %arg11[%dma_wait3A_46, %dma_wait3A_47, %dma_wait3A_48] : memref<2x8x2048xf32, #tpu.memory_space<vmem>> -> memref<1x8x2048xf32, #tpu.memory_space<vmem>>
    %dma_wait3A_50 = tpu.memref_squeeze %dma_wait3A_49 : memref<1x8x2048xf32, #tpu.memory_space<vmem>> -> memref<8x2048xf32, #tpu.memory_space<vmem>>
    %dma_wait3A_51 = arith.constant 0 : i32
    %dma_wait3A_52 = tpu.memref_slice %arg9[%dma_wait3A_45, %dma_wait3A_51] : memref<2x8xi32, #tpu.memory_space<vmem>> -> memref<1x8xi32, #tpu.memory_space<vmem>>
    %dma_wait3A_53 = tpu.memref_squeeze %dma_wait3A_52 : memref<1x8xi32, #tpu.memory_space<vmem>> -> memref<8xi32, #tpu.memory_space<vmem>>
    %dma_wait3A_54 = arith.constant 0 : i32
    %dma_wait3A_55 = arith.constant 0 : i32
    %dma_wait3A_56 = tpu.memref_slice %arg3[%dma_wait3A_54, %dma_wait3A_55] : memref<10000x2048xf32, #tpu.memory_space<hbm>> -> memref<10000x2048xf32, #tpu.memory_space<hbm>>
    tpu.wait_indirect_dma semaphore(%arg12 : memref<!tpu.dma_semaphore, #tpu.memory_space<semaphore_mem>>) src(%dma_wait3A_56 : memref<10000x2048xf32, #tpu.memory_space<hbm>>) dst(%dma_wait3A_50 : memref<8x2048xf32, #tpu.memory_space<vmem>>)
    %add3A_57 = arith.constant 4992 : i32
    %add3A_58 = arith.addi %mul3A_2, %add3A_57 : i32
    %run_scoped3A_59 = arith.constant 0 : i32
    "tpu.region"() ({
      %run_scoped3A_61 = tpu.sem_alloc : memref<!tpu.dma_semaphore, #tpu.memory_space<semaphore_mem>>
      %dma_start3A_62 = arith.constant 0 : i32
      %dma_start3A_63 = arith.constant 0 : i32
      %dma_start3A_64 = tpu.memref_slice %arg10[%run_scoped3A_59, %dma_start3A_62, %dma_start3A_63] : memref<2x8x2048xf32, #tpu.memory_space<vmem>> -> memref<1x8x2048xf32, #tpu.memory_space<vmem>>
      %dma_start3A_65 = tpu.memref_squeeze %dma_start3A_64 : memref<1x8x2048xf32, #tpu.memory_space<vmem>> -> memref<8x2048xf32, #tpu.memory_space<vmem>>
      %dma_start3A_66 = arith.constant 0 : i32
      %dma_start3A_67 = tpu.memref_slice %arg6[%add3A_58, %dma_start3A_66] : memref<160000x2048xf32, #tpu.memory_space<hbm>> -> memref<8x2048xf32, #tpu.memory_space<hbm>>
      %dma_start3A_68 = arith.constant 0 : i32
      %dma_start3A_69 = tpu.memref_slice %arg6[%add3A_58, %dma_start3A_68] : memref<160000x2048xf32, #tpu.memory_space<hbm>> -> memref<8x2048xf32, #tpu.memory_space<hbm>>
      %dma_start3A_70 = arith.constant 0 : i32
      %dma_start3A_71 = arith.constant 0 : i32
      %dma_start3A_72 = tpu.memref_slice %arg10[%run_scoped3A_59, %dma_start3A_70, %dma_start3A_71] : memref<2x8x2048xf32, #tpu.memory_space<vmem>> -> memref<1x8x2048xf32, #tpu.memory_space<vmem>>
      %dma_start3A_73 = tpu.memref_squeeze %dma_start3A_72 : memref<1x8x2048xf32, #tpu.memory_space<vmem>> -> memref<8x2048xf32, #tpu.memory_space<vmem>>
      tpu.enqueue_dma source(%dma_start3A_73 : memref<8x2048xf32, #tpu.memory_space<vmem>>) target(%dma_start3A_69 : memref<8x2048xf32, #tpu.memory_space<hbm>>) target_semaphore(%run_scoped3A_61 : memref<!tpu.dma_semaphore, #tpu.memory_space<semaphore_mem>>)
      %dma_wait3A_74 = arith.constant 0 : i32
      %dma_wait3A_75 = arith.constant 0 : i32
      %dma_wait3A_76 = tpu.memref_slice %arg10[%run_scoped3A_59, %dma_wait3A_74, %dma_wait3A_75] : memref<2x8x2048xf32, #tpu.memory_space<vmem>> -> memref<1x8x2048xf32, #tpu.memory_space<vmem>>
      %dma_wait3A_77 = tpu.memref_squeeze %dma_wait3A_76 : memref<1x8x2048xf32, #tpu.memory_space<vmem>> -> memref<8x2048xf32, #tpu.memory_space<vmem>>
      %dma_wait3A_78 = arith.constant 0 : i32
      %dma_wait3A_79 = tpu.memref_slice %arg6[%add3A_58, %dma_wait3A_78] : memref<160000x2048xf32, #tpu.memory_space<hbm>> -> memref<8x2048xf32, #tpu.memory_space<hbm>>
      %dma_wait3A_80 = arith.constant 0 : i32
      %dma_wait3A_81 = tpu.memref_slice %arg6[%add3A_58, %dma_wait3A_80] : memref<160000x2048xf32, #tpu.memory_space<hbm>> -> memref<8x2048xf32, #tpu.memory_space<hbm>>
      %dma_wait3A_82 = arith.constant 0 : i32
      %dma_wait3A_83 = arith.constant 0 : i32
      %dma_wait3A_84 = tpu.memref_slice %arg10[%run_scoped3A_59, %dma_wait3A_82, %dma_wait3A_83] : memref<2x8x2048xf32, #tpu.memory_space<vmem>> -> memref<1x8x2048xf32, #tpu.memory_space<vmem>>
      %dma_wait3A_85 = tpu.memref_squeeze %dma_wait3A_84 : memref<1x8x2048xf32, #tpu.memory_space<vmem>> -> memref<8x2048xf32, #tpu.memory_space<vmem>>
      tpu.wait_dma2 semaphore(%run_scoped3A_61 : memref<!tpu.dma_semaphore, #tpu.memory_space<semaphore_mem>>) src(%dma_wait3A_85 : memref<8x2048xf32, #tpu.memory_space<vmem>>) dst(%dma_wait3A_81 : memref<8x2048xf32, #tpu.memory_space<hbm>>)
      tpu.yield
    }) : () -> ()
    %run_scoped3A_60 = arith.constant 0 : i32
    "tpu.region"() ({
      %run_scoped3A_61 = tpu.sem_alloc : memref<!tpu.dma_semaphore, #tpu.memory_space<semaphore_mem>>
      %dma_start3A_62 = arith.constant 0 : i32
      %dma_start3A_63 = arith.constant 0 : i32
      %dma_start3A_64 = tpu.memref_slice %arg11[%run_scoped3A_60, %dma_start3A_62, %dma_start3A_63] : memref<2x8x2048xf32, #tpu.memory_space<vmem>> -> memref<1x8x2048xf32, #tpu.memory_space<vmem>>
      %dma_start3A_65 = tpu.memref_squeeze %dma_start3A_64 : memref<1x8x2048xf32, #tpu.memory_space<vmem>> -> memref<8x2048xf32, #tpu.memory_space<vmem>>
      %dma_start3A_66 = arith.constant 0 : i32
      %dma_start3A_67 = tpu.memref_slice %arg7[%add3A_58, %dma_start3A_66] : memref<160000x2048xf32, #tpu.memory_space<hbm>> -> memref<8x2048xf32, #tpu.memory_space<hbm>>
      %dma_start3A_68 = arith.constant 0 : i32
      %dma_start3A_69 = tpu.memref_slice %arg7[%add3A_58, %dma_start3A_68] : memref<160000x2048xf32, #tpu.memory_space<hbm>> -> memref<8x2048xf32, #tpu.memory_space<hbm>>
      %dma_start3A_70 = arith.constant 0 : i32
      %dma_start3A_71 = arith.constant 0 : i32
      %dma_start3A_72 = tpu.memref_slice %arg11[%run_scoped3A_60, %dma_start3A_70, %dma_start3A_71] : memref<2x8x2048xf32, #tpu.memory_space<vmem>> -> memref<1x8x2048xf32, #tpu.memory_space<vmem>>
      %dma_start3A_73 = tpu.memref_squeeze %dma_start3A_72 : memref<1x8x2048xf32, #tpu.memory_space<vmem>> -> memref<8x2048xf32, #tpu.memory_space<vmem>>
      tpu.enqueue_dma source(%dma_start3A_73 : memref<8x2048xf32, #tpu.memory_space<vmem>>) target(%dma_start3A_69 : memref<8x2048xf32, #tpu.memory_space<hbm>>) target_semaphore(%run_scoped3A_61 : memref<!tpu.dma_semaphore, #tpu.memory_space<semaphore_mem>>)
      %dma_wait3A_74 = arith.constant 0 : i32
      %dma_wait3A_75 = arith.constant 0 : i32
      %dma_wait3A_76 = tpu.memref_slice %arg11[%run_scoped3A_60, %dma_wait3A_74, %dma_wait3A_75] : memref<2x8x2048xf32, #tpu.memory_space<vmem>> -> memref<1x8x2048xf32, #tpu.memory_space<vmem>>
      %dma_wait3A_77 = tpu.memref_squeeze %dma_wait3A_76 : memref<1x8x2048xf32, #tpu.memory_space<vmem>> -> memref<8x2048xf32, #tpu.memory_space<vmem>>
      %dma_wait3A_78 = arith.constant 0 : i32
      %dma_wait3A_79 = tpu.memref_slice %arg7[%add3A_58, %dma_wait3A_78] : memref<160000x2048xf32, #tpu.memory_space<hbm>> -> memref<8x2048xf32, #tpu.memory_space<hbm>>
      %dma_wait3A_80 = arith.constant 0 : i32
      %dma_wait3A_81 = tpu.memref_slice %arg7[%add3A_58, %dma_wait3A_80] : memref<160000x2048xf32, #tpu.memory_space<hbm>> -> memref<8x2048xf32, #tpu.memory_space<hbm>>
      %dma_wait3A_82 = arith.constant 0 : i32
      %dma_wait3A_83 = arith.constant 0 : i32
      %dma_wait3A_84 = tpu.memref_slice %arg11[%run_scoped3A_60, %dma_wait3A_82, %dma_wait3A_83] : memref<2x8x2048xf32, #tpu.memory_space<vmem>> -> memref<1x8x2048xf32, #tpu.memory_space<vmem>>
      %dma_wait3A_85 = tpu.memref_squeeze %dma_wait3A_84 : memref<1x8x2048xf32, #tpu.memory_space<vmem>> -> memref<8x2048xf32, #tpu.memory_space<vmem>>
      tpu.wait_dma2 semaphore(%run_scoped3A_61 : memref<!tpu.dma_semaphore, #tpu.memory_space<semaphore_mem>>) src(%dma_wait3A_85 : memref<8x2048xf32, #tpu.memory_space<vmem>>) dst(%dma_wait3A_81 : memref<8x2048xf32, #tpu.memory_space<hbm>>)
      tpu.yield
    }) : () -> ()
    return
  }
}

#map = affine_map<(d0, d1) -> (0, 0)>
#map1 = affine_map<(d0, d1) -> (0)>
module attributes {stable_mosaic.version = 14 : i64} {
  func.func @k(%arg0: i32, %arg1: i32, %arg2: memref<160000x1024xf32, #tpu.memory_space<hbm>>, %arg3: memref<160000xi32, #tpu.memory_space<hbm>>, %arg4: memref<640x128xf32, #tpu.memory_space<hbm>>, %arg5: memref<10000x1024xf32, #tpu.memory_space<hbm>>, %arg6: memref<80xi32, #tpu.memory_space<vmem>>, %arg7: memref<80xi32, #tpu.memory_space<vmem>>, %arg8: memref<80x128xf32, #tpu.memory_space<vmem>>, %arg9: memref<80x128xf32, #tpu.memory_space<vmem>>, %arg10: memref<10240x128xf32, #tpu.memory_space<vmem_shared>>, %arg11: memref<!tpu.dma_semaphore, #tpu.memory_space<semaphore_mem>>, %arg12: memref<!tpu.dma_semaphore, #tpu.memory_space<semaphore_mem>>) attributes {dimension_semantics = [#tpu.dimension_semantics<core_parallel>, #tpu.dimension_semantics<subcore_parallel>], iteration_bounds = array<i64: 2, 16>, scalar_prefetch = 0 : i64, scratch_operands = 7 : i64, tpu.core_type = #tpu.core_type<sc_vector_subcore>, window_params = [{transform_indices = #map}, {transform_indices = #map1}, {transform_indices = #map}, {transform_indices = #map}]} {
    %mul3A = arith.constant 4 : i32
    %mul3A_0 = arith.muli %arg0, %mul3A : i32
    %add3A = arith.constant 0 : i32
    %add3A_1 = arith.addi %mul3A_0, %add3A : i32
    %mul3A_2 = arith.constant 128 : i32
    %mul3A_3 = arith.muli %add3A_1, %mul3A_2 : i32
    %mul3A_4 = arith.constant 640 : i32
    %mul3A_5 = arith.muli %arg1, %mul3A_4 : i32
    "tpu.region"() ({
      %run_scoped3A = tpu.sem_alloc : memref<!tpu.dma_semaphore, #tpu.memory_space<semaphore_mem>>
      %dma_start3A_159 = arith.constant 0 : i32
      %dma_start3A_160 = tpu.memref_slice %arg10[%mul3A_5, %dma_start3A_159] : memref<10240x128xf32, #tpu.memory_space<vmem_shared>> -> memref<640x128xf32, #tpu.memory_space<vmem_shared>>
      tpu.enqueue_dma source(%arg4 : memref<640x128xf32, #tpu.memory_space<hbm>>) target(%dma_start3A_160 : memref<640x128xf32, #tpu.memory_space<vmem_shared>>) target_semaphore(%run_scoped3A : memref<!tpu.dma_semaphore, #tpu.memory_space<semaphore_mem>>)
      %dma_wait3A_161 = arith.constant 0 : i32
      %dma_wait3A_162 = tpu.memref_slice %arg10[%mul3A_5, %dma_wait3A_161] : memref<10240x128xf32, #tpu.memory_space<vmem_shared>> -> memref<640x128xf32, #tpu.memory_space<vmem_shared>>
      tpu.wait_dma2 semaphore(%run_scoped3A : memref<!tpu.dma_semaphore, #tpu.memory_space<semaphore_mem>>) src(%arg4 : memref<640x128xf32, #tpu.memory_space<hbm>>) dst(%dma_wait3A_162 : memref<640x128xf32, #tpu.memory_space<vmem_shared>>)
      tpu.yield
    }) : () -> ()
    %barrier3A = arith.constant 0 : index
    tpu.barrier barrier_id(%barrier3A)
    %mul3A_6 = arith.constant 10000 : i32
    %mul3A_7 = arith.muli %arg1, %mul3A_6 : i32
    %add3A_8 = arith.constant 0 : i32
    %add3A_9 = arith.addi %mul3A_7, %add3A_8 : i32
    %dma_start3A = tpu.memref_slice %arg3[%add3A_9] : memref<160000xi32, #tpu.memory_space<hbm>> -> memref<80xi32, #tpu.memory_space<hbm>>
    %dma_start3A_10 = tpu.memref_slice %arg3[%add3A_9] : memref<160000xi32, #tpu.memory_space<hbm>> -> memref<80xi32, #tpu.memory_space<hbm>>
    tpu.enqueue_dma source(%dma_start3A_10 : memref<80xi32, #tpu.memory_space<hbm>>) target(%arg6 : memref<80xi32, #tpu.memory_space<vmem>>) target_semaphore(%arg11 : memref<!tpu.dma_semaphore, #tpu.memory_space<semaphore_mem>>)
    %dma_start3A_11 = tpu.memref_slice %arg2[%add3A_9, %mul3A_3] : memref<160000x1024xf32, #tpu.memory_space<hbm>> -> memref<80x128xf32, #tpu.memory_space<hbm>>
    %dma_start3A_12 = tpu.memref_slice %arg2[%add3A_9, %mul3A_3] : memref<160000x1024xf32, #tpu.memory_space<hbm>> -> memref<80x128xf32, #tpu.memory_space<hbm>>
    tpu.enqueue_dma source(%dma_start3A_12 : memref<80x128xf32, #tpu.memory_space<hbm>>) target(%arg8 : memref<80x128xf32, #tpu.memory_space<vmem>>) target_semaphore(%arg11 : memref<!tpu.dma_semaphore, #tpu.memory_space<semaphore_mem>>)
    %scan3A = arith.constant 0 : i32
    %scan3A_13 = arith.constant 0 : i32
    %scan3A_14 = arith.constant 62 : i32
    %scan3A_15 = arith.addi %scan3A_13, %scan3A_14 : i32
    %scan3A_16 = arith.constant 1 : i32
    scf.for %scan3A_159 = %scan3A_13 to %scan3A_15 step %scan3A_16  : i32 {
      %mul3A_160 = arith.constant 2 : i32
      %mul3A_161 = arith.muli %mul3A_160, %scan3A_159 : i32
      %add3A_162 = arith.constant 1 : i32
      %add3A_163 = arith.addi %mul3A_161, %add3A_162 : i32
      %mul3A_164 = arith.constant 10000 : i32
      %mul3A_165 = arith.muli %arg1, %mul3A_164 : i32
      %mul3A_166 = arith.constant 80 : i32
      %mul3A_167 = arith.muli %add3A_163, %mul3A_166 : i32
      %add3A_168 = arith.addi %mul3A_165, %mul3A_167 : i32
      %dma_start3A_169 = tpu.memref_slice %arg3[%add3A_168] : memref<160000xi32, #tpu.memory_space<hbm>> -> memref<80xi32, #tpu.memory_space<hbm>>
      %dma_start3A_170 = tpu.memref_slice %arg3[%add3A_168] : memref<160000xi32, #tpu.memory_space<hbm>> -> memref<80xi32, #tpu.memory_space<hbm>>
      tpu.enqueue_dma source(%dma_start3A_170 : memref<80xi32, #tpu.memory_space<hbm>>) target(%arg7 : memref<80xi32, #tpu.memory_space<vmem>>) target_semaphore(%arg12 : memref<!tpu.dma_semaphore, #tpu.memory_space<semaphore_mem>>)
      %dma_start3A_171 = tpu.memref_slice %arg2[%add3A_168, %mul3A_3] : memref<160000x1024xf32, #tpu.memory_space<hbm>> -> memref<80x128xf32, #tpu.memory_space<hbm>>
      %dma_start3A_172 = tpu.memref_slice %arg2[%add3A_168, %mul3A_3] : memref<160000x1024xf32, #tpu.memory_space<hbm>> -> memref<80x128xf32, #tpu.memory_space<hbm>>
      tpu.enqueue_dma source(%dma_start3A_172 : memref<80x128xf32, #tpu.memory_space<hbm>>) target(%arg9 : memref<80x128xf32, #tpu.memory_space<vmem>>) target_semaphore(%arg12 : memref<!tpu.dma_semaphore, #tpu.memory_space<semaphore_mem>>)
      %mul3A_173 = arith.constant 10000 : i32
      %mul3A_174 = arith.muli %arg1, %mul3A_173 : i32
      %mul3A_175 = arith.constant 80 : i32
      %mul3A_176 = arith.muli %mul3A_161, %mul3A_175 : i32
      %add3A_177 = arith.addi %mul3A_174, %mul3A_176 : i32
      %dma_wait3A_178 = tpu.memref_slice %arg3[%add3A_177] : memref<160000xi32, #tpu.memory_space<hbm>> -> memref<80xi32, #tpu.memory_space<hbm>>
      %dma_wait3A_179 = tpu.memref_slice %arg3[%add3A_177] : memref<160000xi32, #tpu.memory_space<hbm>> -> memref<80xi32, #tpu.memory_space<hbm>>
      tpu.wait_dma2 semaphore(%arg11 : memref<!tpu.dma_semaphore, #tpu.memory_space<semaphore_mem>>) src(%dma_wait3A_179 : memref<80xi32, #tpu.memory_space<hbm>>) dst(%arg6 : memref<80xi32, #tpu.memory_space<vmem>>)
      %dma_wait3A_180 = tpu.memref_slice %arg2[%add3A_177, %mul3A_3] : memref<160000x1024xf32, #tpu.memory_space<hbm>> -> memref<80x128xf32, #tpu.memory_space<hbm>>
      %dma_wait3A_181 = tpu.memref_slice %arg2[%add3A_177, %mul3A_3] : memref<160000x1024xf32, #tpu.memory_space<hbm>> -> memref<80x128xf32, #tpu.memory_space<hbm>>
      tpu.wait_dma2 semaphore(%arg11 : memref<!tpu.dma_semaphore, #tpu.memory_space<semaphore_mem>>) src(%dma_wait3A_181 : memref<80x128xf32, #tpu.memory_space<hbm>>) dst(%arg8 : memref<80x128xf32, #tpu.memory_space<vmem>>)
      "tpu.region"() ({
        %run_scoped3A = tpu.sem_alloc : memref<!tpu.dma_semaphore, #tpu.memory_space<semaphore_mem>>
        %dma_start3A_199 = arith.constant 0 : i32
        %dma_start3A_200 = arith.constant 0 : i32
        %dma_start3A_201 = tpu.memref_slice %arg10[%dma_start3A_199, %dma_start3A_200] : memref<10240x128xf32, #tpu.memory_space<vmem_shared>> -> memref<10240x128xf32, #tpu.memory_space<vmem_shared>>
        tpu.enqueue_indirect_dma source(%arg8 : memref<80x128xf32, #tpu.memory_space<vmem>>) target(%dma_start3A_201 : memref<10240x128xf32, #tpu.memory_space<vmem_shared>>) offsets(%arg6 : memref<80xi32, #tpu.memory_space<vmem>>) semaphore(%run_scoped3A : memref<!tpu.dma_semaphore, #tpu.memory_space<semaphore_mem>>) {add = true}
        %dma_wait3A_202 = arith.constant 0 : i32
        %dma_wait3A_203 = arith.constant 0 : i32
        %dma_wait3A_204 = tpu.memref_slice %arg10[%dma_wait3A_202, %dma_wait3A_203] : memref<10240x128xf32, #tpu.memory_space<vmem_shared>> -> memref<10240x128xf32, #tpu.memory_space<vmem_shared>>
        tpu.wait_indirect_dma semaphore(%run_scoped3A : memref<!tpu.dma_semaphore, #tpu.memory_space<semaphore_mem>>) src(%arg8 : memref<80x128xf32, #tpu.memory_space<vmem>>) dst(%dma_wait3A_204 : memref<10240x128xf32, #tpu.memory_space<vmem_shared>>)
        tpu.yield
      }) : () -> ()
      %add3A_182 = arith.constant 2 : i32
      %add3A_183 = arith.addi %mul3A_161, %add3A_182 : i32
      %lt3A = arith.constant 125 : i32
      %lt3A_184 = arith.cmpi slt, %add3A_183, %lt3A : i32
      %convert_element_type3A_185 = arith.extui %lt3A_184 : i1 to i32
      %cond3A_186 = arith.constant 0 : i32
      %cond3A_187 = arith.cmpi ne, %convert_element_type3A_185, %cond3A_186 : i32
      scf.if %cond3A_187 {
        %add3A_199 = arith.constant 2 : i32
        %add3A_200 = arith.addi %mul3A_161, %add3A_199 : i32
        %mul3A_201 = arith.constant 10000 : i32
        %mul3A_202 = arith.muli %arg1, %mul3A_201 : i32
        %mul3A_203 = arith.constant 80 : i32
        %mul3A_204 = arith.muli %add3A_200, %mul3A_203 : i32
        %add3A_205 = arith.addi %mul3A_202, %mul3A_204 : i32
        %dma_start3A_206 = tpu.memref_slice %arg3[%add3A_205] : memref<160000xi32, #tpu.memory_space<hbm>> -> memref<80xi32, #tpu.memory_space<hbm>>
        %dma_start3A_207 = tpu.memref_slice %arg3[%add3A_205] : memref<160000xi32, #tpu.memory_space<hbm>> -> memref<80xi32, #tpu.memory_space<hbm>>
        tpu.enqueue_dma source(%dma_start3A_207 : memref<80xi32, #tpu.memory_space<hbm>>) target(%arg6 : memref<80xi32, #tpu.memory_space<vmem>>) target_semaphore(%arg11 : memref<!tpu.dma_semaphore, #tpu.memory_space<semaphore_mem>>)
        %dma_start3A_208 = tpu.memref_slice %arg2[%add3A_205, %mul3A_3] : memref<160000x1024xf32, #tpu.memory_space<hbm>> -> memref<80x128xf32, #tpu.memory_space<hbm>>
        %dma_start3A_209 = tpu.memref_slice %arg2[%add3A_205, %mul3A_3] : memref<160000x1024xf32, #tpu.memory_space<hbm>> -> memref<80x128xf32, #tpu.memory_space<hbm>>
        tpu.enqueue_dma source(%dma_start3A_209 : memref<80x128xf32, #tpu.memory_space<hbm>>) target(%arg8 : memref<80x128xf32, #tpu.memory_space<vmem>>) target_semaphore(%arg11 : memref<!tpu.dma_semaphore, #tpu.memory_space<semaphore_mem>>)
      } else {
      }
      %add3A_188 = arith.constant 1 : i32
      %add3A_189 = arith.addi %mul3A_161, %add3A_188 : i32
      %mul3A_190 = arith.constant 10000 : i32
      %mul3A_191 = arith.muli %arg1, %mul3A_190 : i32
      %mul3A_192 = arith.constant 80 : i32
      %mul3A_193 = arith.muli %add3A_189, %mul3A_192 : i32
      %add3A_194 = arith.addi %mul3A_191, %mul3A_193 : i32
      %dma_wait3A_195 = tpu.memref_slice %arg3[%add3A_194] : memref<160000xi32, #tpu.memory_space<hbm>> -> memref<80xi32, #tpu.memory_space<hbm>>
      %dma_wait3A_196 = tpu.memref_slice %arg3[%add3A_194] : memref<160000xi32, #tpu.memory_space<hbm>> -> memref<80xi32, #tpu.memory_space<hbm>>
      tpu.wait_dma2 semaphore(%arg12 : memref<!tpu.dma_semaphore, #tpu.memory_space<semaphore_mem>>) src(%dma_wait3A_196 : memref<80xi32, #tpu.memory_space<hbm>>) dst(%arg7 : memref<80xi32, #tpu.memory_space<vmem>>)
      %dma_wait3A_197 = tpu.memref_slice %arg2[%add3A_194, %mul3A_3] : memref<160000x1024xf32, #tpu.memory_space<hbm>> -> memref<80x128xf32, #tpu.memory_space<hbm>>
      %dma_wait3A_198 = tpu.memref_slice %arg2[%add3A_194, %mul3A_3] : memref<160000x1024xf32, #tpu.memory_space<hbm>> -> memref<80x128xf32, #tpu.memory_space<hbm>>
      tpu.wait_dma2 semaphore(%arg12 : memref<!tpu.dma_semaphore, #tpu.memory_space<semaphore_mem>>) src(%dma_wait3A_198 : memref<80x128xf32, #tpu.memory_space<hbm>>) dst(%arg9 : memref<80x128xf32, #tpu.memory_space<vmem>>)
      "tpu.region"() ({
        %run_scoped3A = tpu.sem_alloc : memref<!tpu.dma_semaphore, #tpu.memory_space<semaphore_mem>>
        %dma_start3A_199 = arith.constant 0 : i32
        %dma_start3A_200 = arith.constant 0 : i32
        %dma_start3A_201 = tpu.memref_slice %arg10[%dma_start3A_199, %dma_start3A_200] : memref<10240x128xf32, #tpu.memory_space<vmem_shared>> -> memref<10240x128xf32, #tpu.memory_space<vmem_shared>>
        tpu.enqueue_indirect_dma source(%arg9 : memref<80x128xf32, #tpu.memory_space<vmem>>) target(%dma_start3A_201 : memref<10240x128xf32, #tpu.memory_space<vmem_shared>>) offsets(%arg7 : memref<80xi32, #tpu.memory_space<vmem>>) semaphore(%run_scoped3A : memref<!tpu.dma_semaphore, #tpu.memory_space<semaphore_mem>>) {add = true}
        %dma_wait3A_202 = arith.constant 0 : i32
        %dma_wait3A_203 = arith.constant 0 : i32
        %dma_wait3A_204 = tpu.memref_slice %arg10[%dma_wait3A_202, %dma_wait3A_203] : memref<10240x128xf32, #tpu.memory_space<vmem_shared>> -> memref<10240x128xf32, #tpu.memory_space<vmem_shared>>
        tpu.wait_indirect_dma semaphore(%run_scoped3A : memref<!tpu.dma_semaphore, #tpu.memory_space<semaphore_mem>>) src(%arg9 : memref<80x128xf32, #tpu.memory_space<vmem>>) dst(%dma_wait3A_204 : memref<10240x128xf32, #tpu.memory_space<vmem_shared>>)
        tpu.yield
      }) : () -> ()
    }
    %scan3A_17 = arith.constant 62 : i32
    %mul3A_18 = arith.constant 10000 : i32
    %mul3A_19 = arith.muli %arg1, %mul3A_18 : i32
    %add3A_20 = arith.constant 9920 : i32
    %add3A_21 = arith.addi %mul3A_19, %add3A_20 : i32
    %dma_wait3A = tpu.memref_slice %arg3[%add3A_21] : memref<160000xi32, #tpu.memory_space<hbm>> -> memref<80xi32, #tpu.memory_space<hbm>>
    %dma_wait3A_22 = tpu.memref_slice %arg3[%add3A_21] : memref<160000xi32, #tpu.memory_space<hbm>> -> memref<80xi32, #tpu.memory_space<hbm>>
    tpu.wait_dma2 semaphore(%arg11 : memref<!tpu.dma_semaphore, #tpu.memory_space<semaphore_mem>>) src(%dma_wait3A_22 : memref<80xi32, #tpu.memory_space<hbm>>) dst(%arg6 : memref<80xi32, #tpu.memory_space<vmem>>)
    %dma_wait3A_23 = tpu.memref_slice %arg2[%add3A_21, %mul3A_3] : memref<160000x1024xf32, #tpu.memory_space<hbm>> -> memref<80x128xf32, #tpu.memory_space<hbm>>
    %dma_wait3A_24 = tpu.memref_slice %arg2[%add3A_21, %mul3A_3] : memref<160000x1024xf32, #tpu.memory_space<hbm>> -> memref<80x128xf32, #tpu.memory_space<hbm>>
    tpu.wait_dma2 semaphore(%arg11 : memref<!tpu.dma_semaphore, #tpu.memory_space<semaphore_mem>>) src(%dma_wait3A_24 : memref<80x128xf32, #tpu.memory_space<hbm>>) dst(%arg8 : memref<80x128xf32, #tpu.memory_space<vmem>>)
    "tpu.region"() ({
      %run_scoped3A = tpu.sem_alloc : memref<!tpu.dma_semaphore, #tpu.memory_space<semaphore_mem>>
      %dma_start3A_159 = arith.constant 0 : i32
      %dma_start3A_160 = arith.constant 0 : i32
      %dma_start3A_161 = tpu.memref_slice %arg10[%dma_start3A_159, %dma_start3A_160] : memref<10240x128xf32, #tpu.memory_space<vmem_shared>> -> memref<10240x128xf32, #tpu.memory_space<vmem_shared>>
      tpu.enqueue_indirect_dma source(%arg8 : memref<80x128xf32, #tpu.memory_space<vmem>>) target(%dma_start3A_161 : memref<10240x128xf32, #tpu.memory_space<vmem_shared>>) offsets(%arg6 : memref<80xi32, #tpu.memory_space<vmem>>) semaphore(%run_scoped3A : memref<!tpu.dma_semaphore, #tpu.memory_space<semaphore_mem>>) {add = true}
      %dma_wait3A_162 = arith.constant 0 : i32
      %dma_wait3A_163 = arith.constant 0 : i32
      %dma_wait3A_164 = tpu.memref_slice %arg10[%dma_wait3A_162, %dma_wait3A_163] : memref<10240x128xf32, #tpu.memory_space<vmem_shared>> -> memref<10240x128xf32, #tpu.memory_space<vmem_shared>>
      tpu.wait_indirect_dma semaphore(%run_scoped3A : memref<!tpu.dma_semaphore, #tpu.memory_space<semaphore_mem>>) src(%arg8 : memref<80x128xf32, #tpu.memory_space<vmem>>) dst(%dma_wait3A_164 : memref<10240x128xf32, #tpu.memory_space<vmem_shared>>)
      tpu.yield
    }) : () -> ()
    %barrier3A_25 = arith.constant 0 : index
    tpu.barrier barrier_id(%barrier3A_25)
    %mul3A_26 = arith.constant 624 : i32
    %mul3A_27 = arith.muli %arg1, %mul3A_26 : i32
    %mul3A_28 = arith.constant 624 : i32
    %mul3A_29 = arith.muli %arg1, %mul3A_28 : i32
    "tpu.region"() ({
      %run_scoped3A = tpu.sem_alloc : memref<!tpu.dma_semaphore, #tpu.memory_space<semaphore_mem>>
      %dma_start3A_159 = tpu.memref_slice %arg5[%mul3A_29, %mul3A_3] : memref<10000x1024xf32, #tpu.memory_space<hbm>> -> memref<624x128xf32, #tpu.memory_space<hbm>>
      %dma_start3A_160 = arith.constant 0 : i32
      %dma_start3A_161 = tpu.memref_slice %arg10[%mul3A_27, %dma_start3A_160] : memref<10240x128xf32, #tpu.memory_space<vmem_shared>> -> memref<624x128xf32, #tpu.memory_space<vmem_shared>>
      tpu.enqueue_dma source(%dma_start3A_161 : memref<624x128xf32, #tpu.memory_space<vmem_shared>>) target(%dma_start3A_159 : memref<624x128xf32, #tpu.memory_space<hbm>>) target_semaphore(%run_scoped3A : memref<!tpu.dma_semaphore, #tpu.memory_space<semaphore_mem>>)
      %dma_wait3A_162 = tpu.memref_slice %arg5[%mul3A_29, %mul3A_3] : memref<10000x1024xf32, #tpu.memory_space<hbm>> -> memref<624x128xf32, #tpu.memory_space<hbm>>
      %dma_wait3A_163 = arith.constant 0 : i32
      %dma_wait3A_164 = tpu.memref_slice %arg10[%mul3A_27, %dma_wait3A_163] : memref<10240x128xf32, #tpu.memory_space<vmem_shared>> -> memref<624x128xf32, #tpu.memory_space<vmem_shared>>
      tpu.wait_dma2 semaphore(%run_scoped3A : memref<!tpu.dma_semaphore, #tpu.memory_space<semaphore_mem>>) src(%dma_wait3A_164 : memref<624x128xf32, #tpu.memory_space<vmem_shared>>) dst(%dma_wait3A_162 : memref<624x128xf32, #tpu.memory_space<hbm>>)
      tpu.yield
    }) : () -> ()
    %eq3A = arith.constant 15 : i32
    %eq3A_30 = arith.cmpi eq, %arg1, %eq3A : i32
    %convert_element_type3A = arith.extui %eq3A_30 : i1 to i32
    %cond3A = arith.constant 0 : i32
    %cond3A_31 = arith.cmpi ne, %convert_element_type3A, %cond3A : i32
    scf.if %cond3A_31 {
      "tpu.region"() ({
        %run_scoped3A = tpu.sem_alloc : memref<!tpu.dma_semaphore, #tpu.memory_space<semaphore_mem>>
        %dma_start3A_159 = arith.constant 9984 : i32
        %dma_start3A_160 = tpu.memref_slice %arg5[%dma_start3A_159, %mul3A_3] : memref<10000x1024xf32, #tpu.memory_space<hbm>> -> memref<16x128xf32, #tpu.memory_space<hbm>>
        %dma_start3A_161 = arith.constant 9984 : i32
        %dma_start3A_162 = arith.constant 0 : i32
        %dma_start3A_163 = tpu.memref_slice %arg10[%dma_start3A_161, %dma_start3A_162] : memref<10240x128xf32, #tpu.memory_space<vmem_shared>> -> memref<16x128xf32, #tpu.memory_space<vmem_shared>>
        tpu.enqueue_dma source(%dma_start3A_163 : memref<16x128xf32, #tpu.memory_space<vmem_shared>>) target(%dma_start3A_160 : memref<16x128xf32, #tpu.memory_space<hbm>>) target_semaphore(%run_scoped3A : memref<!tpu.dma_semaphore, #tpu.memory_space<semaphore_mem>>)
        %dma_wait3A_164 = arith.constant 9984 : i32
        %dma_wait3A_165 = tpu.memref_slice %arg5[%dma_wait3A_164, %mul3A_3] : memref<10000x1024xf32, #tpu.memory_space<hbm>> -> memref<16x128xf32, #tpu.memory_space<hbm>>
        %dma_wait3A_166 = arith.constant 9984 : i32
        %dma_wait3A_167 = arith.constant 0 : i32
        %dma_wait3A_168 = tpu.memref_slice %arg10[%dma_wait3A_166, %dma_wait3A_167] : memref<10240x128xf32, #tpu.memory_space<vmem_shared>> -> memref<16x128xf32, #tpu.memory_space<vmem_shared>>
        tpu.wait_dma2 semaphore(%run_scoped3A : memref<!tpu.dma_semaphore, #tpu.memory_space<semaphore_mem>>) src(%dma_wait3A_168 : memref<16x128xf32, #tpu.memory_space<vmem_shared>>) dst(%dma_wait3A_165 : memref<16x128xf32, #tpu.memory_space<hbm>>)
        tpu.yield
      }) : () -> ()
    } else {
    }
    %barrier3A_32 = arith.constant 0 : index
    tpu.barrier barrier_id(%barrier3A_32)
    %mul3A_33 = arith.constant 4 : i32
    %mul3A_34 = arith.muli %arg0, %mul3A_33 : i32
    %add3A_35 = arith.constant 1 : i32
    %add3A_36 = arith.addi %mul3A_34, %add3A_35 : i32
    %mul3A_37 = arith.constant 128 : i32
    %mul3A_38 = arith.muli %add3A_36, %mul3A_37 : i32
    %mul3A_39 = arith.constant 640 : i32
    %mul3A_40 = arith.muli %arg1, %mul3A_39 : i32
    "tpu.region"() ({
      %run_scoped3A = tpu.sem_alloc : memref<!tpu.dma_semaphore, #tpu.memory_space<semaphore_mem>>
      %dma_start3A_159 = arith.constant 0 : i32
      %dma_start3A_160 = tpu.memref_slice %arg10[%mul3A_40, %dma_start3A_159] : memref<10240x128xf32, #tpu.memory_space<vmem_shared>> -> memref<640x128xf32, #tpu.memory_space<vmem_shared>>
      tpu.enqueue_dma source(%arg4 : memref<640x128xf32, #tpu.memory_space<hbm>>) target(%dma_start3A_160 : memref<640x128xf32, #tpu.memory_space<vmem_shared>>) target_semaphore(%run_scoped3A : memref<!tpu.dma_semaphore, #tpu.memory_space<semaphore_mem>>)
      %dma_wait3A_161 = arith.constant 0 : i32
      %dma_wait3A_162 = tpu.memref_slice %arg10[%mul3A_40, %dma_wait3A_161] : memref<10240x128xf32, #tpu.memory_space<vmem_shared>> -> memref<640x128xf32, #tpu.memory_space<vmem_shared>>
      tpu.wait_dma2 semaphore(%run_scoped3A : memref<!tpu.dma_semaphore, #tpu.memory_space<semaphore_mem>>) src(%arg4 : memref<640x128xf32, #tpu.memory_space<hbm>>) dst(%dma_wait3A_162 : memref<640x128xf32, #tpu.memory_space<vmem_shared>>)
      tpu.yield
    }) : () -> ()
    %barrier3A_41 = arith.constant 0 : index
    tpu.barrier barrier_id(%barrier3A_41)
    %mul3A_42 = arith.constant 10000 : i32
    %mul3A_43 = arith.muli %arg1, %mul3A_42 : i32
    %add3A_44 = arith.constant 0 : i32
    %add3A_45 = arith.addi %mul3A_43, %add3A_44 : i32
    %dma_start3A_46 = tpu.memref_slice %arg3[%add3A_45] : memref<160000xi32, #tpu.memory_space<hbm>> -> memref<80xi32, #tpu.memory_space<hbm>>
    %dma_start3A_47 = tpu.memref_slice %arg3[%add3A_45] : memref<160000xi32, #tpu.memory_space<hbm>> -> memref<80xi32, #tpu.memory_space<hbm>>
    tpu.enqueue_dma source(%dma_start3A_47 : memref<80xi32, #tpu.memory_space<hbm>>) target(%arg6 : memref<80xi32, #tpu.memory_space<vmem>>) target_semaphore(%arg11 : memref<!tpu.dma_semaphore, #tpu.memory_space<semaphore_mem>>)
    %dma_start3A_48 = tpu.memref_slice %arg2[%add3A_45, %mul3A_38] : memref<160000x1024xf32, #tpu.memory_space<hbm>> -> memref<80x128xf32, #tpu.memory_space<hbm>>
    %dma_start3A_49 = tpu.memref_slice %arg2[%add3A_45, %mul3A_38] : memref<160000x1024xf32, #tpu.memory_space<hbm>> -> memref<80x128xf32, #tpu.memory_space<hbm>>
    tpu.enqueue_dma source(%dma_start3A_49 : memref<80x128xf32, #tpu.memory_space<hbm>>) target(%arg8 : memref<80x128xf32, #tpu.memory_space<vmem>>) target_semaphore(%arg11 : memref<!tpu.dma_semaphore, #tpu.memory_space<semaphore_mem>>)
    %scan3A_50 = arith.constant 0 : i32
    %scan3A_51 = arith.constant 0 : i32
    %scan3A_52 = arith.constant 62 : i32
    %scan3A_53 = arith.addi %scan3A_51, %scan3A_52 : i32
    %scan3A_54 = arith.constant 1 : i32
    scf.for %scan3A_159 = %scan3A_51 to %scan3A_53 step %scan3A_54  : i32 {
      %mul3A_160 = arith.constant 2 : i32
      %mul3A_161 = arith.muli %mul3A_160, %scan3A_159 : i32
      %add3A_162 = arith.constant 1 : i32
      %add3A_163 = arith.addi %mul3A_161, %add3A_162 : i32
      %mul3A_164 = arith.constant 10000 : i32
      %mul3A_165 = arith.muli %arg1, %mul3A_164 : i32
      %mul3A_166 = arith.constant 80 : i32
      %mul3A_167 = arith.muli %add3A_163, %mul3A_166 : i32
      %add3A_168 = arith.addi %mul3A_165, %mul3A_167 : i32
      %dma_start3A_169 = tpu.memref_slice %arg3[%add3A_168] : memref<160000xi32, #tpu.memory_space<hbm>> -> memref<80xi32, #tpu.memory_space<hbm>>
      %dma_start3A_170 = tpu.memref_slice %arg3[%add3A_168] : memref<160000xi32, #tpu.memory_space<hbm>> -> memref<80xi32, #tpu.memory_space<hbm>>
      tpu.enqueue_dma source(%dma_start3A_170 : memref<80xi32, #tpu.memory_space<hbm>>) target(%arg7 : memref<80xi32, #tpu.memory_space<vmem>>) target_semaphore(%arg12 : memref<!tpu.dma_semaphore, #tpu.memory_space<semaphore_mem>>)
      %dma_start3A_171 = tpu.memref_slice %arg2[%add3A_168, %mul3A_38] : memref<160000x1024xf32, #tpu.memory_space<hbm>> -> memref<80x128xf32, #tpu.memory_space<hbm>>
      %dma_start3A_172 = tpu.memref_slice %arg2[%add3A_168, %mul3A_38] : memref<160000x1024xf32, #tpu.memory_space<hbm>> -> memref<80x128xf32, #tpu.memory_space<hbm>>
      tpu.enqueue_dma source(%dma_start3A_172 : memref<80x128xf32, #tpu.memory_space<hbm>>) target(%arg9 : memref<80x128xf32, #tpu.memory_space<vmem>>) target_semaphore(%arg12 : memref<!tpu.dma_semaphore, #tpu.memory_space<semaphore_mem>>)
      %mul3A_173 = arith.constant 10000 : i32
      %mul3A_174 = arith.muli %arg1, %mul3A_173 : i32
      %mul3A_175 = arith.constant 80 : i32
      %mul3A_176 = arith.muli %mul3A_161, %mul3A_175 : i32
      %add3A_177 = arith.addi %mul3A_174, %mul3A_176 : i32
      %dma_wait3A_178 = tpu.memref_slice %arg3[%add3A_177] : memref<160000xi32, #tpu.memory_space<hbm>> -> memref<80xi32, #tpu.memory_space<hbm>>
      %dma_wait3A_179 = tpu.memref_slice %arg3[%add3A_177] : memref<160000xi32, #tpu.memory_space<hbm>> -> memref<80xi32, #tpu.memory_space<hbm>>
      tpu.wait_dma2 semaphore(%arg11 : memref<!tpu.dma_semaphore, #tpu.memory_space<semaphore_mem>>) src(%dma_wait3A_179 : memref<80xi32, #tpu.memory_space<hbm>>) dst(%arg6 : memref<80xi32, #tpu.memory_space<vmem>>)
      %dma_wait3A_180 = tpu.memref_slice %arg2[%add3A_177, %mul3A_38] : memref<160000x1024xf32, #tpu.memory_space<hbm>> -> memref<80x128xf32, #tpu.memory_space<hbm>>
      %dma_wait3A_181 = tpu.memref_slice %arg2[%add3A_177, %mul3A_38] : memref<160000x1024xf32, #tpu.memory_space<hbm>> -> memref<80x128xf32, #tpu.memory_space<hbm>>
      tpu.wait_dma2 semaphore(%arg11 : memref<!tpu.dma_semaphore, #tpu.memory_space<semaphore_mem>>) src(%dma_wait3A_181 : memref<80x128xf32, #tpu.memory_space<hbm>>) dst(%arg8 : memref<80x128xf32, #tpu.memory_space<vmem>>)
      "tpu.region"() ({
        %run_scoped3A = tpu.sem_alloc : memref<!tpu.dma_semaphore, #tpu.memory_space<semaphore_mem>>
        %dma_start3A_199 = arith.constant 0 : i32
        %dma_start3A_200 = arith.constant 0 : i32
        %dma_start3A_201 = tpu.memref_slice %arg10[%dma_start3A_199, %dma_start3A_200] : memref<10240x128xf32, #tpu.memory_space<vmem_shared>> -> memref<10240x128xf32, #tpu.memory_space<vmem_shared>>
        tpu.enqueue_indirect_dma source(%arg8 : memref<80x128xf32, #tpu.memory_space<vmem>>) target(%dma_start3A_201 : memref<10240x128xf32, #tpu.memory_space<vmem_shared>>) offsets(%arg6 : memref<80xi32, #tpu.memory_space<vmem>>) semaphore(%run_scoped3A : memref<!tpu.dma_semaphore, #tpu.memory_space<semaphore_mem>>) {add = true}
        %dma_wait3A_202 = arith.constant 0 : i32
        %dma_wait3A_203 = arith.constant 0 : i32
        %dma_wait3A_204 = tpu.memref_slice %arg10[%dma_wait3A_202, %dma_wait3A_203] : memref<10240x128xf32, #tpu.memory_space<vmem_shared>> -> memref<10240x128xf32, #tpu.memory_space<vmem_shared>>
        tpu.wait_indirect_dma semaphore(%run_scoped3A : memref<!tpu.dma_semaphore, #tpu.memory_space<semaphore_mem>>) src(%arg8 : memref<80x128xf32, #tpu.memory_space<vmem>>) dst(%dma_wait3A_204 : memref<10240x128xf32, #tpu.memory_space<vmem_shared>>)
        tpu.yield
      }) : () -> ()
      %add3A_182 = arith.constant 2 : i32
      %add3A_183 = arith.addi %mul3A_161, %add3A_182 : i32
      %lt3A = arith.constant 125 : i32
      %lt3A_184 = arith.cmpi slt, %add3A_183, %lt3A : i32
      %convert_element_type3A_185 = arith.extui %lt3A_184 : i1 to i32
      %cond3A_186 = arith.constant 0 : i32
      %cond3A_187 = arith.cmpi ne, %convert_element_type3A_185, %cond3A_186 : i32
      scf.if %cond3A_187 {
        %add3A_199 = arith.constant 2 : i32
        %add3A_200 = arith.addi %mul3A_161, %add3A_199 : i32
        %mul3A_201 = arith.constant 10000 : i32
        %mul3A_202 = arith.muli %arg1, %mul3A_201 : i32
        %mul3A_203 = arith.constant 80 : i32
        %mul3A_204 = arith.muli %add3A_200, %mul3A_203 : i32
        %add3A_205 = arith.addi %mul3A_202, %mul3A_204 : i32
        %dma_start3A_206 = tpu.memref_slice %arg3[%add3A_205] : memref<160000xi32, #tpu.memory_space<hbm>> -> memref<80xi32, #tpu.memory_space<hbm>>
        %dma_start3A_207 = tpu.memref_slice %arg3[%add3A_205] : memref<160000xi32, #tpu.memory_space<hbm>> -> memref<80xi32, #tpu.memory_space<hbm>>
        tpu.enqueue_dma source(%dma_start3A_207 : memref<80xi32, #tpu.memory_space<hbm>>) target(%arg6 : memref<80xi32, #tpu.memory_space<vmem>>) target_semaphore(%arg11 : memref<!tpu.dma_semaphore, #tpu.memory_space<semaphore_mem>>)
        %dma_start3A_208 = tpu.memref_slice %arg2[%add3A_205, %mul3A_38] : memref<160000x1024xf32, #tpu.memory_space<hbm>> -> memref<80x128xf32, #tpu.memory_space<hbm>>
        %dma_start3A_209 = tpu.memref_slice %arg2[%add3A_205, %mul3A_38] : memref<160000x1024xf32, #tpu.memory_space<hbm>> -> memref<80x128xf32, #tpu.memory_space<hbm>>
        tpu.enqueue_dma source(%dma_start3A_209 : memref<80x128xf32, #tpu.memory_space<hbm>>) target(%arg8 : memref<80x128xf32, #tpu.memory_space<vmem>>) target_semaphore(%arg11 : memref<!tpu.dma_semaphore, #tpu.memory_space<semaphore_mem>>)
      } else {
      }
      %add3A_188 = arith.constant 1 : i32
      %add3A_189 = arith.addi %mul3A_161, %add3A_188 : i32
      %mul3A_190 = arith.constant 10000 : i32
      %mul3A_191 = arith.muli %arg1, %mul3A_190 : i32
      %mul3A_192 = arith.constant 80 : i32
      %mul3A_193 = arith.muli %add3A_189, %mul3A_192 : i32
      %add3A_194 = arith.addi %mul3A_191, %mul3A_193 : i32
      %dma_wait3A_195 = tpu.memref_slice %arg3[%add3A_194] : memref<160000xi32, #tpu.memory_space<hbm>> -> memref<80xi32, #tpu.memory_space<hbm>>
      %dma_wait3A_196 = tpu.memref_slice %arg3[%add3A_194] : memref<160000xi32, #tpu.memory_space<hbm>> -> memref<80xi32, #tpu.memory_space<hbm>>
      tpu.wait_dma2 semaphore(%arg12 : memref<!tpu.dma_semaphore, #tpu.memory_space<semaphore_mem>>) src(%dma_wait3A_196 : memref<80xi32, #tpu.memory_space<hbm>>) dst(%arg7 : memref<80xi32, #tpu.memory_space<vmem>>)
      %dma_wait3A_197 = tpu.memref_slice %arg2[%add3A_194, %mul3A_38] : memref<160000x1024xf32, #tpu.memory_space<hbm>> -> memref<80x128xf32, #tpu.memory_space<hbm>>
      %dma_wait3A_198 = tpu.memref_slice %arg2[%add3A_194, %mul3A_38] : memref<160000x1024xf32, #tpu.memory_space<hbm>> -> memref<80x128xf32, #tpu.memory_space<hbm>>
      tpu.wait_dma2 semaphore(%arg12 : memref<!tpu.dma_semaphore, #tpu.memory_space<semaphore_mem>>) src(%dma_wait3A_198 : memref<80x128xf32, #tpu.memory_space<hbm>>) dst(%arg9 : memref<80x128xf32, #tpu.memory_space<vmem>>)
      "tpu.region"() ({
        %run_scoped3A = tpu.sem_alloc : memref<!tpu.dma_semaphore, #tpu.memory_space<semaphore_mem>>
        %dma_start3A_199 = arith.constant 0 : i32
        %dma_start3A_200 = arith.constant 0 : i32
        %dma_start3A_201 = tpu.memref_slice %arg10[%dma_start3A_199, %dma_start3A_200] : memref<10240x128xf32, #tpu.memory_space<vmem_shared>> -> memref<10240x128xf32, #tpu.memory_space<vmem_shared>>
        tpu.enqueue_indirect_dma source(%arg9 : memref<80x128xf32, #tpu.memory_space<vmem>>) target(%dma_start3A_201 : memref<10240x128xf32, #tpu.memory_space<vmem_shared>>) offsets(%arg7 : memref<80xi32, #tpu.memory_space<vmem>>) semaphore(%run_scoped3A : memref<!tpu.dma_semaphore, #tpu.memory_space<semaphore_mem>>) {add = true}
        %dma_wait3A_202 = arith.constant 0 : i32
        %dma_wait3A_203 = arith.constant 0 : i32
        %dma_wait3A_204 = tpu.memref_slice %arg10[%dma_wait3A_202, %dma_wait3A_203] : memref<10240x128xf32, #tpu.memory_space<vmem_shared>> -> memref<10240x128xf32, #tpu.memory_space<vmem_shared>>
        tpu.wait_indirect_dma semaphore(%run_scoped3A : memref<!tpu.dma_semaphore, #tpu.memory_space<semaphore_mem>>) src(%arg9 : memref<80x128xf32, #tpu.memory_space<vmem>>) dst(%dma_wait3A_204 : memref<10240x128xf32, #tpu.memory_space<vmem_shared>>)
        tpu.yield
      }) : () -> ()
    }
    %scan3A_55 = arith.constant 62 : i32
    %mul3A_56 = arith.constant 10000 : i32
    %mul3A_57 = arith.muli %arg1, %mul3A_56 : i32
    %add3A_58 = arith.constant 9920 : i32
    %add3A_59 = arith.addi %mul3A_57, %add3A_58 : i32
    %dma_wait3A_60 = tpu.memref_slice %arg3[%add3A_59] : memref<160000xi32, #tpu.memory_space<hbm>> -> memref<80xi32, #tpu.memory_space<hbm>>
    %dma_wait3A_61 = tpu.memref_slice %arg3[%add3A_59] : memref<160000xi32, #tpu.memory_space<hbm>> -> memref<80xi32, #tpu.memory_space<hbm>>
    tpu.wait_dma2 semaphore(%arg11 : memref<!tpu.dma_semaphore, #tpu.memory_space<semaphore_mem>>) src(%dma_wait3A_61 : memref<80xi32, #tpu.memory_space<hbm>>) dst(%arg6 : memref<80xi32, #tpu.memory_space<vmem>>)
    %dma_wait3A_62 = tpu.memref_slice %arg2[%add3A_59, %mul3A_38] : memref<160000x1024xf32, #tpu.memory_space<hbm>> -> memref<80x128xf32, #tpu.memory_space<hbm>>
    %dma_wait3A_63 = tpu.memref_slice %arg2[%add3A_59, %mul3A_38] : memref<160000x1024xf32, #tpu.memory_space<hbm>> -> memref<80x128xf32, #tpu.memory_space<hbm>>
    tpu.wait_dma2 semaphore(%arg11 : memref<!tpu.dma_semaphore, #tpu.memory_space<semaphore_mem>>) src(%dma_wait3A_63 : memref<80x128xf32, #tpu.memory_space<hbm>>) dst(%arg8 : memref<80x128xf32, #tpu.memory_space<vmem>>)
    "tpu.region"() ({
      %run_scoped3A = tpu.sem_alloc : memref<!tpu.dma_semaphore, #tpu.memory_space<semaphore_mem>>
      %dma_start3A_159 = arith.constant 0 : i32
      %dma_start3A_160 = arith.constant 0 : i32
      %dma_start3A_161 = tpu.memref_slice %arg10[%dma_start3A_159, %dma_start3A_160] : memref<10240x128xf32, #tpu.memory_space<vmem_shared>> -> memref<10240x128xf32, #tpu.memory_space<vmem_shared>>
      tpu.enqueue_indirect_dma source(%arg8 : memref<80x128xf32, #tpu.memory_space<vmem>>) target(%dma_start3A_161 : memref<10240x128xf32, #tpu.memory_space<vmem_shared>>) offsets(%arg6 : memref<80xi32, #tpu.memory_space<vmem>>) semaphore(%run_scoped3A : memref<!tpu.dma_semaphore, #tpu.memory_space<semaphore_mem>>) {add = true}
      %dma_wait3A_162 = arith.constant 0 : i32
      %dma_wait3A_163 = arith.constant 0 : i32
      %dma_wait3A_164 = tpu.memref_slice %arg10[%dma_wait3A_162, %dma_wait3A_163] : memref<10240x128xf32, #tpu.memory_space<vmem_shared>> -> memref<10240x128xf32, #tpu.memory_space<vmem_shared>>
      tpu.wait_indirect_dma semaphore(%run_scoped3A : memref<!tpu.dma_semaphore, #tpu.memory_space<semaphore_mem>>) src(%arg8 : memref<80x128xf32, #tpu.memory_space<vmem>>) dst(%dma_wait3A_164 : memref<10240x128xf32, #tpu.memory_space<vmem_shared>>)
      tpu.yield
    }) : () -> ()
    %barrier3A_64 = arith.constant 0 : index
    tpu.barrier barrier_id(%barrier3A_64)
    %mul3A_65 = arith.constant 624 : i32
    %mul3A_66 = arith.muli %arg1, %mul3A_65 : i32
    %mul3A_67 = arith.constant 624 : i32
    %mul3A_68 = arith.muli %arg1, %mul3A_67 : i32
    "tpu.region"() ({
      %run_scoped3A = tpu.sem_alloc : memref<!tpu.dma_semaphore, #tpu.memory_space<semaphore_mem>>
      %dma_start3A_159 = tpu.memref_slice %arg5[%mul3A_68, %mul3A_38] : memref<10000x1024xf32, #tpu.memory_space<hbm>> -> memref<624x128xf32, #tpu.memory_space<hbm>>
      %dma_start3A_160 = arith.constant 0 : i32
      %dma_start3A_161 = tpu.memref_slice %arg10[%mul3A_66, %dma_start3A_160] : memref<10240x128xf32, #tpu.memory_space<vmem_shared>> -> memref<624x128xf32, #tpu.memory_space<vmem_shared>>
      tpu.enqueue_dma source(%dma_start3A_161 : memref<624x128xf32, #tpu.memory_space<vmem_shared>>) target(%dma_start3A_159 : memref<624x128xf32, #tpu.memory_space<hbm>>) target_semaphore(%run_scoped3A : memref<!tpu.dma_semaphore, #tpu.memory_space<semaphore_mem>>)
      %dma_wait3A_162 = tpu.memref_slice %arg5[%mul3A_68, %mul3A_38] : memref<10000x1024xf32, #tpu.memory_space<hbm>> -> memref<624x128xf32, #tpu.memory_space<hbm>>
      %dma_wait3A_163 = arith.constant 0 : i32
      %dma_wait3A_164 = tpu.memref_slice %arg10[%mul3A_66, %dma_wait3A_163] : memref<10240x128xf32, #tpu.memory_space<vmem_shared>> -> memref<624x128xf32, #tpu.memory_space<vmem_shared>>
      tpu.wait_dma2 semaphore(%run_scoped3A : memref<!tpu.dma_semaphore, #tpu.memory_space<semaphore_mem>>) src(%dma_wait3A_164 : memref<624x128xf32, #tpu.memory_space<vmem_shared>>) dst(%dma_wait3A_162 : memref<624x128xf32, #tpu.memory_space<hbm>>)
      tpu.yield
    }) : () -> ()
    %eq3A_69 = arith.constant 15 : i32
    %eq3A_70 = arith.cmpi eq, %arg1, %eq3A_69 : i32
    %convert_element_type3A_71 = arith.extui %eq3A_70 : i1 to i32
    %cond3A_72 = arith.constant 0 : i32
    %cond3A_73 = arith.cmpi ne, %convert_element_type3A_71, %cond3A_72 : i32
    scf.if %cond3A_73 {
      "tpu.region"() ({
        %run_scoped3A = tpu.sem_alloc : memref<!tpu.dma_semaphore, #tpu.memory_space<semaphore_mem>>
        %dma_start3A_159 = arith.constant 9984 : i32
        %dma_start3A_160 = tpu.memref_slice %arg5[%dma_start3A_159, %mul3A_38] : memref<10000x1024xf32, #tpu.memory_space<hbm>> -> memref<16x128xf32, #tpu.memory_space<hbm>>
        %dma_start3A_161 = arith.constant 9984 : i32
        %dma_start3A_162 = arith.constant 0 : i32
        %dma_start3A_163 = tpu.memref_slice %arg10[%dma_start3A_161, %dma_start3A_162] : memref<10240x128xf32, #tpu.memory_space<vmem_shared>> -> memref<16x128xf32, #tpu.memory_space<vmem_shared>>
        tpu.enqueue_dma source(%dma_start3A_163 : memref<16x128xf32, #tpu.memory_space<vmem_shared>>) target(%dma_start3A_160 : memref<16x128xf32, #tpu.memory_space<hbm>>) target_semaphore(%run_scoped3A : memref<!tpu.dma_semaphore, #tpu.memory_space<semaphore_mem>>)
        %dma_wait3A_164 = arith.constant 9984 : i32
        %dma_wait3A_165 = tpu.memref_slice %arg5[%dma_wait3A_164, %mul3A_38] : memref<10000x1024xf32, #tpu.memory_space<hbm>> -> memref<16x128xf32, #tpu.memory_space<hbm>>
        %dma_wait3A_166 = arith.constant 9984 : i32
        %dma_wait3A_167 = arith.constant 0 : i32
        %dma_wait3A_168 = tpu.memref_slice %arg10[%dma_wait3A_166, %dma_wait3A_167] : memref<10240x128xf32, #tpu.memory_space<vmem_shared>> -> memref<16x128xf32, #tpu.memory_space<vmem_shared>>
        tpu.wait_dma2 semaphore(%run_scoped3A : memref<!tpu.dma_semaphore, #tpu.memory_space<semaphore_mem>>) src(%dma_wait3A_168 : memref<16x128xf32, #tpu.memory_space<vmem_shared>>) dst(%dma_wait3A_165 : memref<16x128xf32, #tpu.memory_space<hbm>>)
        tpu.yield
      }) : () -> ()
    } else {
    }
    %barrier3A_74 = arith.constant 0 : index
    tpu.barrier barrier_id(%barrier3A_74)
    %mul3A_75 = arith.constant 4 : i32
    %mul3A_76 = arith.muli %arg0, %mul3A_75 : i32
    %add3A_77 = arith.constant 2 : i32
    %add3A_78 = arith.addi %mul3A_76, %add3A_77 : i32
    %mul3A_79 = arith.constant 128 : i32
    %mul3A_80 = arith.muli %add3A_78, %mul3A_79 : i32
    %mul3A_81 = arith.constant 640 : i32
    %mul3A_82 = arith.muli %arg1, %mul3A_81 : i32
    "tpu.region"() ({
      %run_scoped3A = tpu.sem_alloc : memref<!tpu.dma_semaphore, #tpu.memory_space<semaphore_mem>>
      %dma_start3A_159 = arith.constant 0 : i32
      %dma_start3A_160 = tpu.memref_slice %arg10[%mul3A_82, %dma_start3A_159] : memref<10240x128xf32, #tpu.memory_space<vmem_shared>> -> memref<640x128xf32, #tpu.memory_space<vmem_shared>>
      tpu.enqueue_dma source(%arg4 : memref<640x128xf32, #tpu.memory_space<hbm>>) target(%dma_start3A_160 : memref<640x128xf32, #tpu.memory_space<vmem_shared>>) target_semaphore(%run_scoped3A : memref<!tpu.dma_semaphore, #tpu.memory_space<semaphore_mem>>)
      %dma_wait3A_161 = arith.constant 0 : i32
      %dma_wait3A_162 = tpu.memref_slice %arg10[%mul3A_82, %dma_wait3A_161] : memref<10240x128xf32, #tpu.memory_space<vmem_shared>> -> memref<640x128xf32, #tpu.memory_space<vmem_shared>>
      tpu.wait_dma2 semaphore(%run_scoped3A : memref<!tpu.dma_semaphore, #tpu.memory_space<semaphore_mem>>) src(%arg4 : memref<640x128xf32, #tpu.memory_space<hbm>>) dst(%dma_wait3A_162 : memref<640x128xf32, #tpu.memory_space<vmem_shared>>)
      tpu.yield
    }) : () -> ()
    %barrier3A_83 = arith.constant 0 : index
    tpu.barrier barrier_id(%barrier3A_83)
    %mul3A_84 = arith.constant 10000 : i32
    %mul3A_85 = arith.muli %arg1, %mul3A_84 : i32
    %add3A_86 = arith.constant 0 : i32
    %add3A_87 = arith.addi %mul3A_85, %add3A_86 : i32
    %dma_start3A_88 = tpu.memref_slice %arg3[%add3A_87] : memref<160000xi32, #tpu.memory_space<hbm>> -> memref<80xi32, #tpu.memory_space<hbm>>
    %dma_start3A_89 = tpu.memref_slice %arg3[%add3A_87] : memref<160000xi32, #tpu.memory_space<hbm>> -> memref<80xi32, #tpu.memory_space<hbm>>
    tpu.enqueue_dma source(%dma_start3A_89 : memref<80xi32, #tpu.memory_space<hbm>>) target(%arg6 : memref<80xi32, #tpu.memory_space<vmem>>) target_semaphore(%arg11 : memref<!tpu.dma_semaphore, #tpu.memory_space<semaphore_mem>>)
    %dma_start3A_90 = tpu.memref_slice %arg2[%add3A_87, %mul3A_80] : memref<160000x1024xf32, #tpu.memory_space<hbm>> -> memref<80x128xf32, #tpu.memory_space<hbm>>
    %dma_start3A_91 = tpu.memref_slice %arg2[%add3A_87, %mul3A_80] : memref<160000x1024xf32, #tpu.memory_space<hbm>> -> memref<80x128xf32, #tpu.memory_space<hbm>>
    tpu.enqueue_dma source(%dma_start3A_91 : memref<80x128xf32, #tpu.memory_space<hbm>>) target(%arg8 : memref<80x128xf32, #tpu.memory_space<vmem>>) target_semaphore(%arg11 : memref<!tpu.dma_semaphore, #tpu.memory_space<semaphore_mem>>)
    %scan3A_92 = arith.constant 0 : i32
    %scan3A_93 = arith.constant 0 : i32
    %scan3A_94 = arith.constant 62 : i32
    %scan3A_95 = arith.addi %scan3A_93, %scan3A_94 : i32
    %scan3A_96 = arith.constant 1 : i32
    scf.for %scan3A_159 = %scan3A_93 to %scan3A_95 step %scan3A_96  : i32 {
      %mul3A_160 = arith.constant 2 : i32
      %mul3A_161 = arith.muli %mul3A_160, %scan3A_159 : i32
      %add3A_162 = arith.constant 1 : i32
      %add3A_163 = arith.addi %mul3A_161, %add3A_162 : i32
      %mul3A_164 = arith.constant 10000 : i32
      %mul3A_165 = arith.muli %arg1, %mul3A_164 : i32
      %mul3A_166 = arith.constant 80 : i32
      %mul3A_167 = arith.muli %add3A_163, %mul3A_166 : i32
      %add3A_168 = arith.addi %mul3A_165, %mul3A_167 : i32
      %dma_start3A_169 = tpu.memref_slice %arg3[%add3A_168] : memref<160000xi32, #tpu.memory_space<hbm>> -> memref<80xi32, #tpu.memory_space<hbm>>
      %dma_start3A_170 = tpu.memref_slice %arg3[%add3A_168] : memref<160000xi32, #tpu.memory_space<hbm>> -> memref<80xi32, #tpu.memory_space<hbm>>
      tpu.enqueue_dma source(%dma_start3A_170 : memref<80xi32, #tpu.memory_space<hbm>>) target(%arg7 : memref<80xi32, #tpu.memory_space<vmem>>) target_semaphore(%arg12 : memref<!tpu.dma_semaphore, #tpu.memory_space<semaphore_mem>>)
      %dma_start3A_171 = tpu.memref_slice %arg2[%add3A_168, %mul3A_80] : memref<160000x1024xf32, #tpu.memory_space<hbm>> -> memref<80x128xf32, #tpu.memory_space<hbm>>
      %dma_start3A_172 = tpu.memref_slice %arg2[%add3A_168, %mul3A_80] : memref<160000x1024xf32, #tpu.memory_space<hbm>> -> memref<80x128xf32, #tpu.memory_space<hbm>>
      tpu.enqueue_dma source(%dma_start3A_172 : memref<80x128xf32, #tpu.memory_space<hbm>>) target(%arg9 : memref<80x128xf32, #tpu.memory_space<vmem>>) target_semaphore(%arg12 : memref<!tpu.dma_semaphore, #tpu.memory_space<semaphore_mem>>)
      %mul3A_173 = arith.constant 10000 : i32
      %mul3A_174 = arith.muli %arg1, %mul3A_173 : i32
      %mul3A_175 = arith.constant 80 : i32
      %mul3A_176 = arith.muli %mul3A_161, %mul3A_175 : i32
      %add3A_177 = arith.addi %mul3A_174, %mul3A_176 : i32
      %dma_wait3A_178 = tpu.memref_slice %arg3[%add3A_177] : memref<160000xi32, #tpu.memory_space<hbm>> -> memref<80xi32, #tpu.memory_space<hbm>>
      %dma_wait3A_179 = tpu.memref_slice %arg3[%add3A_177] : memref<160000xi32, #tpu.memory_space<hbm>> -> memref<80xi32, #tpu.memory_space<hbm>>
      tpu.wait_dma2 semaphore(%arg11 : memref<!tpu.dma_semaphore, #tpu.memory_space<semaphore_mem>>) src(%dma_wait3A_179 : memref<80xi32, #tpu.memory_space<hbm>>) dst(%arg6 : memref<80xi32, #tpu.memory_space<vmem>>)
      %dma_wait3A_180 = tpu.memref_slice %arg2[%add3A_177, %mul3A_80] : memref<160000x1024xf32, #tpu.memory_space<hbm>> -> memref<80x128xf32, #tpu.memory_space<hbm>>
      %dma_wait3A_181 = tpu.memref_slice %arg2[%add3A_177, %mul3A_80] : memref<160000x1024xf32, #tpu.memory_space<hbm>> -> memref<80x128xf32, #tpu.memory_space<hbm>>
      tpu.wait_dma2 semaphore(%arg11 : memref<!tpu.dma_semaphore, #tpu.memory_space<semaphore_mem>>) src(%dma_wait3A_181 : memref<80x128xf32, #tpu.memory_space<hbm>>) dst(%arg8 : memref<80x128xf32, #tpu.memory_space<vmem>>)
      "tpu.region"() ({
        %run_scoped3A = tpu.sem_alloc : memref<!tpu.dma_semaphore, #tpu.memory_space<semaphore_mem>>
        %dma_start3A_199 = arith.constant 0 : i32
        %dma_start3A_200 = arith.constant 0 : i32
        %dma_start3A_201 = tpu.memref_slice %arg10[%dma_start3A_199, %dma_start3A_200] : memref<10240x128xf32, #tpu.memory_space<vmem_shared>> -> memref<10240x128xf32, #tpu.memory_space<vmem_shared>>
        tpu.enqueue_indirect_dma source(%arg8 : memref<80x128xf32, #tpu.memory_space<vmem>>) target(%dma_start3A_201 : memref<10240x128xf32, #tpu.memory_space<vmem_shared>>) offsets(%arg6 : memref<80xi32, #tpu.memory_space<vmem>>) semaphore(%run_scoped3A : memref<!tpu.dma_semaphore, #tpu.memory_space<semaphore_mem>>) {add = true}
        %dma_wait3A_202 = arith.constant 0 : i32
        %dma_wait3A_203 = arith.constant 0 : i32
        %dma_wait3A_204 = tpu.memref_slice %arg10[%dma_wait3A_202, %dma_wait3A_203] : memref<10240x128xf32, #tpu.memory_space<vmem_shared>> -> memref<10240x128xf32, #tpu.memory_space<vmem_shared>>
        tpu.wait_indirect_dma semaphore(%run_scoped3A : memref<!tpu.dma_semaphore, #tpu.memory_space<semaphore_mem>>) src(%arg8 : memref<80x128xf32, #tpu.memory_space<vmem>>) dst(%dma_wait3A_204 : memref<10240x128xf32, #tpu.memory_space<vmem_shared>>)
        tpu.yield
      }) : () -> ()
      %add3A_182 = arith.constant 2 : i32
      %add3A_183 = arith.addi %mul3A_161, %add3A_182 : i32
      %lt3A = arith.constant 125 : i32
      %lt3A_184 = arith.cmpi slt, %add3A_183, %lt3A : i32
      %convert_element_type3A_185 = arith.extui %lt3A_184 : i1 to i32
      %cond3A_186 = arith.constant 0 : i32
      %cond3A_187 = arith.cmpi ne, %convert_element_type3A_185, %cond3A_186 : i32
      scf.if %cond3A_187 {
        %add3A_199 = arith.constant 2 : i32
        %add3A_200 = arith.addi %mul3A_161, %add3A_199 : i32
        %mul3A_201 = arith.constant 10000 : i32
        %mul3A_202 = arith.muli %arg1, %mul3A_201 : i32
        %mul3A_203 = arith.constant 80 : i32
        %mul3A_204 = arith.muli %add3A_200, %mul3A_203 : i32
        %add3A_205 = arith.addi %mul3A_202, %mul3A_204 : i32
        %dma_start3A_206 = tpu.memref_slice %arg3[%add3A_205] : memref<160000xi32, #tpu.memory_space<hbm>> -> memref<80xi32, #tpu.memory_space<hbm>>
        %dma_start3A_207 = tpu.memref_slice %arg3[%add3A_205] : memref<160000xi32, #tpu.memory_space<hbm>> -> memref<80xi32, #tpu.memory_space<hbm>>
        tpu.enqueue_dma source(%dma_start3A_207 : memref<80xi32, #tpu.memory_space<hbm>>) target(%arg6 : memref<80xi32, #tpu.memory_space<vmem>>) target_semaphore(%arg11 : memref<!tpu.dma_semaphore, #tpu.memory_space<semaphore_mem>>)
        %dma_start3A_208 = tpu.memref_slice %arg2[%add3A_205, %mul3A_80] : memref<160000x1024xf32, #tpu.memory_space<hbm>> -> memref<80x128xf32, #tpu.memory_space<hbm>>
        %dma_start3A_209 = tpu.memref_slice %arg2[%add3A_205, %mul3A_80] : memref<160000x1024xf32, #tpu.memory_space<hbm>> -> memref<80x128xf32, #tpu.memory_space<hbm>>
        tpu.enqueue_dma source(%dma_start3A_209 : memref<80x128xf32, #tpu.memory_space<hbm>>) target(%arg8 : memref<80x128xf32, #tpu.memory_space<vmem>>) target_semaphore(%arg11 : memref<!tpu.dma_semaphore, #tpu.memory_space<semaphore_mem>>)
      } else {
      }
      %add3A_188 = arith.constant 1 : i32
      %add3A_189 = arith.addi %mul3A_161, %add3A_188 : i32
      %mul3A_190 = arith.constant 10000 : i32
      %mul3A_191 = arith.muli %arg1, %mul3A_190 : i32
      %mul3A_192 = arith.constant 80 : i32
      %mul3A_193 = arith.muli %add3A_189, %mul3A_192 : i32
      %add3A_194 = arith.addi %mul3A_191, %mul3A_193 : i32
      %dma_wait3A_195 = tpu.memref_slice %arg3[%add3A_194] : memref<160000xi32, #tpu.memory_space<hbm>> -> memref<80xi32, #tpu.memory_space<hbm>>
      %dma_wait3A_196 = tpu.memref_slice %arg3[%add3A_194] : memref<160000xi32, #tpu.memory_space<hbm>> -> memref<80xi32, #tpu.memory_space<hbm>>
      tpu.wait_dma2 semaphore(%arg12 : memref<!tpu.dma_semaphore, #tpu.memory_space<semaphore_mem>>) src(%dma_wait3A_196 : memref<80xi32, #tpu.memory_space<hbm>>) dst(%arg7 : memref<80xi32, #tpu.memory_space<vmem>>)
      %dma_wait3A_197 = tpu.memref_slice %arg2[%add3A_194, %mul3A_80] : memref<160000x1024xf32, #tpu.memory_space<hbm>> -> memref<80x128xf32, #tpu.memory_space<hbm>>
      %dma_wait3A_198 = tpu.memref_slice %arg2[%add3A_194, %mul3A_80] : memref<160000x1024xf32, #tpu.memory_space<hbm>> -> memref<80x128xf32, #tpu.memory_space<hbm>>
      tpu.wait_dma2 semaphore(%arg12 : memref<!tpu.dma_semaphore, #tpu.memory_space<semaphore_mem>>) src(%dma_wait3A_198 : memref<80x128xf32, #tpu.memory_space<hbm>>) dst(%arg9 : memref<80x128xf32, #tpu.memory_space<vmem>>)
      "tpu.region"() ({
        %run_scoped3A = tpu.sem_alloc : memref<!tpu.dma_semaphore, #tpu.memory_space<semaphore_mem>>
        %dma_start3A_199 = arith.constant 0 : i32
        %dma_start3A_200 = arith.constant 0 : i32
        %dma_start3A_201 = tpu.memref_slice %arg10[%dma_start3A_199, %dma_start3A_200] : memref<10240x128xf32, #tpu.memory_space<vmem_shared>> -> memref<10240x128xf32, #tpu.memory_space<vmem_shared>>
        tpu.enqueue_indirect_dma source(%arg9 : memref<80x128xf32, #tpu.memory_space<vmem>>) target(%dma_start3A_201 : memref<10240x128xf32, #tpu.memory_space<vmem_shared>>) offsets(%arg7 : memref<80xi32, #tpu.memory_space<vmem>>) semaphore(%run_scoped3A : memref<!tpu.dma_semaphore, #tpu.memory_space<semaphore_mem>>) {add = true}
        %dma_wait3A_202 = arith.constant 0 : i32
        %dma_wait3A_203 = arith.constant 0 : i32
        %dma_wait3A_204 = tpu.memref_slice %arg10[%dma_wait3A_202, %dma_wait3A_203] : memref<10240x128xf32, #tpu.memory_space<vmem_shared>> -> memref<10240x128xf32, #tpu.memory_space<vmem_shared>>
        tpu.wait_indirect_dma semaphore(%run_scoped3A : memref<!tpu.dma_semaphore, #tpu.memory_space<semaphore_mem>>) src(%arg9 : memref<80x128xf32, #tpu.memory_space<vmem>>) dst(%dma_wait3A_204 : memref<10240x128xf32, #tpu.memory_space<vmem_shared>>)
        tpu.yield
      }) : () -> ()
    }
    %scan3A_97 = arith.constant 62 : i32
    %mul3A_98 = arith.constant 10000 : i32
    %mul3A_99 = arith.muli %arg1, %mul3A_98 : i32
    %add3A_100 = arith.constant 9920 : i32
    %add3A_101 = arith.addi %mul3A_99, %add3A_100 : i32
    %dma_wait3A_102 = tpu.memref_slice %arg3[%add3A_101] : memref<160000xi32, #tpu.memory_space<hbm>> -> memref<80xi32, #tpu.memory_space<hbm>>
    %dma_wait3A_103 = tpu.memref_slice %arg3[%add3A_101] : memref<160000xi32, #tpu.memory_space<hbm>> -> memref<80xi32, #tpu.memory_space<hbm>>
    tpu.wait_dma2 semaphore(%arg11 : memref<!tpu.dma_semaphore, #tpu.memory_space<semaphore_mem>>) src(%dma_wait3A_103 : memref<80xi32, #tpu.memory_space<hbm>>) dst(%arg6 : memref<80xi32, #tpu.memory_space<vmem>>)
    %dma_wait3A_104 = tpu.memref_slice %arg2[%add3A_101, %mul3A_80] : memref<160000x1024xf32, #tpu.memory_space<hbm>> -> memref<80x128xf32, #tpu.memory_space<hbm>>
    %dma_wait3A_105 = tpu.memref_slice %arg2[%add3A_101, %mul3A_80] : memref<160000x1024xf32, #tpu.memory_space<hbm>> -> memref<80x128xf32, #tpu.memory_space<hbm>>
    tpu.wait_dma2 semaphore(%arg11 : memref<!tpu.dma_semaphore, #tpu.memory_space<semaphore_mem>>) src(%dma_wait3A_105 : memref<80x128xf32, #tpu.memory_space<hbm>>) dst(%arg8 : memref<80x128xf32, #tpu.memory_space<vmem>>)
    "tpu.region"() ({
      %run_scoped3A = tpu.sem_alloc : memref<!tpu.dma_semaphore, #tpu.memory_space<semaphore_mem>>
      %dma_start3A_159 = arith.constant 0 : i32
      %dma_start3A_160 = arith.constant 0 : i32
      %dma_start3A_161 = tpu.memref_slice %arg10[%dma_start3A_159, %dma_start3A_160] : memref<10240x128xf32, #tpu.memory_space<vmem_shared>> -> memref<10240x128xf32, #tpu.memory_space<vmem_shared>>
      tpu.enqueue_indirect_dma source(%arg8 : memref<80x128xf32, #tpu.memory_space<vmem>>) target(%dma_start3A_161 : memref<10240x128xf32, #tpu.memory_space<vmem_shared>>) offsets(%arg6 : memref<80xi32, #tpu.memory_space<vmem>>) semaphore(%run_scoped3A : memref<!tpu.dma_semaphore, #tpu.memory_space<semaphore_mem>>) {add = true}
      %dma_wait3A_162 = arith.constant 0 : i32
      %dma_wait3A_163 = arith.constant 0 : i32
      %dma_wait3A_164 = tpu.memref_slice %arg10[%dma_wait3A_162, %dma_wait3A_163] : memref<10240x128xf32, #tpu.memory_space<vmem_shared>> -> memref<10240x128xf32, #tpu.memory_space<vmem_shared>>
      tpu.wait_indirect_dma semaphore(%run_scoped3A : memref<!tpu.dma_semaphore, #tpu.memory_space<semaphore_mem>>) src(%arg8 : memref<80x128xf32, #tpu.memory_space<vmem>>) dst(%dma_wait3A_164 : memref<10240x128xf32, #tpu.memory_space<vmem_shared>>)
      tpu.yield
    }) : () -> ()
    %barrier3A_106 = arith.constant 0 : index
    tpu.barrier barrier_id(%barrier3A_106)
    %mul3A_107 = arith.constant 624 : i32
    %mul3A_108 = arith.muli %arg1, %mul3A_107 : i32
    %mul3A_109 = arith.constant 624 : i32
    %mul3A_110 = arith.muli %arg1, %mul3A_109 : i32
    "tpu.region"() ({
      %run_scoped3A = tpu.sem_alloc : memref<!tpu.dma_semaphore, #tpu.memory_space<semaphore_mem>>
      %dma_start3A_159 = tpu.memref_slice %arg5[%mul3A_110, %mul3A_80] : memref<10000x1024xf32, #tpu.memory_space<hbm>> -> memref<624x128xf32, #tpu.memory_space<hbm>>
      %dma_start3A_160 = arith.constant 0 : i32
      %dma_start3A_161 = tpu.memref_slice %arg10[%mul3A_108, %dma_start3A_160] : memref<10240x128xf32, #tpu.memory_space<vmem_shared>> -> memref<624x128xf32, #tpu.memory_space<vmem_shared>>
      tpu.enqueue_dma source(%dma_start3A_161 : memref<624x128xf32, #tpu.memory_space<vmem_shared>>) target(%dma_start3A_159 : memref<624x128xf32, #tpu.memory_space<hbm>>) target_semaphore(%run_scoped3A : memref<!tpu.dma_semaphore, #tpu.memory_space<semaphore_mem>>)
      %dma_wait3A_162 = tpu.memref_slice %arg5[%mul3A_110, %mul3A_80] : memref<10000x1024xf32, #tpu.memory_space<hbm>> -> memref<624x128xf32, #tpu.memory_space<hbm>>
      %dma_wait3A_163 = arith.constant 0 : i32
      %dma_wait3A_164 = tpu.memref_slice %arg10[%mul3A_108, %dma_wait3A_163] : memref<10240x128xf32, #tpu.memory_space<vmem_shared>> -> memref<624x128xf32, #tpu.memory_space<vmem_shared>>
      tpu.wait_dma2 semaphore(%run_scoped3A : memref<!tpu.dma_semaphore, #tpu.memory_space<semaphore_mem>>) src(%dma_wait3A_164 : memref<624x128xf32, #tpu.memory_space<vmem_shared>>) dst(%dma_wait3A_162 : memref<624x128xf32, #tpu.memory_space<hbm>>)
      tpu.yield
    }) : () -> ()
    %eq3A_111 = arith.constant 15 : i32
    %eq3A_112 = arith.cmpi eq, %arg1, %eq3A_111 : i32
    %convert_element_type3A_113 = arith.extui %eq3A_112 : i1 to i32
    %cond3A_114 = arith.constant 0 : i32
    %cond3A_115 = arith.cmpi ne, %convert_element_type3A_113, %cond3A_114 : i32
    scf.if %cond3A_115 {
      "tpu.region"() ({
        %run_scoped3A = tpu.sem_alloc : memref<!tpu.dma_semaphore, #tpu.memory_space<semaphore_mem>>
        %dma_start3A_159 = arith.constant 9984 : i32
        %dma_start3A_160 = tpu.memref_slice %arg5[%dma_start3A_159, %mul3A_80] : memref<10000x1024xf32, #tpu.memory_space<hbm>> -> memref<16x128xf32, #tpu.memory_space<hbm>>
        %dma_start3A_161 = arith.constant 9984 : i32
        %dma_start3A_162 = arith.constant 0 : i32
        %dma_start3A_163 = tpu.memref_slice %arg10[%dma_start3A_161, %dma_start3A_162] : memref<10240x128xf32, #tpu.memory_space<vmem_shared>> -> memref<16x128xf32, #tpu.memory_space<vmem_shared>>
        tpu.enqueue_dma source(%dma_start3A_163 : memref<16x128xf32, #tpu.memory_space<vmem_shared>>) target(%dma_start3A_160 : memref<16x128xf32, #tpu.memory_space<hbm>>) target_semaphore(%run_scoped3A : memref<!tpu.dma_semaphore, #tpu.memory_space<semaphore_mem>>)
        %dma_wait3A_164 = arith.constant 9984 : i32
        %dma_wait3A_165 = tpu.memref_slice %arg5[%dma_wait3A_164, %mul3A_80] : memref<10000x1024xf32, #tpu.memory_space<hbm>> -> memref<16x128xf32, #tpu.memory_space<hbm>>
        %dma_wait3A_166 = arith.constant 9984 : i32
        %dma_wait3A_167 = arith.constant 0 : i32
        %dma_wait3A_168 = tpu.memref_slice %arg10[%dma_wait3A_166, %dma_wait3A_167] : memref<10240x128xf32, #tpu.memory_space<vmem_shared>> -> memref<16x128xf32, #tpu.memory_space<vmem_shared>>
        tpu.wait_dma2 semaphore(%run_scoped3A : memref<!tpu.dma_semaphore, #tpu.memory_space<semaphore_mem>>) src(%dma_wait3A_168 : memref<16x128xf32, #tpu.memory_space<vmem_shared>>) dst(%dma_wait3A_165 : memref<16x128xf32, #tpu.memory_space<hbm>>)
        tpu.yield
      }) : () -> ()
    } else {
    }
    %barrier3A_116 = arith.constant 0 : index
    tpu.barrier barrier_id(%barrier3A_116)
    %mul3A_117 = arith.constant 4 : i32
    %mul3A_118 = arith.muli %arg0, %mul3A_117 : i32
    %add3A_119 = arith.constant 3 : i32
    %add3A_120 = arith.addi %mul3A_118, %add3A_119 : i32
    %mul3A_121 = arith.constant 128 : i32
    %mul3A_122 = arith.muli %add3A_120, %mul3A_121 : i32
    %mul3A_123 = arith.constant 640 : i32
    %mul3A_124 = arith.muli %arg1, %mul3A_123 : i32
    "tpu.region"() ({
      %run_scoped3A = tpu.sem_alloc : memref<!tpu.dma_semaphore, #tpu.memory_space<semaphore_mem>>
      %dma_start3A_159 = arith.constant 0 : i32
      %dma_start3A_160 = tpu.memref_slice %arg10[%mul3A_124, %dma_start3A_159] : memref<10240x128xf32, #tpu.memory_space<vmem_shared>> -> memref<640x128xf32, #tpu.memory_space<vmem_shared>>
      tpu.enqueue_dma source(%arg4 : memref<640x128xf32, #tpu.memory_space<hbm>>) target(%dma_start3A_160 : memref<640x128xf32, #tpu.memory_space<vmem_shared>>) target_semaphore(%run_scoped3A : memref<!tpu.dma_semaphore, #tpu.memory_space<semaphore_mem>>)
      %dma_wait3A_161 = arith.constant 0 : i32
      %dma_wait3A_162 = tpu.memref_slice %arg10[%mul3A_124, %dma_wait3A_161] : memref<10240x128xf32, #tpu.memory_space<vmem_shared>> -> memref<640x128xf32, #tpu.memory_space<vmem_shared>>
      tpu.wait_dma2 semaphore(%run_scoped3A : memref<!tpu.dma_semaphore, #tpu.memory_space<semaphore_mem>>) src(%arg4 : memref<640x128xf32, #tpu.memory_space<hbm>>) dst(%dma_wait3A_162 : memref<640x128xf32, #tpu.memory_space<vmem_shared>>)
      tpu.yield
    }) : () -> ()
    %barrier3A_125 = arith.constant 0 : index
    tpu.barrier barrier_id(%barrier3A_125)
    %mul3A_126 = arith.constant 10000 : i32
    %mul3A_127 = arith.muli %arg1, %mul3A_126 : i32
    %add3A_128 = arith.constant 0 : i32
    %add3A_129 = arith.addi %mul3A_127, %add3A_128 : i32
    %dma_start3A_130 = tpu.memref_slice %arg3[%add3A_129] : memref<160000xi32, #tpu.memory_space<hbm>> -> memref<80xi32, #tpu.memory_space<hbm>>
    %dma_start3A_131 = tpu.memref_slice %arg3[%add3A_129] : memref<160000xi32, #tpu.memory_space<hbm>> -> memref<80xi32, #tpu.memory_space<hbm>>
    tpu.enqueue_dma source(%dma_start3A_131 : memref<80xi32, #tpu.memory_space<hbm>>) target(%arg6 : memref<80xi32, #tpu.memory_space<vmem>>) target_semaphore(%arg11 : memref<!tpu.dma_semaphore, #tpu.memory_space<semaphore_mem>>)
    %dma_start3A_132 = tpu.memref_slice %arg2[%add3A_129, %mul3A_122] : memref<160000x1024xf32, #tpu.memory_space<hbm>> -> memref<80x128xf32, #tpu.memory_space<hbm>>
    %dma_start3A_133 = tpu.memref_slice %arg2[%add3A_129, %mul3A_122] : memref<160000x1024xf32, #tpu.memory_space<hbm>> -> memref<80x128xf32, #tpu.memory_space<hbm>>
    tpu.enqueue_dma source(%dma_start3A_133 : memref<80x128xf32, #tpu.memory_space<hbm>>) target(%arg8 : memref<80x128xf32, #tpu.memory_space<vmem>>) target_semaphore(%arg11 : memref<!tpu.dma_semaphore, #tpu.memory_space<semaphore_mem>>)
    %scan3A_134 = arith.constant 0 : i32
    %scan3A_135 = arith.constant 0 : i32
    %scan3A_136 = arith.constant 62 : i32
    %scan3A_137 = arith.addi %scan3A_135, %scan3A_136 : i32
    %scan3A_138 = arith.constant 1 : i32
    scf.for %scan3A_159 = %scan3A_135 to %scan3A_137 step %scan3A_138  : i32 {
      %mul3A_160 = arith.constant 2 : i32
      %mul3A_161 = arith.muli %mul3A_160, %scan3A_159 : i32
      %add3A_162 = arith.constant 1 : i32
      %add3A_163 = arith.addi %mul3A_161, %add3A_162 : i32
      %mul3A_164 = arith.constant 10000 : i32
      %mul3A_165 = arith.muli %arg1, %mul3A_164 : i32
      %mul3A_166 = arith.constant 80 : i32
      %mul3A_167 = arith.muli %add3A_163, %mul3A_166 : i32
      %add3A_168 = arith.addi %mul3A_165, %mul3A_167 : i32
      %dma_start3A_169 = tpu.memref_slice %arg3[%add3A_168] : memref<160000xi32, #tpu.memory_space<hbm>> -> memref<80xi32, #tpu.memory_space<hbm>>
      %dma_start3A_170 = tpu.memref_slice %arg3[%add3A_168] : memref<160000xi32, #tpu.memory_space<hbm>> -> memref<80xi32, #tpu.memory_space<hbm>>
      tpu.enqueue_dma source(%dma_start3A_170 : memref<80xi32, #tpu.memory_space<hbm>>) target(%arg7 : memref<80xi32, #tpu.memory_space<vmem>>) target_semaphore(%arg12 : memref<!tpu.dma_semaphore, #tpu.memory_space<semaphore_mem>>)
      %dma_start3A_171 = tpu.memref_slice %arg2[%add3A_168, %mul3A_122] : memref<160000x1024xf32, #tpu.memory_space<hbm>> -> memref<80x128xf32, #tpu.memory_space<hbm>>
      %dma_start3A_172 = tpu.memref_slice %arg2[%add3A_168, %mul3A_122] : memref<160000x1024xf32, #tpu.memory_space<hbm>> -> memref<80x128xf32, #tpu.memory_space<hbm>>
      tpu.enqueue_dma source(%dma_start3A_172 : memref<80x128xf32, #tpu.memory_space<hbm>>) target(%arg9 : memref<80x128xf32, #tpu.memory_space<vmem>>) target_semaphore(%arg12 : memref<!tpu.dma_semaphore, #tpu.memory_space<semaphore_mem>>)
      %mul3A_173 = arith.constant 10000 : i32
      %mul3A_174 = arith.muli %arg1, %mul3A_173 : i32
      %mul3A_175 = arith.constant 80 : i32
      %mul3A_176 = arith.muli %mul3A_161, %mul3A_175 : i32
      %add3A_177 = arith.addi %mul3A_174, %mul3A_176 : i32
      %dma_wait3A_178 = tpu.memref_slice %arg3[%add3A_177] : memref<160000xi32, #tpu.memory_space<hbm>> -> memref<80xi32, #tpu.memory_space<hbm>>
      %dma_wait3A_179 = tpu.memref_slice %arg3[%add3A_177] : memref<160000xi32, #tpu.memory_space<hbm>> -> memref<80xi32, #tpu.memory_space<hbm>>
      tpu.wait_dma2 semaphore(%arg11 : memref<!tpu.dma_semaphore, #tpu.memory_space<semaphore_mem>>) src(%dma_wait3A_179 : memref<80xi32, #tpu.memory_space<hbm>>) dst(%arg6 : memref<80xi32, #tpu.memory_space<vmem>>)
      %dma_wait3A_180 = tpu.memref_slice %arg2[%add3A_177, %mul3A_122] : memref<160000x1024xf32, #tpu.memory_space<hbm>> -> memref<80x128xf32, #tpu.memory_space<hbm>>
      %dma_wait3A_181 = tpu.memref_slice %arg2[%add3A_177, %mul3A_122] : memref<160000x1024xf32, #tpu.memory_space<hbm>> -> memref<80x128xf32, #tpu.memory_space<hbm>>
      tpu.wait_dma2 semaphore(%arg11 : memref<!tpu.dma_semaphore, #tpu.memory_space<semaphore_mem>>) src(%dma_wait3A_181 : memref<80x128xf32, #tpu.memory_space<hbm>>) dst(%arg8 : memref<80x128xf32, #tpu.memory_space<vmem>>)
      "tpu.region"() ({
        %run_scoped3A = tpu.sem_alloc : memref<!tpu.dma_semaphore, #tpu.memory_space<semaphore_mem>>
        %dma_start3A_199 = arith.constant 0 : i32
        %dma_start3A_200 = arith.constant 0 : i32
        %dma_start3A_201 = tpu.memref_slice %arg10[%dma_start3A_199, %dma_start3A_200] : memref<10240x128xf32, #tpu.memory_space<vmem_shared>> -> memref<10240x128xf32, #tpu.memory_space<vmem_shared>>
        tpu.enqueue_indirect_dma source(%arg8 : memref<80x128xf32, #tpu.memory_space<vmem>>) target(%dma_start3A_201 : memref<10240x128xf32, #tpu.memory_space<vmem_shared>>) offsets(%arg6 : memref<80xi32, #tpu.memory_space<vmem>>) semaphore(%run_scoped3A : memref<!tpu.dma_semaphore, #tpu.memory_space<semaphore_mem>>) {add = true}
        %dma_wait3A_202 = arith.constant 0 : i32
        %dma_wait3A_203 = arith.constant 0 : i32
        %dma_wait3A_204 = tpu.memref_slice %arg10[%dma_wait3A_202, %dma_wait3A_203] : memref<10240x128xf32, #tpu.memory_space<vmem_shared>> -> memref<10240x128xf32, #tpu.memory_space<vmem_shared>>
        tpu.wait_indirect_dma semaphore(%run_scoped3A : memref<!tpu.dma_semaphore, #tpu.memory_space<semaphore_mem>>) src(%arg8 : memref<80x128xf32, #tpu.memory_space<vmem>>) dst(%dma_wait3A_204 : memref<10240x128xf32, #tpu.memory_space<vmem_shared>>)
        tpu.yield
      }) : () -> ()
      %add3A_182 = arith.constant 2 : i32
      %add3A_183 = arith.addi %mul3A_161, %add3A_182 : i32
      %lt3A = arith.constant 125 : i32
      %lt3A_184 = arith.cmpi slt, %add3A_183, %lt3A : i32
      %convert_element_type3A_185 = arith.extui %lt3A_184 : i1 to i32
      %cond3A_186 = arith.constant 0 : i32
      %cond3A_187 = arith.cmpi ne, %convert_element_type3A_185, %cond3A_186 : i32
      scf.if %cond3A_187 {
        %add3A_199 = arith.constant 2 : i32
        %add3A_200 = arith.addi %mul3A_161, %add3A_199 : i32
        %mul3A_201 = arith.constant 10000 : i32
        %mul3A_202 = arith.muli %arg1, %mul3A_201 : i32
        %mul3A_203 = arith.constant 80 : i32
        %mul3A_204 = arith.muli %add3A_200, %mul3A_203 : i32
        %add3A_205 = arith.addi %mul3A_202, %mul3A_204 : i32
        %dma_start3A_206 = tpu.memref_slice %arg3[%add3A_205] : memref<160000xi32, #tpu.memory_space<hbm>> -> memref<80xi32, #tpu.memory_space<hbm>>
        %dma_start3A_207 = tpu.memref_slice %arg3[%add3A_205] : memref<160000xi32, #tpu.memory_space<hbm>> -> memref<80xi32, #tpu.memory_space<hbm>>
        tpu.enqueue_dma source(%dma_start3A_207 : memref<80xi32, #tpu.memory_space<hbm>>) target(%arg6 : memref<80xi32, #tpu.memory_space<vmem>>) target_semaphore(%arg11 : memref<!tpu.dma_semaphore, #tpu.memory_space<semaphore_mem>>)
        %dma_start3A_208 = tpu.memref_slice %arg2[%add3A_205, %mul3A_122] : memref<160000x1024xf32, #tpu.memory_space<hbm>> -> memref<80x128xf32, #tpu.memory_space<hbm>>
        %dma_start3A_209 = tpu.memref_slice %arg2[%add3A_205, %mul3A_122] : memref<160000x1024xf32, #tpu.memory_space<hbm>> -> memref<80x128xf32, #tpu.memory_space<hbm>>
        tpu.enqueue_dma source(%dma_start3A_209 : memref<80x128xf32, #tpu.memory_space<hbm>>) target(%arg8 : memref<80x128xf32, #tpu.memory_space<vmem>>) target_semaphore(%arg11 : memref<!tpu.dma_semaphore, #tpu.memory_space<semaphore_mem>>)
      } else {
      }
      %add3A_188 = arith.constant 1 : i32
      %add3A_189 = arith.addi %mul3A_161, %add3A_188 : i32
      %mul3A_190 = arith.constant 10000 : i32
      %mul3A_191 = arith.muli %arg1, %mul3A_190 : i32
      %mul3A_192 = arith.constant 80 : i32
      %mul3A_193 = arith.muli %add3A_189, %mul3A_192 : i32
      %add3A_194 = arith.addi %mul3A_191, %mul3A_193 : i32
      %dma_wait3A_195 = tpu.memref_slice %arg3[%add3A_194] : memref<160000xi32, #tpu.memory_space<hbm>> -> memref<80xi32, #tpu.memory_space<hbm>>
      %dma_wait3A_196 = tpu.memref_slice %arg3[%add3A_194] : memref<160000xi32, #tpu.memory_space<hbm>> -> memref<80xi32, #tpu.memory_space<hbm>>
      tpu.wait_dma2 semaphore(%arg12 : memref<!tpu.dma_semaphore, #tpu.memory_space<semaphore_mem>>) src(%dma_wait3A_196 : memref<80xi32, #tpu.memory_space<hbm>>) dst(%arg7 : memref<80xi32, #tpu.memory_space<vmem>>)
      %dma_wait3A_197 = tpu.memref_slice %arg2[%add3A_194, %mul3A_122] : memref<160000x1024xf32, #tpu.memory_space<hbm>> -> memref<80x128xf32, #tpu.memory_space<hbm>>
      %dma_wait3A_198 = tpu.memref_slice %arg2[%add3A_194, %mul3A_122] : memref<160000x1024xf32, #tpu.memory_space<hbm>> -> memref<80x128xf32, #tpu.memory_space<hbm>>
      tpu.wait_dma2 semaphore(%arg12 : memref<!tpu.dma_semaphore, #tpu.memory_space<semaphore_mem>>) src(%dma_wait3A_198 : memref<80x128xf32, #tpu.memory_space<hbm>>) dst(%arg9 : memref<80x128xf32, #tpu.memory_space<vmem>>)
      "tpu.region"() ({
        %run_scoped3A = tpu.sem_alloc : memref<!tpu.dma_semaphore, #tpu.memory_space<semaphore_mem>>
        %dma_start3A_199 = arith.constant 0 : i32
        %dma_start3A_200 = arith.constant 0 : i32
        %dma_start3A_201 = tpu.memref_slice %arg10[%dma_start3A_199, %dma_start3A_200] : memref<10240x128xf32, #tpu.memory_space<vmem_shared>> -> memref<10240x128xf32, #tpu.memory_space<vmem_shared>>
        tpu.enqueue_indirect_dma source(%arg9 : memref<80x128xf32, #tpu.memory_space<vmem>>) target(%dma_start3A_201 : memref<10240x128xf32, #tpu.memory_space<vmem_shared>>) offsets(%arg7 : memref<80xi32, #tpu.memory_space<vmem>>) semaphore(%run_scoped3A : memref<!tpu.dma_semaphore, #tpu.memory_space<semaphore_mem>>) {add = true}
        %dma_wait3A_202 = arith.constant 0 : i32
        %dma_wait3A_203 = arith.constant 0 : i32
        %dma_wait3A_204 = tpu.memref_slice %arg10[%dma_wait3A_202, %dma_wait3A_203] : memref<10240x128xf32, #tpu.memory_space<vmem_shared>> -> memref<10240x128xf32, #tpu.memory_space<vmem_shared>>
        tpu.wait_indirect_dma semaphore(%run_scoped3A : memref<!tpu.dma_semaphore, #tpu.memory_space<semaphore_mem>>) src(%arg9 : memref<80x128xf32, #tpu.memory_space<vmem>>) dst(%dma_wait3A_204 : memref<10240x128xf32, #tpu.memory_space<vmem_shared>>)
        tpu.yield
      }) : () -> ()
    }
    %scan3A_139 = arith.constant 62 : i32
    %mul3A_140 = arith.constant 10000 : i32
    %mul3A_141 = arith.muli %arg1, %mul3A_140 : i32
    %add3A_142 = arith.constant 9920 : i32
    %add3A_143 = arith.addi %mul3A_141, %add3A_142 : i32
    %dma_wait3A_144 = tpu.memref_slice %arg3[%add3A_143] : memref<160000xi32, #tpu.memory_space<hbm>> -> memref<80xi32, #tpu.memory_space<hbm>>
    %dma_wait3A_145 = tpu.memref_slice %arg3[%add3A_143] : memref<160000xi32, #tpu.memory_space<hbm>> -> memref<80xi32, #tpu.memory_space<hbm>>
    tpu.wait_dma2 semaphore(%arg11 : memref<!tpu.dma_semaphore, #tpu.memory_space<semaphore_mem>>) src(%dma_wait3A_145 : memref<80xi32, #tpu.memory_space<hbm>>) dst(%arg6 : memref<80xi32, #tpu.memory_space<vmem>>)
    %dma_wait3A_146 = tpu.memref_slice %arg2[%add3A_143, %mul3A_122] : memref<160000x1024xf32, #tpu.memory_space<hbm>> -> memref<80x128xf32, #tpu.memory_space<hbm>>
    %dma_wait3A_147 = tpu.memref_slice %arg2[%add3A_143, %mul3A_122] : memref<160000x1024xf32, #tpu.memory_space<hbm>> -> memref<80x128xf32, #tpu.memory_space<hbm>>
    tpu.wait_dma2 semaphore(%arg11 : memref<!tpu.dma_semaphore, #tpu.memory_space<semaphore_mem>>) src(%dma_wait3A_147 : memref<80x128xf32, #tpu.memory_space<hbm>>) dst(%arg8 : memref<80x128xf32, #tpu.memory_space<vmem>>)
    "tpu.region"() ({
      %run_scoped3A = tpu.sem_alloc : memref<!tpu.dma_semaphore, #tpu.memory_space<semaphore_mem>>
      %dma_start3A_159 = arith.constant 0 : i32
      %dma_start3A_160 = arith.constant 0 : i32
      %dma_start3A_161 = tpu.memref_slice %arg10[%dma_start3A_159, %dma_start3A_160] : memref<10240x128xf32, #tpu.memory_space<vmem_shared>> -> memref<10240x128xf32, #tpu.memory_space<vmem_shared>>
      tpu.enqueue_indirect_dma source(%arg8 : memref<80x128xf32, #tpu.memory_space<vmem>>) target(%dma_start3A_161 : memref<10240x128xf32, #tpu.memory_space<vmem_shared>>) offsets(%arg6 : memref<80xi32, #tpu.memory_space<vmem>>) semaphore(%run_scoped3A : memref<!tpu.dma_semaphore, #tpu.memory_space<semaphore_mem>>) {add = true}
      %dma_wait3A_162 = arith.constant 0 : i32
      %dma_wait3A_163 = arith.constant 0 : i32
      %dma_wait3A_164 = tpu.memref_slice %arg10[%dma_wait3A_162, %dma_wait3A_163] : memref<10240x128xf32, #tpu.memory_space<vmem_shared>> -> memref<10240x128xf32, #tpu.memory_space<vmem_shared>>
      tpu.wait_indirect_dma semaphore(%run_scoped3A : memref<!tpu.dma_semaphore, #tpu.memory_space<semaphore_mem>>) src(%arg8 : memref<80x128xf32, #tpu.memory_space<vmem>>) dst(%dma_wait3A_164 : memref<10240x128xf32, #tpu.memory_space<vmem_shared>>)
      tpu.yield
    }) : () -> ()
    %barrier3A_148 = arith.constant 0 : index
    tpu.barrier barrier_id(%barrier3A_148)
    %mul3A_149 = arith.constant 624 : i32
    %mul3A_150 = arith.muli %arg1, %mul3A_149 : i32
    %mul3A_151 = arith.constant 624 : i32
    %mul3A_152 = arith.muli %arg1, %mul3A_151 : i32
    "tpu.region"() ({
      %run_scoped3A = tpu.sem_alloc : memref<!tpu.dma_semaphore, #tpu.memory_space<semaphore_mem>>
      %dma_start3A_159 = tpu.memref_slice %arg5[%mul3A_152, %mul3A_122] : memref<10000x1024xf32, #tpu.memory_space<hbm>> -> memref<624x128xf32, #tpu.memory_space<hbm>>
      %dma_start3A_160 = arith.constant 0 : i32
      %dma_start3A_161 = tpu.memref_slice %arg10[%mul3A_150, %dma_start3A_160] : memref<10240x128xf32, #tpu.memory_space<vmem_shared>> -> memref<624x128xf32, #tpu.memory_space<vmem_shared>>
      tpu.enqueue_dma source(%dma_start3A_161 : memref<624x128xf32, #tpu.memory_space<vmem_shared>>) target(%dma_start3A_159 : memref<624x128xf32, #tpu.memory_space<hbm>>) target_semaphore(%run_scoped3A : memref<!tpu.dma_semaphore, #tpu.memory_space<semaphore_mem>>)
      %dma_wait3A_162 = tpu.memref_slice %arg5[%mul3A_152, %mul3A_122] : memref<10000x1024xf32, #tpu.memory_space<hbm>> -> memref<624x128xf32, #tpu.memory_space<hbm>>
      %dma_wait3A_163 = arith.constant 0 : i32
      %dma_wait3A_164 = tpu.memref_slice %arg10[%mul3A_150, %dma_wait3A_163] : memref<10240x128xf32, #tpu.memory_space<vmem_shared>> -> memref<624x128xf32, #tpu.memory_space<vmem_shared>>
      tpu.wait_dma2 semaphore(%run_scoped3A : memref<!tpu.dma_semaphore, #tpu.memory_space<semaphore_mem>>) src(%dma_wait3A_164 : memref<624x128xf32, #tpu.memory_space<vmem_shared>>) dst(%dma_wait3A_162 : memref<624x128xf32, #tpu.memory_space<hbm>>)
      tpu.yield
    }) : () -> ()
    %eq3A_153 = arith.constant 15 : i32
    %eq3A_154 = arith.cmpi eq, %arg1, %eq3A_153 : i32
    %convert_element_type3A_155 = arith.extui %eq3A_154 : i1 to i32
    %cond3A_156 = arith.constant 0 : i32
    %cond3A_157 = arith.cmpi ne, %convert_element_type3A_155, %cond3A_156 : i32
    scf.if %cond3A_157 {
      "tpu.region"() ({
        %run_scoped3A = tpu.sem_alloc : memref<!tpu.dma_semaphore, #tpu.memory_space<semaphore_mem>>
        %dma_start3A_159 = arith.constant 9984 : i32
        %dma_start3A_160 = tpu.memref_slice %arg5[%dma_start3A_159, %mul3A_122] : memref<10000x1024xf32, #tpu.memory_space<hbm>> -> memref<16x128xf32, #tpu.memory_space<hbm>>
        %dma_start3A_161 = arith.constant 9984 : i32
        %dma_start3A_162 = arith.constant 0 : i32
        %dma_start3A_163 = tpu.memref_slice %arg10[%dma_start3A_161, %dma_start3A_162] : memref<10240x128xf32, #tpu.memory_space<vmem_shared>> -> memref<16x128xf32, #tpu.memory_space<vmem_shared>>
        tpu.enqueue_dma source(%dma_start3A_163 : memref<16x128xf32, #tpu.memory_space<vmem_shared>>) target(%dma_start3A_160 : memref<16x128xf32, #tpu.memory_space<hbm>>) target_semaphore(%run_scoped3A : memref<!tpu.dma_semaphore, #tpu.memory_space<semaphore_mem>>)
        %dma_wait3A_164 = arith.constant 9984 : i32
        %dma_wait3A_165 = tpu.memref_slice %arg5[%dma_wait3A_164, %mul3A_122] : memref<10000x1024xf32, #tpu.memory_space<hbm>> -> memref<16x128xf32, #tpu.memory_space<hbm>>
        %dma_wait3A_166 = arith.constant 9984 : i32
        %dma_wait3A_167 = arith.constant 0 : i32
        %dma_wait3A_168 = tpu.memref_slice %arg10[%dma_wait3A_166, %dma_wait3A_167] : memref<10240x128xf32, #tpu.memory_space<vmem_shared>> -> memref<16x128xf32, #tpu.memory_space<vmem_shared>>
        tpu.wait_dma2 semaphore(%run_scoped3A : memref<!tpu.dma_semaphore, #tpu.memory_space<semaphore_mem>>) src(%dma_wait3A_168 : memref<16x128xf32, #tpu.memory_space<vmem_shared>>) dst(%dma_wait3A_165 : memref<16x128xf32, #tpu.memory_space<hbm>>)
        tpu.yield
      }) : () -> ()
    } else {
    }
    %barrier3A_158 = arith.constant 0 : index
    tpu.barrier barrier_id(%barrier3A_158)
    return
  }
}

#map = affine_map<(d0, d1) -> (0, 0)>
#map1 = affine_map<(d0, d1) -> (0)>
module attributes {stable_mosaic.version = 14 : i64} {
  func.func @k(%arg0: i32, %arg1: i32, %arg2: memref<10000x2048xf32, #tpu.memory_space<hbm>>, %arg3: memref<10000x2048xf32, #tpu.memory_space<hbm>>, %arg4: memref<160000xi32, #tpu.memory_space<hbm>>, %arg5: memref<160000xi32, #tpu.memory_space<hbm>>, %arg6: memref<160000x2048xf32, #tpu.memory_space<hbm>>, %arg7: memref<160000x2048xf32, #tpu.memory_space<hbm>>, %arg8: memref<2x8xi32, #tpu.memory_space<vmem>>, %arg9: memref<2x8xi32, #tpu.memory_space<vmem>>, %arg10: memref<2x8x2048xf32, #tpu.memory_space<vmem>>, %arg11: memref<2x8x2048xf32, #tpu.memory_space<vmem>>, %arg12: memref<!tpu.dma_semaphore, #tpu.memory_space<semaphore_mem>>, %arg13: memref<!tpu.dma_semaphore, #tpu.memory_space<semaphore_mem>>) attributes {dimension_semantics = [#tpu.dimension_semantics<core_parallel>, #tpu.dimension_semantics<subcore_parallel>], iteration_bounds = array<i64: 2, 16>, scalar_prefetch = 0 : i64, scratch_operands = 6 : i64, tpu.core_type = #tpu.core_type<sc_vector_subcore>, window_params = [{transform_indices = #map}, {transform_indices = #map}, {transform_indices = #map1}, {transform_indices = #map1}, {transform_indices = #map}, {transform_indices = #map}]} {
    %mul3A = arith.constant 2 : i32
    %mul3A_0 = arith.muli %arg1, %mul3A : i32
    %add3A = arith.addi %mul3A_0, %arg0 : i32
    %mul3A_1 = arith.constant 5000 : i32
    %mul3A_2 = arith.muli %add3A, %mul3A_1 : i32
    %add3A_3 = arith.constant 0 : i32
    %add3A_4 = arith.addi %mul3A_2, %add3A_3 : i32
    %run_scoped3A = arith.constant 0 : i32
    "tpu.region"() ({
      %run_scoped3A_61 = tpu.sem_alloc : memref<!tpu.dma_semaphore, #tpu.memory_space<semaphore_mem>>
      %dma_start3A_62 = arith.constant 0 : i32
      %dma_start3A_63 = tpu.memref_slice %arg8[%run_scoped3A, %dma_start3A_62] : memref<2x8xi32, #tpu.memory_space<vmem>> -> memref<1x8xi32, #tpu.memory_space<vmem>>
      %dma_start3A_64 = tpu.memref_squeeze %dma_start3A_63 : memref<1x8xi32, #tpu.memory_space<vmem>> -> memref<8xi32, #tpu.memory_space<vmem>>
      %dma_start3A_65 = tpu.memref_slice %arg4[%add3A_4] : memref<160000xi32, #tpu.memory_space<hbm>> -> memref<8xi32, #tpu.memory_space<hbm>>
      %dma_start3A_66 = arith.constant 0 : i32
      %dma_start3A_67 = tpu.memref_slice %arg8[%run_scoped3A, %dma_start3A_66] : memref<2x8xi32, #tpu.memory_space<vmem>> -> memref<1x8xi32, #tpu.memory_space<vmem>>
      %dma_start3A_68 = tpu.memref_squeeze %dma_start3A_67 : memref<1x8xi32, #tpu.memory_space<vmem>> -> memref<8xi32, #tpu.memory_space<vmem>>
      %dma_start3A_69 = tpu.memref_slice %arg4[%add3A_4] : memref<160000xi32, #tpu.memory_space<hbm>> -> memref<8xi32, #tpu.memory_space<hbm>>
      tpu.enqueue_dma source(%dma_start3A_69 : memref<8xi32, #tpu.memory_space<hbm>>) target(%dma_start3A_68 : memref<8xi32, #tpu.memory_space<vmem>>) target_semaphore(%run_scoped3A_61 : memref<!tpu.dma_semaphore, #tpu.memory_space<semaphore_mem>>)
      %dma_wait3A_70 = arith.constant 0 : i32
      %dma_wait3A_71 = tpu.memref_slice %arg8[%run_scoped3A, %dma_wait3A_70] : memref<2x8xi32, #tpu.memory_space<vmem>> -> memref<1x8xi32, #tpu.memory_space<vmem>>
      %dma_wait3A_72 = tpu.memref_squeeze %dma_wait3A_71 : memref<1x8xi32, #tpu.memory_space<vmem>> -> memref<8xi32, #tpu.memory_space<vmem>>
      %dma_wait3A_73 = tpu.memref_slice %arg4[%add3A_4] : memref<160000xi32, #tpu.memory_space<hbm>> -> memref<8xi32, #tpu.memory_space<hbm>>
      %dma_wait3A_74 = arith.constant 0 : i32
      %dma_wait3A_75 = tpu.memref_slice %arg8[%run_scoped3A, %dma_wait3A_74] : memref<2x8xi32, #tpu.memory_space<vmem>> -> memref<1x8xi32, #tpu.memory_space<vmem>>
      %dma_wait3A_76 = tpu.memref_squeeze %dma_wait3A_75 : memref<1x8xi32, #tpu.memory_space<vmem>> -> memref<8xi32, #tpu.memory_space<vmem>>
      %dma_wait3A_77 = tpu.memref_slice %arg4[%add3A_4] : memref<160000xi32, #tpu.memory_space<hbm>> -> memref<8xi32, #tpu.memory_space<hbm>>
      tpu.wait_dma2 semaphore(%run_scoped3A_61 : memref<!tpu.dma_semaphore, #tpu.memory_space<semaphore_mem>>) src(%dma_wait3A_77 : memref<8xi32, #tpu.memory_space<hbm>>) dst(%dma_wait3A_76 : memref<8xi32, #tpu.memory_space<vmem>>)
      tpu.yield
    }) : () -> ()
    %run_scoped3A_5 = arith.constant 0 : i32
    "tpu.region"() ({
      %run_scoped3A_61 = tpu.sem_alloc : memref<!tpu.dma_semaphore, #tpu.memory_space<semaphore_mem>>
      %dma_start3A_62 = arith.constant 0 : i32
      %dma_start3A_63 = tpu.memref_slice %arg9[%run_scoped3A_5, %dma_start3A_62] : memref<2x8xi32, #tpu.memory_space<vmem>> -> memref<1x8xi32, #tpu.memory_space<vmem>>
      %dma_start3A_64 = tpu.memref_squeeze %dma_start3A_63 : memref<1x8xi32, #tpu.memory_space<vmem>> -> memref<8xi32, #tpu.memory_space<vmem>>
      %dma_start3A_65 = tpu.memref_slice %arg5[%add3A_4] : memref<160000xi32, #tpu.memory_space<hbm>> -> memref<8xi32, #tpu.memory_space<hbm>>
      %dma_start3A_66 = arith.constant 0 : i32
      %dma_start3A_67 = tpu.memref_slice %arg9[%run_scoped3A_5, %dma_start3A_66] : memref<2x8xi32, #tpu.memory_space<vmem>> -> memref<1x8xi32, #tpu.memory_space<vmem>>
      %dma_start3A_68 = tpu.memref_squeeze %dma_start3A_67 : memref<1x8xi32, #tpu.memory_space<vmem>> -> memref<8xi32, #tpu.memory_space<vmem>>
      %dma_start3A_69 = tpu.memref_slice %arg5[%add3A_4] : memref<160000xi32, #tpu.memory_space<hbm>> -> memref<8xi32, #tpu.memory_space<hbm>>
      tpu.enqueue_dma source(%dma_start3A_69 : memref<8xi32, #tpu.memory_space<hbm>>) target(%dma_start3A_68 : memref<8xi32, #tpu.memory_space<vmem>>) target_semaphore(%run_scoped3A_61 : memref<!tpu.dma_semaphore, #tpu.memory_space<semaphore_mem>>)
      %dma_wait3A_70 = arith.constant 0 : i32
      %dma_wait3A_71 = tpu.memref_slice %arg9[%run_scoped3A_5, %dma_wait3A_70] : memref<2x8xi32, #tpu.memory_space<vmem>> -> memref<1x8xi32, #tpu.memory_space<vmem>>
      %dma_wait3A_72 = tpu.memref_squeeze %dma_wait3A_71 : memref<1x8xi32, #tpu.memory_space<vmem>> -> memref<8xi32, #tpu.memory_space<vmem>>
      %dma_wait3A_73 = tpu.memref_slice %arg5[%add3A_4] : memref<160000xi32, #tpu.memory_space<hbm>> -> memref<8xi32, #tpu.memory_space<hbm>>
      %dma_wait3A_74 = arith.constant 0 : i32
      %dma_wait3A_75 = tpu.memref_slice %arg9[%run_scoped3A_5, %dma_wait3A_74] : memref<2x8xi32, #tpu.memory_space<vmem>> -> memref<1x8xi32, #tpu.memory_space<vmem>>
      %dma_wait3A_76 = tpu.memref_squeeze %dma_wait3A_75 : memref<1x8xi32, #tpu.memory_space<vmem>> -> memref<8xi32, #tpu.memory_space<vmem>>
      %dma_wait3A_77 = tpu.memref_slice %arg5[%add3A_4] : memref<160000xi32, #tpu.memory_space<hbm>> -> memref<8xi32, #tpu.memory_space<hbm>>
      tpu.wait_dma2 semaphore(%run_scoped3A_61 : memref<!tpu.dma_semaphore, #tpu.memory_space<semaphore_mem>>) src(%dma_wait3A_77 : memref<8xi32, #tpu.memory_space<hbm>>) dst(%dma_wait3A_76 : memref<8xi32, #tpu.memory_space<vmem>>)
      tpu.yield
    }) : () -> ()
    %dma_start3A = arith.constant 0 : i32
    %dma_start3A_6 = arith.constant 0 : i32
    %dma_start3A_7 = arith.constant 0 : i32
    %dma_start3A_8 = arith.constant 0 : i32
    %dma_start3A_9 = tpu.memref_slice %arg10[%dma_start3A_6, %dma_start3A_7, %dma_start3A_8] : memref<2x8x2048xf32, #tpu.memory_space<vmem>> -> memref<1x8x2048xf32, #tpu.memory_space<vmem>>
    %dma_start3A_10 = tpu.memref_squeeze %dma_start3A_9 : memref<1x8x2048xf32, #tpu.memory_space<vmem>> -> memref<8x2048xf32, #tpu.memory_space<vmem>>
    %dma_start3A_11 = arith.constant 0 : i32
    %dma_start3A_12 = tpu.memref_slice %arg8[%dma_start3A, %dma_start3A_11] : memref<2x8xi32, #tpu.memory_space<vmem>> -> memref<1x8xi32, #tpu.memory_space<vmem>>
    %dma_start3A_13 = tpu.memref_squeeze %dma_start3A_12 : memref<1x8xi32, #tpu.memory_space<vmem>> -> memref<8xi32, #tpu.memory_space<vmem>>
    %dma_start3A_14 = arith.constant 0 : i32
    %dma_start3A_15 = arith.constant 0 : i32
    %dma_start3A_16 = tpu.memref_slice %arg2[%dma_start3A_14, %dma_start3A_15] : memref<10000x2048xf32, #tpu.memory_space<hbm>> -> memref<10000x2048xf32, #tpu.memory_space<hbm>>
    tpu.enqueue_indirect_dma source(%dma_start3A_16 : memref<10000x2048xf32, #tpu.memory_space<hbm>>) target(%dma_start3A_10 : memref<8x2048xf32, #tpu.memory_space<vmem>>) offsets(%dma_start3A_13 : memref<8xi32, #tpu.memory_space<vmem>>) semaphore(%arg12 : memref<!tpu.dma_semaphore, #tpu.memory_space<semaphore_mem>>)
    %dma_start3A_17 = arith.constant 0 : i32
    %dma_start3A_18 = arith.constant 0 : i32
    %dma_start3A_19 = arith.constant 0 : i32
    %dma_start3A_20 = arith.constant 0 : i32
    %dma_start3A_21 = tpu.memref_slice %arg11[%dma_start3A_18, %dma_start3A_19, %dma_start3A_20] : memref<2x8x2048xf32, #tpu.memory_space<vmem>> -> memref<1x8x2048xf32, #tpu.memory_space<vmem>>
    %dma_start3A_22 = tpu.memref_squeeze %dma_start3A_21 : memref<1x8x2048xf32, #tpu.memory_space<vmem>> -> memref<8x2048xf32, #tpu.memory_space<vmem>>
    %dma_start3A_23 = arith.constant 0 : i32
    %dma_start3A_24 = tpu.memref_slice %arg9[%dma_start3A_17, %dma_start3A_23] : memref<2x8xi32, #tpu.memory_space<vmem>> -> memref<1x8xi32, #tpu.memory_space<vmem>>
    %dma_start3A_25 = tpu.memref_squeeze %dma_start3A_24 : memref<1x8xi32, #tpu.memory_space<vmem>> -> memref<8xi32, #tpu.memory_space<vmem>>
    %dma_start3A_26 = arith.constant 0 : i32
    %dma_start3A_27 = arith.constant 0 : i32
    %dma_start3A_28 = tpu.memref_slice %arg3[%dma_start3A_26, %dma_start3A_27] : memref<10000x2048xf32, #tpu.memory_space<hbm>> -> memref<10000x2048xf32, #tpu.memory_space<hbm>>
    tpu.enqueue_indirect_dma source(%dma_start3A_28 : memref<10000x2048xf32, #tpu.memory_space<hbm>>) target(%dma_start3A_22 : memref<8x2048xf32, #tpu.memory_space<vmem>>) offsets(%dma_start3A_25 : memref<8xi32, #tpu.memory_space<vmem>>) semaphore(%arg12 : memref<!tpu.dma_semaphore, #tpu.memory_space<semaphore_mem>>)
    %scan3A = arith.constant 0 : i32
    %scan3A_29 = arith.constant 0 : i32
    %scan3A_30 = arith.constant 312 : i32
    %scan3A_31 = arith.addi %scan3A_29, %scan3A_30 : i32
    %scan3A_32 = arith.constant 1 : i32
    scf.for %scan3A_61 = %scan3A_29 to %scan3A_31 step %scan3A_32  : i32 {
      %mul3A_62 = arith.constant 2 : i32
      %mul3A_63 = arith.muli %mul3A_62, %scan3A_61 : i32
      %add3A_64 = arith.constant 1 : i32
      %add3A_65 = arith.addi %mul3A_63, %add3A_64 : i32
      %mul3A_66 = arith.constant 8 : i32
      %mul3A_67 = arith.muli %add3A_65, %mul3A_66 : i32
      %add3A_68 = arith.addi %mul3A_2, %mul3A_67 : i32
      %run_scoped3A_69 = arith.constant 1 : i32
      "tpu.region"() ({
        %run_scoped3A_159 = tpu.sem_alloc : memref<!tpu.dma_semaphore, #tpu.memory_space<semaphore_mem>>
        %dma_start3A_160 = arith.constant 0 : i32
        %dma_start3A_161 = tpu.memref_slice %arg8[%run_scoped3A_69, %dma_start3A_160] : memref<2x8xi32, #tpu.memory_space<vmem>> -> memref<1x8xi32, #tpu.memory_space<vmem>>
        %dma_start3A_162 = tpu.memref_squeeze %dma_start3A_161 : memref<1x8xi32, #tpu.memory_space<vmem>> -> memref<8xi32, #tpu.memory_space<vmem>>
        %dma_start3A_163 = tpu.memref_slice %arg4[%add3A_68] : memref<160000xi32, #tpu.memory_space<hbm>> -> memref<8xi32, #tpu.memory_space<hbm>>
        %dma_start3A_164 = arith.constant 0 : i32
        %dma_start3A_165 = tpu.memref_slice %arg8[%run_scoped3A_69, %dma_start3A_164] : memref<2x8xi32, #tpu.memory_space<vmem>> -> memref<1x8xi32, #tpu.memory_space<vmem>>
        %dma_start3A_166 = tpu.memref_squeeze %dma_start3A_165 : memref<1x8xi32, #tpu.memory_space<vmem>> -> memref<8xi32, #tpu.memory_space<vmem>>
        %dma_start3A_167 = tpu.memref_slice %arg4[%add3A_68] : memref<160000xi32, #tpu.memory_space<hbm>> -> memref<8xi32, #tpu.memory_space<hbm>>
        tpu.enqueue_dma source(%dma_start3A_167 : memref<8xi32, #tpu.memory_space<hbm>>) target(%dma_start3A_166 : memref<8xi32, #tpu.memory_space<vmem>>) target_semaphore(%run_scoped3A_159 : memref<!tpu.dma_semaphore, #tpu.memory_space<semaphore_mem>>)
        %dma_wait3A_168 = arith.constant 0 : i32
        %dma_wait3A_169 = tpu.memref_slice %arg8[%run_scoped3A_69, %dma_wait3A_168] : memref<2x8xi32, #tpu.memory_space<vmem>> -> memref<1x8xi32, #tpu.memory_space<vmem>>
        %dma_wait3A_170 = tpu.memref_squeeze %dma_wait3A_169 : memref<1x8xi32, #tpu.memory_space<vmem>> -> memref<8xi32, #tpu.memory_space<vmem>>
        %dma_wait3A_171 = tpu.memref_slice %arg4[%add3A_68] : memref<160000xi32, #tpu.memory_space<hbm>> -> memref<8xi32, #tpu.memory_space<hbm>>
        %dma_wait3A_172 = arith.constant 0 : i32
        %dma_wait3A_173 = tpu.memref_slice %arg8[%run_scoped3A_69, %dma_wait3A_172] : memref<2x8xi32, #tpu.memory_space<vmem>> -> memref<1x8xi32, #tpu.memory_space<vmem>>
        %dma_wait3A_174 = tpu.memref_squeeze %dma_wait3A_173 : memref<1x8xi32, #tpu.memory_space<vmem>> -> memref<8xi32, #tpu.memory_space<vmem>>
        %dma_wait3A_175 = tpu.memref_slice %arg4[%add3A_68] : memref<160000xi32, #tpu.memory_space<hbm>> -> memref<8xi32, #tpu.memory_space<hbm>>
        tpu.wait_dma2 semaphore(%run_scoped3A_159 : memref<!tpu.dma_semaphore, #tpu.memory_space<semaphore_mem>>) src(%dma_wait3A_175 : memref<8xi32, #tpu.memory_space<hbm>>) dst(%dma_wait3A_174 : memref<8xi32, #tpu.memory_space<vmem>>)
        tpu.yield
      }) : () -> ()
      %run_scoped3A_70 = arith.constant 1 : i32
      "tpu.region"() ({
        %run_scoped3A_159 = tpu.sem_alloc : memref<!tpu.dma_semaphore, #tpu.memory_space<semaphore_mem>>
        %dma_start3A_160 = arith.constant 0 : i32
        %dma_start3A_161 = tpu.memref_slice %arg9[%run_scoped3A_70, %dma_start3A_160] : memref<2x8xi32, #tpu.memory_space<vmem>> -> memref<1x8xi32, #tpu.memory_space<vmem>>
        %dma_start3A_162 = tpu.memref_squeeze %dma_start3A_161 : memref<1x8xi32, #tpu.memory_space<vmem>> -> memref<8xi32, #tpu.memory_space<vmem>>
        %dma_start3A_163 = tpu.memref_slice %arg5[%add3A_68] : memref<160000xi32, #tpu.memory_space<hbm>> -> memref<8xi32, #tpu.memory_space<hbm>>
        %dma_start3A_164 = arith.constant 0 : i32
        %dma_start3A_165 = tpu.memref_slice %arg9[%run_scoped3A_70, %dma_start3A_164] : memref<2x8xi32, #tpu.memory_space<vmem>> -> memref<1x8xi32, #tpu.memory_space<vmem>>
        %dma_start3A_166 = tpu.memref_squeeze %dma_start3A_165 : memref<1x8xi32, #tpu.memory_space<vmem>> -> memref<8xi32, #tpu.memory_space<vmem>>
        %dma_start3A_167 = tpu.memref_slice %arg5[%add3A_68] : memref<160000xi32, #tpu.memory_space<hbm>> -> memref<8xi32, #tpu.memory_space<hbm>>
        tpu.enqueue_dma source(%dma_start3A_167 : memref<8xi32, #tpu.memory_space<hbm>>) target(%dma_start3A_166 : memref<8xi32, #tpu.memory_space<vmem>>) target_semaphore(%run_scoped3A_159 : memref<!tpu.dma_semaphore, #tpu.memory_space<semaphore_mem>>)
        %dma_wait3A_168 = arith.constant 0 : i32
        %dma_wait3A_169 = tpu.memref_slice %arg9[%run_scoped3A_70, %dma_wait3A_168] : memref<2x8xi32, #tpu.memory_space<vmem>> -> memref<1x8xi32, #tpu.memory_space<vmem>>
        %dma_wait3A_170 = tpu.memref_squeeze %dma_wait3A_169 : memref<1x8xi32, #tpu.memory_space<vmem>> -> memref<8xi32, #tpu.memory_space<vmem>>
        %dma_wait3A_171 = tpu.memref_slice %arg5[%add3A_68] : memref<160000xi32, #tpu.memory_space<hbm>> -> memref<8xi32, #tpu.memory_space<hbm>>
        %dma_wait3A_172 = arith.constant 0 : i32
        %dma_wait3A_173 = tpu.memref_slice %arg9[%run_scoped3A_70, %dma_wait3A_172] : memref<2x8xi32, #tpu.memory_space<vmem>> -> memref<1x8xi32, #tpu.memory_space<vmem>>
        %dma_wait3A_174 = tpu.memref_squeeze %dma_wait3A_173 : memref<1x8xi32, #tpu.memory_space<vmem>> -> memref<8xi32, #tpu.memory_space<vmem>>
        %dma_wait3A_175 = tpu.memref_slice %arg5[%add3A_68] : memref<160000xi32, #tpu.memory_space<hbm>> -> memref<8xi32, #tpu.memory_space<hbm>>
        tpu.wait_dma2 semaphore(%run_scoped3A_159 : memref<!tpu.dma_semaphore, #tpu.memory_space<semaphore_mem>>) src(%dma_wait3A_175 : memref<8xi32, #tpu.memory_space<hbm>>) dst(%dma_wait3A_174 : memref<8xi32, #tpu.memory_space<vmem>>)
        tpu.yield
      }) : () -> ()
      %dma_start3A_71 = arith.constant 1 : i32
      %dma_start3A_72 = arith.constant 1 : i32
      %dma_start3A_73 = arith.constant 0 : i32
      %dma_start3A_74 = arith.constant 0 : i32
      %dma_start3A_75 = tpu.memref_slice %arg10[%dma_start3A_72, %dma_start3A_73, %dma_start3A_74] : memref<2x8x2048xf32, #tpu.memory_space<vmem>> -> memref<1x8x2048xf32, #tpu.memory_space<vmem>>
      %dma_start3A_76 = tpu.memref_squeeze %dma_start3A_75 : memref<1x8x2048xf32, #tpu.memory_space<vmem>> -> memref<8x2048xf32, #tpu.memory_space<vmem>>
      %dma_start3A_77 = arith.constant 0 : i32
      %dma_start3A_78 = tpu.memref_slice %arg8[%dma_start3A_71, %dma_start3A_77] : memref<2x8xi32, #tpu.memory_space<vmem>> -> memref<1x8xi32, #tpu.memory_space<vmem>>
      %dma_start3A_79 = tpu.memref_squeeze %dma_start3A_78 : memref<1x8xi32, #tpu.memory_space<vmem>> -> memref<8xi32, #tpu.memory_space<vmem>>
      %dma_start3A_80 = arith.constant 0 : i32
      %dma_start3A_81 = arith.constant 0 : i32
      %dma_start3A_82 = tpu.memref_slice %arg2[%dma_start3A_80, %dma_start3A_81] : memref<10000x2048xf32, #tpu.memory_space<hbm>> -> memref<10000x2048xf32, #tpu.memory_space<hbm>>
      tpu.enqueue_indirect_dma source(%dma_start3A_82 : memref<10000x2048xf32, #tpu.memory_space<hbm>>) target(%dma_start3A_76 : memref<8x2048xf32, #tpu.memory_space<vmem>>) offsets(%dma_start3A_79 : memref<8xi32, #tpu.memory_space<vmem>>) semaphore(%arg13 : memref<!tpu.dma_semaphore, #tpu.memory_space<semaphore_mem>>)
      %dma_start3A_83 = arith.constant 1 : i32
      %dma_start3A_84 = arith.constant 1 : i32
      %dma_start3A_85 = arith.constant 0 : i32
      %dma_start3A_86 = arith.constant 0 : i32
      %dma_start3A_87 = tpu.memref_slice %arg11[%dma_start3A_84, %dma_start3A_85, %dma_start3A_86] : memref<2x8x2048xf32, #tpu.memory_space<vmem>> -> memref<1x8x2048xf32, #tpu.memory_space<vmem>>
      %dma_start3A_88 = tpu.memref_squeeze %dma_start3A_87 : memref<1x8x2048xf32, #tpu.memory_space<vmem>> -> memref<8x2048xf32, #tpu.memory_space<vmem>>
      %dma_start3A_89 = arith.constant 0 : i32
      %dma_start3A_90 = tpu.memref_slice %arg9[%dma_start3A_83, %dma_start3A_89] : memref<2x8xi32, #tpu.memory_space<vmem>> -> memref<1x8xi32, #tpu.memory_space<vmem>>
      %dma_start3A_91 = tpu.memref_squeeze %dma_start3A_90 : memref<1x8xi32, #tpu.memory_space<vmem>> -> memref<8xi32, #tpu.memory_space<vmem>>
      %dma_start3A_92 = arith.constant 0 : i32
      %dma_start3A_93 = arith.constant 0 : i32
      %dma_start3A_94 = tpu.memref_slice %arg3[%dma_start3A_92, %dma_start3A_93] : memref<10000x2048xf32, #tpu.memory_space<hbm>> -> memref<10000x2048xf32, #tpu.memory_space<hbm>>
      tpu.enqueue_indirect_dma source(%dma_start3A_94 : memref<10000x2048xf32, #tpu.memory_space<hbm>>) target(%dma_start3A_88 : memref<8x2048xf32, #tpu.memory_space<vmem>>) offsets(%dma_start3A_91 : memref<8xi32, #tpu.memory_space<vmem>>) semaphore(%arg13 : memref<!tpu.dma_semaphore, #tpu.memory_space<semaphore_mem>>)
      %dma_wait3A_95 = arith.constant 0 : i32
      %dma_wait3A_96 = arith.constant 0 : i32
      %dma_wait3A_97 = arith.constant 0 : i32
      %dma_wait3A_98 = arith.constant 0 : i32
      %dma_wait3A_99 = tpu.memref_slice %arg10[%dma_wait3A_96, %dma_wait3A_97, %dma_wait3A_98] : memref<2x8x2048xf32, #tpu.memory_space<vmem>> -> memref<1x8x2048xf32, #tpu.memory_space<vmem>>
      %dma_wait3A_100 = tpu.memref_squeeze %dma_wait3A_99 : memref<1x8x2048xf32, #tpu.memory_space<vmem>> -> memref<8x2048xf32, #tpu.memory_space<vmem>>
      %dma_wait3A_101 = arith.constant 0 : i32
      %dma_wait3A_102 = tpu.memref_slice %arg8[%dma_wait3A_95, %dma_wait3A_101] : memref<2x8xi32, #tpu.memory_space<vmem>> -> memref<1x8xi32, #tpu.memory_space<vmem>>
      %dma_wait3A_103 = tpu.memref_squeeze %dma_wait3A_102 : memref<1x8xi32, #tpu.memory_space<vmem>> -> memref<8xi32, #tpu.memory_space<vmem>>
      %dma_wait3A_104 = arith.constant 0 : i32
      %dma_wait3A_105 = arith.constant 0 : i32
      %dma_wait3A_106 = tpu.memref_slice %arg2[%dma_wait3A_104, %dma_wait3A_105] : memref<10000x2048xf32, #tpu.memory_space<hbm>> -> memref<10000x2048xf32, #tpu.memory_space<hbm>>
      tpu.wait_indirect_dma semaphore(%arg12 : memref<!tpu.dma_semaphore, #tpu.memory_space<semaphore_mem>>) src(%dma_wait3A_106 : memref<10000x2048xf32, #tpu.memory_space<hbm>>) dst(%dma_wait3A_100 : memref<8x2048xf32, #tpu.memory_space<vmem>>)
      %dma_wait3A_107 = arith.constant 0 : i32
      %dma_wait3A_108 = arith.constant 0 : i32
      %dma_wait3A_109 = arith.constant 0 : i32
      %dma_wait3A_110 = arith.constant 0 : i32
      %dma_wait3A_111 = tpu.memref_slice %arg11[%dma_wait3A_108, %dma_wait3A_109, %dma_wait3A_110] : memref<2x8x2048xf32, #tpu.memory_space<vmem>> -> memref<1x8x2048xf32, #tpu.memory_space<vmem>>
      %dma_wait3A_112 = tpu.memref_squeeze %dma_wait3A_111 : memref<1x8x2048xf32, #tpu.memory_space<vmem>> -> memref<8x2048xf32, #tpu.memory_space<vmem>>
      %dma_wait3A_113 = arith.constant 0 : i32
      %dma_wait3A_114 = tpu.memref_slice %arg9[%dma_wait3A_107, %dma_wait3A_113] : memref<2x8xi32, #tpu.memory_space<vmem>> -> memref<1x8xi32, #tpu.memory_space<vmem>>
      %dma_wait3A_115 = tpu.memref_squeeze %dma_wait3A_114 : memref<1x8xi32, #tpu.memory_space<vmem>> -> memref<8xi32, #tpu.memory_space<vmem>>
      %dma_wait3A_116 = arith.constant 0 : i32
      %dma_wait3A_117 = arith.constant 0 : i32
      %dma_wait3A_118 = tpu.memref_slice %arg3[%dma_wait3A_116, %dma_wait3A_117] : memref<10000x2048xf32, #tpu.memory_space<hbm>> -> memref<10000x2048xf32, #tpu.memory_space<hbm>>
      tpu.wait_indirect_dma semaphore(%arg12 : memref<!tpu.dma_semaphore, #tpu.memory_space<semaphore_mem>>) src(%dma_wait3A_118 : memref<10000x2048xf32, #tpu.memory_space<hbm>>) dst(%dma_wait3A_112 : memref<8x2048xf32, #tpu.memory_space<vmem>>)
      %mul3A_119 = arith.constant 8 : i32
      %mul3A_120 = arith.muli %mul3A_63, %mul3A_119 : i32
      %add3A_121 = arith.addi %mul3A_2, %mul3A_120 : i32
      %run_scoped3A_122 = arith.constant 0 : i32
      "tpu.region"() ({
        %run_scoped3A_159 = tpu.sem_alloc : memref<!tpu.dma_semaphore, #tpu.memory_space<semaphore_mem>>
        %dma_start3A_160 = arith.constant 0 : i32
        %dma_start3A_161 = arith.constant 0 : i32
        %dma_start3A_162 = tpu.memref_slice %arg10[%run_scoped3A_122, %dma_start3A_160, %dma_start3A_161] : memref<2x8x2048xf32, #tpu.memory_space<vmem>> -> memref<1x8x2048xf32, #tpu.memory_space<vmem>>
        %dma_start3A_163 = tpu.memref_squeeze %dma_start3A_162 : memref<1x8x2048xf32, #tpu.memory_space<vmem>> -> memref<8x2048xf32, #tpu.memory_space<vmem>>
        %dma_start3A_164 = arith.constant 0 : i32
        %dma_start3A_165 = tpu.memref_slice %arg6[%add3A_121, %dma_start3A_164] : memref<160000x2048xf32, #tpu.memory_space<hbm>> -> memref<8x2048xf32, #tpu.memory_space<hbm>>
        %dma_start3A_166 = arith.constant 0 : i32
        %dma_start3A_167 = tpu.memref_slice %arg6[%add3A_121, %dma_start3A_166] : memref<160000x2048xf32, #tpu.memory_space<hbm>> -> memref<8x2048xf32, #tpu.memory_space<hbm>>
        %dma_start3A_168 = arith.constant 0 : i32
        %dma_start3A_169 = arith.constant 0 : i32
        %dma_start3A_170 = tpu.memref_slice %arg10[%run_scoped3A_122, %dma_start3A_168, %dma_start3A_169] : memref<2x8x2048xf32, #tpu.memory_space<vmem>> -> memref<1x8x2048xf32, #tpu.memory_space<vmem>>
        %dma_start3A_171 = tpu.memref_squeeze %dma_start3A_170 : memref<1x8x2048xf32, #tpu.memory_space<vmem>> -> memref<8x2048xf32, #tpu.memory_space<vmem>>
        tpu.enqueue_dma source(%dma_start3A_171 : memref<8x2048xf32, #tpu.memory_space<vmem>>) target(%dma_start3A_167 : memref<8x2048xf32, #tpu.memory_space<hbm>>) target_semaphore(%run_scoped3A_159 : memref<!tpu.dma_semaphore, #tpu.memory_space<semaphore_mem>>)
        %dma_wait3A_172 = arith.constant 0 : i32
        %dma_wait3A_173 = arith.constant 0 : i32
        %dma_wait3A_174 = tpu.memref_slice %arg10[%run_scoped3A_122, %dma_wait3A_172, %dma_wait3A_173] : memref<2x8x2048xf32, #tpu.memory_space<vmem>> -> memref<1x8x2048xf32, #tpu.memory_space<vmem>>
        %dma_wait3A_175 = tpu.memref_squeeze %dma_wait3A_174 : memref<1x8x2048xf32, #tpu.memory_space<vmem>> -> memref<8x2048xf32, #tpu.memory_space<vmem>>
        %dma_wait3A_176 = arith.constant 0 : i32
        %dma_wait3A_177 = tpu.memref_slice %arg6[%add3A_121, %dma_wait3A_176] : memref<160000x2048xf32, #tpu.memory_space<hbm>> -> memref<8x2048xf32, #tpu.memory_space<hbm>>
        %dma_wait3A_178 = arith.constant 0 : i32
        %dma_wait3A_179 = tpu.memref_slice %arg6[%add3A_121, %dma_wait3A_178] : memref<160000x2048xf32, #tpu.memory_space<hbm>> -> memref<8x2048xf32, #tpu.memory_space<hbm>>
        %dma_wait3A_180 = arith.constant 0 : i32
        %dma_wait3A_181 = arith.constant 0 : i32
        %dma_wait3A_182 = tpu.memref_slice %arg10[%run_scoped3A_122, %dma_wait3A_180, %dma_wait3A_181] : memref<2x8x2048xf32, #tpu.memory_space<vmem>> -> memref<1x8x2048xf32, #tpu.memory_space<vmem>>
        %dma_wait3A_183 = tpu.memref_squeeze %dma_wait3A_182 : memref<1x8x2048xf32, #tpu.memory_space<vmem>> -> memref<8x2048xf32, #tpu.memory_space<vmem>>
        tpu.wait_dma2 semaphore(%run_scoped3A_159 : memref<!tpu.dma_semaphore, #tpu.memory_space<semaphore_mem>>) src(%dma_wait3A_183 : memref<8x2048xf32, #tpu.memory_space<vmem>>) dst(%dma_wait3A_179 : memref<8x2048xf32, #tpu.memory_space<hbm>>)
        tpu.yield
      }) : () -> ()
      %run_scoped3A_123 = arith.constant 0 : i32
      "tpu.region"() ({
        %run_scoped3A_159 = tpu.sem_alloc : memref<!tpu.dma_semaphore, #tpu.memory_space<semaphore_mem>>
        %dma_start3A_160 = arith.constant 0 : i32
        %dma_start3A_161 = arith.constant 0 : i32
        %dma_start3A_162 = tpu.memref_slice %arg11[%run_scoped3A_123, %dma_start3A_160, %dma_start3A_161] : memref<2x8x2048xf32, #tpu.memory_space<vmem>> -> memref<1x8x2048xf32, #tpu.memory_space<vmem>>
        %dma_start3A_163 = tpu.memref_squeeze %dma_start3A_162 : memref<1x8x2048xf32, #tpu.memory_space<vmem>> -> memref<8x2048xf32, #tpu.memory_space<vmem>>
        %dma_start3A_164 = arith.constant 0 : i32
        %dma_start3A_165 = tpu.memref_slice %arg7[%add3A_121, %dma_start3A_164] : memref<160000x2048xf32, #tpu.memory_space<hbm>> -> memref<8x2048xf32, #tpu.memory_space<hbm>>
        %dma_start3A_166 = arith.constant 0 : i32
        %dma_start3A_167 = tpu.memref_slice %arg7[%add3A_121, %dma_start3A_166] : memref<160000x2048xf32, #tpu.memory_space<hbm>> -> memref<8x2048xf32, #tpu.memory_space<hbm>>
        %dma_start3A_168 = arith.constant 0 : i32
        %dma_start3A_169 = arith.constant 0 : i32
        %dma_start3A_170 = tpu.memref_slice %arg11[%run_scoped3A_123, %dma_start3A_168, %dma_start3A_169] : memref<2x8x2048xf32, #tpu.memory_space<vmem>> -> memref<1x8x2048xf32, #tpu.memory_space<vmem>>
        %dma_start3A_171 = tpu.memref_squeeze %dma_start3A_170 : memref<1x8x2048xf32, #tpu.memory_space<vmem>> -> memref<8x2048xf32, #tpu.memory_space<vmem>>
        tpu.enqueue_dma source(%dma_start3A_171 : memref<8x2048xf32, #tpu.memory_space<vmem>>) target(%dma_start3A_167 : memref<8x2048xf32, #tpu.memory_space<hbm>>) target_semaphore(%run_scoped3A_159 : memref<!tpu.dma_semaphore, #tpu.memory_space<semaphore_mem>>)
        %dma_wait3A_172 = arith.constant 0 : i32
        %dma_wait3A_173 = arith.constant 0 : i32
        %dma_wait3A_174 = tpu.memref_slice %arg11[%run_scoped3A_123, %dma_wait3A_172, %dma_wait3A_173] : memref<2x8x2048xf32, #tpu.memory_space<vmem>> -> memref<1x8x2048xf32, #tpu.memory_space<vmem>>
        %dma_wait3A_175 = tpu.memref_squeeze %dma_wait3A_174 : memref<1x8x2048xf32, #tpu.memory_space<vmem>> -> memref<8x2048xf32, #tpu.memory_space<vmem>>
        %dma_wait3A_176 = arith.constant 0 : i32
        %dma_wait3A_177 = tpu.memref_slice %arg7[%add3A_121, %dma_wait3A_176] : memref<160000x2048xf32, #tpu.memory_space<hbm>> -> memref<8x2048xf32, #tpu.memory_space<hbm>>
        %dma_wait3A_178 = arith.constant 0 : i32
        %dma_wait3A_179 = tpu.memref_slice %arg7[%add3A_121, %dma_wait3A_178] : memref<160000x2048xf32, #tpu.memory_space<hbm>> -> memref<8x2048xf32, #tpu.memory_space<hbm>>
        %dma_wait3A_180 = arith.constant 0 : i32
        %dma_wait3A_181 = arith.constant 0 : i32
        %dma_wait3A_182 = tpu.memref_slice %arg11[%run_scoped3A_123, %dma_wait3A_180, %dma_wait3A_181] : memref<2x8x2048xf32, #tpu.memory_space<vmem>> -> memref<1x8x2048xf32, #tpu.memory_space<vmem>>
        %dma_wait3A_183 = tpu.memref_squeeze %dma_wait3A_182 : memref<1x8x2048xf32, #tpu.memory_space<vmem>> -> memref<8x2048xf32, #tpu.memory_space<vmem>>
        tpu.wait_dma2 semaphore(%run_scoped3A_159 : memref<!tpu.dma_semaphore, #tpu.memory_space<semaphore_mem>>) src(%dma_wait3A_183 : memref<8x2048xf32, #tpu.memory_space<vmem>>) dst(%dma_wait3A_179 : memref<8x2048xf32, #tpu.memory_space<hbm>>)
        tpu.yield
      }) : () -> ()
      %add3A_124 = arith.constant 2 : i32
      %add3A_125 = arith.addi %mul3A_63, %add3A_124 : i32
      %lt3A = arith.constant 625 : i32
      %lt3A_126 = arith.cmpi slt, %add3A_125, %lt3A : i32
      %convert_element_type3A = arith.extui %lt3A_126 : i1 to i32
      %cond3A = arith.constant 0 : i32
      %cond3A_127 = arith.cmpi ne, %convert_element_type3A, %cond3A : i32
      scf.if %cond3A_127 {
        %add3A_159 = arith.constant 2 : i32
        %add3A_160 = arith.addi %mul3A_63, %add3A_159 : i32
        %mul3A_161 = arith.constant 8 : i32
        %mul3A_162 = arith.muli %add3A_160, %mul3A_161 : i32
        %add3A_163 = arith.addi %mul3A_2, %mul3A_162 : i32
        %run_scoped3A_164 = arith.constant 0 : i32
        "tpu.region"() ({
          %run_scoped3A_190 = tpu.sem_alloc : memref<!tpu.dma_semaphore, #tpu.memory_space<semaphore_mem>>
          %dma_start3A_191 = arith.constant 0 : i32
          %dma_start3A_192 = tpu.memref_slice %arg8[%run_scoped3A_164, %dma_start3A_191] : memref<2x8xi32, #tpu.memory_space<vmem>> -> memref<1x8xi32, #tpu.memory_space<vmem>>
          %dma_start3A_193 = tpu.memref_squeeze %dma_start3A_192 : memref<1x8xi32, #tpu.memory_space<vmem>> -> memref<8xi32, #tpu.memory_space<vmem>>
          %dma_start3A_194 = tpu.memref_slice %arg4[%add3A_163] : memref<160000xi32, #tpu.memory_space<hbm>> -> memref<8xi32, #tpu.memory_space<hbm>>
          %dma_start3A_195 = arith.constant 0 : i32
          %dma_start3A_196 = tpu.memref_slice %arg8[%run_scoped3A_164, %dma_start3A_195] : memref<2x8xi32, #tpu.memory_space<vmem>> -> memref<1x8xi32, #tpu.memory_space<vmem>>
          %dma_start3A_197 = tpu.memref_squeeze %dma_start3A_196 : memref<1x8xi32, #tpu.memory_space<vmem>> -> memref<8xi32, #tpu.memory_space<vmem>>
          %dma_start3A_198 = tpu.memref_slice %arg4[%add3A_163] : memref<160000xi32, #tpu.memory_space<hbm>> -> memref<8xi32, #tpu.memory_space<hbm>>
          tpu.enqueue_dma source(%dma_start3A_198 : memref<8xi32, #tpu.memory_space<hbm>>) target(%dma_start3A_197 : memref<8xi32, #tpu.memory_space<vmem>>) target_semaphore(%run_scoped3A_190 : memref<!tpu.dma_semaphore, #tpu.memory_space<semaphore_mem>>)
          %dma_wait3A_199 = arith.constant 0 : i32
          %dma_wait3A_200 = tpu.memref_slice %arg8[%run_scoped3A_164, %dma_wait3A_199] : memref<2x8xi32, #tpu.memory_space<vmem>> -> memref<1x8xi32, #tpu.memory_space<vmem>>
          %dma_wait3A_201 = tpu.memref_squeeze %dma_wait3A_200 : memref<1x8xi32, #tpu.memory_space<vmem>> -> memref<8xi32, #tpu.memory_space<vmem>>
          %dma_wait3A_202 = tpu.memref_slice %arg4[%add3A_163] : memref<160000xi32, #tpu.memory_space<hbm>> -> memref<8xi32, #tpu.memory_space<hbm>>
          %dma_wait3A_203 = arith.constant 0 : i32
          %dma_wait3A_204 = tpu.memref_slice %arg8[%run_scoped3A_164, %dma_wait3A_203] : memref<2x8xi32, #tpu.memory_space<vmem>> -> memref<1x8xi32, #tpu.memory_space<vmem>>
          %dma_wait3A_205 = tpu.memref_squeeze %dma_wait3A_204 : memref<1x8xi32, #tpu.memory_space<vmem>> -> memref<8xi32, #tpu.memory_space<vmem>>
          %dma_wait3A_206 = tpu.memref_slice %arg4[%add3A_163] : memref<160000xi32, #tpu.memory_space<hbm>> -> memref<8xi32, #tpu.memory_space<hbm>>
          tpu.wait_dma2 semaphore(%run_scoped3A_190 : memref<!tpu.dma_semaphore, #tpu.memory_space<semaphore_mem>>) src(%dma_wait3A_206 : memref<8xi32, #tpu.memory_space<hbm>>) dst(%dma_wait3A_205 : memref<8xi32, #tpu.memory_space<vmem>>)
          tpu.yield
        }) : () -> ()
        %run_scoped3A_165 = arith.constant 0 : i32
        "tpu.region"() ({
          %run_scoped3A_190 = tpu.sem_alloc : memref<!tpu.dma_semaphore, #tpu.memory_space<semaphore_mem>>
          %dma_start3A_191 = arith.constant 0 : i32
          %dma_start3A_192 = tpu.memref_slice %arg9[%run_scoped3A_165, %dma_start3A_191] : memref<2x8xi32, #tpu.memory_space<vmem>> -> memref<1x8xi32, #tpu.memory_space<vmem>>
          %dma_start3A_193 = tpu.memref_squeeze %dma_start3A_192 : memref<1x8xi32, #tpu.memory_space<vmem>> -> memref<8xi32, #tpu.memory_space<vmem>>
          %dma_start3A_194 = tpu.memref_slice %arg5[%add3A_163] : memref<160000xi32, #tpu.memory_space<hbm>> -> memref<8xi32, #tpu.memory_space<hbm>>
          %dma_start3A_195 = arith.constant 0 : i32
          %dma_start3A_196 = tpu.memref_slice %arg9[%run_scoped3A_165, %dma_start3A_195] : memref<2x8xi32, #tpu.memory_space<vmem>> -> memref<1x8xi32, #tpu.memory_space<vmem>>
          %dma_start3A_197 = tpu.memref_squeeze %dma_start3A_196 : memref<1x8xi32, #tpu.memory_space<vmem>> -> memref<8xi32, #tpu.memory_space<vmem>>
          %dma_start3A_198 = tpu.memref_slice %arg5[%add3A_163] : memref<160000xi32, #tpu.memory_space<hbm>> -> memref<8xi32, #tpu.memory_space<hbm>>
          tpu.enqueue_dma source(%dma_start3A_198 : memref<8xi32, #tpu.memory_space<hbm>>) target(%dma_start3A_197 : memref<8xi32, #tpu.memory_space<vmem>>) target_semaphore(%run_scoped3A_190 : memref<!tpu.dma_semaphore, #tpu.memory_space<semaphore_mem>>)
          %dma_wait3A_199 = arith.constant 0 : i32
          %dma_wait3A_200 = tpu.memref_slice %arg9[%run_scoped3A_165, %dma_wait3A_199] : memref<2x8xi32, #tpu.memory_space<vmem>> -> memref<1x8xi32, #tpu.memory_space<vmem>>
          %dma_wait3A_201 = tpu.memref_squeeze %dma_wait3A_200 : memref<1x8xi32, #tpu.memory_space<vmem>> -> memref<8xi32, #tpu.memory_space<vmem>>
          %dma_wait3A_202 = tpu.memref_slice %arg5[%add3A_163] : memref<160000xi32, #tpu.memory_space<hbm>> -> memref<8xi32, #tpu.memory_space<hbm>>
          %dma_wait3A_203 = arith.constant 0 : i32
          %dma_wait3A_204 = tpu.memref_slice %arg9[%run_scoped3A_165, %dma_wait3A_203] : memref<2x8xi32, #tpu.memory_space<vmem>> -> memref<1x8xi32, #tpu.memory_space<vmem>>
          %dma_wait3A_205 = tpu.memref_squeeze %dma_wait3A_204 : memref<1x8xi32, #tpu.memory_space<vmem>> -> memref<8xi32, #tpu.memory_space<vmem>>
          %dma_wait3A_206 = tpu.memref_slice %arg5[%add3A_163] : memref<160000xi32, #tpu.memory_space<hbm>> -> memref<8xi32, #tpu.memory_space<hbm>>
          tpu.wait_dma2 semaphore(%run_scoped3A_190 : memref<!tpu.dma_semaphore, #tpu.memory_space<semaphore_mem>>) src(%dma_wait3A_206 : memref<8xi32, #tpu.memory_space<hbm>>) dst(%dma_wait3A_205 : memref<8xi32, #tpu.memory_space<vmem>>)
          tpu.yield
        }) : () -> ()
        %dma_start3A_166 = arith.constant 0 : i32
        %dma_start3A_167 = arith.constant 0 : i32
        %dma_start3A_168 = arith.constant 0 : i32
        %dma_start3A_169 = arith.constant 0 : i32
        %dma_start3A_170 = tpu.memref_slice %arg10[%dma_start3A_167, %dma_start3A_168, %dma_start3A_169] : memref<2x8x2048xf32, #tpu.memory_space<vmem>> -> memref<1x8x2048xf32, #tpu.memory_space<vmem>>
        %dma_start3A_171 = tpu.memref_squeeze %dma_start3A_170 : memref<1x8x2048xf32, #tpu.memory_space<vmem>> -> memref<8x2048xf32, #tpu.memory_space<vmem>>
        %dma_start3A_172 = arith.constant 0 : i32
        %dma_start3A_173 = tpu.memref_slice %arg8[%dma_start3A_166, %dma_start3A_172] : memref<2x8xi32, #tpu.memory_space<vmem>> -> memref<1x8xi32, #tpu.memory_space<vmem>>
        %dma_start3A_174 = tpu.memref_squeeze %dma_start3A_173 : memref<1x8xi32, #tpu.memory_space<vmem>> -> memref<8xi32, #tpu.memory_space<vmem>>
        %dma_start3A_175 = arith.constant 0 : i32
        %dma_start3A_176 = arith.constant 0 : i32
        %dma_start3A_177 = tpu.memref_slice %arg2[%dma_start3A_175, %dma_start3A_176] : memref<10000x2048xf32, #tpu.memory_space<hbm>> -> memref<10000x2048xf32, #tpu.memory_space<hbm>>
        tpu.enqueue_indirect_dma source(%dma_start3A_177 : memref<10000x2048xf32, #tpu.memory_space<hbm>>) target(%dma_start3A_171 : memref<8x2048xf32, #tpu.memory_space<vmem>>) offsets(%dma_start3A_174 : memref<8xi32, #tpu.memory_space<vmem>>) semaphore(%arg12 : memref<!tpu.dma_semaphore, #tpu.memory_space<semaphore_mem>>)
        %dma_start3A_178 = arith.constant 0 : i32
        %dma_start3A_179 = arith.constant 0 : i32
        %dma_start3A_180 = arith.constant 0 : i32
        %dma_start3A_181 = arith.constant 0 : i32
        %dma_start3A_182 = tpu.memref_slice %arg11[%dma_start3A_179, %dma_start3A_180, %dma_start3A_181] : memref<2x8x2048xf32, #tpu.memory_space<vmem>> -> memref<1x8x2048xf32, #tpu.memory_space<vmem>>
        %dma_start3A_183 = tpu.memref_squeeze %dma_start3A_182 : memref<1x8x2048xf32, #tpu.memory_space<vmem>> -> memref<8x2048xf32, #tpu.memory_space<vmem>>
        %dma_start3A_184 = arith.constant 0 : i32
        %dma_start3A_185 = tpu.memref_slice %arg9[%dma_start3A_178, %dma_start3A_184] : memref<2x8xi32, #tpu.memory_space<vmem>> -> memref<1x8xi32, #tpu.memory_space<vmem>>
        %dma_start3A_186 = tpu.memref_squeeze %dma_start3A_185 : memref<1x8xi32, #tpu.memory_space<vmem>> -> memref<8xi32, #tpu.memory_space<vmem>>
        %dma_start3A_187 = arith.constant 0 : i32
        %dma_start3A_188 = arith.constant 0 : i32
        %dma_start3A_189 = tpu.memref_slice %arg3[%dma_start3A_187, %dma_start3A_188] : memref<10000x2048xf32, #tpu.memory_space<hbm>> -> memref<10000x2048xf32, #tpu.memory_space<hbm>>
        tpu.enqueue_indirect_dma source(%dma_start3A_189 : memref<10000x2048xf32, #tpu.memory_space<hbm>>) target(%dma_start3A_183 : memref<8x2048xf32, #tpu.memory_space<vmem>>) offsets(%dma_start3A_186 : memref<8xi32, #tpu.memory_space<vmem>>) semaphore(%arg12 : memref<!tpu.dma_semaphore, #tpu.memory_space<semaphore_mem>>)
      } else {
      }
      %add3A_128 = arith.constant 1 : i32
      %add3A_129 = arith.addi %mul3A_63, %add3A_128 : i32
      %dma_wait3A_130 = arith.constant 1 : i32
      %dma_wait3A_131 = arith.constant 1 : i32
      %dma_wait3A_132 = arith.constant 0 : i32
      %dma_wait3A_133 = arith.constant 0 : i32
      %dma_wait3A_134 = tpu.memref_slice %arg10[%dma_wait3A_131, %dma_wait3A_132, %dma_wait3A_133] : memref<2x8x2048xf32, #tpu.memory_space<vmem>> -> memref<1x8x2048xf32, #tpu.memory_space<vmem>>
      %dma_wait3A_135 = tpu.memref_squeeze %dma_wait3A_134 : memref<1x8x2048xf32, #tpu.memory_space<vmem>> -> memref<8x2048xf32, #tpu.memory_space<vmem>>
      %dma_wait3A_136 = arith.constant 0 : i32
      %dma_wait3A_137 = tpu.memref_slice %arg8[%dma_wait3A_130, %dma_wait3A_136] : memref<2x8xi32, #tpu.memory_space<vmem>> -> memref<1x8xi32, #tpu.memory_space<vmem>>
      %dma_wait3A_138 = tpu.memref_squeeze %dma_wait3A_137 : memref<1x8xi32, #tpu.memory_space<vmem>> -> memref<8xi32, #tpu.memory_space<vmem>>
      %dma_wait3A_139 = arith.constant 0 : i32
      %dma_wait3A_140 = arith.constant 0 : i32
      %dma_wait3A_141 = tpu.memref_slice %arg2[%dma_wait3A_139, %dma_wait3A_140] : memref<10000x2048xf32, #tpu.memory_space<hbm>> -> memref<10000x2048xf32, #tpu.memory_space<hbm>>
      tpu.wait_indirect_dma semaphore(%arg13 : memref<!tpu.dma_semaphore, #tpu.memory_space<semaphore_mem>>) src(%dma_wait3A_141 : memref<10000x2048xf32, #tpu.memory_space<hbm>>) dst(%dma_wait3A_135 : memref<8x2048xf32, #tpu.memory_space<vmem>>)
      %dma_wait3A_142 = arith.constant 1 : i32
      %dma_wait3A_143 = arith.constant 1 : i32
      %dma_wait3A_144 = arith.constant 0 : i32
      %dma_wait3A_145 = arith.constant 0 : i32
      %dma_wait3A_146 = tpu.memref_slice %arg11[%dma_wait3A_143, %dma_wait3A_144, %dma_wait3A_145] : memref<2x8x2048xf32, #tpu.memory_space<vmem>> -> memref<1x8x2048xf32, #tpu.memory_space<vmem>>
      %dma_wait3A_147 = tpu.memref_squeeze %dma_wait3A_146 : memref<1x8x2048xf32, #tpu.memory_space<vmem>> -> memref<8x2048xf32, #tpu.memory_space<vmem>>
      %dma_wait3A_148 = arith.constant 0 : i32
      %dma_wait3A_149 = tpu.memref_slice %arg9[%dma_wait3A_142, %dma_wait3A_148] : memref<2x8xi32, #tpu.memory_space<vmem>> -> memref<1x8xi32, #tpu.memory_space<vmem>>
      %dma_wait3A_150 = tpu.memref_squeeze %dma_wait3A_149 : memref<1x8xi32, #tpu.memory_space<vmem>> -> memref<8xi32, #tpu.memory_space<vmem>>
      %dma_wait3A_151 = arith.constant 0 : i32
      %dma_wait3A_152 = arith.constant 0 : i32
      %dma_wait3A_153 = tpu.memref_slice %arg3[%dma_wait3A_151, %dma_wait3A_152] : memref<10000x2048xf32, #tpu.memory_space<hbm>> -> memref<10000x2048xf32, #tpu.memory_space<hbm>>
      tpu.wait_indirect_dma semaphore(%arg13 : memref<!tpu.dma_semaphore, #tpu.memory_space<semaphore_mem>>) src(%dma_wait3A_153 : memref<10000x2048xf32, #tpu.memory_space<hbm>>) dst(%dma_wait3A_147 : memref<8x2048xf32, #tpu.memory_space<vmem>>)
      %mul3A_154 = arith.constant 8 : i32
      %mul3A_155 = arith.muli %add3A_129, %mul3A_154 : i32
      %add3A_156 = arith.addi %mul3A_2, %mul3A_155 : i32
      %run_scoped3A_157 = arith.constant 1 : i32
      "tpu.region"() ({
        %run_scoped3A_159 = tpu.sem_alloc : memref<!tpu.dma_semaphore, #tpu.memory_space<semaphore_mem>>
        %dma_start3A_160 = arith.constant 0 : i32
        %dma_start3A_161 = arith.constant 0 : i32
        %dma_start3A_162 = tpu.memref_slice %arg10[%run_scoped3A_157, %dma_start3A_160, %dma_start3A_161] : memref<2x8x2048xf32, #tpu.memory_space<vmem>> -> memref<1x8x2048xf32, #tpu.memory_space<vmem>>
        %dma_start3A_163 = tpu.memref_squeeze %dma_start3A_162 : memref<1x8x2048xf32, #tpu.memory_space<vmem>> -> memref<8x2048xf32, #tpu.memory_space<vmem>>
        %dma_start3A_164 = arith.constant 0 : i32
        %dma_start3A_165 = tpu.memref_slice %arg6[%add3A_156, %dma_start3A_164] : memref<160000x2048xf32, #tpu.memory_space<hbm>> -> memref<8x2048xf32, #tpu.memory_space<hbm>>
        %dma_start3A_166 = arith.constant 0 : i32
        %dma_start3A_167 = tpu.memref_slice %arg6[%add3A_156, %dma_start3A_166] : memref<160000x2048xf32, #tpu.memory_space<hbm>> -> memref<8x2048xf32, #tpu.memory_space<hbm>>
        %dma_start3A_168 = arith.constant 0 : i32
        %dma_start3A_169 = arith.constant 0 : i32
        %dma_start3A_170 = tpu.memref_slice %arg10[%run_scoped3A_157, %dma_start3A_168, %dma_start3A_169] : memref<2x8x2048xf32, #tpu.memory_space<vmem>> -> memref<1x8x2048xf32, #tpu.memory_space<vmem>>
        %dma_start3A_171 = tpu.memref_squeeze %dma_start3A_170 : memref<1x8x2048xf32, #tpu.memory_space<vmem>> -> memref<8x2048xf32, #tpu.memory_space<vmem>>
        tpu.enqueue_dma source(%dma_start3A_171 : memref<8x2048xf32, #tpu.memory_space<vmem>>) target(%dma_start3A_167 : memref<8x2048xf32, #tpu.memory_space<hbm>>) target_semaphore(%run_scoped3A_159 : memref<!tpu.dma_semaphore, #tpu.memory_space<semaphore_mem>>)
        %dma_wait3A_172 = arith.constant 0 : i32
        %dma_wait3A_173 = arith.constant 0 : i32
        %dma_wait3A_174 = tpu.memref_slice %arg10[%run_scoped3A_157, %dma_wait3A_172, %dma_wait3A_173] : memref<2x8x2048xf32, #tpu.memory_space<vmem>> -> memref<1x8x2048xf32, #tpu.memory_space<vmem>>
        %dma_wait3A_175 = tpu.memref_squeeze %dma_wait3A_174 : memref<1x8x2048xf32, #tpu.memory_space<vmem>> -> memref<8x2048xf32, #tpu.memory_space<vmem>>
        %dma_wait3A_176 = arith.constant 0 : i32
        %dma_wait3A_177 = tpu.memref_slice %arg6[%add3A_156, %dma_wait3A_176] : memref<160000x2048xf32, #tpu.memory_space<hbm>> -> memref<8x2048xf32, #tpu.memory_space<hbm>>
        %dma_wait3A_178 = arith.constant 0 : i32
        %dma_wait3A_179 = tpu.memref_slice %arg6[%add3A_156, %dma_wait3A_178] : memref<160000x2048xf32, #tpu.memory_space<hbm>> -> memref<8x2048xf32, #tpu.memory_space<hbm>>
        %dma_wait3A_180 = arith.constant 0 : i32
        %dma_wait3A_181 = arith.constant 0 : i32
        %dma_wait3A_182 = tpu.memref_slice %arg10[%run_scoped3A_157, %dma_wait3A_180, %dma_wait3A_181] : memref<2x8x2048xf32, #tpu.memory_space<vmem>> -> memref<1x8x2048xf32, #tpu.memory_space<vmem>>
        %dma_wait3A_183 = tpu.memref_squeeze %dma_wait3A_182 : memref<1x8x2048xf32, #tpu.memory_space<vmem>> -> memref<8x2048xf32, #tpu.memory_space<vmem>>
        tpu.wait_dma2 semaphore(%run_scoped3A_159 : memref<!tpu.dma_semaphore, #tpu.memory_space<semaphore_mem>>) src(%dma_wait3A_183 : memref<8x2048xf32, #tpu.memory_space<vmem>>) dst(%dma_wait3A_179 : memref<8x2048xf32, #tpu.memory_space<hbm>>)
        tpu.yield
      }) : () -> ()
      %run_scoped3A_158 = arith.constant 1 : i32
      "tpu.region"() ({
        %run_scoped3A_159 = tpu.sem_alloc : memref<!tpu.dma_semaphore, #tpu.memory_space<semaphore_mem>>
        %dma_start3A_160 = arith.constant 0 : i32
        %dma_start3A_161 = arith.constant 0 : i32
        %dma_start3A_162 = tpu.memref_slice %arg11[%run_scoped3A_158, %dma_start3A_160, %dma_start3A_161] : memref<2x8x2048xf32, #tpu.memory_space<vmem>> -> memref<1x8x2048xf32, #tpu.memory_space<vmem>>
        %dma_start3A_163 = tpu.memref_squeeze %dma_start3A_162 : memref<1x8x2048xf32, #tpu.memory_space<vmem>> -> memref<8x2048xf32, #tpu.memory_space<vmem>>
        %dma_start3A_164 = arith.constant 0 : i32
        %dma_start3A_165 = tpu.memref_slice %arg7[%add3A_156, %dma_start3A_164] : memref<160000x2048xf32, #tpu.memory_space<hbm>> -> memref<8x2048xf32, #tpu.memory_space<hbm>>
        %dma_start3A_166 = arith.constant 0 : i32
        %dma_start3A_167 = tpu.memref_slice %arg7[%add3A_156, %dma_start3A_166] : memref<160000x2048xf32, #tpu.memory_space<hbm>> -> memref<8x2048xf32, #tpu.memory_space<hbm>>
        %dma_start3A_168 = arith.constant 0 : i32
        %dma_start3A_169 = arith.constant 0 : i32
        %dma_start3A_170 = tpu.memref_slice %arg11[%run_scoped3A_158, %dma_start3A_168, %dma_start3A_169] : memref<2x8x2048xf32, #tpu.memory_space<vmem>> -> memref<1x8x2048xf32, #tpu.memory_space<vmem>>
        %dma_start3A_171 = tpu.memref_squeeze %dma_start3A_170 : memref<1x8x2048xf32, #tpu.memory_space<vmem>> -> memref<8x2048xf32, #tpu.memory_space<vmem>>
        tpu.enqueue_dma source(%dma_start3A_171 : memref<8x2048xf32, #tpu.memory_space<vmem>>) target(%dma_start3A_167 : memref<8x2048xf32, #tpu.memory_space<hbm>>) target_semaphore(%run_scoped3A_159 : memref<!tpu.dma_semaphore, #tpu.memory_space<semaphore_mem>>)
        %dma_wait3A_172 = arith.constant 0 : i32
        %dma_wait3A_173 = arith.constant 0 : i32
        %dma_wait3A_174 = tpu.memref_slice %arg11[%run_scoped3A_158, %dma_wait3A_172, %dma_wait3A_173] : memref<2x8x2048xf32, #tpu.memory_space<vmem>> -> memref<1x8x2048xf32, #tpu.memory_space<vmem>>
        %dma_wait3A_175 = tpu.memref_squeeze %dma_wait3A_174 : memref<1x8x2048xf32, #tpu.memory_space<vmem>> -> memref<8x2048xf32, #tpu.memory_space<vmem>>
        %dma_wait3A_176 = arith.constant 0 : i32
        %dma_wait3A_177 = tpu.memref_slice %arg7[%add3A_156, %dma_wait3A_176] : memref<160000x2048xf32, #tpu.memory_space<hbm>> -> memref<8x2048xf32, #tpu.memory_space<hbm>>
        %dma_wait3A_178 = arith.constant 0 : i32
        %dma_wait3A_179 = tpu.memref_slice %arg7[%add3A_156, %dma_wait3A_178] : memref<160000x2048xf32, #tpu.memory_space<hbm>> -> memref<8x2048xf32, #tpu.memory_space<hbm>>
        %dma_wait3A_180 = arith.constant 0 : i32
        %dma_wait3A_181 = arith.constant 0 : i32
        %dma_wait3A_182 = tpu.memref_slice %arg11[%run_scoped3A_158, %dma_wait3A_180, %dma_wait3A_181] : memref<2x8x2048xf32, #tpu.memory_space<vmem>> -> memref<1x8x2048xf32, #tpu.memory_space<vmem>>
        %dma_wait3A_183 = tpu.memref_squeeze %dma_wait3A_182 : memref<1x8x2048xf32, #tpu.memory_space<vmem>> -> memref<8x2048xf32, #tpu.memory_space<vmem>>
        tpu.wait_dma2 semaphore(%run_scoped3A_159 : memref<!tpu.dma_semaphore, #tpu.memory_space<semaphore_mem>>) src(%dma_wait3A_183 : memref<8x2048xf32, #tpu.memory_space<vmem>>) dst(%dma_wait3A_179 : memref<8x2048xf32, #tpu.memory_space<hbm>>)
        tpu.yield
      }) : () -> ()
    }
    %scan3A_33 = arith.constant 312 : i32
    %dma_wait3A = arith.constant 0 : i32
    %dma_wait3A_34 = arith.constant 0 : i32
    %dma_wait3A_35 = arith.constant 0 : i32
    %dma_wait3A_36 = arith.constant 0 : i32
    %dma_wait3A_37 = tpu.memref_slice %arg10[%dma_wait3A_34, %dma_wait3A_35, %dma_wait3A_36] : memref<2x8x2048xf32, #tpu.memory_space<vmem>> -> memref<1x8x2048xf32, #tpu.memory_space<vmem>>
    %dma_wait3A_38 = tpu.memref_squeeze %dma_wait3A_37 : memref<1x8x2048xf32, #tpu.memory_space<vmem>> -> memref<8x2048xf32, #tpu.memory_space<vmem>>
    %dma_wait3A_39 = arith.constant 0 : i32
    %dma_wait3A_40 = tpu.memref_slice %arg8[%dma_wait3A, %dma_wait3A_39] : memref<2x8xi32, #tpu.memory_space<vmem>> -> memref<1x8xi32, #tpu.memory_space<vmem>>
    %dma_wait3A_41 = tpu.memref_squeeze %dma_wait3A_40 : memref<1x8xi32, #tpu.memory_space<vmem>> -> memref<8xi32, #tpu.memory_space<vmem>>
    %dma_wait3A_42 = arith.constant 0 : i32
    %dma_wait3A_43 = arith.constant 0 : i32
    %dma_wait3A_44 = tpu.memref_slice %arg2[%dma_wait3A_42, %dma_wait3A_43] : memref<10000x2048xf32, #tpu.memory_space<hbm>> -> memref<10000x2048xf32, #tpu.memory_space<hbm>>
    tpu.wait_indirect_dma semaphore(%arg12 : memref<!tpu.dma_semaphore, #tpu.memory_space<semaphore_mem>>) src(%dma_wait3A_44 : memref<10000x2048xf32, #tpu.memory_space<hbm>>) dst(%dma_wait3A_38 : memref<8x2048xf32, #tpu.memory_space<vmem>>)
    %dma_wait3A_45 = arith.constant 0 : i32
    %dma_wait3A_46 = arith.constant 0 : i32
    %dma_wait3A_47 = arith.constant 0 : i32
    %dma_wait3A_48 = arith.constant 0 : i32
    %dma_wait3A_49 = tpu.memref_slice %arg11[%dma_wait3A_46, %dma_wait3A_47, %dma_wait3A_48] : memref<2x8x2048xf32, #tpu.memory_space<vmem>> -> memref<1x8x2048xf32, #tpu.memory_space<vmem>>
    %dma_wait3A_50 = tpu.memref_squeeze %dma_wait3A_49 : memref<1x8x2048xf32, #tpu.memory_space<vmem>> -> memref<8x2048xf32, #tpu.memory_space<vmem>>
    %dma_wait3A_51 = arith.constant 0 : i32
    %dma_wait3A_52 = tpu.memref_slice %arg9[%dma_wait3A_45, %dma_wait3A_51] : memref<2x8xi32, #tpu.memory_space<vmem>> -> memref<1x8xi32, #tpu.memory_space<vmem>>
    %dma_wait3A_53 = tpu.memref_squeeze %dma_wait3A_52 : memref<1x8xi32, #tpu.memory_space<vmem>> -> memref<8xi32, #tpu.memory_space<vmem>>
    %dma_wait3A_54 = arith.constant 0 : i32
    %dma_wait3A_55 = arith.constant 0 : i32
    %dma_wait3A_56 = tpu.memref_slice %arg3[%dma_wait3A_54, %dma_wait3A_55] : memref<10000x2048xf32, #tpu.memory_space<hbm>> -> memref<10000x2048xf32, #tpu.memory_space<hbm>>
    tpu.wait_indirect_dma semaphore(%arg12 : memref<!tpu.dma_semaphore, #tpu.memory_space<semaphore_mem>>) src(%dma_wait3A_56 : memref<10000x2048xf32, #tpu.memory_space<hbm>>) dst(%dma_wait3A_50 : memref<8x2048xf32, #tpu.memory_space<vmem>>)
    %add3A_57 = arith.constant 4992 : i32
    %add3A_58 = arith.addi %mul3A_2, %add3A_57 : i32
    %run_scoped3A_59 = arith.constant 0 : i32
    "tpu.region"() ({
      %run_scoped3A_61 = tpu.sem_alloc : memref<!tpu.dma_semaphore, #tpu.memory_space<semaphore_mem>>
      %dma_start3A_62 = arith.constant 0 : i32
      %dma_start3A_63 = arith.constant 0 : i32
      %dma_start3A_64 = tpu.memref_slice %arg10[%run_scoped3A_59, %dma_start3A_62, %dma_start3A_63] : memref<2x8x2048xf32, #tpu.memory_space<vmem>> -> memref<1x8x2048xf32, #tpu.memory_space<vmem>>
      %dma_start3A_65 = tpu.memref_squeeze %dma_start3A_64 : memref<1x8x2048xf32, #tpu.memory_space<vmem>> -> memref<8x2048xf32, #tpu.memory_space<vmem>>
      %dma_start3A_66 = arith.constant 0 : i32
      %dma_start3A_67 = tpu.memref_slice %arg6[%add3A_58, %dma_start3A_66] : memref<160000x2048xf32, #tpu.memory_space<hbm>> -> memref<8x2048xf32, #tpu.memory_space<hbm>>
      %dma_start3A_68 = arith.constant 0 : i32
      %dma_start3A_69 = tpu.memref_slice %arg6[%add3A_58, %dma_start3A_68] : memref<160000x2048xf32, #tpu.memory_space<hbm>> -> memref<8x2048xf32, #tpu.memory_space<hbm>>
      %dma_start3A_70 = arith.constant 0 : i32
      %dma_start3A_71 = arith.constant 0 : i32
      %dma_start3A_72 = tpu.memref_slice %arg10[%run_scoped3A_59, %dma_start3A_70, %dma_start3A_71] : memref<2x8x2048xf32, #tpu.memory_space<vmem>> -> memref<1x8x2048xf32, #tpu.memory_space<vmem>>
      %dma_start3A_73 = tpu.memref_squeeze %dma_start3A_72 : memref<1x8x2048xf32, #tpu.memory_space<vmem>> -> memref<8x2048xf32, #tpu.memory_space<vmem>>
      tpu.enqueue_dma source(%dma_start3A_73 : memref<8x2048xf32, #tpu.memory_space<vmem>>) target(%dma_start3A_69 : memref<8x2048xf32, #tpu.memory_space<hbm>>) target_semaphore(%run_scoped3A_61 : memref<!tpu.dma_semaphore, #tpu.memory_space<semaphore_mem>>)
      %dma_wait3A_74 = arith.constant 0 : i32
      %dma_wait3A_75 = arith.constant 0 : i32
      %dma_wait3A_76 = tpu.memref_slice %arg10[%run_scoped3A_59, %dma_wait3A_74, %dma_wait3A_75] : memref<2x8x2048xf32, #tpu.memory_space<vmem>> -> memref<1x8x2048xf32, #tpu.memory_space<vmem>>
      %dma_wait3A_77 = tpu.memref_squeeze %dma_wait3A_76 : memref<1x8x2048xf32, #tpu.memory_space<vmem>> -> memref<8x2048xf32, #tpu.memory_space<vmem>>
      %dma_wait3A_78 = arith.constant 0 : i32
      %dma_wait3A_79 = tpu.memref_slice %arg6[%add3A_58, %dma_wait3A_78] : memref<160000x2048xf32, #tpu.memory_space<hbm>> -> memref<8x2048xf32, #tpu.memory_space<hbm>>
      %dma_wait3A_80 = arith.constant 0 : i32
      %dma_wait3A_81 = tpu.memref_slice %arg6[%add3A_58, %dma_wait3A_80] : memref<160000x2048xf32, #tpu.memory_space<hbm>> -> memref<8x2048xf32, #tpu.memory_space<hbm>>
      %dma_wait3A_82 = arith.constant 0 : i32
      %dma_wait3A_83 = arith.constant 0 : i32
      %dma_wait3A_84 = tpu.memref_slice %arg10[%run_scoped3A_59, %dma_wait3A_82, %dma_wait3A_83] : memref<2x8x2048xf32, #tpu.memory_space<vmem>> -> memref<1x8x2048xf32, #tpu.memory_space<vmem>>
      %dma_wait3A_85 = tpu.memref_squeeze %dma_wait3A_84 : memref<1x8x2048xf32, #tpu.memory_space<vmem>> -> memref<8x2048xf32, #tpu.memory_space<vmem>>
      tpu.wait_dma2 semaphore(%run_scoped3A_61 : memref<!tpu.dma_semaphore, #tpu.memory_space<semaphore_mem>>) src(%dma_wait3A_85 : memref<8x2048xf32, #tpu.memory_space<vmem>>) dst(%dma_wait3A_81 : memref<8x2048xf32, #tpu.memory_space<hbm>>)
      tpu.yield
    }) : () -> ()
    %run_scoped3A_60 = arith.constant 0 : i32
    "tpu.region"() ({
      %run_scoped3A_61 = tpu.sem_alloc : memref<!tpu.dma_semaphore, #tpu.memory_space<semaphore_mem>>
      %dma_start3A_62 = arith.constant 0 : i32
      %dma_start3A_63 = arith.constant 0 : i32
      %dma_start3A_64 = tpu.memref_slice %arg11[%run_scoped3A_60, %dma_start3A_62, %dma_start3A_63] : memref<2x8x2048xf32, #tpu.memory_space<vmem>> -> memref<1x8x2048xf32, #tpu.memory_space<vmem>>
      %dma_start3A_65 = tpu.memref_squeeze %dma_start3A_64 : memref<1x8x2048xf32, #tpu.memory_space<vmem>> -> memref<8x2048xf32, #tpu.memory_space<vmem>>
      %dma_start3A_66 = arith.constant 0 : i32
      %dma_start3A_67 = tpu.memref_slice %arg7[%add3A_58, %dma_start3A_66] : memref<160000x2048xf32, #tpu.memory_space<hbm>> -> memref<8x2048xf32, #tpu.memory_space<hbm>>
      %dma_start3A_68 = arith.constant 0 : i32
      %dma_start3A_69 = tpu.memref_slice %arg7[%add3A_58, %dma_start3A_68] : memref<160000x2048xf32, #tpu.memory_space<hbm>> -> memref<8x2048xf32, #tpu.memory_space<hbm>>
      %dma_start3A_70 = arith.constant 0 : i32
      %dma_start3A_71 = arith.constant 0 : i32
      %dma_start3A_72 = tpu.memref_slice %arg11[%run_scoped3A_60, %dma_start3A_70, %dma_start3A_71] : memref<2x8x2048xf32, #tpu.memory_space<vmem>> -> memref<1x8x2048xf32, #tpu.memory_space<vmem>>
      %dma_start3A_73 = tpu.memref_squeeze %dma_start3A_72 : memref<1x8x2048xf32, #tpu.memory_space<vmem>> -> memref<8x2048xf32, #tpu.memory_space<vmem>>
      tpu.enqueue_dma source(%dma_start3A_73 : memref<8x2048xf32, #tpu.memory_space<vmem>>) target(%dma_start3A_69 : memref<8x2048xf32, #tpu.memory_space<hbm>>) target_semaphore(%run_scoped3A_61 : memref<!tpu.dma_semaphore, #tpu.memory_space<semaphore_mem>>)
      %dma_wait3A_74 = arith.constant 0 : i32
      %dma_wait3A_75 = arith.constant 0 : i32
      %dma_wait3A_76 = tpu.memref_slice %arg11[%run_scoped3A_60, %dma_wait3A_74, %dma_wait3A_75] : memref<2x8x2048xf32, #tpu.memory_space<vmem>> -> memref<1x8x2048xf32, #tpu.memory_space<vmem>>
      %dma_wait3A_77 = tpu.memref_squeeze %dma_wait3A_76 : memref<1x8x2048xf32, #tpu.memory_space<vmem>> -> memref<8x2048xf32, #tpu.memory_space<vmem>>
      %dma_wait3A_78 = arith.constant 0 : i32
      %dma_wait3A_79 = tpu.memref_slice %arg7[%add3A_58, %dma_wait3A_78] : memref<160000x2048xf32, #tpu.memory_space<hbm>> -> memref<8x2048xf32, #tpu.memory_space<hbm>>
      %dma_wait3A_80 = arith.constant 0 : i32
      %dma_wait3A_81 = tpu.memref_slice %arg7[%add3A_58, %dma_wait3A_80] : memref<160000x2048xf32, #tpu.memory_space<hbm>> -> memref<8x2048xf32, #tpu.memory_space<hbm>>
      %dma_wait3A_82 = arith.constant 0 : i32
      %dma_wait3A_83 = arith.constant 0 : i32
      %dma_wait3A_84 = tpu.memref_slice %arg11[%run_scoped3A_60, %dma_wait3A_82, %dma_wait3A_83] : memref<2x8x2048xf32, #tpu.memory_space<vmem>> -> memref<1x8x2048xf32, #tpu.memory_space<vmem>>
      %dma_wait3A_85 = tpu.memref_squeeze %dma_wait3A_84 : memref<1x8x2048xf32, #tpu.memory_space<vmem>> -> memref<8x2048xf32, #tpu.memory_space<vmem>>
      tpu.wait_dma2 semaphore(%run_scoped3A_61 : memref<!tpu.dma_semaphore, #tpu.memory_space<semaphore_mem>>) src(%dma_wait3A_85 : memref<8x2048xf32, #tpu.memory_space<vmem>>) dst(%dma_wait3A_81 : memref<8x2048xf32, #tpu.memory_space<hbm>>)
      tpu.yield
    }) : () -> ()
    return
  }
}

#map = affine_map<(d0, d1) -> (0, 0)>
#map1 = affine_map<(d0, d1) -> (0)>
module attributes {stable_mosaic.version = 14 : i64} {
  func.func @k(%arg0: i32, %arg1: i32, %arg2: memref<160000x1024xf32, #tpu.memory_space<hbm>>, %arg3: memref<160000xi32, #tpu.memory_space<hbm>>, %arg4: memref<640x128xf32, #tpu.memory_space<hbm>>, %arg5: memref<10000x1024xf32, #tpu.memory_space<hbm>>, %arg6: memref<80xi32, #tpu.memory_space<vmem>>, %arg7: memref<80xi32, #tpu.memory_space<vmem>>, %arg8: memref<80x128xf32, #tpu.memory_space<vmem>>, %arg9: memref<80x128xf32, #tpu.memory_space<vmem>>, %arg10: memref<10240x128xf32, #tpu.memory_space<vmem_shared>>, %arg11: memref<!tpu.dma_semaphore, #tpu.memory_space<semaphore_mem>>, %arg12: memref<!tpu.dma_semaphore, #tpu.memory_space<semaphore_mem>>) attributes {dimension_semantics = [#tpu.dimension_semantics<core_parallel>, #tpu.dimension_semantics<subcore_parallel>], iteration_bounds = array<i64: 2, 16>, scalar_prefetch = 0 : i64, scratch_operands = 7 : i64, tpu.core_type = #tpu.core_type<sc_vector_subcore>, window_params = [{transform_indices = #map}, {transform_indices = #map1}, {transform_indices = #map}, {transform_indices = #map}]} {
    %mul3A = arith.constant 4 : i32
    %mul3A_0 = arith.muli %arg0, %mul3A : i32
    %add3A = arith.constant 0 : i32
    %add3A_1 = arith.addi %mul3A_0, %add3A : i32
    %mul3A_2 = arith.constant 128 : i32
    %mul3A_3 = arith.muli %add3A_1, %mul3A_2 : i32
    %mul3A_4 = arith.constant 640 : i32
    %mul3A_5 = arith.muli %arg1, %mul3A_4 : i32
    "tpu.region"() ({
      %run_scoped3A = tpu.sem_alloc : memref<!tpu.dma_semaphore, #tpu.memory_space<semaphore_mem>>
      %dma_start3A_159 = arith.constant 0 : i32
      %dma_start3A_160 = tpu.memref_slice %arg10[%mul3A_5, %dma_start3A_159] : memref<10240x128xf32, #tpu.memory_space<vmem_shared>> -> memref<640x128xf32, #tpu.memory_space<vmem_shared>>
      tpu.enqueue_dma source(%arg4 : memref<640x128xf32, #tpu.memory_space<hbm>>) target(%dma_start3A_160 : memref<640x128xf32, #tpu.memory_space<vmem_shared>>) target_semaphore(%run_scoped3A : memref<!tpu.dma_semaphore, #tpu.memory_space<semaphore_mem>>)
      %dma_wait3A_161 = arith.constant 0 : i32
      %dma_wait3A_162 = tpu.memref_slice %arg10[%mul3A_5, %dma_wait3A_161] : memref<10240x128xf32, #tpu.memory_space<vmem_shared>> -> memref<640x128xf32, #tpu.memory_space<vmem_shared>>
      tpu.wait_dma2 semaphore(%run_scoped3A : memref<!tpu.dma_semaphore, #tpu.memory_space<semaphore_mem>>) src(%arg4 : memref<640x128xf32, #tpu.memory_space<hbm>>) dst(%dma_wait3A_162 : memref<640x128xf32, #tpu.memory_space<vmem_shared>>)
      tpu.yield
    }) : () -> ()
    %barrier3A = arith.constant 0 : index
    tpu.barrier barrier_id(%barrier3A)
    %mul3A_6 = arith.constant 10000 : i32
    %mul3A_7 = arith.muli %arg1, %mul3A_6 : i32
    %add3A_8 = arith.constant 0 : i32
    %add3A_9 = arith.addi %mul3A_7, %add3A_8 : i32
    %dma_start3A = tpu.memref_slice %arg3[%add3A_9] : memref<160000xi32, #tpu.memory_space<hbm>> -> memref<80xi32, #tpu.memory_space<hbm>>
    %dma_start3A_10 = tpu.memref_slice %arg3[%add3A_9] : memref<160000xi32, #tpu.memory_space<hbm>> -> memref<80xi32, #tpu.memory_space<hbm>>
    tpu.enqueue_dma source(%dma_start3A_10 : memref<80xi32, #tpu.memory_space<hbm>>) target(%arg6 : memref<80xi32, #tpu.memory_space<vmem>>) target_semaphore(%arg11 : memref<!tpu.dma_semaphore, #tpu.memory_space<semaphore_mem>>)
    %dma_start3A_11 = tpu.memref_slice %arg2[%add3A_9, %mul3A_3] : memref<160000x1024xf32, #tpu.memory_space<hbm>> -> memref<80x128xf32, #tpu.memory_space<hbm>>
    %dma_start3A_12 = tpu.memref_slice %arg2[%add3A_9, %mul3A_3] : memref<160000x1024xf32, #tpu.memory_space<hbm>> -> memref<80x128xf32, #tpu.memory_space<hbm>>
    tpu.enqueue_dma source(%dma_start3A_12 : memref<80x128xf32, #tpu.memory_space<hbm>>) target(%arg8 : memref<80x128xf32, #tpu.memory_space<vmem>>) target_semaphore(%arg11 : memref<!tpu.dma_semaphore, #tpu.memory_space<semaphore_mem>>)
    %scan3A = arith.constant 0 : i32
    %scan3A_13 = arith.constant 0 : i32
    %scan3A_14 = arith.constant 62 : i32
    %scan3A_15 = arith.addi %scan3A_13, %scan3A_14 : i32
    %scan3A_16 = arith.constant 1 : i32
    scf.for %scan3A_159 = %scan3A_13 to %scan3A_15 step %scan3A_16  : i32 {
      %mul3A_160 = arith.constant 2 : i32
      %mul3A_161 = arith.muli %mul3A_160, %scan3A_159 : i32
      %add3A_162 = arith.constant 1 : i32
      %add3A_163 = arith.addi %mul3A_161, %add3A_162 : i32
      %mul3A_164 = arith.constant 10000 : i32
      %mul3A_165 = arith.muli %arg1, %mul3A_164 : i32
      %mul3A_166 = arith.constant 80 : i32
      %mul3A_167 = arith.muli %add3A_163, %mul3A_166 : i32
      %add3A_168 = arith.addi %mul3A_165, %mul3A_167 : i32
      %dma_start3A_169 = tpu.memref_slice %arg3[%add3A_168] : memref<160000xi32, #tpu.memory_space<hbm>> -> memref<80xi32, #tpu.memory_space<hbm>>
      %dma_start3A_170 = tpu.memref_slice %arg3[%add3A_168] : memref<160000xi32, #tpu.memory_space<hbm>> -> memref<80xi32, #tpu.memory_space<hbm>>
      tpu.enqueue_dma source(%dma_start3A_170 : memref<80xi32, #tpu.memory_space<hbm>>) target(%arg7 : memref<80xi32, #tpu.memory_space<vmem>>) target_semaphore(%arg12 : memref<!tpu.dma_semaphore, #tpu.memory_space<semaphore_mem>>)
      %dma_start3A_171 = tpu.memref_slice %arg2[%add3A_168, %mul3A_3] : memref<160000x1024xf32, #tpu.memory_space<hbm>> -> memref<80x128xf32, #tpu.memory_space<hbm>>
      %dma_start3A_172 = tpu.memref_slice %arg2[%add3A_168, %mul3A_3] : memref<160000x1024xf32, #tpu.memory_space<hbm>> -> memref<80x128xf32, #tpu.memory_space<hbm>>
      tpu.enqueue_dma source(%dma_start3A_172 : memref<80x128xf32, #tpu.memory_space<hbm>>) target(%arg9 : memref<80x128xf32, #tpu.memory_space<vmem>>) target_semaphore(%arg12 : memref<!tpu.dma_semaphore, #tpu.memory_space<semaphore_mem>>)
      %mul3A_173 = arith.constant 10000 : i32
      %mul3A_174 = arith.muli %arg1, %mul3A_173 : i32
      %mul3A_175 = arith.constant 80 : i32
      %mul3A_176 = arith.muli %mul3A_161, %mul3A_175 : i32
      %add3A_177 = arith.addi %mul3A_174, %mul3A_176 : i32
      %dma_wait3A_178 = tpu.memref_slice %arg3[%add3A_177] : memref<160000xi32, #tpu.memory_space<hbm>> -> memref<80xi32, #tpu.memory_space<hbm>>
      %dma_wait3A_179 = tpu.memref_slice %arg3[%add3A_177] : memref<160000xi32, #tpu.memory_space<hbm>> -> memref<80xi32, #tpu.memory_space<hbm>>
      tpu.wait_dma2 semaphore(%arg11 : memref<!tpu.dma_semaphore, #tpu.memory_space<semaphore_mem>>) src(%dma_wait3A_179 : memref<80xi32, #tpu.memory_space<hbm>>) dst(%arg6 : memref<80xi32, #tpu.memory_space<vmem>>)
      %dma_wait3A_180 = tpu.memref_slice %arg2[%add3A_177, %mul3A_3] : memref<160000x1024xf32, #tpu.memory_space<hbm>> -> memref<80x128xf32, #tpu.memory_space<hbm>>
      %dma_wait3A_181 = tpu.memref_slice %arg2[%add3A_177, %mul3A_3] : memref<160000x1024xf32, #tpu.memory_space<hbm>> -> memref<80x128xf32, #tpu.memory_space<hbm>>
      tpu.wait_dma2 semaphore(%arg11 : memref<!tpu.dma_semaphore, #tpu.memory_space<semaphore_mem>>) src(%dma_wait3A_181 : memref<80x128xf32, #tpu.memory_space<hbm>>) dst(%arg8 : memref<80x128xf32, #tpu.memory_space<vmem>>)
      "tpu.region"() ({
        %run_scoped3A = tpu.sem_alloc : memref<!tpu.dma_semaphore, #tpu.memory_space<semaphore_mem>>
        %dma_start3A_199 = arith.constant 0 : i32
        %dma_start3A_200 = arith.constant 0 : i32
        %dma_start3A_201 = tpu.memref_slice %arg10[%dma_start3A_199, %dma_start3A_200] : memref<10240x128xf32, #tpu.memory_space<vmem_shared>> -> memref<10240x128xf32, #tpu.memory_space<vmem_shared>>
        tpu.enqueue_indirect_dma source(%arg8 : memref<80x128xf32, #tpu.memory_space<vmem>>) target(%dma_start3A_201 : memref<10240x128xf32, #tpu.memory_space<vmem_shared>>) offsets(%arg6 : memref<80xi32, #tpu.memory_space<vmem>>) semaphore(%run_scoped3A : memref<!tpu.dma_semaphore, #tpu.memory_space<semaphore_mem>>) {add = true}
        %dma_wait3A_202 = arith.constant 0 : i32
        %dma_wait3A_203 = arith.constant 0 : i32
        %dma_wait3A_204 = tpu.memref_slice %arg10[%dma_wait3A_202, %dma_wait3A_203] : memref<10240x128xf32, #tpu.memory_space<vmem_shared>> -> memref<10240x128xf32, #tpu.memory_space<vmem_shared>>
        tpu.wait_indirect_dma semaphore(%run_scoped3A : memref<!tpu.dma_semaphore, #tpu.memory_space<semaphore_mem>>) src(%arg8 : memref<80x128xf32, #tpu.memory_space<vmem>>) dst(%dma_wait3A_204 : memref<10240x128xf32, #tpu.memory_space<vmem_shared>>)
        tpu.yield
      }) : () -> ()
      %add3A_182 = arith.constant 2 : i32
      %add3A_183 = arith.addi %mul3A_161, %add3A_182 : i32
      %lt3A = arith.constant 125 : i32
      %lt3A_184 = arith.cmpi slt, %add3A_183, %lt3A : i32
      %convert_element_type3A_185 = arith.extui %lt3A_184 : i1 to i32
      %cond3A_186 = arith.constant 0 : i32
      %cond3A_187 = arith.cmpi ne, %convert_element_type3A_185, %cond3A_186 : i32
      scf.if %cond3A_187 {
        %add3A_199 = arith.constant 2 : i32
        %add3A_200 = arith.addi %mul3A_161, %add3A_199 : i32
        %mul3A_201 = arith.constant 10000 : i32
        %mul3A_202 = arith.muli %arg1, %mul3A_201 : i32
        %mul3A_203 = arith.constant 80 : i32
        %mul3A_204 = arith.muli %add3A_200, %mul3A_203 : i32
        %add3A_205 = arith.addi %mul3A_202, %mul3A_204 : i32
        %dma_start3A_206 = tpu.memref_slice %arg3[%add3A_205] : memref<160000xi32, #tpu.memory_space<hbm>> -> memref<80xi32, #tpu.memory_space<hbm>>
        %dma_start3A_207 = tpu.memref_slice %arg3[%add3A_205] : memref<160000xi32, #tpu.memory_space<hbm>> -> memref<80xi32, #tpu.memory_space<hbm>>
        tpu.enqueue_dma source(%dma_start3A_207 : memref<80xi32, #tpu.memory_space<hbm>>) target(%arg6 : memref<80xi32, #tpu.memory_space<vmem>>) target_semaphore(%arg11 : memref<!tpu.dma_semaphore, #tpu.memory_space<semaphore_mem>>)
        %dma_start3A_208 = tpu.memref_slice %arg2[%add3A_205, %mul3A_3] : memref<160000x1024xf32, #tpu.memory_space<hbm>> -> memref<80x128xf32, #tpu.memory_space<hbm>>
        %dma_start3A_209 = tpu.memref_slice %arg2[%add3A_205, %mul3A_3] : memref<160000x1024xf32, #tpu.memory_space<hbm>> -> memref<80x128xf32, #tpu.memory_space<hbm>>
        tpu.enqueue_dma source(%dma_start3A_209 : memref<80x128xf32, #tpu.memory_space<hbm>>) target(%arg8 : memref<80x128xf32, #tpu.memory_space<vmem>>) target_semaphore(%arg11 : memref<!tpu.dma_semaphore, #tpu.memory_space<semaphore_mem>>)
      } else {
      }
      %add3A_188 = arith.constant 1 : i32
      %add3A_189 = arith.addi %mul3A_161, %add3A_188 : i32
      %mul3A_190 = arith.constant 10000 : i32
      %mul3A_191 = arith.muli %arg1, %mul3A_190 : i32
      %mul3A_192 = arith.constant 80 : i32
      %mul3A_193 = arith.muli %add3A_189, %mul3A_192 : i32
      %add3A_194 = arith.addi %mul3A_191, %mul3A_193 : i32
      %dma_wait3A_195 = tpu.memref_slice %arg3[%add3A_194] : memref<160000xi32, #tpu.memory_space<hbm>> -> memref<80xi32, #tpu.memory_space<hbm>>
      %dma_wait3A_196 = tpu.memref_slice %arg3[%add3A_194] : memref<160000xi32, #tpu.memory_space<hbm>> -> memref<80xi32, #tpu.memory_space<hbm>>
      tpu.wait_dma2 semaphore(%arg12 : memref<!tpu.dma_semaphore, #tpu.memory_space<semaphore_mem>>) src(%dma_wait3A_196 : memref<80xi32, #tpu.memory_space<hbm>>) dst(%arg7 : memref<80xi32, #tpu.memory_space<vmem>>)
      %dma_wait3A_197 = tpu.memref_slice %arg2[%add3A_194, %mul3A_3] : memref<160000x1024xf32, #tpu.memory_space<hbm>> -> memref<80x128xf32, #tpu.memory_space<hbm>>
      %dma_wait3A_198 = tpu.memref_slice %arg2[%add3A_194, %mul3A_3] : memref<160000x1024xf32, #tpu.memory_space<hbm>> -> memref<80x128xf32, #tpu.memory_space<hbm>>
      tpu.wait_dma2 semaphore(%arg12 : memref<!tpu.dma_semaphore, #tpu.memory_space<semaphore_mem>>) src(%dma_wait3A_198 : memref<80x128xf32, #tpu.memory_space<hbm>>) dst(%arg9 : memref<80x128xf32, #tpu.memory_space<vmem>>)
      "tpu.region"() ({
        %run_scoped3A = tpu.sem_alloc : memref<!tpu.dma_semaphore, #tpu.memory_space<semaphore_mem>>
        %dma_start3A_199 = arith.constant 0 : i32
        %dma_start3A_200 = arith.constant 0 : i32
        %dma_start3A_201 = tpu.memref_slice %arg10[%dma_start3A_199, %dma_start3A_200] : memref<10240x128xf32, #tpu.memory_space<vmem_shared>> -> memref<10240x128xf32, #tpu.memory_space<vmem_shared>>
        tpu.enqueue_indirect_dma source(%arg9 : memref<80x128xf32, #tpu.memory_space<vmem>>) target(%dma_start3A_201 : memref<10240x128xf32, #tpu.memory_space<vmem_shared>>) offsets(%arg7 : memref<80xi32, #tpu.memory_space<vmem>>) semaphore(%run_scoped3A : memref<!tpu.dma_semaphore, #tpu.memory_space<semaphore_mem>>) {add = true}
        %dma_wait3A_202 = arith.constant 0 : i32
        %dma_wait3A_203 = arith.constant 0 : i32
        %dma_wait3A_204 = tpu.memref_slice %arg10[%dma_wait3A_202, %dma_wait3A_203] : memref<10240x128xf32, #tpu.memory_space<vmem_shared>> -> memref<10240x128xf32, #tpu.memory_space<vmem_shared>>
        tpu.wait_indirect_dma semaphore(%run_scoped3A : memref<!tpu.dma_semaphore, #tpu.memory_space<semaphore_mem>>) src(%arg9 : memref<80x128xf32, #tpu.memory_space<vmem>>) dst(%dma_wait3A_204 : memref<10240x128xf32, #tpu.memory_space<vmem_shared>>)
        tpu.yield
      }) : () -> ()
    }
    %scan3A_17 = arith.constant 62 : i32
    %mul3A_18 = arith.constant 10000 : i32
    %mul3A_19 = arith.muli %arg1, %mul3A_18 : i32
    %add3A_20 = arith.constant 9920 : i32
    %add3A_21 = arith.addi %mul3A_19, %add3A_20 : i32
    %dma_wait3A = tpu.memref_slice %arg3[%add3A_21] : memref<160000xi32, #tpu.memory_space<hbm>> -> memref<80xi32, #tpu.memory_space<hbm>>
    %dma_wait3A_22 = tpu.memref_slice %arg3[%add3A_21] : memref<160000xi32, #tpu.memory_space<hbm>> -> memref<80xi32, #tpu.memory_space<hbm>>
    tpu.wait_dma2 semaphore(%arg11 : memref<!tpu.dma_semaphore, #tpu.memory_space<semaphore_mem>>) src(%dma_wait3A_22 : memref<80xi32, #tpu.memory_space<hbm>>) dst(%arg6 : memref<80xi32, #tpu.memory_space<vmem>>)
    %dma_wait3A_23 = tpu.memref_slice %arg2[%add3A_21, %mul3A_3] : memref<160000x1024xf32, #tpu.memory_space<hbm>> -> memref<80x128xf32, #tpu.memory_space<hbm>>
    %dma_wait3A_24 = tpu.memref_slice %arg2[%add3A_21, %mul3A_3] : memref<160000x1024xf32, #tpu.memory_space<hbm>> -> memref<80x128xf32, #tpu.memory_space<hbm>>
    tpu.wait_dma2 semaphore(%arg11 : memref<!tpu.dma_semaphore, #tpu.memory_space<semaphore_mem>>) src(%dma_wait3A_24 : memref<80x128xf32, #tpu.memory_space<hbm>>) dst(%arg8 : memref<80x128xf32, #tpu.memory_space<vmem>>)
    "tpu.region"() ({
      %run_scoped3A = tpu.sem_alloc : memref<!tpu.dma_semaphore, #tpu.memory_space<semaphore_mem>>
      %dma_start3A_159 = arith.constant 0 : i32
      %dma_start3A_160 = arith.constant 0 : i32
      %dma_start3A_161 = tpu.memref_slice %arg10[%dma_start3A_159, %dma_start3A_160] : memref<10240x128xf32, #tpu.memory_space<vmem_shared>> -> memref<10240x128xf32, #tpu.memory_space<vmem_shared>>
      tpu.enqueue_indirect_dma source(%arg8 : memref<80x128xf32, #tpu.memory_space<vmem>>) target(%dma_start3A_161 : memref<10240x128xf32, #tpu.memory_space<vmem_shared>>) offsets(%arg6 : memref<80xi32, #tpu.memory_space<vmem>>) semaphore(%run_scoped3A : memref<!tpu.dma_semaphore, #tpu.memory_space<semaphore_mem>>) {add = true}
      %dma_wait3A_162 = arith.constant 0 : i32
      %dma_wait3A_163 = arith.constant 0 : i32
      %dma_wait3A_164 = tpu.memref_slice %arg10[%dma_wait3A_162, %dma_wait3A_163] : memref<10240x128xf32, #tpu.memory_space<vmem_shared>> -> memref<10240x128xf32, #tpu.memory_space<vmem_shared>>
      tpu.wait_indirect_dma semaphore(%run_scoped3A : memref<!tpu.dma_semaphore, #tpu.memory_space<semaphore_mem>>) src(%arg8 : memref<80x128xf32, #tpu.memory_space<vmem>>) dst(%dma_wait3A_164 : memref<10240x128xf32, #tpu.memory_space<vmem_shared>>)
      tpu.yield
    }) : () -> ()
    %barrier3A_25 = arith.constant 0 : index
    tpu.barrier barrier_id(%barrier3A_25)
    %mul3A_26 = arith.constant 624 : i32
    %mul3A_27 = arith.muli %arg1, %mul3A_26 : i32
    %mul3A_28 = arith.constant 624 : i32
    %mul3A_29 = arith.muli %arg1, %mul3A_28 : i32
    "tpu.region"() ({
      %run_scoped3A = tpu.sem_alloc : memref<!tpu.dma_semaphore, #tpu.memory_space<semaphore_mem>>
      %dma_start3A_159 = tpu.memref_slice %arg5[%mul3A_29, %mul3A_3] : memref<10000x1024xf32, #tpu.memory_space<hbm>> -> memref<624x128xf32, #tpu.memory_space<hbm>>
      %dma_start3A_160 = arith.constant 0 : i32
      %dma_start3A_161 = tpu.memref_slice %arg10[%mul3A_27, %dma_start3A_160] : memref<10240x128xf32, #tpu.memory_space<vmem_shared>> -> memref<624x128xf32, #tpu.memory_space<vmem_shared>>
      tpu.enqueue_dma source(%dma_start3A_161 : memref<624x128xf32, #tpu.memory_space<vmem_shared>>) target(%dma_start3A_159 : memref<624x128xf32, #tpu.memory_space<hbm>>) target_semaphore(%run_scoped3A : memref<!tpu.dma_semaphore, #tpu.memory_space<semaphore_mem>>)
      %dma_wait3A_162 = tpu.memref_slice %arg5[%mul3A_29, %mul3A_3] : memref<10000x1024xf32, #tpu.memory_space<hbm>> -> memref<624x128xf32, #tpu.memory_space<hbm>>
      %dma_wait3A_163 = arith.constant 0 : i32
      %dma_wait3A_164 = tpu.memref_slice %arg10[%mul3A_27, %dma_wait3A_163] : memref<10240x128xf32, #tpu.memory_space<vmem_shared>> -> memref<624x128xf32, #tpu.memory_space<vmem_shared>>
      tpu.wait_dma2 semaphore(%run_scoped3A : memref<!tpu.dma_semaphore, #tpu.memory_space<semaphore_mem>>) src(%dma_wait3A_164 : memref<624x128xf32, #tpu.memory_space<vmem_shared>>) dst(%dma_wait3A_162 : memref<624x128xf32, #tpu.memory_space<hbm>>)
      tpu.yield
    }) : () -> ()
    %eq3A = arith.constant 15 : i32
    %eq3A_30 = arith.cmpi eq, %arg1, %eq3A : i32
    %convert_element_type3A = arith.extui %eq3A_30 : i1 to i32
    %cond3A = arith.constant 0 : i32
    %cond3A_31 = arith.cmpi ne, %convert_element_type3A, %cond3A : i32
    scf.if %cond3A_31 {
      "tpu.region"() ({
        %run_scoped3A = tpu.sem_alloc : memref<!tpu.dma_semaphore, #tpu.memory_space<semaphore_mem>>
        %dma_start3A_159 = arith.constant 9984 : i32
        %dma_start3A_160 = tpu.memref_slice %arg5[%dma_start3A_159, %mul3A_3] : memref<10000x1024xf32, #tpu.memory_space<hbm>> -> memref<16x128xf32, #tpu.memory_space<hbm>>
        %dma_start3A_161 = arith.constant 9984 : i32
        %dma_start3A_162 = arith.constant 0 : i32
        %dma_start3A_163 = tpu.memref_slice %arg10[%dma_start3A_161, %dma_start3A_162] : memref<10240x128xf32, #tpu.memory_space<vmem_shared>> -> memref<16x128xf32, #tpu.memory_space<vmem_shared>>
        tpu.enqueue_dma source(%dma_start3A_163 : memref<16x128xf32, #tpu.memory_space<vmem_shared>>) target(%dma_start3A_160 : memref<16x128xf32, #tpu.memory_space<hbm>>) target_semaphore(%run_scoped3A : memref<!tpu.dma_semaphore, #tpu.memory_space<semaphore_mem>>)
        %dma_wait3A_164 = arith.constant 9984 : i32
        %dma_wait3A_165 = tpu.memref_slice %arg5[%dma_wait3A_164, %mul3A_3] : memref<10000x1024xf32, #tpu.memory_space<hbm>> -> memref<16x128xf32, #tpu.memory_space<hbm>>
        %dma_wait3A_166 = arith.constant 9984 : i32
        %dma_wait3A_167 = arith.constant 0 : i32
        %dma_wait3A_168 = tpu.memref_slice %arg10[%dma_wait3A_166, %dma_wait3A_167] : memref<10240x128xf32, #tpu.memory_space<vmem_shared>> -> memref<16x128xf32, #tpu.memory_space<vmem_shared>>
        tpu.wait_dma2 semaphore(%run_scoped3A : memref<!tpu.dma_semaphore, #tpu.memory_space<semaphore_mem>>) src(%dma_wait3A_168 : memref<16x128xf32, #tpu.memory_space<vmem_shared>>) dst(%dma_wait3A_165 : memref<16x128xf32, #tpu.memory_space<hbm>>)
        tpu.yield
      }) : () -> ()
    } else {
    }
    %barrier3A_32 = arith.constant 0 : index
    tpu.barrier barrier_id(%barrier3A_32)
    %mul3A_33 = arith.constant 4 : i32
    %mul3A_34 = arith.muli %arg0, %mul3A_33 : i32
    %add3A_35 = arith.constant 1 : i32
    %add3A_36 = arith.addi %mul3A_34, %add3A_35 : i32
    %mul3A_37 = arith.constant 128 : i32
    %mul3A_38 = arith.muli %add3A_36, %mul3A_37 : i32
    %mul3A_39 = arith.constant 640 : i32
    %mul3A_40 = arith.muli %arg1, %mul3A_39 : i32
    "tpu.region"() ({
      %run_scoped3A = tpu.sem_alloc : memref<!tpu.dma_semaphore, #tpu.memory_space<semaphore_mem>>
      %dma_start3A_159 = arith.constant 0 : i32
      %dma_start3A_160 = tpu.memref_slice %arg10[%mul3A_40, %dma_start3A_159] : memref<10240x128xf32, #tpu.memory_space<vmem_shared>> -> memref<640x128xf32, #tpu.memory_space<vmem_shared>>
      tpu.enqueue_dma source(%arg4 : memref<640x128xf32, #tpu.memory_space<hbm>>) target(%dma_start3A_160 : memref<640x128xf32, #tpu.memory_space<vmem_shared>>) target_semaphore(%run_scoped3A : memref<!tpu.dma_semaphore, #tpu.memory_space<semaphore_mem>>)
      %dma_wait3A_161 = arith.constant 0 : i32
      %dma_wait3A_162 = tpu.memref_slice %arg10[%mul3A_40, %dma_wait3A_161] : memref<10240x128xf32, #tpu.memory_space<vmem_shared>> -> memref<640x128xf32, #tpu.memory_space<vmem_shared>>
      tpu.wait_dma2 semaphore(%run_scoped3A : memref<!tpu.dma_semaphore, #tpu.memory_space<semaphore_mem>>) src(%arg4 : memref<640x128xf32, #tpu.memory_space<hbm>>) dst(%dma_wait3A_162 : memref<640x128xf32, #tpu.memory_space<vmem_shared>>)
      tpu.yield
    }) : () -> ()
    %barrier3A_41 = arith.constant 0 : index
    tpu.barrier barrier_id(%barrier3A_41)
    %mul3A_42 = arith.constant 10000 : i32
    %mul3A_43 = arith.muli %arg1, %mul3A_42 : i32
    %add3A_44 = arith.constant 0 : i32
    %add3A_45 = arith.addi %mul3A_43, %add3A_44 : i32
    %dma_start3A_46 = tpu.memref_slice %arg3[%add3A_45] : memref<160000xi32, #tpu.memory_space<hbm>> -> memref<80xi32, #tpu.memory_space<hbm>>
    %dma_start3A_47 = tpu.memref_slice %arg3[%add3A_45] : memref<160000xi32, #tpu.memory_space<hbm>> -> memref<80xi32, #tpu.memory_space<hbm>>
    tpu.enqueue_dma source(%dma_start3A_47 : memref<80xi32, #tpu.memory_space<hbm>>) target(%arg6 : memref<80xi32, #tpu.memory_space<vmem>>) target_semaphore(%arg11 : memref<!tpu.dma_semaphore, #tpu.memory_space<semaphore_mem>>)
    %dma_start3A_48 = tpu.memref_slice %arg2[%add3A_45, %mul3A_38] : memref<160000x1024xf32, #tpu.memory_space<hbm>> -> memref<80x128xf32, #tpu.memory_space<hbm>>
    %dma_start3A_49 = tpu.memref_slice %arg2[%add3A_45, %mul3A_38] : memref<160000x1024xf32, #tpu.memory_space<hbm>> -> memref<80x128xf32, #tpu.memory_space<hbm>>
    tpu.enqueue_dma source(%dma_start3A_49 : memref<80x128xf32, #tpu.memory_space<hbm>>) target(%arg8 : memref<80x128xf32, #tpu.memory_space<vmem>>) target_semaphore(%arg11 : memref<!tpu.dma_semaphore, #tpu.memory_space<semaphore_mem>>)
    %scan3A_50 = arith.constant 0 : i32
    %scan3A_51 = arith.constant 0 : i32
    %scan3A_52 = arith.constant 62 : i32
    %scan3A_53 = arith.addi %scan3A_51, %scan3A_52 : i32
    %scan3A_54 = arith.constant 1 : i32
    scf.for %scan3A_159 = %scan3A_51 to %scan3A_53 step %scan3A_54  : i32 {
      %mul3A_160 = arith.constant 2 : i32
      %mul3A_161 = arith.muli %mul3A_160, %scan3A_159 : i32
      %add3A_162 = arith.constant 1 : i32
      %add3A_163 = arith.addi %mul3A_161, %add3A_162 : i32
      %mul3A_164 = arith.constant 10000 : i32
      %mul3A_165 = arith.muli %arg1, %mul3A_164 : i32
      %mul3A_166 = arith.constant 80 : i32
      %mul3A_167 = arith.muli %add3A_163, %mul3A_166 : i32
      %add3A_168 = arith.addi %mul3A_165, %mul3A_167 : i32
      %dma_start3A_169 = tpu.memref_slice %arg3[%add3A_168] : memref<160000xi32, #tpu.memory_space<hbm>> -> memref<80xi32, #tpu.memory_space<hbm>>
      %dma_start3A_170 = tpu.memref_slice %arg3[%add3A_168] : memref<160000xi32, #tpu.memory_space<hbm>> -> memref<80xi32, #tpu.memory_space<hbm>>
      tpu.enqueue_dma source(%dma_start3A_170 : memref<80xi32, #tpu.memory_space<hbm>>) target(%arg7 : memref<80xi32, #tpu.memory_space<vmem>>) target_semaphore(%arg12 : memref<!tpu.dma_semaphore, #tpu.memory_space<semaphore_mem>>)
      %dma_start3A_171 = tpu.memref_slice %arg2[%add3A_168, %mul3A_38] : memref<160000x1024xf32, #tpu.memory_space<hbm>> -> memref<80x128xf32, #tpu.memory_space<hbm>>
      %dma_start3A_172 = tpu.memref_slice %arg2[%add3A_168, %mul3A_38] : memref<160000x1024xf32, #tpu.memory_space<hbm>> -> memref<80x128xf32, #tpu.memory_space<hbm>>
      tpu.enqueue_dma source(%dma_start3A_172 : memref<80x128xf32, #tpu.memory_space<hbm>>) target(%arg9 : memref<80x128xf32, #tpu.memory_space<vmem>>) target_semaphore(%arg12 : memref<!tpu.dma_semaphore, #tpu.memory_space<semaphore_mem>>)
      %mul3A_173 = arith.constant 10000 : i32
      %mul3A_174 = arith.muli %arg1, %mul3A_173 : i32
      %mul3A_175 = arith.constant 80 : i32
      %mul3A_176 = arith.muli %mul3A_161, %mul3A_175 : i32
      %add3A_177 = arith.addi %mul3A_174, %mul3A_176 : i32
      %dma_wait3A_178 = tpu.memref_slice %arg3[%add3A_177] : memref<160000xi32, #tpu.memory_space<hbm>> -> memref<80xi32, #tpu.memory_space<hbm>>
      %dma_wait3A_179 = tpu.memref_slice %arg3[%add3A_177] : memref<160000xi32, #tpu.memory_space<hbm>> -> memref<80xi32, #tpu.memory_space<hbm>>
      tpu.wait_dma2 semaphore(%arg11 : memref<!tpu.dma_semaphore, #tpu.memory_space<semaphore_mem>>) src(%dma_wait3A_179 : memref<80xi32, #tpu.memory_space<hbm>>) dst(%arg6 : memref<80xi32, #tpu.memory_space<vmem>>)
      %dma_wait3A_180 = tpu.memref_slice %arg2[%add3A_177, %mul3A_38] : memref<160000x1024xf32, #tpu.memory_space<hbm>> -> memref<80x128xf32, #tpu.memory_space<hbm>>
      %dma_wait3A_181 = tpu.memref_slice %arg2[%add3A_177, %mul3A_38] : memref<160000x1024xf32, #tpu.memory_space<hbm>> -> memref<80x128xf32, #tpu.memory_space<hbm>>
      tpu.wait_dma2 semaphore(%arg11 : memref<!tpu.dma_semaphore, #tpu.memory_space<semaphore_mem>>) src(%dma_wait3A_181 : memref<80x128xf32, #tpu.memory_space<hbm>>) dst(%arg8 : memref<80x128xf32, #tpu.memory_space<vmem>>)
      "tpu.region"() ({
        %run_scoped3A = tpu.sem_alloc : memref<!tpu.dma_semaphore, #tpu.memory_space<semaphore_mem>>
        %dma_start3A_199 = arith.constant 0 : i32
        %dma_start3A_200 = arith.constant 0 : i32
        %dma_start3A_201 = tpu.memref_slice %arg10[%dma_start3A_199, %dma_start3A_200] : memref<10240x128xf32, #tpu.memory_space<vmem_shared>> -> memref<10240x128xf32, #tpu.memory_space<vmem_shared>>
        tpu.enqueue_indirect_dma source(%arg8 : memref<80x128xf32, #tpu.memory_space<vmem>>) target(%dma_start3A_201 : memref<10240x128xf32, #tpu.memory_space<vmem_shared>>) offsets(%arg6 : memref<80xi32, #tpu.memory_space<vmem>>) semaphore(%run_scoped3A : memref<!tpu.dma_semaphore, #tpu.memory_space<semaphore_mem>>) {add = true}
        %dma_wait3A_202 = arith.constant 0 : i32
        %dma_wait3A_203 = arith.constant 0 : i32
        %dma_wait3A_204 = tpu.memref_slice %arg10[%dma_wait3A_202, %dma_wait3A_203] : memref<10240x128xf32, #tpu.memory_space<vmem_shared>> -> memref<10240x128xf32, #tpu.memory_space<vmem_shared>>
        tpu.wait_indirect_dma semaphore(%run_scoped3A : memref<!tpu.dma_semaphore, #tpu.memory_space<semaphore_mem>>) src(%arg8 : memref<80x128xf32, #tpu.memory_space<vmem>>) dst(%dma_wait3A_204 : memref<10240x128xf32, #tpu.memory_space<vmem_shared>>)
        tpu.yield
      }) : () -> ()
      %add3A_182 = arith.constant 2 : i32
      %add3A_183 = arith.addi %mul3A_161, %add3A_182 : i32
      %lt3A = arith.constant 125 : i32
      %lt3A_184 = arith.cmpi slt, %add3A_183, %lt3A : i32
      %convert_element_type3A_185 = arith.extui %lt3A_184 : i1 to i32
      %cond3A_186 = arith.constant 0 : i32
      %cond3A_187 = arith.cmpi ne, %convert_element_type3A_185, %cond3A_186 : i32
      scf.if %cond3A_187 {
        %add3A_199 = arith.constant 2 : i32
        %add3A_200 = arith.addi %mul3A_161, %add3A_199 : i32
        %mul3A_201 = arith.constant 10000 : i32
        %mul3A_202 = arith.muli %arg1, %mul3A_201 : i32
        %mul3A_203 = arith.constant 80 : i32
        %mul3A_204 = arith.muli %add3A_200, %mul3A_203 : i32
        %add3A_205 = arith.addi %mul3A_202, %mul3A_204 : i32
        %dma_start3A_206 = tpu.memref_slice %arg3[%add3A_205] : memref<160000xi32, #tpu.memory_space<hbm>> -> memref<80xi32, #tpu.memory_space<hbm>>
        %dma_start3A_207 = tpu.memref_slice %arg3[%add3A_205] : memref<160000xi32, #tpu.memory_space<hbm>> -> memref<80xi32, #tpu.memory_space<hbm>>
        tpu.enqueue_dma source(%dma_start3A_207 : memref<80xi32, #tpu.memory_space<hbm>>) target(%arg6 : memref<80xi32, #tpu.memory_space<vmem>>) target_semaphore(%arg11 : memref<!tpu.dma_semaphore, #tpu.memory_space<semaphore_mem>>)
        %dma_start3A_208 = tpu.memref_slice %arg2[%add3A_205, %mul3A_38] : memref<160000x1024xf32, #tpu.memory_space<hbm>> -> memref<80x128xf32, #tpu.memory_space<hbm>>
        %dma_start3A_209 = tpu.memref_slice %arg2[%add3A_205, %mul3A_38] : memref<160000x1024xf32, #tpu.memory_space<hbm>> -> memref<80x128xf32, #tpu.memory_space<hbm>>
        tpu.enqueue_dma source(%dma_start3A_209 : memref<80x128xf32, #tpu.memory_space<hbm>>) target(%arg8 : memref<80x128xf32, #tpu.memory_space<vmem>>) target_semaphore(%arg11 : memref<!tpu.dma_semaphore, #tpu.memory_space<semaphore_mem>>)
      } else {
      }
      %add3A_188 = arith.constant 1 : i32
      %add3A_189 = arith.addi %mul3A_161, %add3A_188 : i32
      %mul3A_190 = arith.constant 10000 : i32
      %mul3A_191 = arith.muli %arg1, %mul3A_190 : i32
      %mul3A_192 = arith.constant 80 : i32
      %mul3A_193 = arith.muli %add3A_189, %mul3A_192 : i32
      %add3A_194 = arith.addi %mul3A_191, %mul3A_193 : i32
      %dma_wait3A_195 = tpu.memref_slice %arg3[%add3A_194] : memref<160000xi32, #tpu.memory_space<hbm>> -> memref<80xi32, #tpu.memory_space<hbm>>
      %dma_wait3A_196 = tpu.memref_slice %arg3[%add3A_194] : memref<160000xi32, #tpu.memory_space<hbm>> -> memref<80xi32, #tpu.memory_space<hbm>>
      tpu.wait_dma2 semaphore(%arg12 : memref<!tpu.dma_semaphore, #tpu.memory_space<semaphore_mem>>) src(%dma_wait3A_196 : memref<80xi32, #tpu.memory_space<hbm>>) dst(%arg7 : memref<80xi32, #tpu.memory_space<vmem>>)
      %dma_wait3A_197 = tpu.memref_slice %arg2[%add3A_194, %mul3A_38] : memref<160000x1024xf32, #tpu.memory_space<hbm>> -> memref<80x128xf32, #tpu.memory_space<hbm>>
      %dma_wait3A_198 = tpu.memref_slice %arg2[%add3A_194, %mul3A_38] : memref<160000x1024xf32, #tpu.memory_space<hbm>> -> memref<80x128xf32, #tpu.memory_space<hbm>>
      tpu.wait_dma2 semaphore(%arg12 : memref<!tpu.dma_semaphore, #tpu.memory_space<semaphore_mem>>) src(%dma_wait3A_198 : memref<80x128xf32, #tpu.memory_space<hbm>>) dst(%arg9 : memref<80x128xf32, #tpu.memory_space<vmem>>)
      "tpu.region"() ({
        %run_scoped3A = tpu.sem_alloc : memref<!tpu.dma_semaphore, #tpu.memory_space<semaphore_mem>>
        %dma_start3A_199 = arith.constant 0 : i32
        %dma_start3A_200 = arith.constant 0 : i32
        %dma_start3A_201 = tpu.memref_slice %arg10[%dma_start3A_199, %dma_start3A_200] : memref<10240x128xf32, #tpu.memory_space<vmem_shared>> -> memref<10240x128xf32, #tpu.memory_space<vmem_shared>>
        tpu.enqueue_indirect_dma source(%arg9 : memref<80x128xf32, #tpu.memory_space<vmem>>) target(%dma_start3A_201 : memref<10240x128xf32, #tpu.memory_space<vmem_shared>>) offsets(%arg7 : memref<80xi32, #tpu.memory_space<vmem>>) semaphore(%run_scoped3A : memref<!tpu.dma_semaphore, #tpu.memory_space<semaphore_mem>>) {add = true}
        %dma_wait3A_202 = arith.constant 0 : i32
        %dma_wait3A_203 = arith.constant 0 : i32
        %dma_wait3A_204 = tpu.memref_slice %arg10[%dma_wait3A_202, %dma_wait3A_203] : memref<10240x128xf32, #tpu.memory_space<vmem_shared>> -> memref<10240x128xf32, #tpu.memory_space<vmem_shared>>
        tpu.wait_indirect_dma semaphore(%run_scoped3A : memref<!tpu.dma_semaphore, #tpu.memory_space<semaphore_mem>>) src(%arg9 : memref<80x128xf32, #tpu.memory_space<vmem>>) dst(%dma_wait3A_204 : memref<10240x128xf32, #tpu.memory_space<vmem_shared>>)
        tpu.yield
      }) : () -> ()
    }
    %scan3A_55 = arith.constant 62 : i32
    %mul3A_56 = arith.constant 10000 : i32
    %mul3A_57 = arith.muli %arg1, %mul3A_56 : i32
    %add3A_58 = arith.constant 9920 : i32
    %add3A_59 = arith.addi %mul3A_57, %add3A_58 : i32
    %dma_wait3A_60 = tpu.memref_slice %arg3[%add3A_59] : memref<160000xi32, #tpu.memory_space<hbm>> -> memref<80xi32, #tpu.memory_space<hbm>>
    %dma_wait3A_61 = tpu.memref_slice %arg3[%add3A_59] : memref<160000xi32, #tpu.memory_space<hbm>> -> memref<80xi32, #tpu.memory_space<hbm>>
    tpu.wait_dma2 semaphore(%arg11 : memref<!tpu.dma_semaphore, #tpu.memory_space<semaphore_mem>>) src(%dma_wait3A_61 : memref<80xi32, #tpu.memory_space<hbm>>) dst(%arg6 : memref<80xi32, #tpu.memory_space<vmem>>)
    %dma_wait3A_62 = tpu.memref_slice %arg2[%add3A_59, %mul3A_38] : memref<160000x1024xf32, #tpu.memory_space<hbm>> -> memref<80x128xf32, #tpu.memory_space<hbm>>
    %dma_wait3A_63 = tpu.memref_slice %arg2[%add3A_59, %mul3A_38] : memref<160000x1024xf32, #tpu.memory_space<hbm>> -> memref<80x128xf32, #tpu.memory_space<hbm>>
    tpu.wait_dma2 semaphore(%arg11 : memref<!tpu.dma_semaphore, #tpu.memory_space<semaphore_mem>>) src(%dma_wait3A_63 : memref<80x128xf32, #tpu.memory_space<hbm>>) dst(%arg8 : memref<80x128xf32, #tpu.memory_space<vmem>>)
    "tpu.region"() ({
      %run_scoped3A = tpu.sem_alloc : memref<!tpu.dma_semaphore, #tpu.memory_space<semaphore_mem>>
      %dma_start3A_159 = arith.constant 0 : i32
      %dma_start3A_160 = arith.constant 0 : i32
      %dma_start3A_161 = tpu.memref_slice %arg10[%dma_start3A_159, %dma_start3A_160] : memref<10240x128xf32, #tpu.memory_space<vmem_shared>> -> memref<10240x128xf32, #tpu.memory_space<vmem_shared>>
      tpu.enqueue_indirect_dma source(%arg8 : memref<80x128xf32, #tpu.memory_space<vmem>>) target(%dma_start3A_161 : memref<10240x128xf32, #tpu.memory_space<vmem_shared>>) offsets(%arg6 : memref<80xi32, #tpu.memory_space<vmem>>) semaphore(%run_scoped3A : memref<!tpu.dma_semaphore, #tpu.memory_space<semaphore_mem>>) {add = true}
      %dma_wait3A_162 = arith.constant 0 : i32
      %dma_wait3A_163 = arith.constant 0 : i32
      %dma_wait3A_164 = tpu.memref_slice %arg10[%dma_wait3A_162, %dma_wait3A_163] : memref<10240x128xf32, #tpu.memory_space<vmem_shared>> -> memref<10240x128xf32, #tpu.memory_space<vmem_shared>>
      tpu.wait_indirect_dma semaphore(%run_scoped3A : memref<!tpu.dma_semaphore, #tpu.memory_space<semaphore_mem>>) src(%arg8 : memref<80x128xf32, #tpu.memory_space<vmem>>) dst(%dma_wait3A_164 : memref<10240x128xf32, #tpu.memory_space<vmem_shared>>)
      tpu.yield
    }) : () -> ()
    %barrier3A_64 = arith.constant 0 : index
    tpu.barrier barrier_id(%barrier3A_64)
    %mul3A_65 = arith.constant 624 : i32
    %mul3A_66 = arith.muli %arg1, %mul3A_65 : i32
    %mul3A_67 = arith.constant 624 : i32
    %mul3A_68 = arith.muli %arg1, %mul3A_67 : i32
    "tpu.region"() ({
      %run_scoped3A = tpu.sem_alloc : memref<!tpu.dma_semaphore, #tpu.memory_space<semaphore_mem>>
      %dma_start3A_159 = tpu.memref_slice %arg5[%mul3A_68, %mul3A_38] : memref<10000x1024xf32, #tpu.memory_space<hbm>> -> memref<624x128xf32, #tpu.memory_space<hbm>>
      %dma_start3A_160 = arith.constant 0 : i32
      %dma_start3A_161 = tpu.memref_slice %arg10[%mul3A_66, %dma_start3A_160] : memref<10240x128xf32, #tpu.memory_space<vmem_shared>> -> memref<624x128xf32, #tpu.memory_space<vmem_shared>>
      tpu.enqueue_dma source(%dma_start3A_161 : memref<624x128xf32, #tpu.memory_space<vmem_shared>>) target(%dma_start3A_159 : memref<624x128xf32, #tpu.memory_space<hbm>>) target_semaphore(%run_scoped3A : memref<!tpu.dma_semaphore, #tpu.memory_space<semaphore_mem>>)
      %dma_wait3A_162 = tpu.memref_slice %arg5[%mul3A_68, %mul3A_38] : memref<10000x1024xf32, #tpu.memory_space<hbm>> -> memref<624x128xf32, #tpu.memory_space<hbm>>
      %dma_wait3A_163 = arith.constant 0 : i32
      %dma_wait3A_164 = tpu.memref_slice %arg10[%mul3A_66, %dma_wait3A_163] : memref<10240x128xf32, #tpu.memory_space<vmem_shared>> -> memref<624x128xf32, #tpu.memory_space<vmem_shared>>
      tpu.wait_dma2 semaphore(%run_scoped3A : memref<!tpu.dma_semaphore, #tpu.memory_space<semaphore_mem>>) src(%dma_wait3A_164 : memref<624x128xf32, #tpu.memory_space<vmem_shared>>) dst(%dma_wait3A_162 : memref<624x128xf32, #tpu.memory_space<hbm>>)
      tpu.yield
    }) : () -> ()
    %eq3A_69 = arith.constant 15 : i32
    %eq3A_70 = arith.cmpi eq, %arg1, %eq3A_69 : i32
    %convert_element_type3A_71 = arith.extui %eq3A_70 : i1 to i32
    %cond3A_72 = arith.constant 0 : i32
    %cond3A_73 = arith.cmpi ne, %convert_element_type3A_71, %cond3A_72 : i32
    scf.if %cond3A_73 {
      "tpu.region"() ({
        %run_scoped3A = tpu.sem_alloc : memref<!tpu.dma_semaphore, #tpu.memory_space<semaphore_mem>>
        %dma_start3A_159 = arith.constant 9984 : i32
        %dma_start3A_160 = tpu.memref_slice %arg5[%dma_start3A_159, %mul3A_38] : memref<10000x1024xf32, #tpu.memory_space<hbm>> -> memref<16x128xf32, #tpu.memory_space<hbm>>
        %dma_start3A_161 = arith.constant 9984 : i32
        %dma_start3A_162 = arith.constant 0 : i32
        %dma_start3A_163 = tpu.memref_slice %arg10[%dma_start3A_161, %dma_start3A_162] : memref<10240x128xf32, #tpu.memory_space<vmem_shared>> -> memref<16x128xf32, #tpu.memory_space<vmem_shared>>
        tpu.enqueue_dma source(%dma_start3A_163 : memref<16x128xf32, #tpu.memory_space<vmem_shared>>) target(%dma_start3A_160 : memref<16x128xf32, #tpu.memory_space<hbm>>) target_semaphore(%run_scoped3A : memref<!tpu.dma_semaphore, #tpu.memory_space<semaphore_mem>>)
        %dma_wait3A_164 = arith.constant 9984 : i32
        %dma_wait3A_165 = tpu.memref_slice %arg5[%dma_wait3A_164, %mul3A_38] : memref<10000x1024xf32, #tpu.memory_space<hbm>> -> memref<16x128xf32, #tpu.memory_space<hbm>>
        %dma_wait3A_166 = arith.constant 9984 : i32
        %dma_wait3A_167 = arith.constant 0 : i32
        %dma_wait3A_168 = tpu.memref_slice %arg10[%dma_wait3A_166, %dma_wait3A_167] : memref<10240x128xf32, #tpu.memory_space<vmem_shared>> -> memref<16x128xf32, #tpu.memory_space<vmem_shared>>
        tpu.wait_dma2 semaphore(%run_scoped3A : memref<!tpu.dma_semaphore, #tpu.memory_space<semaphore_mem>>) src(%dma_wait3A_168 : memref<16x128xf32, #tpu.memory_space<vmem_shared>>) dst(%dma_wait3A_165 : memref<16x128xf32, #tpu.memory_space<hbm>>)
        tpu.yield
      }) : () -> ()
    } else {
    }
    %barrier3A_74 = arith.constant 0 : index
    tpu.barrier barrier_id(%barrier3A_74)
    %mul3A_75 = arith.constant 4 : i32
    %mul3A_76 = arith.muli %arg0, %mul3A_75 : i32
    %add3A_77 = arith.constant 2 : i32
    %add3A_78 = arith.addi %mul3A_76, %add3A_77 : i32
    %mul3A_79 = arith.constant 128 : i32
    %mul3A_80 = arith.muli %add3A_78, %mul3A_79 : i32
    %mul3A_81 = arith.constant 640 : i32
    %mul3A_82 = arith.muli %arg1, %mul3A_81 : i32
    "tpu.region"() ({
      %run_scoped3A = tpu.sem_alloc : memref<!tpu.dma_semaphore, #tpu.memory_space<semaphore_mem>>
      %dma_start3A_159 = arith.constant 0 : i32
      %dma_start3A_160 = tpu.memref_slice %arg10[%mul3A_82, %dma_start3A_159] : memref<10240x128xf32, #tpu.memory_space<vmem_shared>> -> memref<640x128xf32, #tpu.memory_space<vmem_shared>>
      tpu.enqueue_dma source(%arg4 : memref<640x128xf32, #tpu.memory_space<hbm>>) target(%dma_start3A_160 : memref<640x128xf32, #tpu.memory_space<vmem_shared>>) target_semaphore(%run_scoped3A : memref<!tpu.dma_semaphore, #tpu.memory_space<semaphore_mem>>)
      %dma_wait3A_161 = arith.constant 0 : i32
      %dma_wait3A_162 = tpu.memref_slice %arg10[%mul3A_82, %dma_wait3A_161] : memref<10240x128xf32, #tpu.memory_space<vmem_shared>> -> memref<640x128xf32, #tpu.memory_space<vmem_shared>>
      tpu.wait_dma2 semaphore(%run_scoped3A : memref<!tpu.dma_semaphore, #tpu.memory_space<semaphore_mem>>) src(%arg4 : memref<640x128xf32, #tpu.memory_space<hbm>>) dst(%dma_wait3A_162 : memref<640x128xf32, #tpu.memory_space<vmem_shared>>)
      tpu.yield
    }) : () -> ()
    %barrier3A_83 = arith.constant 0 : index
    tpu.barrier barrier_id(%barrier3A_83)
    %mul3A_84 = arith.constant 10000 : i32
    %mul3A_85 = arith.muli %arg1, %mul3A_84 : i32
    %add3A_86 = arith.constant 0 : i32
    %add3A_87 = arith.addi %mul3A_85, %add3A_86 : i32
    %dma_start3A_88 = tpu.memref_slice %arg3[%add3A_87] : memref<160000xi32, #tpu.memory_space<hbm>> -> memref<80xi32, #tpu.memory_space<hbm>>
    %dma_start3A_89 = tpu.memref_slice %arg3[%add3A_87] : memref<160000xi32, #tpu.memory_space<hbm>> -> memref<80xi32, #tpu.memory_space<hbm>>
    tpu.enqueue_dma source(%dma_start3A_89 : memref<80xi32, #tpu.memory_space<hbm>>) target(%arg6 : memref<80xi32, #tpu.memory_space<vmem>>) target_semaphore(%arg11 : memref<!tpu.dma_semaphore, #tpu.memory_space<semaphore_mem>>)
    %dma_start3A_90 = tpu.memref_slice %arg2[%add3A_87, %mul3A_80] : memref<160000x1024xf32, #tpu.memory_space<hbm>> -> memref<80x128xf32, #tpu.memory_space<hbm>>
    %dma_start3A_91 = tpu.memref_slice %arg2[%add3A_87, %mul3A_80] : memref<160000x1024xf32, #tpu.memory_space<hbm>> -> memref<80x128xf32, #tpu.memory_space<hbm>>
    tpu.enqueue_dma source(%dma_start3A_91 : memref<80x128xf32, #tpu.memory_space<hbm>>) target(%arg8 : memref<80x128xf32, #tpu.memory_space<vmem>>) target_semaphore(%arg11 : memref<!tpu.dma_semaphore, #tpu.memory_space<semaphore_mem>>)
    %scan3A_92 = arith.constant 0 : i32
    %scan3A_93 = arith.constant 0 : i32
    %scan3A_94 = arith.constant 62 : i32
    %scan3A_95 = arith.addi %scan3A_93, %scan3A_94 : i32
    %scan3A_96 = arith.constant 1 : i32
    scf.for %scan3A_159 = %scan3A_93 to %scan3A_95 step %scan3A_96  : i32 {
      %mul3A_160 = arith.constant 2 : i32
      %mul3A_161 = arith.muli %mul3A_160, %scan3A_159 : i32
      %add3A_162 = arith.constant 1 : i32
      %add3A_163 = arith.addi %mul3A_161, %add3A_162 : i32
      %mul3A_164 = arith.constant 10000 : i32
      %mul3A_165 = arith.muli %arg1, %mul3A_164 : i32
      %mul3A_166 = arith.constant 80 : i32
      %mul3A_167 = arith.muli %add3A_163, %mul3A_166 : i32
      %add3A_168 = arith.addi %mul3A_165, %mul3A_167 : i32
      %dma_start3A_169 = tpu.memref_slice %arg3[%add3A_168] : memref<160000xi32, #tpu.memory_space<hbm>> -> memref<80xi32, #tpu.memory_space<hbm>>
      %dma_start3A_170 = tpu.memref_slice %arg3[%add3A_168] : memref<160000xi32, #tpu.memory_space<hbm>> -> memref<80xi32, #tpu.memory_space<hbm>>
      tpu.enqueue_dma source(%dma_start3A_170 : memref<80xi32, #tpu.memory_space<hbm>>) target(%arg7 : memref<80xi32, #tpu.memory_space<vmem>>) target_semaphore(%arg12 : memref<!tpu.dma_semaphore, #tpu.memory_space<semaphore_mem>>)
      %dma_start3A_171 = tpu.memref_slice %arg2[%add3A_168, %mul3A_80] : memref<160000x1024xf32, #tpu.memory_space<hbm>> -> memref<80x128xf32, #tpu.memory_space<hbm>>
      %dma_start3A_172 = tpu.memref_slice %arg2[%add3A_168, %mul3A_80] : memref<160000x1024xf32, #tpu.memory_space<hbm>> -> memref<80x128xf32, #tpu.memory_space<hbm>>
      tpu.enqueue_dma source(%dma_start3A_172 : memref<80x128xf32, #tpu.memory_space<hbm>>) target(%arg9 : memref<80x128xf32, #tpu.memory_space<vmem>>) target_semaphore(%arg12 : memref<!tpu.dma_semaphore, #tpu.memory_space<semaphore_mem>>)
      %mul3A_173 = arith.constant 10000 : i32
      %mul3A_174 = arith.muli %arg1, %mul3A_173 : i32
      %mul3A_175 = arith.constant 80 : i32
      %mul3A_176 = arith.muli %mul3A_161, %mul3A_175 : i32
      %add3A_177 = arith.addi %mul3A_174, %mul3A_176 : i32
      %dma_wait3A_178 = tpu.memref_slice %arg3[%add3A_177] : memref<160000xi32, #tpu.memory_space<hbm>> -> memref<80xi32, #tpu.memory_space<hbm>>
      %dma_wait3A_179 = tpu.memref_slice %arg3[%add3A_177] : memref<160000xi32, #tpu.memory_space<hbm>> -> memref<80xi32, #tpu.memory_space<hbm>>
      tpu.wait_dma2 semaphore(%arg11 : memref<!tpu.dma_semaphore, #tpu.memory_space<semaphore_mem>>) src(%dma_wait3A_179 : memref<80xi32, #tpu.memory_space<hbm>>) dst(%arg6 : memref<80xi32, #tpu.memory_space<vmem>>)
      %dma_wait3A_180 = tpu.memref_slice %arg2[%add3A_177, %mul3A_80] : memref<160000x1024xf32, #tpu.memory_space<hbm>> -> memref<80x128xf32, #tpu.memory_space<hbm>>
      %dma_wait3A_181 = tpu.memref_slice %arg2[%add3A_177, %mul3A_80] : memref<160000x1024xf32, #tpu.memory_space<hbm>> -> memref<80x128xf32, #tpu.memory_space<hbm>>
      tpu.wait_dma2 semaphore(%arg11 : memref<!tpu.dma_semaphore, #tpu.memory_space<semaphore_mem>>) src(%dma_wait3A_181 : memref<80x128xf32, #tpu.memory_space<hbm>>) dst(%arg8 : memref<80x128xf32, #tpu.memory_space<vmem>>)
      "tpu.region"() ({
        %run_scoped3A = tpu.sem_alloc : memref<!tpu.dma_semaphore, #tpu.memory_space<semaphore_mem>>
        %dma_start3A_199 = arith.constant 0 : i32
        %dma_start3A_200 = arith.constant 0 : i32
        %dma_start3A_201 = tpu.memref_slice %arg10[%dma_start3A_199, %dma_start3A_200] : memref<10240x128xf32, #tpu.memory_space<vmem_shared>> -> memref<10240x128xf32, #tpu.memory_space<vmem_shared>>
        tpu.enqueue_indirect_dma source(%arg8 : memref<80x128xf32, #tpu.memory_space<vmem>>) target(%dma_start3A_201 : memref<10240x128xf32, #tpu.memory_space<vmem_shared>>) offsets(%arg6 : memref<80xi32, #tpu.memory_space<vmem>>) semaphore(%run_scoped3A : memref<!tpu.dma_semaphore, #tpu.memory_space<semaphore_mem>>) {add = true}
        %dma_wait3A_202 = arith.constant 0 : i32
        %dma_wait3A_203 = arith.constant 0 : i32
        %dma_wait3A_204 = tpu.memref_slice %arg10[%dma_wait3A_202, %dma_wait3A_203] : memref<10240x128xf32, #tpu.memory_space<vmem_shared>> -> memref<10240x128xf32, #tpu.memory_space<vmem_shared>>
        tpu.wait_indirect_dma semaphore(%run_scoped3A : memref<!tpu.dma_semaphore, #tpu.memory_space<semaphore_mem>>) src(%arg8 : memref<80x128xf32, #tpu.memory_space<vmem>>) dst(%dma_wait3A_204 : memref<10240x128xf32, #tpu.memory_space<vmem_shared>>)
        tpu.yield
      }) : () -> ()
      %add3A_182 = arith.constant 2 : i32
      %add3A_183 = arith.addi %mul3A_161, %add3A_182 : i32
      %lt3A = arith.constant 125 : i32
      %lt3A_184 = arith.cmpi slt, %add3A_183, %lt3A : i32
      %convert_element_type3A_185 = arith.extui %lt3A_184 : i1 to i32
      %cond3A_186 = arith.constant 0 : i32
      %cond3A_187 = arith.cmpi ne, %convert_element_type3A_185, %cond3A_186 : i32
      scf.if %cond3A_187 {
        %add3A_199 = arith.constant 2 : i32
        %add3A_200 = arith.addi %mul3A_161, %add3A_199 : i32
        %mul3A_201 = arith.constant 10000 : i32
        %mul3A_202 = arith.muli %arg1, %mul3A_201 : i32
        %mul3A_203 = arith.constant 80 : i32
        %mul3A_204 = arith.muli %add3A_200, %mul3A_203 : i32
        %add3A_205 = arith.addi %mul3A_202, %mul3A_204 : i32
        %dma_start3A_206 = tpu.memref_slice %arg3[%add3A_205] : memref<160000xi32, #tpu.memory_space<hbm>> -> memref<80xi32, #tpu.memory_space<hbm>>
        %dma_start3A_207 = tpu.memref_slice %arg3[%add3A_205] : memref<160000xi32, #tpu.memory_space<hbm>> -> memref<80xi32, #tpu.memory_space<hbm>>
        tpu.enqueue_dma source(%dma_start3A_207 : memref<80xi32, #tpu.memory_space<hbm>>) target(%arg6 : memref<80xi32, #tpu.memory_space<vmem>>) target_semaphore(%arg11 : memref<!tpu.dma_semaphore, #tpu.memory_space<semaphore_mem>>)
        %dma_start3A_208 = tpu.memref_slice %arg2[%add3A_205, %mul3A_80] : memref<160000x1024xf32, #tpu.memory_space<hbm>> -> memref<80x128xf32, #tpu.memory_space<hbm>>
        %dma_start3A_209 = tpu.memref_slice %arg2[%add3A_205, %mul3A_80] : memref<160000x1024xf32, #tpu.memory_space<hbm>> -> memref<80x128xf32, #tpu.memory_space<hbm>>
        tpu.enqueue_dma source(%dma_start3A_209 : memref<80x128xf32, #tpu.memory_space<hbm>>) target(%arg8 : memref<80x128xf32, #tpu.memory_space<vmem>>) target_semaphore(%arg11 : memref<!tpu.dma_semaphore, #tpu.memory_space<semaphore_mem>>)
      } else {
      }
      %add3A_188 = arith.constant 1 : i32
      %add3A_189 = arith.addi %mul3A_161, %add3A_188 : i32
      %mul3A_190 = arith.constant 10000 : i32
      %mul3A_191 = arith.muli %arg1, %mul3A_190 : i32
      %mul3A_192 = arith.constant 80 : i32
      %mul3A_193 = arith.muli %add3A_189, %mul3A_192 : i32
      %add3A_194 = arith.addi %mul3A_191, %mul3A_193 : i32
      %dma_wait3A_195 = tpu.memref_slice %arg3[%add3A_194] : memref<160000xi32, #tpu.memory_space<hbm>> -> memref<80xi32, #tpu.memory_space<hbm>>
      %dma_wait3A_196 = tpu.memref_slice %arg3[%add3A_194] : memref<160000xi32, #tpu.memory_space<hbm>> -> memref<80xi32, #tpu.memory_space<hbm>>
      tpu.wait_dma2 semaphore(%arg12 : memref<!tpu.dma_semaphore, #tpu.memory_space<semaphore_mem>>) src(%dma_wait3A_196 : memref<80xi32, #tpu.memory_space<hbm>>) dst(%arg7 : memref<80xi32, #tpu.memory_space<vmem>>)
      %dma_wait3A_197 = tpu.memref_slice %arg2[%add3A_194, %mul3A_80] : memref<160000x1024xf32, #tpu.memory_space<hbm>> -> memref<80x128xf32, #tpu.memory_space<hbm>>
      %dma_wait3A_198 = tpu.memref_slice %arg2[%add3A_194, %mul3A_80] : memref<160000x1024xf32, #tpu.memory_space<hbm>> -> memref<80x128xf32, #tpu.memory_space<hbm>>
      tpu.wait_dma2 semaphore(%arg12 : memref<!tpu.dma_semaphore, #tpu.memory_space<semaphore_mem>>) src(%dma_wait3A_198 : memref<80x128xf32, #tpu.memory_space<hbm>>) dst(%arg9 : memref<80x128xf32, #tpu.memory_space<vmem>>)
      "tpu.region"() ({
        %run_scoped3A = tpu.sem_alloc : memref<!tpu.dma_semaphore, #tpu.memory_space<semaphore_mem>>
        %dma_start3A_199 = arith.constant 0 : i32
        %dma_start3A_200 = arith.constant 0 : i32
        %dma_start3A_201 = tpu.memref_slice %arg10[%dma_start3A_199, %dma_start3A_200] : memref<10240x128xf32, #tpu.memory_space<vmem_shared>> -> memref<10240x128xf32, #tpu.memory_space<vmem_shared>>
        tpu.enqueue_indirect_dma source(%arg9 : memref<80x128xf32, #tpu.memory_space<vmem>>) target(%dma_start3A_201 : memref<10240x128xf32, #tpu.memory_space<vmem_shared>>) offsets(%arg7 : memref<80xi32, #tpu.memory_space<vmem>>) semaphore(%run_scoped3A : memref<!tpu.dma_semaphore, #tpu.memory_space<semaphore_mem>>) {add = true}
        %dma_wait3A_202 = arith.constant 0 : i32
        %dma_wait3A_203 = arith.constant 0 : i32
        %dma_wait3A_204 = tpu.memref_slice %arg10[%dma_wait3A_202, %dma_wait3A_203] : memref<10240x128xf32, #tpu.memory_space<vmem_shared>> -> memref<10240x128xf32, #tpu.memory_space<vmem_shared>>
        tpu.wait_indirect_dma semaphore(%run_scoped3A : memref<!tpu.dma_semaphore, #tpu.memory_space<semaphore_mem>>) src(%arg9 : memref<80x128xf32, #tpu.memory_space<vmem>>) dst(%dma_wait3A_204 : memref<10240x128xf32, #tpu.memory_space<vmem_shared>>)
        tpu.yield
      }) : () -> ()
    }
    %scan3A_97 = arith.constant 62 : i32
    %mul3A_98 = arith.constant 10000 : i32
    %mul3A_99 = arith.muli %arg1, %mul3A_98 : i32
    %add3A_100 = arith.constant 9920 : i32
    %add3A_101 = arith.addi %mul3A_99, %add3A_100 : i32
    %dma_wait3A_102 = tpu.memref_slice %arg3[%add3A_101] : memref<160000xi32, #tpu.memory_space<hbm>> -> memref<80xi32, #tpu.memory_space<hbm>>
    %dma_wait3A_103 = tpu.memref_slice %arg3[%add3A_101] : memref<160000xi32, #tpu.memory_space<hbm>> -> memref<80xi32, #tpu.memory_space<hbm>>
    tpu.wait_dma2 semaphore(%arg11 : memref<!tpu.dma_semaphore, #tpu.memory_space<semaphore_mem>>) src(%dma_wait3A_103 : memref<80xi32, #tpu.memory_space<hbm>>) dst(%arg6 : memref<80xi32, #tpu.memory_space<vmem>>)
    %dma_wait3A_104 = tpu.memref_slice %arg2[%add3A_101, %mul3A_80] : memref<160000x1024xf32, #tpu.memory_space<hbm>> -> memref<80x128xf32, #tpu.memory_space<hbm>>
    %dma_wait3A_105 = tpu.memref_slice %arg2[%add3A_101, %mul3A_80] : memref<160000x1024xf32, #tpu.memory_space<hbm>> -> memref<80x128xf32, #tpu.memory_space<hbm>>
    tpu.wait_dma2 semaphore(%arg11 : memref<!tpu.dma_semaphore, #tpu.memory_space<semaphore_mem>>) src(%dma_wait3A_105 : memref<80x128xf32, #tpu.memory_space<hbm>>) dst(%arg8 : memref<80x128xf32, #tpu.memory_space<vmem>>)
    "tpu.region"() ({
      %run_scoped3A = tpu.sem_alloc : memref<!tpu.dma_semaphore, #tpu.memory_space<semaphore_mem>>
      %dma_start3A_159 = arith.constant 0 : i32
      %dma_start3A_160 = arith.constant 0 : i32
      %dma_start3A_161 = tpu.memref_slice %arg10[%dma_start3A_159, %dma_start3A_160] : memref<10240x128xf32, #tpu.memory_space<vmem_shared>> -> memref<10240x128xf32, #tpu.memory_space<vmem_shared>>
      tpu.enqueue_indirect_dma source(%arg8 : memref<80x128xf32, #tpu.memory_space<vmem>>) target(%dma_start3A_161 : memref<10240x128xf32, #tpu.memory_space<vmem_shared>>) offsets(%arg6 : memref<80xi32, #tpu.memory_space<vmem>>) semaphore(%run_scoped3A : memref<!tpu.dma_semaphore, #tpu.memory_space<semaphore_mem>>) {add = true}
      %dma_wait3A_162 = arith.constant 0 : i32
      %dma_wait3A_163 = arith.constant 0 : i32
      %dma_wait3A_164 = tpu.memref_slice %arg10[%dma_wait3A_162, %dma_wait3A_163] : memref<10240x128xf32, #tpu.memory_space<vmem_shared>> -> memref<10240x128xf32, #tpu.memory_space<vmem_shared>>
      tpu.wait_indirect_dma semaphore(%run_scoped3A : memref<!tpu.dma_semaphore, #tpu.memory_space<semaphore_mem>>) src(%arg8 : memref<80x128xf32, #tpu.memory_space<vmem>>) dst(%dma_wait3A_164 : memref<10240x128xf32, #tpu.memory_space<vmem_shared>>)
      tpu.yield
    }) : () -> ()
    %barrier3A_106 = arith.constant 0 : index
    tpu.barrier barrier_id(%barrier3A_106)
    %mul3A_107 = arith.constant 624 : i32
    %mul3A_108 = arith.muli %arg1, %mul3A_107 : i32
    %mul3A_109 = arith.constant 624 : i32
    %mul3A_110 = arith.muli %arg1, %mul3A_109 : i32
    "tpu.region"() ({
      %run_scoped3A = tpu.sem_alloc : memref<!tpu.dma_semaphore, #tpu.memory_space<semaphore_mem>>
      %dma_start3A_159 = tpu.memref_slice %arg5[%mul3A_110, %mul3A_80] : memref<10000x1024xf32, #tpu.memory_space<hbm>> -> memref<624x128xf32, #tpu.memory_space<hbm>>
      %dma_start3A_160 = arith.constant 0 : i32
      %dma_start3A_161 = tpu.memref_slice %arg10[%mul3A_108, %dma_start3A_160] : memref<10240x128xf32, #tpu.memory_space<vmem_shared>> -> memref<624x128xf32, #tpu.memory_space<vmem_shared>>
      tpu.enqueue_dma source(%dma_start3A_161 : memref<624x128xf32, #tpu.memory_space<vmem_shared>>) target(%dma_start3A_159 : memref<624x128xf32, #tpu.memory_space<hbm>>) target_semaphore(%run_scoped3A : memref<!tpu.dma_semaphore, #tpu.memory_space<semaphore_mem>>)
      %dma_wait3A_162 = tpu.memref_slice %arg5[%mul3A_110, %mul3A_80] : memref<10000x1024xf32, #tpu.memory_space<hbm>> -> memref<624x128xf32, #tpu.memory_space<hbm>>
      %dma_wait3A_163 = arith.constant 0 : i32
      %dma_wait3A_164 = tpu.memref_slice %arg10[%mul3A_108, %dma_wait3A_163] : memref<10240x128xf32, #tpu.memory_space<vmem_shared>> -> memref<624x128xf32, #tpu.memory_space<vmem_shared>>
      tpu.wait_dma2 semaphore(%run_scoped3A : memref<!tpu.dma_semaphore, #tpu.memory_space<semaphore_mem>>) src(%dma_wait3A_164 : memref<624x128xf32, #tpu.memory_space<vmem_shared>>) dst(%dma_wait3A_162 : memref<624x128xf32, #tpu.memory_space<hbm>>)
      tpu.yield
    }) : () -> ()
    %eq3A_111 = arith.constant 15 : i32
    %eq3A_112 = arith.cmpi eq, %arg1, %eq3A_111 : i32
    %convert_element_type3A_113 = arith.extui %eq3A_112 : i1 to i32
    %cond3A_114 = arith.constant 0 : i32
    %cond3A_115 = arith.cmpi ne, %convert_element_type3A_113, %cond3A_114 : i32
    scf.if %cond3A_115 {
      "tpu.region"() ({
        %run_scoped3A = tpu.sem_alloc : memref<!tpu.dma_semaphore, #tpu.memory_space<semaphore_mem>>
        %dma_start3A_159 = arith.constant 9984 : i32
        %dma_start3A_160 = tpu.memref_slice %arg5[%dma_start3A_159, %mul3A_80] : memref<10000x1024xf32, #tpu.memory_space<hbm>> -> memref<16x128xf32, #tpu.memory_space<hbm>>
        %dma_start3A_161 = arith.constant 9984 : i32
        %dma_start3A_162 = arith.constant 0 : i32
        %dma_start3A_163 = tpu.memref_slice %arg10[%dma_start3A_161, %dma_start3A_162] : memref<10240x128xf32, #tpu.memory_space<vmem_shared>> -> memref<16x128xf32, #tpu.memory_space<vmem_shared>>
        tpu.enqueue_dma source(%dma_start3A_163 : memref<16x128xf32, #tpu.memory_space<vmem_shared>>) target(%dma_start3A_160 : memref<16x128xf32, #tpu.memory_space<hbm>>) target_semaphore(%run_scoped3A : memref<!tpu.dma_semaphore, #tpu.memory_space<semaphore_mem>>)
        %dma_wait3A_164 = arith.constant 9984 : i32
        %dma_wait3A_165 = tpu.memref_slice %arg5[%dma_wait3A_164, %mul3A_80] : memref<10000x1024xf32, #tpu.memory_space<hbm>> -> memref<16x128xf32, #tpu.memory_space<hbm>>
        %dma_wait3A_166 = arith.constant 9984 : i32
        %dma_wait3A_167 = arith.constant 0 : i32
        %dma_wait3A_168 = tpu.memref_slice %arg10[%dma_wait3A_166, %dma_wait3A_167] : memref<10240x128xf32, #tpu.memory_space<vmem_shared>> -> memref<16x128xf32, #tpu.memory_space<vmem_shared>>
        tpu.wait_dma2 semaphore(%run_scoped3A : memref<!tpu.dma_semaphore, #tpu.memory_space<semaphore_mem>>) src(%dma_wait3A_168 : memref<16x128xf32, #tpu.memory_space<vmem_shared>>) dst(%dma_wait3A_165 : memref<16x128xf32, #tpu.memory_space<hbm>>)
        tpu.yield
      }) : () -> ()
    } else {
    }
    %barrier3A_116 = arith.constant 0 : index
    tpu.barrier barrier_id(%barrier3A_116)
    %mul3A_117 = arith.constant 4 : i32
    %mul3A_118 = arith.muli %arg0, %mul3A_117 : i32
    %add3A_119 = arith.constant 3 : i32
    %add3A_120 = arith.addi %mul3A_118, %add3A_119 : i32
    %mul3A_121 = arith.constant 128 : i32
    %mul3A_122 = arith.muli %add3A_120, %mul3A_121 : i32
    %mul3A_123 = arith.constant 640 : i32
    %mul3A_124 = arith.muli %arg1, %mul3A_123 : i32
    "tpu.region"() ({
      %run_scoped3A = tpu.sem_alloc : memref<!tpu.dma_semaphore, #tpu.memory_space<semaphore_mem>>
      %dma_start3A_159 = arith.constant 0 : i32
      %dma_start3A_160 = tpu.memref_slice %arg10[%mul3A_124, %dma_start3A_159] : memref<10240x128xf32, #tpu.memory_space<vmem_shared>> -> memref<640x128xf32, #tpu.memory_space<vmem_shared>>
      tpu.enqueue_dma source(%arg4 : memref<640x128xf32, #tpu.memory_space<hbm>>) target(%dma_start3A_160 : memref<640x128xf32, #tpu.memory_space<vmem_shared>>) target_semaphore(%run_scoped3A : memref<!tpu.dma_semaphore, #tpu.memory_space<semaphore_mem>>)
      %dma_wait3A_161 = arith.constant 0 : i32
      %dma_wait3A_162 = tpu.memref_slice %arg10[%mul3A_124, %dma_wait3A_161] : memref<10240x128xf32, #tpu.memory_space<vmem_shared>> -> memref<640x128xf32, #tpu.memory_space<vmem_shared>>
      tpu.wait_dma2 semaphore(%run_scoped3A : memref<!tpu.dma_semaphore, #tpu.memory_space<semaphore_mem>>) src(%arg4 : memref<640x128xf32, #tpu.memory_space<hbm>>) dst(%dma_wait3A_162 : memref<640x128xf32, #tpu.memory_space<vmem_shared>>)
      tpu.yield
    }) : () -> ()
    %barrier3A_125 = arith.constant 0 : index
    tpu.barrier barrier_id(%barrier3A_125)
    %mul3A_126 = arith.constant 10000 : i32
    %mul3A_127 = arith.muli %arg1, %mul3A_126 : i32
    %add3A_128 = arith.constant 0 : i32
    %add3A_129 = arith.addi %mul3A_127, %add3A_128 : i32
    %dma_start3A_130 = tpu.memref_slice %arg3[%add3A_129] : memref<160000xi32, #tpu.memory_space<hbm>> -> memref<80xi32, #tpu.memory_space<hbm>>
    %dma_start3A_131 = tpu.memref_slice %arg3[%add3A_129] : memref<160000xi32, #tpu.memory_space<hbm>> -> memref<80xi32, #tpu.memory_space<hbm>>
    tpu.enqueue_dma source(%dma_start3A_131 : memref<80xi32, #tpu.memory_space<hbm>>) target(%arg6 : memref<80xi32, #tpu.memory_space<vmem>>) target_semaphore(%arg11 : memref<!tpu.dma_semaphore, #tpu.memory_space<semaphore_mem>>)
    %dma_start3A_132 = tpu.memref_slice %arg2[%add3A_129, %mul3A_122] : memref<160000x1024xf32, #tpu.memory_space<hbm>> -> memref<80x128xf32, #tpu.memory_space<hbm>>
    %dma_start3A_133 = tpu.memref_slice %arg2[%add3A_129, %mul3A_122] : memref<160000x1024xf32, #tpu.memory_space<hbm>> -> memref<80x128xf32, #tpu.memory_space<hbm>>
    tpu.enqueue_dma source(%dma_start3A_133 : memref<80x128xf32, #tpu.memory_space<hbm>>) target(%arg8 : memref<80x128xf32, #tpu.memory_space<vmem>>) target_semaphore(%arg11 : memref<!tpu.dma_semaphore, #tpu.memory_space<semaphore_mem>>)
    %scan3A_134 = arith.constant 0 : i32
    %scan3A_135 = arith.constant 0 : i32
    %scan3A_136 = arith.constant 62 : i32
    %scan3A_137 = arith.addi %scan3A_135, %scan3A_136 : i32
    %scan3A_138 = arith.constant 1 : i32
    scf.for %scan3A_159 = %scan3A_135 to %scan3A_137 step %scan3A_138  : i32 {
      %mul3A_160 = arith.constant 2 : i32
      %mul3A_161 = arith.muli %mul3A_160, %scan3A_159 : i32
      %add3A_162 = arith.constant 1 : i32
      %add3A_163 = arith.addi %mul3A_161, %add3A_162 : i32
      %mul3A_164 = arith.constant 10000 : i32
      %mul3A_165 = arith.muli %arg1, %mul3A_164 : i32
      %mul3A_166 = arith.constant 80 : i32
      %mul3A_167 = arith.muli %add3A_163, %mul3A_166 : i32
      %add3A_168 = arith.addi %mul3A_165, %mul3A_167 : i32
      %dma_start3A_169 = tpu.memref_slice %arg3[%add3A_168] : memref<160000xi32, #tpu.memory_space<hbm>> -> memref<80xi32, #tpu.memory_space<hbm>>
      %dma_start3A_170 = tpu.memref_slice %arg3[%add3A_168] : memref<160000xi32, #tpu.memory_space<hbm>> -> memref<80xi32, #tpu.memory_space<hbm>>
      tpu.enqueue_dma source(%dma_start3A_170 : memref<80xi32, #tpu.memory_space<hbm>>) target(%arg7 : memref<80xi32, #tpu.memory_space<vmem>>) target_semaphore(%arg12 : memref<!tpu.dma_semaphore, #tpu.memory_space<semaphore_mem>>)
      %dma_start3A_171 = tpu.memref_slice %arg2[%add3A_168, %mul3A_122] : memref<160000x1024xf32, #tpu.memory_space<hbm>> -> memref<80x128xf32, #tpu.memory_space<hbm>>
      %dma_start3A_172 = tpu.memref_slice %arg2[%add3A_168, %mul3A_122] : memref<160000x1024xf32, #tpu.memory_space<hbm>> -> memref<80x128xf32, #tpu.memory_space<hbm>>
      tpu.enqueue_dma source(%dma_start3A_172 : memref<80x128xf32, #tpu.memory_space<hbm>>) target(%arg9 : memref<80x128xf32, #tpu.memory_space<vmem>>) target_semaphore(%arg12 : memref<!tpu.dma_semaphore, #tpu.memory_space<semaphore_mem>>)
      %mul3A_173 = arith.constant 10000 : i32
      %mul3A_174 = arith.muli %arg1, %mul3A_173 : i32
      %mul3A_175 = arith.constant 80 : i32
      %mul3A_176 = arith.muli %mul3A_161, %mul3A_175 : i32
      %add3A_177 = arith.addi %mul3A_174, %mul3A_176 : i32
      %dma_wait3A_178 = tpu.memref_slice %arg3[%add3A_177] : memref<160000xi32, #tpu.memory_space<hbm>> -> memref<80xi32, #tpu.memory_space<hbm>>
      %dma_wait3A_179 = tpu.memref_slice %arg3[%add3A_177] : memref<160000xi32, #tpu.memory_space<hbm>> -> memref<80xi32, #tpu.memory_space<hbm>>
      tpu.wait_dma2 semaphore(%arg11 : memref<!tpu.dma_semaphore, #tpu.memory_space<semaphore_mem>>) src(%dma_wait3A_179 : memref<80xi32, #tpu.memory_space<hbm>>) dst(%arg6 : memref<80xi32, #tpu.memory_space<vmem>>)
      %dma_wait3A_180 = tpu.memref_slice %arg2[%add3A_177, %mul3A_122] : memref<160000x1024xf32, #tpu.memory_space<hbm>> -> memref<80x128xf32, #tpu.memory_space<hbm>>
      %dma_wait3A_181 = tpu.memref_slice %arg2[%add3A_177, %mul3A_122] : memref<160000x1024xf32, #tpu.memory_space<hbm>> -> memref<80x128xf32, #tpu.memory_space<hbm>>
      tpu.wait_dma2 semaphore(%arg11 : memref<!tpu.dma_semaphore, #tpu.memory_space<semaphore_mem>>) src(%dma_wait3A_181 : memref<80x128xf32, #tpu.memory_space<hbm>>) dst(%arg8 : memref<80x128xf32, #tpu.memory_space<vmem>>)
      "tpu.region"() ({
        %run_scoped3A = tpu.sem_alloc : memref<!tpu.dma_semaphore, #tpu.memory_space<semaphore_mem>>
        %dma_start3A_199 = arith.constant 0 : i32
        %dma_start3A_200 = arith.constant 0 : i32
        %dma_start3A_201 = tpu.memref_slice %arg10[%dma_start3A_199, %dma_start3A_200] : memref<10240x128xf32, #tpu.memory_space<vmem_shared>> -> memref<10240x128xf32, #tpu.memory_space<vmem_shared>>
        tpu.enqueue_indirect_dma source(%arg8 : memref<80x128xf32, #tpu.memory_space<vmem>>) target(%dma_start3A_201 : memref<10240x128xf32, #tpu.memory_space<vmem_shared>>) offsets(%arg6 : memref<80xi32, #tpu.memory_space<vmem>>) semaphore(%run_scoped3A : memref<!tpu.dma_semaphore, #tpu.memory_space<semaphore_mem>>) {add = true}
        %dma_wait3A_202 = arith.constant 0 : i32
        %dma_wait3A_203 = arith.constant 0 : i32
        %dma_wait3A_204 = tpu.memref_slice %arg10[%dma_wait3A_202, %dma_wait3A_203] : memref<10240x128xf32, #tpu.memory_space<vmem_shared>> -> memref<10240x128xf32, #tpu.memory_space<vmem_shared>>
        tpu.wait_indirect_dma semaphore(%run_scoped3A : memref<!tpu.dma_semaphore, #tpu.memory_space<semaphore_mem>>) src(%arg8 : memref<80x128xf32, #tpu.memory_space<vmem>>) dst(%dma_wait3A_204 : memref<10240x128xf32, #tpu.memory_space<vmem_shared>>)
        tpu.yield
      }) : () -> ()
      %add3A_182 = arith.constant 2 : i32
      %add3A_183 = arith.addi %mul3A_161, %add3A_182 : i32
      %lt3A = arith.constant 125 : i32
      %lt3A_184 = arith.cmpi slt, %add3A_183, %lt3A : i32
      %convert_element_type3A_185 = arith.extui %lt3A_184 : i1 to i32
      %cond3A_186 = arith.constant 0 : i32
      %cond3A_187 = arith.cmpi ne, %convert_element_type3A_185, %cond3A_186 : i32
      scf.if %cond3A_187 {
        %add3A_199 = arith.constant 2 : i32
        %add3A_200 = arith.addi %mul3A_161, %add3A_199 : i32
        %mul3A_201 = arith.constant 10000 : i32
        %mul3A_202 = arith.muli %arg1, %mul3A_201 : i32
        %mul3A_203 = arith.constant 80 : i32
        %mul3A_204 = arith.muli %add3A_200, %mul3A_203 : i32
        %add3A_205 = arith.addi %mul3A_202, %mul3A_204 : i32
        %dma_start3A_206 = tpu.memref_slice %arg3[%add3A_205] : memref<160000xi32, #tpu.memory_space<hbm>> -> memref<80xi32, #tpu.memory_space<hbm>>
        %dma_start3A_207 = tpu.memref_slice %arg3[%add3A_205] : memref<160000xi32, #tpu.memory_space<hbm>> -> memref<80xi32, #tpu.memory_space<hbm>>
        tpu.enqueue_dma source(%dma_start3A_207 : memref<80xi32, #tpu.memory_space<hbm>>) target(%arg6 : memref<80xi32, #tpu.memory_space<vmem>>) target_semaphore(%arg11 : memref<!tpu.dma_semaphore, #tpu.memory_space<semaphore_mem>>)
        %dma_start3A_208 = tpu.memref_slice %arg2[%add3A_205, %mul3A_122] : memref<160000x1024xf32, #tpu.memory_space<hbm>> -> memref<80x128xf32, #tpu.memory_space<hbm>>
        %dma_start3A_209 = tpu.memref_slice %arg2[%add3A_205, %mul3A_122] : memref<160000x1024xf32, #tpu.memory_space<hbm>> -> memref<80x128xf32, #tpu.memory_space<hbm>>
        tpu.enqueue_dma source(%dma_start3A_209 : memref<80x128xf32, #tpu.memory_space<hbm>>) target(%arg8 : memref<80x128xf32, #tpu.memory_space<vmem>>) target_semaphore(%arg11 : memref<!tpu.dma_semaphore, #tpu.memory_space<semaphore_mem>>)
      } else {
      }
      %add3A_188 = arith.constant 1 : i32
      %add3A_189 = arith.addi %mul3A_161, %add3A_188 : i32
      %mul3A_190 = arith.constant 10000 : i32
      %mul3A_191 = arith.muli %arg1, %mul3A_190 : i32
      %mul3A_192 = arith.constant 80 : i32
      %mul3A_193 = arith.muli %add3A_189, %mul3A_192 : i32
      %add3A_194 = arith.addi %mul3A_191, %mul3A_193 : i32
      %dma_wait3A_195 = tpu.memref_slice %arg3[%add3A_194] : memref<160000xi32, #tpu.memory_space<hbm>> -> memref<80xi32, #tpu.memory_space<hbm>>
      %dma_wait3A_196 = tpu.memref_slice %arg3[%add3A_194] : memref<160000xi32, #tpu.memory_space<hbm>> -> memref<80xi32, #tpu.memory_space<hbm>>
      tpu.wait_dma2 semaphore(%arg12 : memref<!tpu.dma_semaphore, #tpu.memory_space<semaphore_mem>>) src(%dma_wait3A_196 : memref<80xi32, #tpu.memory_space<hbm>>) dst(%arg7 : memref<80xi32, #tpu.memory_space<vmem>>)
      %dma_wait3A_197 = tpu.memref_slice %arg2[%add3A_194, %mul3A_122] : memref<160000x1024xf32, #tpu.memory_space<hbm>> -> memref<80x128xf32, #tpu.memory_space<hbm>>
      %dma_wait3A_198 = tpu.memref_slice %arg2[%add3A_194, %mul3A_122] : memref<160000x1024xf32, #tpu.memory_space<hbm>> -> memref<80x128xf32, #tpu.memory_space<hbm>>
      tpu.wait_dma2 semaphore(%arg12 : memref<!tpu.dma_semaphore, #tpu.memory_space<semaphore_mem>>) src(%dma_wait3A_198 : memref<80x128xf32, #tpu.memory_space<hbm>>) dst(%arg9 : memref<80x128xf32, #tpu.memory_space<vmem>>)
      "tpu.region"() ({
        %run_scoped3A = tpu.sem_alloc : memref<!tpu.dma_semaphore, #tpu.memory_space<semaphore_mem>>
        %dma_start3A_199 = arith.constant 0 : i32
        %dma_start3A_200 = arith.constant 0 : i32
        %dma_start3A_201 = tpu.memref_slice %arg10[%dma_start3A_199, %dma_start3A_200] : memref<10240x128xf32, #tpu.memory_space<vmem_shared>> -> memref<10240x128xf32, #tpu.memory_space<vmem_shared>>
        tpu.enqueue_indirect_dma source(%arg9 : memref<80x128xf32, #tpu.memory_space<vmem>>) target(%dma_start3A_201 : memref<10240x128xf32, #tpu.memory_space<vmem_shared>>) offsets(%arg7 : memref<80xi32, #tpu.memory_space<vmem>>) semaphore(%run_scoped3A : memref<!tpu.dma_semaphore, #tpu.memory_space<semaphore_mem>>) {add = true}
        %dma_wait3A_202 = arith.constant 0 : i32
        %dma_wait3A_203 = arith.constant 0 : i32
        %dma_wait3A_204 = tpu.memref_slice %arg10[%dma_wait3A_202, %dma_wait3A_203] : memref<10240x128xf32, #tpu.memory_space<vmem_shared>> -> memref<10240x128xf32, #tpu.memory_space<vmem_shared>>
        tpu.wait_indirect_dma semaphore(%run_scoped3A : memref<!tpu.dma_semaphore, #tpu.memory_space<semaphore_mem>>) src(%arg9 : memref<80x128xf32, #tpu.memory_space<vmem>>) dst(%dma_wait3A_204 : memref<10240x128xf32, #tpu.memory_space<vmem_shared>>)
        tpu.yield
      }) : () -> ()
    }
    %scan3A_139 = arith.constant 62 : i32
    %mul3A_140 = arith.constant 10000 : i32
    %mul3A_141 = arith.muli %arg1, %mul3A_140 : i32
    %add3A_142 = arith.constant 9920 : i32
    %add3A_143 = arith.addi %mul3A_141, %add3A_142 : i32
    %dma_wait3A_144 = tpu.memref_slice %arg3[%add3A_143] : memref<160000xi32, #tpu.memory_space<hbm>> -> memref<80xi32, #tpu.memory_space<hbm>>
    %dma_wait3A_145 = tpu.memref_slice %arg3[%add3A_143] : memref<160000xi32, #tpu.memory_space<hbm>> -> memref<80xi32, #tpu.memory_space<hbm>>
    tpu.wait_dma2 semaphore(%arg11 : memref<!tpu.dma_semaphore, #tpu.memory_space<semaphore_mem>>) src(%dma_wait3A_145 : memref<80xi32, #tpu.memory_space<hbm>>) dst(%arg6 : memref<80xi32, #tpu.memory_space<vmem>>)
    %dma_wait3A_146 = tpu.memref_slice %arg2[%add3A_143, %mul3A_122] : memref<160000x1024xf32, #tpu.memory_space<hbm>> -> memref<80x128xf32, #tpu.memory_space<hbm>>
    %dma_wait3A_147 = tpu.memref_slice %arg2[%add3A_143, %mul3A_122] : memref<160000x1024xf32, #tpu.memory_space<hbm>> -> memref<80x128xf32, #tpu.memory_space<hbm>>
    tpu.wait_dma2 semaphore(%arg11 : memref<!tpu.dma_semaphore, #tpu.memory_space<semaphore_mem>>) src(%dma_wait3A_147 : memref<80x128xf32, #tpu.memory_space<hbm>>) dst(%arg8 : memref<80x128xf32, #tpu.memory_space<vmem>>)
    "tpu.region"() ({
      %run_scoped3A = tpu.sem_alloc : memref<!tpu.dma_semaphore, #tpu.memory_space<semaphore_mem>>
      %dma_start3A_159 = arith.constant 0 : i32
      %dma_start3A_160 = arith.constant 0 : i32
      %dma_start3A_161 = tpu.memref_slice %arg10[%dma_start3A_159, %dma_start3A_160] : memref<10240x128xf32, #tpu.memory_space<vmem_shared>> -> memref<10240x128xf32, #tpu.memory_space<vmem_shared>>
      tpu.enqueue_indirect_dma source(%arg8 : memref<80x128xf32, #tpu.memory_space<vmem>>) target(%dma_start3A_161 : memref<10240x128xf32, #tpu.memory_space<vmem_shared>>) offsets(%arg6 : memref<80xi32, #tpu.memory_space<vmem>>) semaphore(%run_scoped3A : memref<!tpu.dma_semaphore, #tpu.memory_space<semaphore_mem>>) {add = true}
      %dma_wait3A_162 = arith.constant 0 : i32
      %dma_wait3A_163 = arith.constant 0 : i32
      %dma_wait3A_164 = tpu.memref_slice %arg10[%dma_wait3A_162, %dma_wait3A_163] : memref<10240x128xf32, #tpu.memory_space<vmem_shared>> -> memref<10240x128xf32, #tpu.memory_space<vmem_shared>>
      tpu.wait_indirect_dma semaphore(%run_scoped3A : memref<!tpu.dma_semaphore, #tpu.memory_space<semaphore_mem>>) src(%arg8 : memref<80x128xf32, #tpu.memory_space<vmem>>) dst(%dma_wait3A_164 : memref<10240x128xf32, #tpu.memory_space<vmem_shared>>)
      tpu.yield
    }) : () -> ()
    %barrier3A_148 = arith.constant 0 : index
    tpu.barrier barrier_id(%barrier3A_148)
    %mul3A_149 = arith.constant 624 : i32
    %mul3A_150 = arith.muli %arg1, %mul3A_149 : i32
    %mul3A_151 = arith.constant 624 : i32
    %mul3A_152 = arith.muli %arg1, %mul3A_151 : i32
    "tpu.region"() ({
      %run_scoped3A = tpu.sem_alloc : memref<!tpu.dma_semaphore, #tpu.memory_space<semaphore_mem>>
      %dma_start3A_159 = tpu.memref_slice %arg5[%mul3A_152, %mul3A_122] : memref<10000x1024xf32, #tpu.memory_space<hbm>> -> memref<624x128xf32, #tpu.memory_space<hbm>>
      %dma_start3A_160 = arith.constant 0 : i32
      %dma_start3A_161 = tpu.memref_slice %arg10[%mul3A_150, %dma_start3A_160] : memref<10240x128xf32, #tpu.memory_space<vmem_shared>> -> memref<624x128xf32, #tpu.memory_space<vmem_shared>>
      tpu.enqueue_dma source(%dma_start3A_161 : memref<624x128xf32, #tpu.memory_space<vmem_shared>>) target(%dma_start3A_159 : memref<624x128xf32, #tpu.memory_space<hbm>>) target_semaphore(%run_scoped3A : memref<!tpu.dma_semaphore, #tpu.memory_space<semaphore_mem>>)
      %dma_wait3A_162 = tpu.memref_slice %arg5[%mul3A_152, %mul3A_122] : memref<10000x1024xf32, #tpu.memory_space<hbm>> -> memref<624x128xf32, #tpu.memory_space<hbm>>
      %dma_wait3A_163 = arith.constant 0 : i32
      %dma_wait3A_164 = tpu.memref_slice %arg10[%mul3A_150, %dma_wait3A_163] : memref<10240x128xf32, #tpu.memory_space<vmem_shared>> -> memref<624x128xf32, #tpu.memory_space<vmem_shared>>
      tpu.wait_dma2 semaphore(%run_scoped3A : memref<!tpu.dma_semaphore, #tpu.memory_space<semaphore_mem>>) src(%dma_wait3A_164 : memref<624x128xf32, #tpu.memory_space<vmem_shared>>) dst(%dma_wait3A_162 : memref<624x128xf32, #tpu.memory_space<hbm>>)
      tpu.yield
    }) : () -> ()
    %eq3A_153 = arith.constant 15 : i32
    %eq3A_154 = arith.cmpi eq, %arg1, %eq3A_153 : i32
    %convert_element_type3A_155 = arith.extui %eq3A_154 : i1 to i32
    %cond3A_156 = arith.constant 0 : i32
    %cond3A_157 = arith.cmpi ne, %convert_element_type3A_155, %cond3A_156 : i32
    scf.if %cond3A_157 {
      "tpu.region"() ({
        %run_scoped3A = tpu.sem_alloc : memref<!tpu.dma_semaphore, #tpu.memory_space<semaphore_mem>>
        %dma_start3A_159 = arith.constant 9984 : i32
        %dma_start3A_160 = tpu.memref_slice %arg5[%dma_start3A_159, %mul3A_122] : memref<10000x1024xf32, #tpu.memory_space<hbm>> -> memref<16x128xf32, #tpu.memory_space<hbm>>
        %dma_start3A_161 = arith.constant 9984 : i32
        %dma_start3A_162 = arith.constant 0 : i32
        %dma_start3A_163 = tpu.memref_slice %arg10[%dma_start3A_161, %dma_start3A_162] : memref<10240x128xf32, #tpu.memory_space<vmem_shared>> -> memref<16x128xf32, #tpu.memory_space<vmem_shared>>
        tpu.enqueue_dma source(%dma_start3A_163 : memref<16x128xf32, #tpu.memory_space<vmem_shared>>) target(%dma_start3A_160 : memref<16x128xf32, #tpu.memory_space<hbm>>) target_semaphore(%run_scoped3A : memref<!tpu.dma_semaphore, #tpu.memory_space<semaphore_mem>>)
        %dma_wait3A_164 = arith.constant 9984 : i32
        %dma_wait3A_165 = tpu.memref_slice %arg5[%dma_wait3A_164, %mul3A_122] : memref<10000x1024xf32, #tpu.memory_space<hbm>> -> memref<16x128xf32, #tpu.memory_space<hbm>>
        %dma_wait3A_166 = arith.constant 9984 : i32
        %dma_wait3A_167 = arith.constant 0 : i32
        %dma_wait3A_168 = tpu.memref_slice %arg10[%dma_wait3A_166, %dma_wait3A_167] : memref<10240x128xf32, #tpu.memory_space<vmem_shared>> -> memref<16x128xf32, #tpu.memory_space<vmem_shared>>
        tpu.wait_dma2 semaphore(%run_scoped3A : memref<!tpu.dma_semaphore, #tpu.memory_space<semaphore_mem>>) src(%dma_wait3A_168 : memref<16x128xf32, #tpu.memory_space<vmem_shared>>) dst(%dma_wait3A_165 : memref<16x128xf32, #tpu.memory_space<hbm>>)
        tpu.yield
      }) : () -> ()
    } else {
    }
    %barrier3A_158 = arith.constant 0 : index
    tpu.barrier barrier_id(%barrier3A_158)
    return
  }
}

module attributes {stable_mosaic.version = 14 : i64} {
  func.func @_front_stats_body(%arg0: i32, %arg1: memref<2000x256xf32, #tpu.memory_space<vmem>>, %arg2: memref<256x256xf32, #tpu.memory_space<vmem>>, %arg3: memref<1x256xf32, #tpu.memory_space<vmem>>, %arg4: memref<2000x256xf32, #tpu.memory_space<vmem>>, %arg5: memref<1x256xf32, #tpu.memory_space<vmem>>, %arg6: memref<1x256xf32, #tpu.memory_space<vmem>>) attributes {dimension_semantics = [#tpu.dimension_semantics<arbitrary>], iteration_bounds = array<i64: 5>, scalar_prefetch = 0 : i64, scratch_operands = 0 : i64, tpu.core_type = #tpu.core_type<tc>, window_params = [{transform_indices = @transform_0, window_bounds = array<i64: 2000, 256>}, {pipeline_mode = #tpu.pipeline_mode<synchronous>, transform_indices = @transform_1, window_bounds = array<i64: 256, 256>}, {pipeline_mode = #tpu.pipeline_mode<synchronous>, transform_indices = @transform_2, window_bounds = array<i64: 1, 256>}, {transform_indices = @transform_3, window_bounds = array<i64: 2000, 256>}, {pipeline_mode = #tpu.pipeline_mode<synchronous>, transform_indices = @transform_4, window_bounds = array<i64: 1, 256>}, {pipeline_mode = #tpu.pipeline_mode<synchronous>, transform_indices = @transform_5, window_bounds = array<i64: 1, 256>}]} {
    %get3A = arith.constant 0 : index
    %get3A_0 = arith.constant 0 : index
    %get3A_1 = vector.load %arg1[%get3A, %get3A_0] : memref<2000x256xf32, #tpu.memory_space<vmem>>, vector<2000x256xf32>
    %get3A_2 = arith.constant 0 : index
    %get3A_3 = arith.constant 0 : index
    %get3A_4 = vector.load %arg2[%get3A_2, %get3A_3] : memref<256x256xf32, #tpu.memory_space<vmem>>, vector<256x256xf32>
    %dot_general3A = arith.constant dense<0.000000e+00> : vector<2000x256xf32>
    %dot_general3A_5 = tpu.matmul %get3A_1, %get3A_4, %dot_general3A {dimension_numbers = #tpu.dot_dimension_numbers<[1], [0], [0], [1], [0, 0, 1, 1], [], []>, transpose_lhs_hint = false} : vector<2000x256xf32>, vector<256x256xf32>, vector<2000x256xf32> -> vector<2000x256xf32>
    %get3A_6 = arith.constant 0 : index
    %get3A_7 = arith.constant 0 : index
    %get3A_8 = vector.load %arg3[%get3A_6, %get3A_7] : memref<1x256xf32, #tpu.memory_space<vmem>>, vector<1x256xf32>
    %add3A = vector.broadcast %get3A_8 : vector<1x256xf32> to vector<2000x256xf32>
    %add3A_9 = arith.addf %dot_general3A_5, %add3A : vector<2000x256xf32>
    %tanh3A = math.tanh %add3A_9 : vector<2000x256xf32>
    %swap3A = arith.constant 0 : index
    %swap3A_10 = arith.constant 0 : index
    %swap3A_11 = vector.load %arg4[%swap3A, %swap3A_10] : memref<2000x256xf32, #tpu.memory_space<vmem>>, vector<2000x256xf32>
    tpu.vector_store %arg4[%swap3A, %swap3A_10], %tanh3A {strides = array<i32>} : memref<2000x256xf32, #tpu.memory_space<vmem>>, vector<2000x256xf32>,
    %eq3A = arith.constant 0 : i32
    %eq3A_12 = arith.cmpi eq, %arg0, %eq3A : i32
    %convert_element_type3A = arith.extui %eq3A_12 : i1 to i32
    %cond3A = arith.constant 0 : i32
    %cond3A_13 = arith.cmpi ne, %convert_element_type3A, %cond3A : i32
    scf.if %cond3A_13 {
      %broadcast_in_dim3A_32 = arith.constant 0.000000e+00 : f32
      %broadcast_in_dim3A_33 = vector.broadcast %broadcast_in_dim3A_32 : f32 to vector<1x256xf32>
      %swap3A_34 = arith.constant 0 : index
      %swap3A_35 = arith.constant 0 : index
      %swap3A_36 = vector.load %arg5[%swap3A_34, %swap3A_35] : memref<1x256xf32, #tpu.memory_space<vmem>>, vector<1x256xf32>
      tpu.vector_store %arg5[%swap3A_34, %swap3A_35], %broadcast_in_dim3A_33 {strides = array<i32>} : memref<1x256xf32, #tpu.memory_space<vmem>>, vector<1x256xf32>,
      %broadcast_in_dim3A_37 = arith.constant 0.000000e+00 : f32
      %broadcast_in_dim3A_38 = vector.broadcast %broadcast_in_dim3A_37 : f32 to vector<1x256xf32>
      %swap3A_39 = arith.constant 0 : index
      %swap3A_40 = arith.constant 0 : index
      %swap3A_41 = vector.load %arg6[%swap3A_39, %swap3A_40] : memref<1x256xf32, #tpu.memory_space<vmem>>, vector<1x256xf32>
      tpu.vector_store %arg6[%swap3A_39, %swap3A_40], %broadcast_in_dim3A_38 {strides = array<i32>} : memref<1x256xf32, #tpu.memory_space<vmem>>, vector<1x256xf32>,
    } else {
    }
    %get3A_14 = arith.constant 0 : index
    %get3A_15 = arith.constant 0 : index
    %get3A_16 = vector.load %arg5[%get3A_14, %get3A_15] : memref<1x256xf32, #tpu.memory_space<vmem>>, vector<1x256xf32>
    %reduce_sum3A = arith.constant dense<0.000000e+00> : vector<256xf32>
    %reduce_sum3A_17 = vector.multi_reduction <add>, %add3A_9, %reduce_sum3A [0] : vector<2000x256xf32> to vector<256xf32>
    %broadcast_in_dim3A = vector.shape_cast %reduce_sum3A_17 : vector<256xf32> to vector<1x256xf32>
    %add3A_18 = arith.addf %get3A_16, %broadcast_in_dim3A : vector<1x256xf32>
    %swap3A_19 = arith.constant 0 : index
    %swap3A_20 = arith.constant 0 : index
    %swap3A_21 = vector.load %arg5[%swap3A_19, %swap3A_20] : memref<1x256xf32, #tpu.memory_space<vmem>>, vector<1x256xf32>
    tpu.vector_store %arg5[%swap3A_19, %swap3A_20], %add3A_18 {strides = array<i32>} : memref<1x256xf32, #tpu.memory_space<vmem>>, vector<1x256xf32>,
    %get3A_22 = arith.constant 0 : index
    %get3A_23 = arith.constant 0 : index
    %get3A_24 = vector.load %arg6[%get3A_22, %get3A_23] : memref<1x256xf32, #tpu.memory_space<vmem>>, vector<1x256xf32>
    %mul3A = arith.mulf %add3A_9, %add3A_9 : vector<2000x256xf32>
    %reduce_sum3A_25 = arith.constant dense<0.000000e+00> : vector<256xf32>
    %reduce_sum3A_26 = vector.multi_reduction <add>, %mul3A, %reduce_sum3A_25 [0] : vector<2000x256xf32> to vector<256xf32>
    %broadcast_in_dim3A_27 = vector.shape_cast %reduce_sum3A_26 : vector<256xf32> to vector<1x256xf32>
    %add3A_28 = arith.addf %get3A_24, %broadcast_in_dim3A_27 : vector<1x256xf32>
    %swap3A_29 = arith.constant 0 : index
    %swap3A_30 = arith.constant 0 : index
    %swap3A_31 = vector.load %arg6[%swap3A_29, %swap3A_30] : memref<1x256xf32, #tpu.memory_space<vmem>>, vector<1x256xf32>
    tpu.vector_store %arg6[%swap3A_29, %swap3A_30], %add3A_28 {strides = array<i32>} : memref<1x256xf32, #tpu.memory_space<vmem>>, vector<1x256xf32>,
    return
  }
  func.func @transform_0(%arg0: i32) -> (i32, i32) {
    %c0_i32 = arith.constant 0 : i32
    %c0_i32_0 = arith.constant 0 : i32
    return %arg0, %c0_i32 : i32, i32
  }
  func.func @transform_1(%arg0: i32) -> (i32, i32) {
    %c0_i32 = arith.constant 0 : i32
    %c0_i32_0 = arith.constant 0 : i32
    %c0_i32_1 = arith.constant 0 : i32
    return %c0_i32, %c0_i32_0 : i32, i32
  }
  func.func @transform_2(%arg0: i32) -> (i32, i32) {
    %c0_i32 = arith.constant 0 : i32
    %c0_i32_0 = arith.constant 0 : i32
    %c0_i32_1 = arith.constant 0 : i32
    return %c0_i32, %c0_i32_0 : i32, i32
  }
  func.func @transform_3(%arg0: i32) -> (i32, i32) {
    %c0_i32 = arith.constant 0 : i32
    %c0_i32_0 = arith.constant 0 : i32
    return %arg0, %c0_i32 : i32, i32
  }
  func.func @transform_4(%arg0: i32) -> (i32, i32) {
    %c0_i32 = arith.constant 0 : i32
    %c0_i32_0 = arith.constant 0 : i32
    %c0_i32_1 = arith.constant 0 : i32
    return %c0_i32, %c0_i32_0 : i32, i32
  }
  func.func @transform_5(%arg0: i32) -> (i32, i32) {
    %c0_i32 = arith.constant 0 : i32
    %c0_i32_0 = arith.constant 0 : i32
    %c0_i32_1 = arith.constant 0 : i32
    return %c0_i32, %c0_i32_0 : i32, i32
  }
}

module attributes {stable_mosaic.version = 14 : i64} {
  func.func @_front_feat_body(%arg0: i32, %arg1: memref<2000x256xf32, #tpu.memory_space<vmem>>, %arg2: memref<256x32xf32, #tpu.memory_space<vmem>>, %arg3: memref<256x32xf32, #tpu.memory_space<vmem>>, %arg4: memref<256x256xf32, #tpu.memory_space<vmem>>, %arg5: memref<256x256xf32, #tpu.memory_space<vmem>>, %arg6: memref<32x256xf32, #tpu.memory_space<vmem>>, %arg7: memref<1x256xf32, #tpu.memory_space<vmem>>, %arg8: memref<1x256xf32, #tpu.memory_space<vmem>>, %arg9: memref<1x256xf32, #tpu.memory_space<vmem>>, %arg10: memref<1x1xf32, #tpu.memory_space<vmem>>, %arg11: memref<256x128xf32, #tpu.memory_space<vmem>>, %arg12: memref<1x128xf32, #tpu.memory_space<vmem>>, %arg13: memref<1x128xf32, #tpu.memory_space<vmem>>, %arg14: memref<1x128xf32, #tpu.memory_space<vmem>>, %arg15: memref<2000x128xf32, #tpu.memory_space<vmem>>) attributes {dimension_semantics = [#tpu.dimension_semantics<arbitrary>], iteration_bounds = array<i64: 5>, scalar_prefetch = 0 : i64, scratch_operands = 0 : i64, tpu.core_type = #tpu.core_type<tc>, window_params = [{transform_indices = @transform_0, window_bounds = array<i64: 2000, 256>}, {pipeline_mode = #tpu.pipeline_mode<synchronous>, transform_indices = @transform_1, window_bounds = array<i64: 256, 32>}, {pipeline_mode = #tpu.pipeline_mode<synchronous>, transform_indices = @transform_2, window_bounds = array<i64: 256, 32>}, {pipeline_mode = #tpu.pipeline_mode<synchronous>, transform_indices = @transform_3, window_bounds = array<i64: 256, 256>}, {pipeline_mode = #tpu.pipeline_mode<synchronous>, transform_indices = @transform_4, window_bounds = array<i64: 256, 256>}, {pipeline_mode = #tpu.pipeline_mode<synchronous>, transform_indices = @transform_5, window_bounds = array<i64: 32, 256>}, {pipeline_mode = #tpu.pipeline_mode<synchronous>, transform_indices = @transform_6, window_bounds = array<i64: 1, 256>}, {pipeline_mode = #tpu.pipeline_mode<synchronous>, transform_indices = @transform_7, window_bounds = array<i64: 1, 256>}, {pipeline_mode = #tpu.pipeline_mode<synchronous>, transform_indices = @transform_8, window_bounds = array<i64: 1, 256>}, {pipeline_mode = #tpu.pipeline_mode<synchronous>, transform_indices = @transform_9, window_bounds = array<i64: 1, 1>}, {pipeline_mode = #tpu.pipeline_mode<synchronous>, transform_indices = @transform_10, window_bounds = array<i64: 256, 128>}, {pipeline_mode = #tpu.pipeline_mode<synchronous>, transform_indices = @transform_11, window_bounds = array<i64: 1, 128>}, {pipeline_mode = #tpu.pipeline_mode<synchronous>, transform_indices = @transform_12, window_bounds = array<i64: 1, 128>}, {pipeline_mode = #tpu.pipeline_mode<synchronous>, transform_indices = @transform_13, window_bounds = array<i64: 1, 128>}, {transform_indices = @transform_14, window_bounds = array<i64: 2000, 128>}]} {
    %get3A = arith.constant 0 : index
    %get3A_0 = arith.constant 0 : index
    %get3A_1 = vector.load %arg1[%get3A, %get3A_0] : memref<2000x256xf32, #tpu.memory_space<vmem>>, vector<2000x256xf32>
    %mul3A = arith.constant 3.14159274 : f32
    %mul3A_2 = vector.broadcast %mul3A : f32 to vector<2000x256xf32>
    %mul3A_3 = arith.mulf %mul3A_2, %get3A_1 : vector<2000x256xf32>
    %cos3A = math.cos %mul3A_3 : vector<2000x256xf32>
    %mul3A_4 = arith.constant 3.14159274 : f32
    %mul3A_5 = vector.broadcast %mul3A_4 : f32 to vector<2000x256xf32>
    %mul3A_6 = arith.mulf %mul3A_5, %get3A_1 : vector<2000x256xf32>
    %sin3A = math.sin %mul3A_6 : vector<2000x256xf32>
    %get3A_7 = arith.constant 0 : index
    %get3A_8 = arith.constant 0 : index
    %get3A_9 = vector.load %arg2[%get3A_7, %get3A_8] : memref<256x32xf32, #tpu.memory_space<vmem>>, vector<256x32xf32>
    %dot_general3A = arith.constant dense<0.000000e+00> : vector<2000x32xf32>
    %dot_general3A_10 = tpu.matmul %get3A_1, %get3A_9, %dot_general3A {dimension_numbers = #tpu.dot_dimension_numbers<[1], [0], [0], [1], [0, 0, 1, 1], [], []>, transpose_lhs_hint = false} : vector<2000x256xf32>, vector<256x32xf32>, vector<2000x32xf32> -> vector<2000x32xf32>
    %get3A_11 = arith.constant 0 : index
    %get3A_12 = arith.constant 0 : index
    %get3A_13 = vector.load %arg3[%get3A_11, %get3A_12] : memref<256x32xf32, #tpu.memory_space<vmem>>, vector<256x32xf32>
    %dot_general3A_14 = arith.constant dense<0.000000e+00> : vector<2000x32xf32>
    %dot_general3A_15 = tpu.matmul %get3A_1, %get3A_13, %dot_general3A_14 {dimension_numbers = #tpu.dot_dimension_numbers<[1], [0], [0], [1], [0, 0, 1, 1], [], []>, transpose_lhs_hint = false} : vector<2000x256xf32>, vector<256x32xf32>, vector<2000x32xf32> -> vector<2000x32xf32>
    %sub3A = arith.subf %dot_general3A_10, %dot_general3A_15 : vector<2000x32xf32>
    %cos3A_16 = math.cos %sub3A : vector<2000x32xf32>
    %get3A_17 = arith.constant 0 : index
    %get3A_18 = arith.constant 0 : index
    %get3A_19 = vector.load %arg4[%get3A_17, %get3A_18] : memref<256x256xf32, #tpu.memory_space<vmem>>, vector<256x256xf32>
    %dot_general3A_20 = arith.constant dense<0.000000e+00> : vector<2000x256xf32>
    %dot_general3A_21 = tpu.matmul %cos3A, %get3A_19, %dot_general3A_20 {dimension_numbers = #tpu.dot_dimension_numbers<[1], [0], [0], [1], [0, 0, 1, 1], [], []>, transpose_lhs_hint = false} : vector<2000x256xf32>, vector<256x256xf32>, vector<2000x256xf32> -> vector<2000x256xf32>
    %get3A_22 = arith.constant 0 : index
    %get3A_23 = arith.constant 0 : index
    %get3A_24 = vector.load %arg5[%get3A_22, %get3A_23] : memref<256x256xf32, #tpu.memory_space<vmem>>, vector<256x256xf32>
    %dot_general3A_25 = arith.constant dense<0.000000e+00> : vector<2000x256xf32>
    %dot_general3A_26 = tpu.matmul %sin3A, %get3A_24, %dot_general3A_25 {dimension_numbers = #tpu.dot_dimension_numbers<[1], [0], [0], [1], [0, 0, 1, 1], [], []>, transpose_lhs_hint = false} : vector<2000x256xf32>, vector<256x256xf32>, vector<2000x256xf32> -> vector<2000x256xf32>
    %add3A = arith.addf %dot_general3A_21, %dot_general3A_26 : vector<2000x256xf32>
    %get3A_27 = arith.constant 0 : index
    %get3A_28 = arith.constant 0 : index
    %get3A_29 = vector.load %arg6[%get3A_27, %get3A_28] : memref<32x256xf32, #tpu.memory_space<vmem>>, vector<32x256xf32>
    %dot_general3A_30 = arith.constant dense<0.000000e+00> : vector<2000x256xf32>
    %dot_general3A_31 = tpu.matmul %cos3A_16, %get3A_29, %dot_general3A_30 {dimension_numbers = #tpu.dot_dimension_numbers<[1], [0], [0], [1], [0, 0, 1, 1], [], []>, transpose_lhs_hint = false} : vector<2000x32xf32>, vector<32x256xf32>, vector<2000x256xf32> -> vector<2000x256xf32>
    %add3A_32 = arith.addf %add3A, %dot_general3A_31 : vector<2000x256xf32>
    %get3A_33 = arith.constant 0 : index
    %get3A_34 = arith.constant 0 : index
    %get3A_35 = vector.load %arg7[%get3A_33, %get3A_34] : memref<1x256xf32, #tpu.memory_space<vmem>>, vector<1x256xf32>
    %add3A_36 = vector.broadcast %get3A_35 : vector<1x256xf32> to vector<2000x256xf32>
    %add3A_37 = arith.addf %add3A_32, %add3A_36 : vector<2000x256xf32>
    %get3A_38 = arith.constant 0 : index
    %get3A_39 = arith.constant 0 : index
    %get3A_40 = vector.load %arg8[%get3A_38, %get3A_39] : memref<1x256xf32, #tpu.memory_space<vmem>>, vector<1x256xf32>
    %get3A_41 = arith.constant 0 : index
    %get3A_42 = arith.constant 0 : index
    %get3A_43 = vector.load %arg9[%get3A_41, %get3A_42] : memref<1x256xf32, #tpu.memory_space<vmem>>, vector<1x256xf32>
    %reduce_sum3A = arith.constant dense<0.000000e+00> : vector<2000xf32>
    %reduce_sum3A_44 = vector.multi_reduction <add>, %add3A_37, %reduce_sum3A [1] : vector<2000x256xf32> to vector<2000xf32>
    %broadcast_in_dim3A = vector.shape_cast %reduce_sum3A_44 : vector<2000xf32> to vector<2000x1xf32>
    %div3A = arith.constant 2.560000e+02 : f32
    %div3A_45 = vector.broadcast %div3A : f32 to vector<2000x1xf32>
    %div3A_46 = arith.divf %broadcast_in_dim3A, %div3A_45 : vector<2000x1xf32>
    %sub3A_47 = vector.broadcast %div3A_46 : vector<2000x1xf32> to vector<2000x256xf32>
    %sub3A_48 = arith.subf %add3A_37, %sub3A_47 : vector<2000x256xf32>
    %integer_pow3A = arith.mulf %sub3A_48, %sub3A_48 : vector<2000x256xf32>
    %reduce_sum3A_49 = arith.constant dense<0.000000e+00> : vector<2000xf32>
    %reduce_sum3A_50 = vector.multi_reduction <add>, %integer_pow3A, %reduce_sum3A_49 [1] : vector<2000x256xf32> to vector<2000xf32>
    %broadcast_in_dim3A_51 = vector.shape_cast %reduce_sum3A_50 : vector<2000xf32> to vector<2000x1xf32>
    %div3A_52 = arith.constant 2.560000e+02 : f32
    %div3A_53 = vector.broadcast %div3A_52 : f32 to vector<2000x1xf32>
    %div3A_54 = arith.divf %broadcast_in_dim3A_51, %div3A_53 : vector<2000x1xf32>
    %sub3A_55 = vector.broadcast %div3A_46 : vector<2000x1xf32> to vector<2000x256xf32>
    %sub3A_56 = arith.subf %add3A_37, %sub3A_55 : vector<2000x256xf32>
    %add3A_57 = arith.constant 9.99999974E-6 : f32
    %add3A_58 = vector.broadcast %add3A_57 : f32 to vector<2000x1xf32>
    %add3A_59 = arith.addf %div3A_54, %add3A_58 : vector<2000x1xf32>
    %sqrt3A = math.sqrt %add3A_59 : vector<2000x1xf32>
    %div3A_60 = vector.broadcast %sqrt3A : vector<2000x1xf32> to vector<2000x256xf32>
    %div3A_61 = arith.divf %sub3A_56, %div3A_60 : vector<2000x256xf32>
    %mul3A_62 = vector.broadcast %get3A_40 : vector<1x256xf32> to vector<2000x256xf32>
    %mul3A_63 = arith.mulf %div3A_61, %mul3A_62 : vector<2000x256xf32>
    %add3A_64 = vector.broadcast %get3A_43 : vector<1x256xf32> to vector<2000x256xf32>
    %add3A_65 = arith.addf %mul3A_63, %add3A_64 : vector<2000x256xf32>
    %get3A_66 = arith.constant 0 : index
    %get3A_67 = arith.constant 0 : index
    %get3A_68 = vector.load %arg10[%get3A_66, %get3A_67] : memref<1x1xf32, #tpu.memory_space<vmem>>, vector<1x1xf32>
    %get3A_69 = vector.extract %get3A_68[0, 0] : f32 from vector<1x1xf32>
    %mul3A_70 = vector.broadcast %get3A_69 : f32 to vector<2000x256xf32>
    %mul3A_71 = arith.mulf %add3A_65, %mul3A_70 : vector<2000x256xf32>
    %get3A_72 = arith.constant 0 : index
    %get3A_73 = arith.constant 0 : index
    %get3A_74 = vector.load %arg11[%get3A_72, %get3A_73] : memref<256x128xf32, #tpu.memory_space<vmem>>, vector<256x128xf32>
    %dot_general3A_75 = arith.constant dense<0.000000e+00> : vector<2000x128xf32>
    %dot_general3A_76 = tpu.matmul %mul3A_71, %get3A_74, %dot_general3A_75 {dimension_numbers = #tpu.dot_dimension_numbers<[1], [0], [0], [1], [0, 0, 1, 1], [], []>, transpose_lhs_hint = false} : vector<2000x256xf32>, vector<256x128xf32>, vector<2000x128xf32> -> vector<2000x128xf32>
    %get3A_77 = arith.constant 0 : index
    %get3A_78 = arith.constant 0 : index
    %get3A_79 = vector.load %arg12[%get3A_77, %get3A_78] : memref<1x128xf32, #tpu.memory_space<vmem>>, vector<1x128xf32>
    %add3A_80 = vector.broadcast %get3A_79 : vector<1x128xf32> to vector<2000x128xf32>
    %add3A_81 = arith.addf %dot_general3A_76, %add3A_80 : vector<2000x128xf32>
    %get3A_82 = arith.constant 0 : index
    %get3A_83 = arith.constant 0 : index
    %get3A_84 = vector.load %arg13[%get3A_82, %get3A_83] : memref<1x128xf32, #tpu.memory_space<vmem>>, vector<1x128xf32>
    %get3A_85 = arith.constant 0 : index
    %get3A_86 = arith.constant 0 : index
    %get3A_87 = vector.load %arg14[%get3A_85, %get3A_86] : memref<1x128xf32, #tpu.memory_space<vmem>>, vector<1x128xf32>
    %reduce_sum3A_88 = arith.constant dense<0.000000e+00> : vector<2000xf32>
    %reduce_sum3A_89 = vector.multi_reduction <add>, %add3A_81, %reduce_sum3A_88 [1] : vector<2000x128xf32> to vector<2000xf32>
    %broadcast_in_dim3A_90 = vector.shape_cast %reduce_sum3A_89 : vector<2000xf32> to vector<2000x1xf32>
    %div3A_91 = arith.constant 1.280000e+02 : f32
    %div3A_92 = vector.broadcast %div3A_91 : f32 to vector<2000x1xf32>
    %div3A_93 = arith.divf %broadcast_in_dim3A_90, %div3A_92 : vector<2000x1xf32>
    %sub3A_94 = vector.broadcast %div3A_93 : vector<2000x1xf32> to vector<2000x128xf32>
    %sub3A_95 = arith.subf %add3A_81, %sub3A_94 : vector<2000x128xf32>
    %integer_pow3A_96 = arith.mulf %sub3A_95, %sub3A_95 : vector<2000x128xf32>
    %reduce_sum3A_97 = arith.constant dense<0.000000e+00> : vector<2000xf32>
    %reduce_sum3A_98 = vector.multi_reduction <add>, %integer_pow3A_96, %reduce_sum3A_97 [1] : vector<2000x128xf32> to vector<2000xf32>
    %broadcast_in_dim3A_99 = vector.shape_cast %reduce_sum3A_98 : vector<2000xf32> to vector<2000x1xf32>
    %div3A_100 = arith.constant 1.280000e+02 : f32
    %div3A_101 = vector.broadcast %div3A_100 : f32 to vector<2000x1xf32>
    %div3A_102 = arith.divf %broadcast_in_dim3A_99, %div3A_101 : vector<2000x1xf32>
    %sub3A_103 = vector.broadcast %div3A_93 : vector<2000x1xf32> to vector<2000x128xf32>
    %sub3A_104 = arith.subf %add3A_81, %sub3A_103 : vector<2000x128xf32>
    %add3A_105 = arith.constant 9.99999974E-6 : f32
    %add3A_106 = vector.broadcast %add3A_105 : f32 to vector<2000x1xf32>
    %add3A_107 = arith.addf %div3A_102, %add3A_106 : vector<2000x1xf32>
    %sqrt3A_108 = math.sqrt %add3A_107 : vector<2000x1xf32>
    %div3A_109 = vector.broadcast %sqrt3A_108 : vector<2000x1xf32> to vector<2000x128xf32>
    %div3A_110 = arith.divf %sub3A_104, %div3A_109 : vector<2000x128xf32>
    %mul3A_111 = vector.broadcast %get3A_84 : vector<1x128xf32> to vector<2000x128xf32>
    %mul3A_112 = arith.mulf %div3A_110, %mul3A_111 : vector<2000x128xf32>
    %add3A_113 = vector.broadcast %get3A_87 : vector<1x128xf32> to vector<2000x128xf32>
    %add3A_114 = arith.addf %mul3A_112, %add3A_113 : vector<2000x128xf32>
    %gt3A = arith.constant 0.000000e+00 : f32
    %gt3A_115 = vector.broadcast %gt3A : f32 to vector<2000x128xf32>
    %gt3A_116 = arith.cmpf ogt, %add3A_114, %gt3A_115 : vector<2000x128xf32>
    %exp3A = math.exp %add3A_114 : vector<2000x128xf32>
    %sub3A_117 = arith.constant 1.000000e+00 : f32
    %sub3A_118 = vector.broadcast %sub3A_117 : f32 to vector<2000x128xf32>
    %sub3A_119 = arith.subf %exp3A, %sub3A_118 : vector<2000x128xf32>
    %select_n3A = arith.select %gt3A_116, %add3A_114, %sub3A_119 : vector<2000x128xi1>, vector<2000x128xf32>
    %swap3A = arith.constant 0 : index
    %swap3A_120 = arith.constant 0 : index
    %swap3A_121 = vector.load %arg15[%swap3A, %swap3A_120] : memref<2000x128xf32, #tpu.memory_space<vmem>>, vector<2000x128xf32>
    tpu.vector_store %arg15[%swap3A, %swap3A_120], %select_n3A {strides = array<i32>} : memref<2000x128xf32, #tpu.memory_space<vmem>>, vector<2000x128xf32>,
    return
  }
  func.func @transform_0(%arg0: i32) -> (i32, i32) {
    %c0_i32 = arith.constant 0 : i32
    %c0_i32_0 = arith.constant 0 : i32
    return %arg0, %c0_i32 : i32, i32
  }
  func.func @transform_1(%arg0: i32) -> (i32, i32) {
    %c0_i32 = arith.constant 0 : i32
    %c0_i32_0 = arith.constant 0 : i32
    %c0_i32_1 = arith.constant 0 : i32
    return %c0_i32, %c0_i32_0 : i32, i32
  }
  func.func @transform_2(%arg0: i32) -> (i32, i32) {
    %c0_i32 = arith.constant 0 : i32
    %c0_i32_0 = arith.constant 0 : i32
    %c0_i32_1 = arith.constant 0 : i32
    return %c0_i32, %c0_i32_0 : i32, i32
  }
  func.func @transform_3(%arg0: i32) -> (i32, i32) {
    %c0_i32 = arith.constant 0 : i32
    %c0_i32_0 = arith.constant 0 : i32
    %c0_i32_1 = arith.constant 0 : i32
    return %c0_i32, %c0_i32_0 : i32, i32
  }
  func.func @transform_4(%arg0: i32) -> (i32, i32) {
    %c0_i32 = arith.constant 0 : i32
    %c0_i32_0 = arith.constant 0 : i32
    %c0_i32_1 = arith.constant 0 : i32
    return %c0_i32, %c0_i32_0 : i32, i32
  }
  func.func @transform_5(%arg0: i32) -> (i32, i32) {
    %c0_i32 = arith.constant 0 : i32
    %c0_i32_0 = arith.constant 0 : i32
    %c0_i32_1 = arith.constant 0 : i32
    return %c0_i32, %c0_i32_0 : i32, i32
  }
  func.func @transform_6(%arg0: i32) -> (i32, i32) {
    %c0_i32 = arith.constant 0 : i32
    %c0_i32_0 = arith.constant 0 : i32
    %c0_i32_1 = arith.constant 0 : i32
    return %c0_i32, %c0_i32_0 : i32, i32
  }
  func.func @transform_7(%arg0: i32) -> (i32, i32) {
    %c0_i32 = arith.constant 0 : i32
    %c0_i32_0 = arith.constant 0 : i32
    %c0_i32_1 = arith.constant 0 : i32
    return %c0_i32, %c0_i32_0 : i32, i32
  }
  func.func @transform_8(%arg0: i32) -> (i32, i32) {
    %c0_i32 = arith.constant 0 : i32
    %c0_i32_0 = arith.constant 0 : i32
    %c0_i32_1 = arith.constant 0 : i32
    return %c0_i32, %c0_i32_0 : i32, i32
  }
  func.func @transform_9(%arg0: i32) -> (i32, i32) {
    %c0_i32 = arith.constant 0 : i32
    %c0_i32_0 = arith.constant 0 : i32
    %c0_i32_1 = arith.constant 0 : i32
    return %c0_i32, %c0_i32_0 : i32, i32
  }
  func.func @transform_10(%arg0: i32) -> (i32, i32) {
    %c0_i32 = arith.constant 0 : i32
    %c0_i32_0 = arith.constant 0 : i32
    %c0_i32_1 = arith.constant 0 : i32
    return %c0_i32, %c0_i32_0 : i32, i32
  }
  func.func @transform_11(%arg0: i32) -> (i32, i32) {
    %c0_i32 = arith.constant 0 : i32
    %c0_i32_0 = arith.constant 0 : i32
    %c0_i32_1 = arith.constant 0 : i32
    return %c0_i32, %c0_i32_0 : i32, i32
  }
  func.func @transform_12(%arg0: i32) -> (i32, i32) {
    %c0_i32 = arith.constant 0 : i32
    %c0_i32_0 = arith.constant 0 : i32
    %c0_i32_1 = arith.constant 0 : i32
    return %c0_i32, %c0_i32_0 : i32, i32
  }
  func.func @transform_13(%arg0: i32) -> (i32, i32) {
    %c0_i32 = arith.constant 0 : i32
    %c0_i32_0 = arith.constant 0 : i32
    %c0_i32_1 = arith.constant 0 : i32
    return %c0_i32, %c0_i32_0 : i32, i32
  }
  func.func @transform_14(%arg0: i32) -> (i32, i32) {
    %c0_i32 = arith.constant 0 : i32
    %c0_i32_0 = arith.constant 0 : i32
    return %arg0, %c0_i32 : i32, i32
  }
}

module attributes {stable_mosaic.version = 14 : i64} {
  func.func @_proj_body(%arg0: i32, %arg1: memref<400x128xf32, #tpu.memory_space<vmem>>, %arg2: memref<128x1024xf32, #tpu.memory_space<vmem>>, %arg3: memref<1x1024xf32, #tpu.memory_space<vmem>>, %arg4: memref<128x1024xf32, #tpu.memory_space<vmem>>, %arg5: memref<1x1024xf32, #tpu.memory_space<vmem>>, %arg6: memref<1x128xf32, #tpu.memory_space<vmem>>, %arg7: memref<1x128xf32, #tpu.memory_space<vmem>>, %arg8: memref<400x2048xf32, #tpu.memory_space<vmem>>, %arg9: memref<400x2048xf32, #tpu.memory_space<vmem>>, %arg10: memref<400x128xf32, #tpu.memory_space<vmem>>) attributes {dimension_semantics = [#tpu.dimension_semantics<arbitrary>], iteration_bounds = array<i64: 25>, scalar_prefetch = 0 : i64, scratch_operands = 0 : i64, tpu.core_type = #tpu.core_type<tc>, window_params = [{transform_indices = @transform_0, window_bounds = array<i64: 400, 128>}, {pipeline_mode = #tpu.pipeline_mode<synchronous>, transform_indices = @transform_1, window_bounds = array<i64: 128, 1024>}, {pipeline_mode = #tpu.pipeline_mode<synchronous>, transform_indices = @transform_2, window_bounds = array<i64: 1, 1024>}, {pipeline_mode = #tpu.pipeline_mode<synchronous>, transform_indices = @transform_3, window_bounds = array<i64: 128, 1024>}, {pipeline_mode = #tpu.pipeline_mode<synchronous>, transform_indices = @transform_4, window_bounds = array<i64: 1, 1024>}, {pipeline_mode = #tpu.pipeline_mode<synchronous>, transform_indices = @transform_5, window_bounds = array<i64: 1, 128>}, {pipeline_mode = #tpu.pipeline_mode<synchronous>, transform_indices = @transform_6, window_bounds = array<i64: 1, 128>}, {transform_indices = @transform_7, window_bounds = array<i64: 400, 2048>}, {transform_indices = @transform_8, window_bounds = array<i64: 400, 2048>}, {transform_indices = @transform_9, window_bounds = array<i64: 400, 128>}]} {
    %get3A = arith.constant 0 : index
    %get3A_0 = arith.constant 0 : index
    %get3A_1 = vector.load %arg1[%get3A, %get3A_0] : memref<400x128xf32, #tpu.memory_space<vmem>>, vector<400x128xf32>
    %get3A_2 = arith.constant 0 : index
    %get3A_3 = arith.constant 0 : index
    %get3A_4 = vector.load %arg2[%get3A_2, %get3A_3] : memref<128x1024xf32, #tpu.memory_space<vmem>>, vector<128x1024xf32>
    %dot_general3A = arith.constant dense<0.000000e+00> : vector<400x1024xf32>
    %dot_general3A_5 = tpu.matmul %get3A_1, %get3A_4, %dot_general3A {dimension_numbers = #tpu.dot_dimension_numbers<[1], [0], [0], [1], [0, 0, 1, 1], [], []>, transpose_lhs_hint = false} : vector<400x128xf32>, vector<128x1024xf32>, vector<400x1024xf32> -> vector<400x1024xf32>
    %get3A_6 = arith.constant 0 : index
    %get3A_7 = arith.constant 0 : index
    %get3A_8 = vector.load %arg3[%get3A_6, %get3A_7] : memref<1x1024xf32, #tpu.memory_space<vmem>>, vector<1x1024xf32>
    %add3A = vector.broadcast %get3A_8 : vector<1x1024xf32> to vector<400x1024xf32>
    %add3A_9 = arith.addf %dot_general3A_5, %add3A : vector<400x1024xf32>
    %get3A_10 = arith.constant 0 : index
    %get3A_11 = arith.constant 0 : index
    %get3A_12 = vector.load %arg4[%get3A_10, %get3A_11] : memref<128x1024xf32, #tpu.memory_space<vmem>>, vector<128x1024xf32>
    %dot_general3A_13 = arith.constant dense<0.000000e+00> : vector<400x1024xf32>
    %dot_general3A_14 = tpu.matmul %get3A_1, %get3A_12, %dot_general3A_13 {dimension_numbers = #tpu.dot_dimension_numbers<[1], [0], [0], [1], [0, 0, 1, 1], [], []>, transpose_lhs_hint = false} : vector<400x128xf32>, vector<128x1024xf32>, vector<400x1024xf32> -> vector<400x1024xf32>
    %get3A_15 = arith.constant 0 : index
    %get3A_16 = arith.constant 0 : index
    %get3A_17 = vector.load %arg5[%get3A_15, %get3A_16] : memref<1x1024xf32, #tpu.memory_space<vmem>>, vector<1x1024xf32>
    %add3A_18 = vector.broadcast %get3A_17 : vector<1x1024xf32> to vector<400x1024xf32>
    %add3A_19 = arith.addf %dot_general3A_14, %add3A_18 : vector<400x1024xf32>
    %mul3A = arith.mulf %add3A_9, %add3A_19 : vector<400x1024xf32>
    %swap3A = arith.constant 0 : index
    %swap3A_20 = arith.constant 0 : index
    %swap3A_21 = vector.load %arg8[%swap3A, %swap3A_20] : memref<400x2048xf32, #tpu.memory_space<vmem>>, vector<400x1024xf32>
    tpu.vector_store %arg8[%swap3A, %swap3A_20], %add3A_9 {strides = array<i32>} : memref<400x2048xf32, #tpu.memory_space<vmem>>, vector<400x1024xf32>,
    %swap3A_22 = arith.constant 0 : index
    %swap3A_23 = arith.constant 1024 : index
    %swap3A_24 = vector.load %arg8[%swap3A_22, %swap3A_23] : memref<400x2048xf32, #tpu.memory_space<vmem>>, vector<400x1024xf32>
    tpu.vector_store %arg8[%swap3A_22, %swap3A_23], %mul3A {strides = array<i32>} : memref<400x2048xf32, #tpu.memory_space<vmem>>, vector<400x1024xf32>,
    %swap3A_25 = arith.constant 0 : index
    %swap3A_26 = arith.constant 0 : index
    %swap3A_27 = vector.load %arg9[%swap3A_25, %swap3A_26] : memref<400x2048xf32, #tpu.memory_space<vmem>>, vector<400x1024xf32>
    tpu.vector_store %arg9[%swap3A_25, %swap3A_26], %add3A_19 {strides = array<i32>} : memref<400x2048xf32, #tpu.memory_space<vmem>>, vector<400x1024xf32>,
    %swap3A_28 = arith.constant 0 : index
    %swap3A_29 = arith.constant 1024 : index
    %swap3A_30 = vector.load %arg9[%swap3A_28, %swap3A_29] : memref<400x2048xf32, #tpu.memory_space<vmem>>, vector<400x1024xf32>
    tpu.vector_store %arg9[%swap3A_28, %swap3A_29], %mul3A {strides = array<i32>} : memref<400x2048xf32, #tpu.memory_space<vmem>>, vector<400x1024xf32>,
    return
  }
  func.func @transform_0(%arg0: i32) -> (i32, i32) {
    %c0_i32 = arith.constant 0 : i32
    %c0_i32_0 = arith.constant 0 : i32
    return %arg0, %c0_i32 : i32, i32
  }
  func.func @transform_1(%arg0: i32) -> (i32, i32) {
    %c0_i32 = arith.constant 0 : i32
    %c0_i32_0 = arith.constant 0 : i32
    %c0_i32_1 = arith.constant 0 : i32
    return %c0_i32, %c0_i32_0 : i32, i32
  }
  func.func @transform_2(%arg0: i32) -> (i32, i32) {
    %c0_i32 = arith.constant 0 : i32
    %c0_i32_0 = arith.constant 0 : i32
    %c0_i32_1 = arith.constant 0 : i32
    return %c0_i32, %c0_i32_0 : i32, i32
  }
  func.func @transform_3(%arg0: i32) -> (i32, i32) {
    %c0_i32 = arith.constant 0 : i32
    %c0_i32_0 = arith.constant 0 : i32
    %c0_i32_1 = arith.constant 0 : i32
    return %c0_i32, %c0_i32_0 : i32, i32
  }
  func.func @transform_4(%arg0: i32) -> (i32, i32) {
    %c0_i32 = arith.constant 0 : i32
    %c0_i32_0 = arith.constant 0 : i32
    %c0_i32_1 = arith.constant 0 : i32
    return %c0_i32, %c0_i32_0 : i32, i32
  }
  func.func @transform_5(%arg0: i32) -> (i32, i32) {
    %c0_i32 = arith.constant 0 : i32
    %c0_i32_0 = arith.constant 0 : i32
    %c0_i32_1 = arith.constant 0 : i32
    return %c0_i32, %c0_i32_0 : i32, i32
  }
  func.func @transform_6(%arg0: i32) -> (i32, i32) {
    %c0_i32 = arith.constant 0 : i32
    %c0_i32_0 = arith.constant 0 : i32
    %c0_i32_1 = arith.constant 0 : i32
    return %c0_i32, %c0_i32_0 : i32, i32
  }
  func.func @transform_7(%arg0: i32) -> (i32, i32) {
    %c0_i32 = arith.constant 0 : i32
    %c0_i32_0 = arith.constant 0 : i32
    return %arg0, %c0_i32 : i32, i32
  }
  func.func @transform_8(%arg0: i32) -> (i32, i32) {
    %c0_i32 = arith.constant 0 : i32
    %c0_i32_0 = arith.constant 0 : i32
    return %arg0, %c0_i32 : i32, i32
  }
  func.func @transform_9(%arg0: i32) -> (i32, i32) {
    %c0_i32 = arith.constant 0 : i32
    %c0_i32_0 = arith.constant 0 : i32
    return %arg0, %c0_i32 : i32, i32
  }
}

module attributes {stable_mosaic.version = 14 : i64} {
  func.func @_attn_msg_body(%arg0: i32, %arg1: memref<640x2048xf32, #tpu.memory_space<vmem>>, %arg2: memref<640x2048xf32, #tpu.memory_space<vmem>>, %arg3: memref<1x1024xf32, #tpu.memory_space<vmem>>, %arg4: memref<640x1024xf32, #tpu.memory_space<vmem>>) attributes {dimension_semantics = [#tpu.dimension_semantics<arbitrary>], iteration_bounds = array<i64: 250>, scalar_prefetch = 0 : i64, scratch_operands = 0 : i64, tpu.core_type = #tpu.core_type<tc>, window_params = [{transform_indices = @transform_0, window_bounds = array<i64: 640, 2048>}, {transform_indices = @transform_1, window_bounds = array<i64: 640, 2048>}, {pipeline_mode = #tpu.pipeline_mode<synchronous>, transform_indices = @transform_2, window_bounds = array<i64: 1, 1024>}, {transform_indices = @transform_3, window_bounds = array<i64: 640, 1024>}]} {
    %get3A = arith.constant 0 : index
    %get3A_0 = arith.constant 0 : index
    %get3A_1 = vector.load %arg1[%get3A, %get3A_0] : memref<640x2048xf32, #tpu.memory_space<vmem>>, vector<640x1024xf32>
    %get3A_2 = arith.constant 0 : index
    %get3A_3 = arith.constant 1024 : index
    %get3A_4 = vector.load %arg1[%get3A_2, %get3A_3] : memref<640x2048xf32, #tpu.memory_space<vmem>>, vector<640x1024xf32>
    %get3A_5 = arith.constant 0 : index
    %get3A_6 = arith.constant 0 : index
    %get3A_7 = vector.load %arg2[%get3A_5, %get3A_6] : memref<640x2048xf32, #tpu.memory_space<vmem>>, vector<640x1024xf32>
    %get3A_8 = arith.constant 0 : index
    %get3A_9 = arith.constant 1024 : index
    %get3A_10 = vector.load %arg2[%get3A_8, %get3A_9] : memref<640x2048xf32, #tpu.memory_space<vmem>>, vector<640x1024xf32>
    %add3A = arith.addf %get3A_1, %get3A_7 : vector<640x1024xf32>
    %mul3A = arith.mulf %get3A_4, %get3A_10 : vector<640x1024xf32>
    %add3A_11 = arith.addf %add3A, %mul3A : vector<640x1024xf32>
    %gt3A = arith.constant 0.000000e+00 : f32
    %gt3A_12 = vector.broadcast %gt3A : f32 to vector<640x1024xf32>
    %gt3A_13 = arith.cmpf ogt, %add3A_11, %gt3A_12 : vector<640x1024xf32>
    %exp3A = math.exp %add3A_11 : vector<640x1024xf32>
    %sub3A = arith.constant 1.000000e+00 : f32
    %sub3A_14 = vector.broadcast %sub3A : f32 to vector<640x1024xf32>
    %sub3A_15 = arith.subf %exp3A, %sub3A_14 : vector<640x1024xf32>
    %select_n3A = arith.select %gt3A_13, %add3A_11, %sub3A_15 : vector<640x1024xi1>, vector<640x1024xf32>
    %get3A_16 = arith.constant 0 : index
    %get3A_17 = arith.constant 0 : index
    %get3A_18 = vector.load %arg3[%get3A_16, %get3A_17] : memref<1x1024xf32, #tpu.memory_space<vmem>>, vector<1x1024xf32>
    %mul3A_19 = vector.broadcast %get3A_18 : vector<1x1024xf32> to vector<640x1024xf32>
    %mul3A_20 = arith.mulf %select_n3A, %mul3A_19 : vector<640x1024xf32>
    %reshape3A = vector.shape_cast %mul3A_20 : vector<640x1024xf32> to vector<640x8x128xf32>
    %reduce_sum3A = arith.constant dense<0.000000e+00> : vector<640x8xf32>
    %reduce_sum3A_21 = vector.multi_reduction <add>, %reshape3A, %reduce_sum3A [2] : vector<640x8x128xf32> to vector<640x8xf32>
    %mul3A_22 = arith.constant 0.0883883461 : f32
    %mul3A_23 = vector.broadcast %mul3A_22 : f32 to vector<640x8xf32>
    %mul3A_24 = arith.mulf %reduce_sum3A_21, %mul3A_23 : vector<640x8xf32>
    %reduce_max3A = arith.constant dense<0xFF800000> : vector<640xf32>
    %reduce_max3A_25 = vector.multi_reduction <maximumf>, %mul3A_24, %reduce_max3A [1] : vector<640x8xf32> to vector<640xf32>
    %broadcast_in_dim3A = vector.shape_cast %reduce_max3A_25 : vector<640xf32> to vector<640x1xf32>
    %sub3A_26 = vector.broadcast %broadcast_in_dim3A : vector<640x1xf32> to vector<640x8xf32>
    %sub3A_27 = arith.subf %mul3A_24, %sub3A_26 : vector<640x8xf32>
    %exp3A_28 = math.exp %sub3A_27 : vector<640x8xf32>
    %reduce_sum3A_29 = arith.constant dense<0.000000e+00> : vector<640xf32>
    %reduce_sum3A_30 = vector.multi_reduction <add>, %exp3A_28, %reduce_sum3A_29 [1] : vector<640x8xf32> to vector<640xf32>
    %broadcast_in_dim3A_31 = vector.shape_cast %reduce_sum3A_30 : vector<640xf32> to vector<640x1xf32>
    %div3A = vector.broadcast %broadcast_in_dim3A_31 : vector<640x1xf32> to vector<640x8xf32>
    %div3A_32 = arith.divf %exp3A_28, %div3A : vector<640x8xf32>
    %broadcast_in_dim3A_33 = vector.shape_cast %div3A_32 : vector<640x8xf32> to vector<640x8x1xf32>
    %reshape3A_34 = vector.shape_cast %get3A_1 : vector<640x1024xf32> to vector<640x8x128xf32>
    %mul3A_35 = vector.broadcast %broadcast_in_dim3A_33 : vector<640x8x1xf32> to vector<640x8x128xf32>
    %mul3A_36 = arith.mulf %mul3A_35, %reshape3A_34 : vector<640x8x128xf32>
    %reshape3A_37 = vector.shape_cast %mul3A_36 : vector<640x8x128xf32> to vector<640x1024xf32>
    %swap3A = arith.constant 0 : index
    %swap3A_38 = arith.constant 0 : index
    %swap3A_39 = vector.load %arg4[%swap3A, %swap3A_38] : memref<640x1024xf32, #tpu.memory_space<vmem>>, vector<640x1024xf32>
    tpu.vector_store %arg4[%swap3A, %swap3A_38], %reshape3A_37 {strides = array<i32>} : memref<640x1024xf32, #tpu.memory_space<vmem>>, vector<640x1024xf32>,
    return
  }
  func.func @transform_0(%arg0: i32) -> (i32, i32) {
    %c0_i32 = arith.constant 0 : i32
    %c0_i32_0 = arith.constant 0 : i32
    return %arg0, %c0_i32 : i32, i32
  }
  func.func @transform_1(%arg0: i32) -> (i32, i32) {
    %c0_i32 = arith.constant 0 : i32
    %c0_i32_0 = arith.constant 0 : i32
    return %arg0, %c0_i32 : i32, i32
  }
  func.func @transform_2(%arg0: i32) -> (i32, i32) {
    %c0_i32 = arith.constant 0 : i32
    %c0_i32_0 = arith.constant 0 : i32
    %c0_i32_1 = arith.constant 0 : i32
    return %c0_i32, %c0_i32_0 : i32, i32
  }
  func.func @transform_3(%arg0: i32) -> (i32, i32) {
    %c0_i32 = arith.constant 0 : i32
    %c0_i32_0 = arith.constant 0 : i32
    return %arg0, %c0_i32 : i32, i32
  }
}

module attributes {stable_mosaic.version = 14 : i64} {
  func.func @_proj_body(%arg0: i32, %arg1: memref<400x1024xf32, #tpu.memory_space<vmem>>, %arg2: memref<1024x1024xf32, #tpu.memory_space<vmem>>, %arg3: memref<1x1024xf32, #tpu.memory_space<vmem>>, %arg4: memref<1024x1024xf32, #tpu.memory_space<vmem>>, %arg5: memref<1x1024xf32, #tpu.memory_space<vmem>>, %arg6: memref<1x1024xf32, #tpu.memory_space<vmem>>, %arg7: memref<1x1024xf32, #tpu.memory_space<vmem>>, %arg8: memref<400x2048xf32, #tpu.memory_space<vmem>>, %arg9: memref<400x2048xf32, #tpu.memory_space<vmem>>, %arg10: memref<400x1024xf32, #tpu.memory_space<vmem>>) attributes {dimension_semantics = [#tpu.dimension_semantics<arbitrary>], iteration_bounds = array<i64: 25>, scalar_prefetch = 0 : i64, scratch_operands = 0 : i64, tpu.core_type = #tpu.core_type<tc>, window_params = [{transform_indices = @transform_0, window_bounds = array<i64: 400, 1024>}, {pipeline_mode = #tpu.pipeline_mode<synchronous>, transform_indices = @transform_1, window_bounds = array<i64: 1024, 1024>}, {pipeline_mode = #tpu.pipeline_mode<synchronous>, transform_indices = @transform_2, window_bounds = array<i64: 1, 1024>}, {pipeline_mode = #tpu.pipeline_mode<synchronous>, transform_indices = @transform_3, window_bounds = array<i64: 1024, 1024>}, {pipeline_mode = #tpu.pipeline_mode<synchronous>, transform_indices = @transform_4, window_bounds = array<i64: 1, 1024>}, {pipeline_mode = #tpu.pipeline_mode<synchronous>, transform_indices = @transform_5, window_bounds = array<i64: 1, 1024>}, {pipeline_mode = #tpu.pipeline_mode<synchronous>, transform_indices = @transform_6, window_bounds = array<i64: 1, 1024>}, {transform_indices = @transform_7, window_bounds = array<i64: 400, 2048>}, {transform_indices = @transform_8, window_bounds = array<i64: 400, 2048>}, {transform_indices = @transform_9, window_bounds = array<i64: 400, 1024>}]} {
    %get3A = arith.constant 0 : index
    %get3A_0 = arith.constant 0 : index
    %get3A_1 = vector.load %arg1[%get3A, %get3A_0] : memref<400x1024xf32, #tpu.memory_space<vmem>>, vector<400x1024xf32>
    %get3A_2 = arith.constant 0 : index
    %get3A_3 = arith.constant 0 : index
    %get3A_4 = vector.load %arg6[%get3A_2, %get3A_3] : memref<1x1024xf32, #tpu.memory_space<vmem>>, vector<1x1024xf32>
    %get3A_5 = arith.constant 0 : index
    %get3A_6 = arith.constant 0 : index
    %get3A_7 = vector.load %arg7[%get3A_5, %get3A_6] : memref<1x1024xf32, #tpu.memory_space<vmem>>, vector<1x1024xf32>
    %reduce_sum3A = arith.constant dense<0.000000e+00> : vector<400xf32>
    %reduce_sum3A_8 = vector.multi_reduction <add>, %get3A_1, %reduce_sum3A [1] : vector<400x1024xf32> to vector<400xf32>
    %broadcast_in_dim3A = vector.shape_cast %reduce_sum3A_8 : vector<400xf32> to vector<400x1xf32>
    %div3A = arith.constant 1.024000e+03 : f32
    %div3A_9 = vector.broadcast %div3A : f32 to vector<400x1xf32>
    %div3A_10 = arith.divf %broadcast_in_dim3A, %div3A_9 : vector<400x1xf32>
    %sub3A = vector.broadcast %div3A_10 : vector<400x1xf32> to vector<400x1024xf32>
    %sub3A_11 = arith.subf %get3A_1, %sub3A : vector<400x1024xf32>
    %integer_pow3A = arith.mulf %sub3A_11, %sub3A_11 : vector<400x1024xf32>
    %reduce_sum3A_12 = arith.constant dense<0.000000e+00> : vector<400xf32>
    %reduce_sum3A_13 = vector.multi_reduction <add>, %integer_pow3A, %reduce_sum3A_12 [1] : vector<400x1024xf32> to vector<400xf32>
    %broadcast_in_dim3A_14 = vector.shape_cast %reduce_sum3A_13 : vector<400xf32> to vector<400x1xf32>
    %div3A_15 = arith.constant 1.024000e+03 : f32
    %div3A_16 = vector.broadcast %div3A_15 : f32 to vector<400x1xf32>
    %div3A_17 = arith.divf %broadcast_in_dim3A_14, %div3A_16 : vector<400x1xf32>
    %sub3A_18 = vector.broadcast %div3A_10 : vector<400x1xf32> to vector<400x1024xf32>
    %sub3A_19 = arith.subf %get3A_1, %sub3A_18 : vector<400x1024xf32>
    %add3A = arith.constant 9.99999974E-6 : f32
    %add3A_20 = vector.broadcast %add3A : f32 to vector<400x1xf32>
    %add3A_21 = arith.addf %div3A_17, %add3A_20 : vector<400x1xf32>
    %sqrt3A = math.sqrt %add3A_21 : vector<400x1xf32>
    %div3A_22 = vector.broadcast %sqrt3A : vector<400x1xf32> to vector<400x1024xf32>
    %div3A_23 = arith.divf %sub3A_19, %div3A_22 : vector<400x1024xf32>
    %mul3A = vector.broadcast %get3A_4 : vector<1x1024xf32> to vector<400x1024xf32>
    %mul3A_24 = arith.mulf %div3A_23, %mul3A : vector<400x1024xf32>
    %add3A_25 = vector.broadcast %get3A_7 : vector<1x1024xf32> to vector<400x1024xf32>
    %add3A_26 = arith.addf %mul3A_24, %add3A_25 : vector<400x1024xf32>
    %gt3A = arith.constant 0.000000e+00 : f32
    %gt3A_27 = vector.broadcast %gt3A : f32 to vector<400x1024xf32>
    %gt3A_28 = arith.cmpf ogt, %add3A_26, %gt3A_27 : vector<400x1024xf32>
    %exp3A = math.exp %add3A_26 : vector<400x1024xf32>
    %sub3A_29 = arith.constant 1.000000e+00 : f32
    %sub3A_30 = vector.broadcast %sub3A_29 : f32 to vector<400x1024xf32>
    %sub3A_31 = arith.subf %exp3A, %sub3A_30 : vector<400x1024xf32>
    %select_n3A = arith.select %gt3A_28, %add3A_26, %sub3A_31 : vector<400x1024xi1>, vector<400x1024xf32>
    %swap3A = arith.constant 0 : index
    %swap3A_32 = arith.constant 0 : index
    %swap3A_33 = vector.load %arg10[%swap3A, %swap3A_32] : memref<400x1024xf32, #tpu.memory_space<vmem>>, vector<400x1024xf32>
    tpu.vector_store %arg10[%swap3A, %swap3A_32], %select_n3A {strides = array<i32>} : memref<400x1024xf32, #tpu.memory_space<vmem>>, vector<400x1024xf32>,
    %get3A_34 = arith.constant 0 : index
    %get3A_35 = arith.constant 0 : index
    %get3A_36 = vector.load %arg2[%get3A_34, %get3A_35] : memref<1024x1024xf32, #tpu.memory_space<vmem>>, vector<1024x1024xf32>
    %dot_general3A = arith.constant dense<0.000000e+00> : vector<400x1024xf32>
    %dot_general3A_37 = tpu.matmul %select_n3A, %get3A_36, %dot_general3A {dimension_numbers = #tpu.dot_dimension_numbers<[1], [0], [0], [1], [0, 0, 1, 1], [], []>, transpose_lhs_hint = false} : vector<400x1024xf32>, vector<1024x1024xf32>, vector<400x1024xf32> -> vector<400x1024xf32>
    %get3A_38 = arith.constant 0 : index
    %get3A_39 = arith.constant 0 : index
    %get3A_40 = vector.load %arg3[%get3A_38, %get3A_39] : memref<1x1024xf32, #tpu.memory_space<vmem>>, vector<1x1024xf32>
    %add3A_41 = vector.broadcast %get3A_40 : vector<1x1024xf32> to vector<400x1024xf32>
    %add3A_42 = arith.addf %dot_general3A_37, %add3A_41 : vector<400x1024xf32>
    %get3A_43 = arith.constant 0 : index
    %get3A_44 = arith.constant 0 : index
    %get3A_45 = vector.load %arg4[%get3A_43, %get3A_44] : memref<1024x1024xf32, #tpu.memory_space<vmem>>, vector<1024x1024xf32>
    %dot_general3A_46 = arith.constant dense<0.000000e+00> : vector<400x1024xf32>
    %dot_general3A_47 = tpu.matmul %select_n3A, %get3A_45, %dot_general3A_46 {dimension_numbers = #tpu.dot_dimension_numbers<[1], [0], [0], [1], [0, 0, 1, 1], [], []>, transpose_lhs_hint = false} : vector<400x1024xf32>, vector<1024x1024xf32>, vector<400x1024xf32> -> vector<400x1024xf32>
    %get3A_48 = arith.constant 0 : index
    %get3A_49 = arith.constant 0 : index
    %get3A_50 = vector.load %arg5[%get3A_48, %get3A_49] : memref<1x1024xf32, #tpu.memory_space<vmem>>, vector<1x1024xf32>
    %add3A_51 = vector.broadcast %get3A_50 : vector<1x1024xf32> to vector<400x1024xf32>
    %add3A_52 = arith.addf %dot_general3A_47, %add3A_51 : vector<400x1024xf32>
    %mul3A_53 = arith.mulf %add3A_42, %add3A_52 : vector<400x1024xf32>
    %swap3A_54 = arith.constant 0 : index
    %swap3A_55 = arith.constant 0 : index
    %swap3A_56 = vector.load %arg8[%swap3A_54, %swap3A_55] : memref<400x2048xf32, #tpu.memory_space<vmem>>, vector<400x1024xf32>
    tpu.vector_store %arg8[%swap3A_54, %swap3A_55], %add3A_42 {strides = array<i32>} : memref<400x2048xf32, #tpu.memory_space<vmem>>, vector<400x1024xf32>,
    %swap3A_57 = arith.constant 0 : index
    %swap3A_58 = arith.constant 1024 : index
    %swap3A_59 = vector.load %arg8[%swap3A_57, %swap3A_58] : memref<400x2048xf32, #tpu.memory_space<vmem>>, vector<400x1024xf32>
    tpu.vector_store %arg8[%swap3A_57, %swap3A_58], %mul3A_53 {strides = array<i32>} : memref<400x2048xf32, #tpu.memory_space<vmem>>, vector<400x1024xf32>,
    %swap3A_60 = arith.constant 0 : index
    %swap3A_61 = arith.constant 0 : index
    %swap3A_62 = vector.load %arg9[%swap3A_60, %swap3A_61] : memref<400x2048xf32, #tpu.memory_space<vmem>>, vector<400x1024xf32>
    tpu.vector_store %arg9[%swap3A_60, %swap3A_61], %add3A_52 {strides = array<i32>} : memref<400x2048xf32, #tpu.memory_space<vmem>>, vector<400x1024xf32>,
    %swap3A_63 = arith.constant 0 : index
    %swap3A_64 = arith.constant 1024 : index
    %swap3A_65 = vector.load %arg9[%swap3A_63, %swap3A_64] : memref<400x2048xf32, #tpu.memory_space<vmem>>, vector<400x1024xf32>
    tpu.vector_store %arg9[%swap3A_63, %swap3A_64], %mul3A_53 {strides = array<i32>} : memref<400x2048xf32, #tpu.memory_space<vmem>>, vector<400x1024xf32>,
    return
  }
  func.func @transform_0(%arg0: i32) -> (i32, i32) {
    %c0_i32 = arith.constant 0 : i32
    %c0_i32_0 = arith.constant 0 : i32
    return %arg0, %c0_i32 : i32, i32
  }
  func.func @transform_1(%arg0: i32) -> (i32, i32) {
    %c0_i32 = arith.constant 0 : i32
    %c0_i32_0 = arith.constant 0 : i32
    %c0_i32_1 = arith.constant 0 : i32
    return %c0_i32, %c0_i32_0 : i32, i32
  }
  func.func @transform_2(%arg0: i32) -> (i32, i32) {
    %c0_i32 = arith.constant 0 : i32
    %c0_i32_0 = arith.constant 0 : i32
    %c0_i32_1 = arith.constant 0 : i32
    return %c0_i32, %c0_i32_0 : i32, i32
  }
  func.func @transform_3(%arg0: i32) -> (i32, i32) {
    %c0_i32 = arith.constant 0 : i32
    %c0_i32_0 = arith.constant 0 : i32
    %c0_i32_1 = arith.constant 0 : i32
    return %c0_i32, %c0_i32_0 : i32, i32
  }
  func.func @transform_4(%arg0: i32) -> (i32, i32) {
    %c0_i32 = arith.constant 0 : i32
    %c0_i32_0 = arith.constant 0 : i32
    %c0_i32_1 = arith.constant 0 : i32
    return %c0_i32, %c0_i32_0 : i32, i32
  }
  func.func @transform_5(%arg0: i32) -> (i32, i32) {
    %c0_i32 = arith.constant 0 : i32
    %c0_i32_0 = arith.constant 0 : i32
    %c0_i32_1 = arith.constant 0 : i32
    return %c0_i32, %c0_i32_0 : i32, i32
  }
  func.func @transform_6(%arg0: i32) -> (i32, i32) {
    %c0_i32 = arith.constant 0 : i32
    %c0_i32_0 = arith.constant 0 : i32
    %c0_i32_1 = arith.constant 0 : i32
    return %c0_i32, %c0_i32_0 : i32, i32
  }
  func.func @transform_7(%arg0: i32) -> (i32, i32) {
    %c0_i32 = arith.constant 0 : i32
    %c0_i32_0 = arith.constant 0 : i32
    return %arg0, %c0_i32 : i32, i32
  }
  func.func @transform_8(%arg0: i32) -> (i32, i32) {
    %c0_i32 = arith.constant 0 : i32
    %c0_i32_0 = arith.constant 0 : i32
    return %arg0, %c0_i32 : i32, i32
  }
  func.func @transform_9(%arg0: i32) -> (i32, i32) {
    %c0_i32 = arith.constant 0 : i32
    %c0_i32_0 = arith.constant 0 : i32
    return %arg0, %c0_i32 : i32, i32
  }
}

module attributes {stable_mosaic.version = 14 : i64} {
  func.func @_final_body(%arg0: i32, %arg1: memref<1000x1024xf32, #tpu.memory_space<vmem>>, %arg2: memref<1000x1024xf32, #tpu.memory_space<vmem>>, %arg3: memref<1x1024xf32, #tpu.memory_space<vmem>>, %arg4: memref<1x1024xf32, #tpu.memory_space<vmem>>, %arg5: memref<1024x128xf32, #tpu.memory_space<vmem>>, %arg6: memref<1x128xf32, #tpu.memory_space<vmem>>, %arg7: memref<1000x128xf32, #tpu.memory_space<vmem>>) attributes {dimension_semantics = [#tpu.dimension_semantics<arbitrary>], iteration_bounds = array<i64: 10>, scalar_prefetch = 0 : i64, scratch_operands = 0 : i64, tpu.core_type = #tpu.core_type<tc>, window_params = [{transform_indices = @transform_0, window_bounds = array<i64: 1000, 1024>}, {transform_indices = @transform_1, window_bounds = array<i64: 1000, 1024>}, {pipeline_mode = #tpu.pipeline_mode<synchronous>, transform_indices = @transform_2, window_bounds = array<i64: 1, 1024>}, {pipeline_mode = #tpu.pipeline_mode<synchronous>, transform_indices = @transform_3, window_bounds = array<i64: 1, 1024>}, {pipeline_mode = #tpu.pipeline_mode<synchronous>, transform_indices = @transform_4, window_bounds = array<i64: 1024, 128>}, {pipeline_mode = #tpu.pipeline_mode<synchronous>, transform_indices = @transform_5, window_bounds = array<i64: 1, 128>}, {transform_indices = @transform_6, window_bounds = array<i64: 1000, 128>}]} {
    %get3A = arith.constant 0 : index
    %get3A_0 = arith.constant 0 : index
    %get3A_1 = vector.load %arg1[%get3A, %get3A_0] : memref<1000x1024xf32, #tpu.memory_space<vmem>>, vector<1000x1024xf32>
    %get3A_2 = arith.constant 0 : index
    %get3A_3 = arith.constant 0 : index
    %get3A_4 = vector.load %arg3[%get3A_2, %get3A_3] : memref<1x1024xf32, #tpu.memory_space<vmem>>, vector<1x1024xf32>
    %get3A_5 = arith.constant 0 : index
    %get3A_6 = arith.constant 0 : index
    %get3A_7 = vector.load %arg4[%get3A_5, %get3A_6] : memref<1x1024xf32, #tpu.memory_space<vmem>>, vector<1x1024xf32>
    %reduce_sum3A = arith.constant dense<0.000000e+00> : vector<1000xf32>
    %reduce_sum3A_8 = vector.multi_reduction <add>, %get3A_1, %reduce_sum3A [1] : vector<1000x1024xf32> to vector<1000xf32>
    %broadcast_in_dim3A = vector.shape_cast %reduce_sum3A_8 : vector<1000xf32> to vector<1000x1xf32>
    %div3A = arith.constant 1.024000e+03 : f32
    %div3A_9 = vector.broadcast %div3A : f32 to vector<1000x1xf32>
    %div3A_10 = arith.divf %broadcast_in_dim3A, %div3A_9 : vector<1000x1xf32>
    %sub3A = vector.broadcast %div3A_10 : vector<1000x1xf32> to vector<1000x1024xf32>
    %sub3A_11 = arith.subf %get3A_1, %sub3A : vector<1000x1024xf32>
    %integer_pow3A = arith.mulf %sub3A_11, %sub3A_11 : vector<1000x1024xf32>
    %reduce_sum3A_12 = arith.constant dense<0.000000e+00> : vector<1000xf32>
    %reduce_sum3A_13 = vector.multi_reduction <add>, %integer_pow3A, %reduce_sum3A_12 [1] : vector<1000x1024xf32> to vector<1000xf32>
    %broadcast_in_dim3A_14 = vector.shape_cast %reduce_sum3A_13 : vector<1000xf32> to vector<1000x1xf32>
    %div3A_15 = arith.constant 1.024000e+03 : f32
    %div3A_16 = vector.broadcast %div3A_15 : f32 to vector<1000x1xf32>
    %div3A_17 = arith.divf %broadcast_in_dim3A_14, %div3A_16 : vector<1000x1xf32>
    %sub3A_18 = vector.broadcast %div3A_10 : vector<1000x1xf32> to vector<1000x1024xf32>
    %sub3A_19 = arith.subf %get3A_1, %sub3A_18 : vector<1000x1024xf32>
    %add3A = arith.constant 9.99999974E-6 : f32
    %add3A_20 = vector.broadcast %add3A : f32 to vector<1000x1xf32>
    %add3A_21 = arith.addf %div3A_17, %add3A_20 : vector<1000x1xf32>
    %sqrt3A = math.sqrt %add3A_21 : vector<1000x1xf32>
    %div3A_22 = vector.broadcast %sqrt3A : vector<1000x1xf32> to vector<1000x1024xf32>
    %div3A_23 = arith.divf %sub3A_19, %div3A_22 : vector<1000x1024xf32>
    %mul3A = vector.broadcast %get3A_4 : vector<1x1024xf32> to vector<1000x1024xf32>
    %mul3A_24 = arith.mulf %div3A_23, %mul3A : vector<1000x1024xf32>
    %add3A_25 = vector.broadcast %get3A_7 : vector<1x1024xf32> to vector<1000x1024xf32>
    %add3A_26 = arith.addf %mul3A_24, %add3A_25 : vector<1000x1024xf32>
    %gt3A = arith.constant 0.000000e+00 : f32
    %gt3A_27 = vector.broadcast %gt3A : f32 to vector<1000x1024xf32>
    %gt3A_28 = arith.cmpf ogt, %add3A_26, %gt3A_27 : vector<1000x1024xf32>
    %exp3A = math.exp %add3A_26 : vector<1000x1024xf32>
    %sub3A_29 = arith.constant 1.000000e+00 : f32
    %sub3A_30 = vector.broadcast %sub3A_29 : f32 to vector<1000x1024xf32>
    %sub3A_31 = arith.subf %exp3A, %sub3A_30 : vector<1000x1024xf32>
    %select_n3A = arith.select %gt3A_28, %add3A_26, %sub3A_31 : vector<1000x1024xi1>, vector<1000x1024xf32>
    %get3A_32 = arith.constant 0 : index
    %get3A_33 = arith.constant 0 : index
    %get3A_34 = vector.load %arg2[%get3A_32, %get3A_33] : memref<1000x1024xf32, #tpu.memory_space<vmem>>, vector<1000x1024xf32>
    %add3A_35 = arith.addf %select_n3A, %get3A_34 : vector<1000x1024xf32>
    %get3A_36 = arith.constant 0 : index
    %get3A_37 = arith.constant 0 : index
    %get3A_38 = vector.load %arg5[%get3A_36, %get3A_37] : memref<1024x128xf32, #tpu.memory_space<vmem>>, vector<1024x128xf32>
    %dot_general3A = arith.constant dense<0.000000e+00> : vector<1000x128xf32>
    %dot_general3A_39 = tpu.matmul %add3A_35, %get3A_38, %dot_general3A {dimension_numbers = #tpu.dot_dimension_numbers<[1], [0], [0], [1], [0, 0, 1, 1], [], []>, transpose_lhs_hint = false} : vector<1000x1024xf32>, vector<1024x128xf32>, vector<1000x128xf32> -> vector<1000x128xf32>
    %get3A_40 = arith.constant 0 : index
    %get3A_41 = arith.constant 0 : index
    %get3A_42 = vector.load %arg6[%get3A_40, %get3A_41] : memref<1x128xf32, #tpu.memory_space<vmem>>, vector<1x128xf32>
    %add3A_43 = vector.broadcast %get3A_42 : vector<1x128xf32> to vector<1000x128xf32>
    %add3A_44 = arith.addf %dot_general3A_39, %add3A_43 : vector<1000x128xf32>
    %swap3A = arith.constant 0 : index
    %swap3A_45 = arith.constant 0 : index
    %swap3A_46 = vector.load %arg7[%swap3A, %swap3A_45] : memref<1000x128xf32, #tpu.memory_space<vmem>>, vector<1000x128xf32>
    tpu.vector_store %arg7[%swap3A, %swap3A_45], %add3A_44 {strides = array<i32>} : memref<1000x128xf32, #tpu.memory_space<vmem>>, vector<1000x128xf32>,
    return
  }
  func.func @transform_0(%arg0: i32) -> (i32, i32) {
    %c0_i32 = arith.constant 0 : i32
    %c0_i32_0 = arith.constant 0 : i32
    return %arg0, %c0_i32 : i32, i32
  }
  func.func @transform_1(%arg0: i32) -> (i32, i32) {
    %c0_i32 = arith.constant 0 : i32
    %c0_i32_0 = arith.constant 0 : i32
    return %arg0, %c0_i32 : i32, i32
  }
  func.func @transform_2(%arg0: i32) -> (i32, i32) {
    %c0_i32 = arith.constant 0 : i32
    %c0_i32_0 = arith.constant 0 : i32
    %c0_i32_1 = arith.constant 0 : i32
    return %c0_i32, %c0_i32_0 : i32, i32
  }
  func.func @transform_3(%arg0: i32) -> (i32, i32) {
    %c0_i32 = arith.constant 0 : i32
    %c0_i32_0 = arith.constant 0 : i32
    %c0_i32_1 = arith.constant 0 : i32
    return %c0_i32, %c0_i32_0 : i32, i32
  }
  func.func @transform_4(%arg0: i32) -> (i32, i32) {
    %c0_i32 = arith.constant 0 : i32
    %c0_i32_0 = arith.constant 0 : i32
    %c0_i32_1 = arith.constant 0 : i32
    return %c0_i32, %c0_i32_0 : i32, i32
  }
  func.func @transform_5(%arg0: i32) -> (i32, i32) {
    %c0_i32 = arith.constant 0 : i32
    %c0_i32_0 = arith.constant 0 : i32
    %c0_i32_1 = arith.constant 0 : i32
    return %c0_i32, %c0_i32_0 : i32, i32
  }
  func.func @transform_6(%arg0: i32) -> (i32, i32) {
    %c0_i32 = arith.constant 0 : i32
    %c0_i32_0 = arith.constant 0 : i32
    return %arg0, %c0_i32 : i32, i32
  }
}

</mosaic_0001>

<sc_bundles>
// kernel: kernel.13.cloned.1.call-start
scs
__scs_entry_jumppad:
0x0: {  	(pc) =	sbr.rel $0x88, $3  }
0x1: {  	(tag) =	ssettag $0x0;
	lr =	simm.s32 $0x1  }
0x2: {  	[smem:$0x3F84] =	sst lr;
	_ =	strace $0xD0000000  }
0x3: {  	_ = 	snop  }
0x4: {  	_ = 	snop  }
0x5: {  	_ = 	snop  }
0x6: {  	_ = 	snop  }
0x7: {  	_ = 	snop  }
__scs_overlays_trampoline_lowered:
0x8: {  	[smem:$0x3F93] =	sst s0  }
0x9: {  	[smem:$0x3F94] =	sst s1  }
0xa: {  	[smem:$0x3F95] =	sst s2  }
0xb: {  	[smem:$0x3F96] =	sst s3  }
0xc: {  	[smem:$0x3F97] =	sst s4  }
0xd: {  	[smem:$0x3F98] =	sst s5  }
0xe: {  	[smem:$0x3F99] =	sst s6  }
0xf: {  	[smem:$0x3F9A] =	sst s7  }
0x10: {  	[smem:$0x3F9B] =	sst s8  }
0x11: {  	[smem:$0x3F9C] =	sst s9;
	s0 =	simm.s32 @!p0 $0x0  }
0x12: {  	s1 =	sld [smem:$0x3F82];
	s0 =	simm.s32 @p0 $0x1  }
0x13: {  	[smem:$0x3F9D] =	sst s0;
	s0 =	simm.s32 @!p1 $0x0  }
0x14: {  	s2 =	sld [smem:$0x3F81];
	s0 =	simm.s32 @p1 $0x1  }
0x15: {  	[smem:$0x3F9E] =	sst s0;
	s0 =	simm.s32 @!p2 $0x0  }
0x16: {  	s3 =	sld [smem:$0x3FDB];
	s0 =	simm.s32 @p2 $0x1  }
0x17: {  	s4 =	simm.s32 $0x1BF5;
	[smem:$0x3FA0] =	sst s0  }
0x18: {  	s0 =	sld [smem:$0x3F83];
	_ =	swait.ge [sflag:s4], $0x0  }
0x19: {  	s7 =	sld [smem:$0x3F84]  }
0x1a: {  	s8 =	sadd.s32 $0xFFFFE003, lr  }
0x1b: {  	s9 =	sadd.s32 $0xFFFFFEF7, lr;
	s5 =	simm.s32 $0xFFFFFFFF;
	p2 =	slt.u32 s8, $0xFFFFF086  }
0x1c: {  	p1 =	slt.u32 s9, $0xF7A;
	s5 =	simm.s32 @!p2 $0x0  }
0x1d: {  	s5 =	simm.s32 @p1 $0x1;
	p0 =	seq.s32 s7, s2  }
0x1e: {  	s7 =	smul.u32 @!p0 $0xF7A, s2;
	p2 =	seq.s32 @!p0 s5, $0x0  }
0x1f: {  	s9 =	smul.u32 $0xF7A, s1;
	s8 =	simm.s32 @!p0 $0x1BF5;
	p2 =	por !p2, p0  }
0x20: {  	[sflag:s8] =	ssyncset.s32 @!p0 $0xFFFFF086;
	s6 =	sadd.s32 @!p0 s3, s7;
	s7 =	simm.s32 @!p0 $0x108  }
0x21: {  	s3 =	sadd.s32 s3, s9;
	s6 =	sadd.s32 @!p0 $0x88, s6;
	s7 =	simm.s32 @p2 $0x1082  }
0x22: {  	[simem:s7], [sflag:s8] =	dma.local @!p0 [hbm:s6], $0xF7A  }
0x23: {  	s9 =	sor.u32 $0xD0000000, s2;
	s6 =	simm.s32 $0x108;
	_ =	swait.ge @!p0 [sflag:s8], $0x0  }
0x24: {  	s3 =	sadd.s32 $0x88, s3;
	s6 =	simm.s32 @!p1 $0x1082;
	[sflag:s4] =	ssyncset.s32 $0xFFFFF086  }
0x25: {  	[simem:s6], [sflag:s4] =	dma.local [hbm:s3], $0xF7A  }
0x26: {  	[smem:$0x3F84] =	sst s1;
	(tag) =	ssettag s2;
	_ =	strace s9  }
0x27: {  	s1 =	sld [smem:$0x3F94]  }
0x28: {  	s2 =	sld [smem:$0x3F95]  }
0x29: {  	s4 =	sld [smem:$0x3F97]  }
0x2a: {  	p0 =	seq.s32 s5, $0x0;
	s5 =	sld [smem:$0x3F98]  }
0x2b: {  	s6 =	sld [smem:$0x3F99]  }
0x2c: {  	s7 =	sld [smem:$0x3F9A]  }
0x2d: {  	s3 =	simm.s32 $0x108;
	s8 =	sld [smem:$0x3F9B]  }
0x2e: {  	s3 =	simm.s32 @!p0 $0x1082;
	s9 =	sld [smem:$0x3F9C]  }
0x2f: {  	lr =	sadd.s32 s0, s3;
	s0 =	sld [smem:$0x3F93]  }
0x30: {  	s3 =	sld [smem:$0x3F96]  }
0x31: {  	[smem:$0x3F9F] =	sst s10  }
0x32: {  	s10 =	sld [smem:$0x3F9D];
	_ =	sdelay $0x3  }
0x33: {  	p0 =	seq.s32 s10, $0x1;
	s10 =	sld [smem:$0x3F9F];
	_ =	sdelay $0x3  }
0x34: {  	[smem:$0x3F9F] =	sst s10  }
0x35: {  	s10 =	sld [smem:$0x3F9E];
	_ =	sdelay $0x3  }
0x36: {  	p1 =	seq.s32 s10, $0x1;
	s10 =	sld [smem:$0x3F9F];
	_ =	sdelay $0x3  }
0x37: {  	[smem:$0x3F9F] =	sst s10  }
0x38: {  	s10 =	sld [smem:$0x3FA0]  }
0x39: {  	_ = 	snop;
	(pc) =	sbr.ind lr, $3  }
0x3a: {  	_ = 	snop  }
0x3b: {  	_ = 	snop  }
0x3c: {  	p2 =	seq.s32 s10, $0x1;
	s10 =	sld [smem:$0x3F9F]  }
0x3d: {  	_ =	shalt  }
0x3e: {  	_ =	shalt  }
0x3f: {  	_ =	shalt  }
0x40: {  	_ =	shalt  }
0x41: {  	_ =	shalt  }
0x42: {  	_ =	shalt  }
0x43: {  	_ =	shalt  }
0x44: {  	_ =	shalt  }
0x45: {  	_ =	shalt  }
0x46: {  	_ =	shalt  }
0x47: {  	_ =	shalt  }
0x48: {  	_ =	shalt  }
0x49: {  	_ =	shalt  }
0x4a: {  	_ =	shalt  }
0x4b: {  	_ =	shalt  }
0x4c: {  	_ =	shalt  }
0x4d: {  	_ =	shalt  }
0x4e: {  	_ =	shalt  }
0x4f: {  	_ =	shalt  }
0x50: {  	_ =	shalt  }
0x51: {  	_ =	shalt  }
0x52: {  	_ =	shalt  }
0x53: {  	_ =	shalt  }
0x54: {  	_ =	shalt  }
0x55: {  	_ =	shalt  }
0x56: {  	_ =	shalt  }
0x57: {  	_ =	shalt  }
0x58: {  	_ =	shalt  }
0x59: {  	_ =	shalt  }
0x5a: {  	_ =	shalt  }
0x5b: {  	_ =	shalt  }
0x5c: {  	_ =	shalt  }
0x5d: {  	_ =	shalt  }
0x5e: {  	_ =	shalt  }
0x5f: {  	_ =	shalt  }
0x60: {  	_ =	shalt  }
0x61: {  	_ =	shalt  }
0x62: {  	_ =	shalt  }
0x63: {  	_ =	shalt  }
0x64: {  	_ =	shalt  }
0x65: {  	_ =	shalt  }
0x66: {  	_ =	shalt  }
0x67: {  	_ =	shalt  }
0x68: {  	_ =	shalt  }
0x69: {  	_ =	shalt  }
0x6a: {  	_ =	shalt  }
0x6b: {  	_ =	shalt  }
0x6c: {  	_ =	shalt  }
0x6d: {  	_ =	shalt  }
0x6e: {  	_ =	shalt  }
0x6f: {  	_ =	shalt  }
0x70: {  	_ =	shalt  }
0x71: {  	_ =	shalt  }
0x72: {  	_ =	shalt  }
0x73: {  	_ =	shalt  }
0x74: {  	_ =	shalt  }
0x75: {  	_ =	shalt  }
0x76: {  	_ =	shalt  }
0x77: {  	_ =	shalt  }
0x78: {  	_ =	shalt  }
0x79: {  	_ =	shalt  }
0x7a: {  	_ =	shalt  }
0x7b: {  	_ =	shalt  }
0x7c: {  	_ =	shalt  }
0x7d: {  	_ =	shalt  }
0x7e: {  	_ =	shalt  }
0x7f: {  	_ =	shalt  }
0x80: {  	_ =	shalt  }
0x81: {  	_ =	shalt  }
0x82: {  	_ =	shalt  }
0x83: {  	_ =	shalt  }
0x84: {  	_ =	shalt  }
0x85: {  	_ =	shalt  }
0x86: {  	_ =	shalt  }
0x87: {  	_ =	shalt  }
.Lfunc_end0:
.L_simem_size_0:
called_computation_lowered:
.L_overlay_start_0:
0x88: {  	s2 =	sld [smem:$0x3FD9]  }
0x89: {  	s3 =	sld [smem:$0x3FFE];
	_ =	sdelay $0x1  }
0x8a: {  	s1 =	srdreg.scid  }
0x8b: {  	s0 =	sand.u32 $0x1, s1  }
0x8c: {  	s16 =	sshll.u32 s0, $0xA;
	s2 =	sadd.s32 s3, s2  }
0x8d: {  	s2 =	sadd.s32 s2, s16  }
0x8e: {  	[smem:$0x3FAB] =	sst s2  }
0x8f: {  	_ = 	snop  }
0x90: {  	(tm) =	ssettm $0x1  }
0x91: {  	s17 =	sld [smem:$0x3FFB];
	_ =	sdelay $0x3  }
0x92: {  	_ =	strace s17  }
0x93: {  	s2 =	sld [smem:$0x3FFC];
	_ =	sdelay $0x3  }
0x94: {  	_ =	strace s2  }
0x95: {  	s2 =	sld [smem:$0x3FFD];
	_ =	sdelay $0x3  }
0x96: {  	_ =	strace s2  }
0x97: {  	_ =	strace $0x8FFFFFFF  }
0x98: {  	s18 =	sld [smem:$0x3FDB];
	_ =	sdelay $0x1  }
0x99: {  	s19 =	simm.s32 $_scs_section_size  }
0x9a: {  	s4 =	simm.s32 $_size__tile_overlayer_lowered;
	s5 =	simm.s32 $_tile_overlayer_lowered  }
0x9b: {  	s22 =	simm.s32 $0x1BFF;
	s21 =	sshll.u32 s5, $0x1;
	s2 =	sadd.s32 s19, s18  }
0x9c: {  	s6 =	simm.s32 $0x0;
	s20 =	sshll.u32 s4, $0x1;
	s4 =	sadd.s32 s21, s2  }
0x9d: {  	[timem:s6], [sflag:s22] =	dma.local [hbm:s4], s20  }
0x9e: {  	_ =	swait.ge [sflag:s22], s20  }
0x9f: {  	s3 =	ssub.s32 $0x0, s20;
	[sflag:s22] =	ssyncset.done $0x0  }
0xa0: {  	[sflag:s22] =	ssyncadd.s32 s3;
	_ =	sdelay $0x1  }
0xa1: {  	s23 =	simm.s32 $0x1B8B  }
0xa2: {  	_ =	swait.ge [sflag:s23], $0x1  }
0xa3: {  	[sflag:s23] =	ssyncset.done $0x0  }
0xa4: {  	s25 =	simm.s32 $0x1B8E;
	s24 =	sld [smem:$0x3FFE];
	[sflag:s23] =	ssyncadd.s32 $0xFFFFFFFF  }
0xa5: {  	s26 =	simm.s32 $execute0_lowered;
	[smem:$0x3FD2] =	sst s25  }
0xa6: {  	s4 =	sshll.u32 s26, $0x1;
	_ =	strace $0x80000046;
	[dreg:$0x1] =	wrdreg $0xFFFFFFFF  }
0xa7: {  	s28 =	simm.s32 $_size_execute0_lowered;
	s2 =	sadd.s32 s2, s4;
	[dreg:$0x0] =	wrdreg $0x0  }
0xa8: {  	s4 =	sshll.u32 s28, $0x1;
	[dreg:$0x2] =	wrdreg s2  }
0xa9: {  	[dreg:$0x3] =	wrdreg s4  }
0xaa: {  	[dreg:$0x4] =	wrdreg $0xC0  }
0xab: {  	_ =	task [dreg:s6], $0x5FFFF  }
0xac: {  	[dreg:$0x1] =	wrdreg $0xFFFFFFFF  }
0xad: {  	[dreg:$0x0] =	wrdreg $0x60  }
0xae: {  	[dreg:$0x2] =	wrdreg s24  }
0xaf: {  	[dreg:$0x3] =	wrdreg $0x9  }
0xb0: {  	_ =	task.clear_ibuf [dreg:s6], $0x4FFFF;
	_ =	strace $0x90000046  }
0xb1: {  	s29 =	simm.s32 $0x9;
	_ =	strace $0x80000048  }
0xb2: {  	_ =	swait.ge [sflag:s29], $0x1  }
0xb3: {  	[sflag:s29] =	ssyncadd.s32 $0xFFFFFFFF  }
0xb4: {  	_ =	strace $0x90000048  }
0xb5: {  	_ =	sfence  }
0xb6: {  	s30 =	sld [smem:$0x0];
	_ =	sdelay $0x2  }
0xb7: {  	s31 =	sshll.u32 s1, $0xD;
	s1 =	sshrl.u32 s1, $0x2  }
0xb8: {  	s3 =	sand.u32 $0x4000, s31;
	s1 =	sadd.s32 s1, s30  }
0xb9: {  	s0 =	sor.u32 s3, s0;
	s1 =	sshll.u32 s1, $0x11  }
0xba: {  	s0 =	sor.u32 s1, s0  }
0xbb: {  	s0 =	sadd.s32 $0x8F2B, s0  }
0xbc: {  	[sflag:s0] =	ssyncadd.remote.s32 $0x1  }
0xbd: {  	_ =	sfence.sel $0xFFFF  }
0xbe: {  	[dreg:$0x0] =	wrdreg $0xFFFFFFFF;
	(pc) =	sbr.abs _section_cstart, $3  }
0xbf: {  	[dreg:$0x1] =	wrdreg $0xFFFFFFFF  }
0xc0: {  	_ =	task.clear_ibuf [dreg:s6], $0x2FFFF;
	_ =	strace $0x9FFFFFFF  }
0xc1: {  	(tm) =	ssettm $0x7FFFFFFF  }
tec
execute0_lowered:
.L_overlay_start_1:
0x0: {  	(tag) =	ssettag $0x1  }
0x1: {  	s0 =	rddreg [dreg:$0x0];
	s1 =	srdreg.scid  }
0x2: {  	s20 =	stileid.u32;
	s2 =	simm.s32 $0x0;
	s14 =	simm.s32 $0x80  }
0x3: {  	s15 =	simm.s32 $0x180;
	s16 =	simm.s32 $0x4A00;
	s17 =	simm.s32 $0x5200  }
0x4: {  	s21 =	simm.s32 $0x5A00;
	s29 =	simm.s32 $0x3;
	s31 =	simm.s32 $0x200  }
0x5: {  	s30 =	simm.s32 $0x2;
	s1 =	sand.u32 $0x1, s1;
	s3 =	sshll.u32 s20, $0x1  }
0x6: {  	[smem:$0x7FF] =	sst s2;
	s4 =	sadd.s32 $0x27D600, s0;
	s11 =	sadd.s32 $0x2600, s0  }
0x7: {  	s8 =	smul.u32 $0x1388000, s20;
	s12 =	sadd.s32 $0x7600, s0;
	s18 =	sadd.s32 $0x4EE600, s0  }
0x8: {  	s19 =	sadd.s32 $0x2BFE600, s0;
	_ =	strace $0x80000047;
	[dreg:$0x16] =	wrdreg s11  }
0x9: {  	s23 =	smul.u32 $0x271000, s20;
	s6 =	sor.u32 s1, s3;
	[dreg:$0x17] =	wrdreg s12  }
0xa: {  	s3 =	sadd.s32 $0xC600, s0;
	s9 =	smul.u32 $0x9C4000, s1;
	[dreg:$0x6] =	wrdreg s14  }
0xb: {  	s5 =	ssub.s32 $0x2, s1;
	s25 =	smul.u32 $0x138800, s1;
	[dreg:$0x7] =	wrdreg s15  }
0xc: {  	s14 =	sadd.s32 $0xCC00, s0;
	[dreg:$0x8] =	wrdreg s16;
	s15 =	sadd.s32 $0xCD00, s0  }
0xd: {  	[dreg:$0x9] =	wrdreg s17;
	s16 =	sadd.s32 $0x27D700, s0;
	s1 =	smul.u32 $0x1388, s1  }
0xe: {  	[dreg:$0xa] =	wrdreg s21;
	s17 =	sadd.s32 $0x27D800, s0;
	s7 =	smul.u32 $0x1388, s6  }
0xf: {  	s10 =	sshrl.u32 s5, $0x1;
	s26 =	sadd.s32 s23, s18;
	s6 =	smul.u32 $0x9C4000, s6  }
0x10: {  	s5 =	ssub.s32 s5, s10;
	s10 =	sadd.s32 s23, s19;
	s23 =	simm.s32 $0x6A00  }
0x11: {  	s8 =	sadd.s32 s9, s8;
	[dreg:$0xc] =	wrdreg s23;
	s23 =	simm.s32 $0xDA00  }
0x12: {  	s7 =	sshrl.u32 s7, $0x3;
	s5 =	smax.u32 s5, $0x1;
	[dreg:$0x11] =	wrdreg s23  }
0x13: {  	s9 =	sadd.s32 $0xC700, s0;
	s22 =	sadd.s32 s11, s7;
	[dreg:$0x1c] =	wrdreg s5  }
0x14: {  	s8 =	sshrl.u32 s8, $0x3;
	s7 =	sadd.s32 s12, s7;
	[dreg:$0x18] =	wrdreg s22  }
0x15: {  	s6 =	sshrl.u32 s6, $0x3;
	s24 =	sadd.s32 s8, s19;
	[dreg:$0x19] =	wrdreg s7  }
0x16: {  	s8 =	sadd.s32 s8, s18;
	s12 =	sadd.s32 s25, s10;
	[dreg:$0x2] =	wrdreg s24  }
0x17: {  	s10 =	sadd.s32 $0xC800, s0;
	[dreg:$0x3] =	wrdreg s8;
	s13 =	sadd.s32 $0x800, s12  }
0x18: {  	s11 =	sadd.s32 $0xC900, s0;
	s22 =	simm.s32 $0x6200;
	[dreg:$0x5] =	wrdreg s13  }
0x19: {  	s6 =	sadd.s32 $0x138000, s6;
	s24 =	simm.s32 $0x7200;
	[dreg:$0xb] =	wrdreg s22  }
0x1a: {  	s7 =	sadd.s32 s25, s26;
	s25 =	simm.s32 $0x7A00;
	[dreg:$0xd] =	wrdreg s24  }
0x1b: {  	s23 =	sadd.s32 $0x27DC00, s0;
	s21 =	sadd.s32 s18, s6;
	[dreg:$0xe] =	wrdreg s25  }
0x1c: {  	s5 =	simm.s32 $0x1200;
	s26 =	simm.s32 $0xCA00;
	[dreg:$0x1a] =	wrdreg s21  }
0x1d: {  	s12 =	sadd.s32 $0xCA00, s0;
	s6 =	sadd.s32 s19, s6;
	[dreg:$0xf] =	wrdreg s26  }
0x1e: {  	s8 =	simm.s32 $0xF200;
	s18 =	simm.s32 $0xFA00;
	[dreg:$0x1b] =	wrdreg s6  }
0x1f: {  	s7 =	sadd.s32 $0x800, s7;
	s13 =	sadd.s32 $0xCB00, s0;
	[dreg:$0x14] =	wrdreg s8  }
0x20: {  	s22 =	simm.s32 $0xD200;
	s24 =	smul.u32 $0x2710, s20;
	[dreg:$0x15] =	wrdreg s18  }
0x21: {  	s25 =	simm.s32 $0xE200;
	s26 =	simm.s32 $0xEA00;
	[dreg:$0x4] =	wrdreg s7  }
0x22: {  	s20 =	sadd.s32 $0x27D900, s0;
	s21 =	sadd.s32 $0x27DA00, s0;
	[dreg:$0x10] =	wrdreg s22  }
0x23: {  	s8 =	simm.s32 $0x100;
	s6 =	simm.s32 $0x4200;
	[dreg:$0x12] =	wrdreg s25  }
0x24: {  	s18 =	simm.s32 $0xC200;
	[dreg:$0x13] =	wrdreg s26;
	s22 =	sadd.s32 $0x27DB00, s0  }
0x25: {  	s7 =	simm.s32 $0x1A00;
	s1 =	sadd.s32 s1, s24;
	s24 =	sadd.s32 $0x27DD00, s0  }
0x26: {  	v0 =	vlaneseq.u32;
	s0 =	simm.s32 $0x0;
	s19 =	sshrl.u32 s1, $0x3;
	s25 =	sadd.s32 $0x8, s1  }
0x27: {  	v1 =	vshrl.u32 v0, $0x3;
	s1 =	simm.s32 $0xA00;
	[dreg:$0x1d] =	wrdreg s0;
	s26 =	sadd.s32 $0x2, s19  }
0x28: {  	vm0 =	vmmov $0xffff;
	v0 =	vand.u32 $0x7, v0;
	v1 =	vmul.u32 $0x8, v1;
	s28 =	sshrl.u32 s25, $0x3;
	s19 =	simm.s32 $0x8200;
	s25 =	simm.s32 $0x1  }
.LBB2_1:
0x29: {  	s0 =	rddreg [dreg:$0x18]  }
0x2a: {  	[tilespmem:s2], [sflag:$0x3] =	stream.linear.gather [hbm4b:s0+s2], $0x8, $0x38;
	[tilespmem:$0x10200] =	vst v63  }
0x2b: {  	_ =	swait.ge [sflag:s29], $0x8  }
0x2c: {  	[sflag:s29] =	ssyncset.done $0x0  }
0x2d: {  	s0 =	rddreg [dreg:$0x19];
	[sflag:s29] =	ssyncadd.s32 $0xFFFFFFF8  }
0x2e: {  	[tilespmem:s8], [sflag:$0x3] =	stream.linear.gather [hbm4b:s0+s2], $0x8, $0x38;
	[tilespmem:$0x10200] =	vst v63  }
0x2f: {  	_ =	swait.ge [sflag:s29], $0x8  }
0x30: {  	[sflag:s29] =	ssyncset.done $0x0  }
0x31: {  	[sflag:s29] =	ssyncadd.s32 $0xFFFFFFF8  }
0x32: {  	v2 =	vld.msk [tilespmem:$0x0], $0xff;
	_ =	sdelay $0x4  }
0x33: {  	v3 =	vshll.u32 v2, $0x4  }
0x34: {  	v2 =	vand.u32 $0x7, v2;
	v3 =	vand.u32 $0xFFFFFF80, v3  }
0x35: {  	v2 =	vor.u32 v2, v3  }
0x36: {  	v2 =	vperm.xlane v2, v0;
	_ =	sdelay $0x1  }
0x37: {  	v2 =	vadd.s32 v1, v2;
	_ =	sdelay $0x4  }
0x38: {  	[tilespmem:s31], [sflag:$0x1] =	stream.indirect_vreg.gather [hbm4b:s3+s2], $0x80, v2, vm0, $0xb8;
	[tilespmem:$0x10200] =	vst v63  }
0x39: {  	_ = 	snop  }
0x3a: {  	[tilespmem:s1], [sflag:$0x1] =	stream.indirect_vreg.gather [hbm4b:s9+s2], $0x80, v2, vm0, $0xb8;
	[tilespmem:$0x10200] =	vst v63  }
0x3b: {  	_ = 	snop  }
0x3c: {  	[tilespmem:s5], [sflag:$0x1] =	stream.indirect_vreg.gather [hbm4b:s10+s2], $0x80, v2, vm0, $0xb8;
	[tilespmem:$0x10200] =	vst v63  }
0x3d: {  	_ = 	snop  }
0x3e: {  	[tilespmem:s7], [sflag:$0x1] =	stream.indirect_vreg.gather [hbm4b:s11+s2], $0x80, v2, vm0, $0xb8;
	[tilespmem:$0x10200] =	vst v63  }
0x3f: {  	s5 =	simm.s32 $0x2200  }
0x40: {  	[tilespmem:s5], [sflag:$0x1] =	stream.indirect_vreg.gather [hbm4b:s12+s2], $0x80, v2, vm0, $0xb8;
	[tilespmem:$0x10200] =	vst v63  }
0x41: {  	s7 =	simm.s32 $0x2A00  }
0x42: {  	[tilespmem:s7], [sflag:$0x1] =	stream.indirect_vreg.gather [hbm4b:s13+s2], $0x80, v2, vm0, $0xb8;
	[tilespmem:$0x10200] =	vst v63  }
0x43: {  	s8 =	simm.s32 $0x3200  }
0x44: {  	[tilespmem:s8], [sflag:$0x1] =	stream.indirect_vreg.gather [hbm4b:s14+s2], $0x80, v2, vm0, $0xb8;
	[tilespmem:$0x10200] =	vst v63  }
0x45: {  	s1 =	simm.s32 $0x3A00  }
0x46: {  	[tilespmem:s1], [sflag:$0x1] =	stream.indirect_vreg.gather [hbm4b:s15+s2], $0x80, v2, vm0, $0xb8;
	[tilespmem:$0x10200] =	vst v63  }
0x47: {  	v2 =	vld.msk [tilespmem:$0x100], $0xff;
	_ =	sdelay $0x4  }
0x48: {  	v3 =	vshll.u32 v2, $0x4  }
0x49: {  	v2 =	vand.u32 $0x7, v2;
	v3 =	vand.u32 $0xFFFFFF80, v3  }
0x4a: {  	v2 =	vor.u32 v2, v3  }
0x4b: {  	v2 =	vperm.xlane v2, v0;
	_ =	sdelay $0x1  }
0x4c: {  	v2 =	vadd.s32 v1, v2;
	_ =	sdelay $0x4  }
0x4d: {  	[tilespmem:s19], [sflag:$0x1] =	stream.indirect_vreg.gather [hbm4b:s4+s2], $0x80, v2, vm0, $0xb8;
	[tilespmem:$0x10200] =	vst v63  }
0x4e: {  	s5 =	simm.s32 $0x8A00  }
0x4f: {  	[tilespmem:s5], [sflag:$0x1] =	stream.indirect_vreg.gather [hbm4b:s16+s2], $0x80, v2, vm0, $0xb8;
	[tilespmem:$0x10200] =	vst v63  }
0x50: {  	s7 =	simm.s32 $0x9200  }
0x51: {  	[tilespmem:s7], [sflag:$0x1] =	stream.indirect_vreg.gather [hbm4b:s17+s2], $0x80, v2, vm0, $0xb8;
	[tilespmem:$0x10200] =	vst v63  }
0x52: {  	s8 =	simm.s32 $0x9A00  }
0x53: {  	[tilespmem:s8], [sflag:$0x1] =	stream.indirect_vreg.gather [hbm4b:s20+s2], $0x80, v2, vm0, $0xb8;
	[tilespmem:$0x10200] =	vst v63  }
0x54: {  	s1 =	simm.s32 $0xA200  }
0x55: {  	[tilespmem:s1], [sflag:$0x1] =	stream.indirect_vreg.gather [hbm4b:s21+s2], $0x80, v2, vm0, $0xb8;
	[tilespmem:$0x10200] =	vst v63  }
0x56: {  	s5 =	simm.s32 $0xAA00  }
0x57: {  	[tilespmem:s5], [sflag:$0x1] =	stream.indirect_vreg.gather [hbm4b:s22+s2], $0x80, v2, vm0, $0xb8;
	[tilespmem:$0x10200] =	vst v63  }
0x58: {  	s0 =	rddreg [dreg:$0x16];
	s7 =	simm.s32 $0xB200  }
0x59: {  	[tilespmem:s7], [sflag:$0x1] =	stream.indirect_vreg.gather [hbm4b:s23+s2], $0x80, v2, vm0, $0xb8;
	[tilespmem:$0x10200] =	vst v63  }
0x5a: {  	s8 =	simm.s32 $0xBA00;
	s1 =	rddreg [dreg:$0x17];
	s7 =	simm.s32 $0x0  }
0x5b: {  	[tilespmem:s8], [sflag:$0x1] =	stream.indirect_vreg.gather [hbm4b:s24+s2], $0x80, v2, vm0, $0xb8;
	[tilespmem:$0x10200] =	vst v63  }
.LBB2_2:
0x5c: {  	s5 =	rddreg [dreg:$0x6];
	s8 =	sadd.s32 s0, s28  }
0x5d: {  	[tilespmem:s5], [sflag:$0x3] =	stream.linear.gather [hbm4b:s8+s2], $0x8, $0x38;
	[tilespmem:$0x10200] =	vst v63  }
0x5e: {  	_ =	swait.ge [sflag:s29], $0x8  }
0x5f: {  	[sflag:s29] =	ssyncset.done $0x0  }
0x60: {  	s8 =	sadd.s32 s1, s28;
	s5 =	rddreg [dreg:$0x7];
	[sflag:s29] =	ssyncadd.s32 $0xFFFFFFF8  }
0x61: {  	[tilespmem:s5], [sflag:$0x3] =	stream.linear.gather [hbm4b:s8+s2], $0x8, $0x38;
	[tilespmem:$0x10200] =	vst v63  }
0x62: {  	_ =	swait.ge [sflag:s29], $0x8  }
0x63: {  	[sflag:s29] =	ssyncset.done $0x0  }
0x64: {  	[sflag:s29] =	ssyncadd.s32 $0xFFFFFFF8  }
0x65: {  	v2 =	vld.msk [tilespmem:$0x80], $0xff;
	_ =	sdelay $0x4  }
0x66: {  	v3 =	vshll.u32 v2, $0x4  }
0x67: {  	v2 =	vand.u32 $0x7, v2;
	v3 =	vand.u32 $0xFFFFFF80, v3  }
0x68: {  	v2 =	vor.u32 v2, v3  }
0x69: {  	v2 =	vperm.xlane v2, v0;
	_ =	sdelay $0x1  }
0x6a: {  	v2 =	vadd.s32 v1, v2;
	_ =	sdelay $0x4  }
0x6b: {  	[tilespmem:s6], [sflag:$0x2] =	stream.indirect_vreg.gather [hbm4b:s3+s2], $0x80, v2, vm0, $0xb8;
	[tilespmem:$0x10200] =	vst v63  }
0x6c: {  	s5 =	rddreg [dreg:$0x8]  }
0x6d: {  	[tilespmem:s5], [sflag:$0x2] =	stream.indirect_vreg.gather [hbm4b:s9+s2], $0x80, v2, vm0, $0xb8;
	[tilespmem:$0x10200] =	vst v63  }
0x6e: {  	s8 =	rddreg [dreg:$0x9]  }
0x6f: {  	[tilespmem:s8], [sflag:$0x2] =	stream.indirect_vreg.gather [hbm4b:s10+s2], $0x80, v2, vm0, $0xb8;
	[tilespmem:$0x10200] =	vst v63  }
0x70: {  	s5 =	rddreg [dreg:$0xa]  }
0x71: {  	[tilespmem:s5], [sflag:$0x2] =	stream.indirect_vreg.gather [hbm4b:s11+s2], $0x80, v2, vm0, $0xb8;
	[tilespmem:$0x10200] =	vst v63  }
0x72: {  	s8 =	rddreg [dreg:$0xb]  }
0x73: {  	[tilespmem:s8], [sflag:$0x2] =	stream.indirect_vreg.gather [hbm4b:s12+s2], $0x80, v2, vm0, $0xb8;
	[tilespmem:$0x10200] =	vst v63  }
0x74: {  	s5 =	rddreg [dreg:$0xc]  }
0x75: {  	[tilespmem:s5], [sflag:$0x2] =	stream.indirect_vreg.gather [hbm4b:s13+s2], $0x80, v2, vm0, $0xb8;
	[tilespmem:$0x10200] =	vst v63  }
0x76: {  	s8 =	rddreg [dreg:$0xd]  }
0x77: {  	[tilespmem:s8], [sflag:$0x2] =	stream.indirect_vreg.gather [hbm4b:s14+s2], $0x80, v2, vm0, $0xb8;
	[tilespmem:$0x10200] =	vst v63  }
0x78: {  	s5 =	rddreg [dreg:$0xe]  }
0x79: {  	[tilespmem:s5], [sflag:$0x2] =	stream.indirect_vreg.gather [hbm4b:s15+s2], $0x80, v2, vm0, $0xb8;
	[tilespmem:$0x10200] =	vst v63  }
0x7a: {  	v2 =	vld.msk [tilespmem:$0x180], $0xff;
	_ =	sdelay $0x4  }
0x7b: {  	v3 =	vshll.u32 v2, $0x4  }
0x7c: {  	v2 =	vand.u32 $0x7, v2;
	v3 =	vand.u32 $0xFFFFFF80, v3  }
0x7d: {  	v2 =	vor.u32 v2, v3  }
0x7e: {  	v2 =	vperm.xlane v2, v0;
	_ =	sdelay $0x1  }
0x7f: {  	v2 =	vadd.s32 v1, v2;
	_ =	sdelay $0x4  }
0x80: {  	[tilespmem:s18], [sflag:$0x2] =	stream.indirect_vreg.gather [hbm4b:s4+s2], $0x80, v2, vm0, $0xb8;
	[tilespmem:$0x10200] =	vst v63  }
0x81: {  	s5 =	rddreg [dreg:$0xf]  }
0x82: {  	[tilespmem:s5], [sflag:$0x2] =	stream.indirect_vreg.gather [hbm4b:s16+s2], $0x80, v2, vm0, $0xb8;
	[tilespmem:$0x10200] =	vst v63  }
0x83: {  	s8 =	rddreg [dreg:$0x10]  }
0x84: {  	[tilespmem:s8], [sflag:$0x2] =	stream.indirect_vreg.gather [hbm4b:s17+s2], $0x80, v2, vm0, $0xb8;
	[tilespmem:$0x10200] =	vst v63  }
0x85: {  	s5 =	rddreg [dreg:$0x11]  }
0x86: {  	[tilespmem:s5], [sflag:$0x2] =	stream.indirect_vreg.gather [hbm4b:s20+s2], $0x80, v2, vm0, $0xb8;
	[tilespmem:$0x10200] =	vst v63  }
0x87: {  	s8 =	rddreg [dreg:$0x12]  }
0x88: {  	[tilespmem:s8], [sflag:$0x2] =	stream.indirect_vreg.gather [hbm4b:s21+s2], $0x80, v2, vm0, $0xb8;
	[tilespmem:$0x10200] =	vst v63  }
0x89: {  	s5 =	rddreg [dreg:$0x13]  }
0x8a: {  	[tilespmem:s5], [sflag:$0x2] =	stream.indirect_vreg.gather [hbm4b:s22+s2], $0x80, v2, vm0, $0xb8;
	[tilespmem:$0x10200] =	vst v63  }
0x8b: {  	s8 =	rddreg [dreg:$0x14]  }
0x8c: {  	[tilespmem:s8], [sflag:$0x2] =	stream.indirect_vreg.gather [hbm4b:s23+s2], $0x80, v2, vm0, $0xb8;
	[tilespmem:$0x10200] =	vst v63  }
0x8d: {  	s5 =	rddreg [dreg:$0x15]  }
0x8e: {  	[tilespmem:s5], [sflag:$0x2] =	stream.indirect_vreg.gather [hbm4b:s24+s2], $0x80, v2, vm0, $0xb8;
	[tilespmem:$0x10200] =	vst v63  }
0x8f: {  	_ =	swait.ge [sflag:s25], $0x4000  }
0x90: {  	[sflag:s25] =	ssyncset.done $0x0  }
0x91: {  	[sflag:s25] =	ssyncadd.s32 $0xFFFFC000  }
0x92: {  	_ =	swait.ge [sflag:s25], $0x4000  }
0x93: {  	s5 =	rddreg [dreg:$0x3];
	[sflag:s25] =	ssyncset.done $0x0  }
0x94: {  	[sflag:s25] =	ssyncadd.s32 $0xFFFFC000;
	s5 =	sadd.s32 s7, s5  }
0x95: {  	[hbm4b:s5+s2] =	stream.linear.scatter [tilespmem:s31], [sflag:$0x3], $0x4000, $0x38;
	[tilespmem:$0x10200] =	vst v63  }
0x96: {  	_ =	swait.ge [sflag:s29], $0x4000  }
0x97: {  	s5 =	rddreg [dreg:$0x2];
	[sflag:s29] =	ssyncset.done $0x0  }
0x98: {  	[sflag:s29] =	ssyncadd.s32 $0xFFFFC000;
	s5 =	sadd.s32 s7, s5  }
0x99: {  	[hbm4b:s5+s2] =	stream.linear.scatter [tilespmem:s19], [sflag:$0x3], $0x4000, $0x38;
	[tilespmem:$0x10200] =	vst v63  }
0x9a: {  	_ =	swait.ge [sflag:s29], $0x4000  }
0x9b: {  	[sflag:s29] =	ssyncset.done $0x0  }
0x9c: {  	s5 =	sadd.s32 s0, s26;
	[sflag:s29] =	ssyncadd.s32 $0xFFFFC000  }
0x9d: {  	[tilespmem:s2], [sflag:$0x3] =	stream.linear.gather [hbm4b:s5+s2], $0x8, $0x38;
	[tilespmem:$0x10200] =	vst v63  }
0x9e: {  	_ =	swait.ge [sflag:s29], $0x8  }
0x9f: {  	[sflag:s29] =	ssyncset.done $0x0  }
0xa0: {  	s8 =	simm.s32 $0x100;
	s5 =	sadd.s32 s1, s26;
	[sflag:s29] =	ssyncadd.s32 $0xFFFFFFF8  }
0xa1: {  	[tilespmem:s8], [sflag:$0x3] =	stream.linear.gather [hbm4b:s5+s2], $0x8, $0x38;
	[tilespmem:$0x10200] =	vst v63  }
0xa2: {  	_ =	swait.ge [sflag:s29], $0x8  }
0xa3: {  	[sflag:s29] =	ssyncset.done $0x0  }
0xa4: {  	[sflag:s29] =	ssyncadd.s32 $0xFFFFFFF8  }
0xa5: {  	v2 =	vld.msk [tilespmem:$0x0], $0xff;
	_ =	sdelay $0x4  }
0xa6: {  	v3 =	vshll.u32 v2, $0x4  }
0xa7: {  	v2 =	vand.u32 $0x7, v2;
	v3 =	vand.u32 $0xFFFFFF80, v3  }
0xa8: {  	v2 =	vor.u32 v2, v3  }
0xa9: {  	v2 =	vperm.xlane v2, v0;
	_ =	sdelay $0x1  }
0xaa: {  	v2 =	vadd.s32 v1, v2;
	_ =	sdelay $0x4  }
0xab: {  	[tilespmem:s31], [sflag:$0x1] =	stream.indirect_vreg.gather [hbm4b:s3+s2], $0x80, v2, vm0, $0xb8;
	[tilespmem:$0x10200] =	vst v63  }
0xac: {  	s5 =	simm.s32 $0xA00  }
0xad: {  	[tilespmem:s5], [sflag:$0x1] =	stream.indirect_vreg.gather [hbm4b:s9+s2], $0x80, v2, vm0, $0xb8;
	[tilespmem:$0x10200] =	vst v63  }
0xae: {  	s5 =	simm.s32 $0x1200  }
0xaf: {  	[tilespmem:s5], [sflag:$0x1] =	stream.indirect_vreg.gather [hbm4b:s10+s2], $0x80, v2, vm0, $0xb8;
	[tilespmem:$0x10200] =	vst v63  }
0xb0: {  	s5 =	simm.s32 $0x1A00  }
0xb1: {  	[tilespmem:s5], [sflag:$0x1] =	stream.indirect_vreg.gather [hbm4b:s11+s2], $0x80, v2, vm0, $0xb8;
	[tilespmem:$0x10200] =	vst v63  }
0xb2: {  	s5 =	simm.s32 $0x2200  }
0xb3: {  	[tilespmem:s5], [sflag:$0x1] =	stream.indirect_vreg.gather [hbm4b:s12+s2], $0x80, v2, vm0, $0xb8;
	[tilespmem:$0x10200] =	vst v63  }
0xb4: {  	s5 =	simm.s32 $0x2A00  }
0xb5: {  	[tilespmem:s5], [sflag:$0x1] =	stream.indirect_vreg.gather [hbm4b:s13+s2], $0x80, v2, vm0, $0xb8;
	[tilespmem:$0x10200] =	vst v63  }
0xb6: {  	s5 =	simm.s32 $0x3200  }
0xb7: {  	[tilespmem:s5], [sflag:$0x1] =	stream.indirect_vreg.gather [hbm4b:s14+s2], $0x80, v2, vm0, $0xb8;
	[tilespmem:$0x10200] =	vst v63  }
0xb8: {  	s5 =	simm.s32 $0x3A00  }
0xb9: {  	[tilespmem:s5], [sflag:$0x1] =	stream.indirect_vreg.gather [hbm4b:s15+s2], $0x80, v2, vm0, $0xb8;
	[tilespmem:$0x10200] =	vst v63  }
0xba: {  	v2 =	vld.msk [tilespmem:$0x100], $0xff;
	_ =	sdelay $0x4  }
0xbb: {  	v3 =	vshll.u32 v2, $0x4  }
0xbc: {  	v2 =	vand.u32 $0x7, v2;
	v3 =	vand.u32 $0xFFFFFF80, v3  }
0xbd: {  	v2 =	vor.u32 v2, v3  }
0xbe: {  	v2 =	vperm.xlane v2, v0;
	_ =	sdelay $0x1  }
0xbf: {  	v2 =	vadd.s32 v1, v2;
	_ =	sdelay $0x4  }
0xc0: {  	[tilespmem:s19], [sflag:$0x1] =	stream.indirect_vreg.gather [hbm4b:s4+s2], $0x80, v2, vm0, $0xb8;
	[tilespmem:$0x10200] =	vst v63  }
0xc1: {  	s5 =	simm.s32 $0x8A00  }
0xc2: {  	[tilespmem:s5], [sflag:$0x1] =	stream.indirect_vreg.gather [hbm4b:s16+s2], $0x80, v2, vm0, $0xb8;
	[tilespmem:$0x10200] =	vst v63  }
0xc3: {  	s5 =	simm.s32 $0x9200  }
0xc4: {  	[tilespmem:s5], [sflag:$0x1] =	stream.indirect_vreg.gather [hbm4b:s17+s2], $0x80, v2, vm0, $0xb8;
	[tilespmem:$0x10200] =	vst v63  }
0xc5: {  	s5 =	simm.s32 $0x9A00  }
0xc6: {  	[tilespmem:s5], [sflag:$0x1] =	stream.indirect_vreg.gather [hbm4b:s20+s2], $0x80, v2, vm0, $0xb8;
	[tilespmem:$0x10200] =	vst v63  }
0xc7: {  	s5 =	simm.s32 $0xA200  }
0xc8: {  	[tilespmem:s5], [sflag:$0x1] =	stream.indirect_vreg.gather [hbm4b:s21+s2], $0x80, v2, vm0, $0xb8;
	[tilespmem:$0x10200] =	vst v63  }
0xc9: {  	s5 =	simm.s32 $0xAA00  }
0xca: {  	[tilespmem:s5], [sflag:$0x1] =	stream.indirect_vreg.gather [hbm4b:s22+s2], $0x80, v2, vm0, $0xb8;
	[tilespmem:$0x10200] =	vst v63  }
0xcb: {  	s5 =	simm.s32 $0xB200  }
0xcc: {  	[tilespmem:s5], [sflag:$0x1] =	stream.indirect_vreg.gather [hbm4b:s23+s2], $0x80, v2, vm0, $0xb8;
	[tilespmem:$0x10200] =	vst v63  }
0xcd: {  	s5 =	simm.s32 $0xBA00  }
0xce: {  	[tilespmem:s5], [sflag:$0x1] =	stream.indirect_vreg.gather [hbm4b:s24+s2], $0x80, v2, vm0, $0xb8;
	[tilespmem:$0x10200] =	vst v63  }
0xcf: {  	_ =	swait.ge [sflag:s30], $0x4000  }
0xd0: {  	[sflag:s30] =	ssyncset.done $0x0  }
0xd1: {  	[sflag:s30] =	ssyncadd.s32 $0xFFFFC000  }
0xd2: {  	_ =	swait.ge [sflag:s30], $0x4000  }
0xd3: {  	s5 =	rddreg [dreg:$0x4];
	[sflag:s30] =	ssyncset.done $0x0  }
0xd4: {  	[sflag:s30] =	ssyncadd.s32 $0xFFFFC000;
	s5 =	sadd.s32 s7, s5  }
0xd5: {  	[hbm4b:s5+s2] =	stream.linear.scatter [tilespmem:s6], [sflag:$0x3], $0x4000, $0x38;
	[tilespmem:$0x10200] =	vst v63  }
0xd6: {  	_ =	swait.ge [sflag:s29], $0x4000  }
0xd7: {  	p0 =	sne.s32 s7, $0x137000;
	s5 =	rddreg [dreg:$0x5];
	[sflag:s29] =	ssyncset.done $0x0  }
.Ltmp0:
0xd8: {  	[sflag:s29] =	ssyncadd.s32 $0xFFFFC000;
	s5 =	sadd.s32 s7, s5;
	(pc) =	sbr.rel @p0 .LBB2_2-.Ltmp0, $4  }
0xd9: {  	[hbm4b:s5+s2] =	stream.linear.scatter [tilespmem:s18], [sflag:$0x3], $0x4000, $0x38;
	[tilespmem:$0x10200] =	vst v63  }
0xda: {  	_ =	swait.ge [sflag:s29], $0x4000  }
0xdb: {  	s0 =	sadd.s32 $0x2, s0;
	[sflag:s29] =	ssyncset.done $0x0  }
0xdc: {  	s1 =	sadd.s32 $0x2, s1;
	s7 =	sadd.s32 $0x1000, s7;
	[sflag:s29] =	ssyncadd.s32 $0xFFFFC000  }
0xdd: {  	_ =	swait.ge [sflag:s25], $0x4000  }
0xde: {  	[sflag:s25] =	ssyncset.done $0x0  }
0xdf: {  	[sflag:s25] =	ssyncadd.s32 $0xFFFFC000  }
0xe0: {  	_ =	swait.ge [sflag:s25], $0x4000  }
0xe1: {  	[sflag:s25] =	ssyncset.done $0x0  }
0xe2: {  	s0 =	rddreg [dreg:$0x1a];
	[sflag:s25] =	ssyncadd.s32 $0xFFFFC000  }
0xe3: {  	[hbm4b:s0+s2] =	stream.linear.scatter [tilespmem:s31], [sflag:$0x3], $0x4000, $0x38;
	[tilespmem:$0x10200] =	vst v63  }
0xe4: {  	_ =	swait.ge [sflag:s29], $0x4000  }
0xe5: {  	[sflag:s29] =	ssyncset.done $0x0  }
0xe6: {  	s5 =	rddreg [dreg:$0x1b];
	[sflag:s29] =	ssyncadd.s32 $0xFFFFC000  }
0xe7: {  	[hbm4b:s5+s2] =	stream.linear.scatter [tilespmem:s19], [sflag:$0x3], $0x4000, $0x38;
	[tilespmem:$0x10200] =	vst v63  }
0xe8: {  	_ =	swait.ge [sflag:s29], $0x4000  }
0xe9: {  	s1 =	rddreg [dreg:$0x1d]  }
0xea: {  	s7 =	rddreg [dreg:$0x1c];
	s1 =	sadd.s32 $0x1, s1  }
0xeb: {  	p0 =	sne.s32 s1, s7  }
.Ltmp1:
0xec: {  	_ = 	snop;
	(pc) =	sbr.rel @p0 .LBB2_1-.Ltmp1, $4  }
0xed: {  	_ = 	snop  }
0xee: {  	[sflag:s29] =	ssyncset.done $0x0  }
0xef: {  	s5 =	simm.s32 $0x1200;
	[sflag:s29] =	ssyncadd.s32 $0xFFFFC000  }
0xf0: {  	[dreg:$0x1d] =	wrdreg s1;
	s1 =	simm.s32 $0xA00;
	s7 =	simm.s32 $0x1A00  }
0xf1: {  	_ =	sfence.sel $0x180000  }
0xf2: {  	[bflag:$0x0] =	sbarrier.arrive $0xFFFF  }
0xf3: {  	_ =	strace $0x90000047  }
0xf4: {  	s0 =	stileid.u32;
	[bflag:$0x2] =	sbarrier.arrive $0xFFFF  }
0xf5: {  	p0 =	sne.s32 s0, $0x0;
	s0 =	rddreg [dreg:$0x1]  }
0xf6: {  	s0 =	sadd.s32 @!p0 $0x100000, s0  }
0xf7: {  	[sflag:s0] =	ssyncadd.tile.s32 @!p0 $0x1;
	_ =	shalt  }
.Lfunc_end2:
_tile_overlayer_lowered:
.L_overlay_start_2:
0xf8: {  	(tag) =	ssettag $0x2  }
0xf9: {  	s0 =	rddreg [dreg:$0x0];
	s2 =	stileid.u32  }
0xfa: {  	s1 =	rddreg [dreg:$0x1];
	p0 =	sne.s32 s2, $0x0  }
0xfb: {  	s3 =	rddreg [dreg:$0x2];
	[bflag:$0x3] =	sbarrier.arrive $0xFFFF;
	s2 =	simm.s32 @!p0 $0x1C03  }
0xfc: {  	[timem:s3], [sflag:s2] =	dma.local @!p0 [hbm:s0], s1  }
0xfd: {  	s0 =	simm.s32 @!p0 $0x3  }
0xfe: {  	_ =	swait.ge @!p0 [sflag:s0], s1  }
0xff: {  	s1 =	ssub.s32 @!p0 $0x0, s1;
	[sflag:s0] =	ssyncset.done @!p0 $0x0  }
0x100: {  	[sflag:s0] =	ssyncadd.s32 @!p0 s1  }
0x101: {  	[bflag:$0x3] =	sbarrier.arrive $0xFFFF  }
0x102: {  	_ =	shalt  }

// kernel: kernel.16.cloned.1.call-start
scs
__scs_entry_jumppad:
0x0: {  	(pc) =	sbr.rel $0x88, $3  }
0x1: {  	(tag) =	ssettag $0x0;
	lr =	simm.s32 $0x1  }
0x2: {  	[smem:$0x3F84] =	sst lr;
	_ =	strace $0xD0000000  }
0x3: {  	_ = 	snop  }
0x4: {  	_ = 	snop  }
0x5: {  	_ = 	snop  }
0x6: {  	_ = 	snop  }
0x7: {  	_ = 	snop  }
__scs_overlays_trampoline_lowered:
0x8: {  	[smem:$0x3F93] =	sst s0  }
0x9: {  	[smem:$0x3F94] =	sst s1  }
0xa: {  	[smem:$0x3F95] =	sst s2  }
0xb: {  	[smem:$0x3F96] =	sst s3  }
0xc: {  	[smem:$0x3F97] =	sst s4  }
0xd: {  	[smem:$0x3F98] =	sst s5  }
0xe: {  	[smem:$0x3F99] =	sst s6  }
0xf: {  	[smem:$0x3F9A] =	sst s7  }
0x10: {  	[smem:$0x3F9B] =	sst s8  }
0x11: {  	[smem:$0x3F9C] =	sst s9;
	s0 =	simm.s32 @!p0 $0x0  }
0x12: {  	s1 =	sld [smem:$0x3F82];
	s0 =	simm.s32 @p0 $0x1  }
0x13: {  	[smem:$0x3F9D] =	sst s0;
	s0 =	simm.s32 @!p1 $0x0  }
0x14: {  	s2 =	sld [smem:$0x3F81];
	s0 =	simm.s32 @p1 $0x1  }
0x15: {  	[smem:$0x3F9E] =	sst s0;
	s0 =	simm.s32 @!p2 $0x0  }
0x16: {  	s3 =	sld [smem:$0x3FDB];
	s0 =	simm.s32 @p2 $0x1  }
0x17: {  	s4 =	simm.s32 $0x1BF5;
	[smem:$0x3FA0] =	sst s0  }
0x18: {  	s0 =	sld [smem:$0x3F83];
	_ =	swait.ge [sflag:s4], $0x0  }
0x19: {  	s7 =	sld [smem:$0x3F84]  }
0x1a: {  	s8 =	sadd.s32 $0xFFFFE003, lr  }
0x1b: {  	s9 =	sadd.s32 $0xFFFFFEF7, lr;
	s5 =	simm.s32 $0xFFFFFFFF;
	p2 =	slt.u32 s8, $0xFFFFF086  }
0x1c: {  	p1 =	slt.u32 s9, $0xF7A;
	s5 =	simm.s32 @!p2 $0x0  }
0x1d: {  	s5 =	simm.s32 @p1 $0x1;
	p0 =	seq.s32 s7, s2  }
0x1e: {  	s7 =	smul.u32 @!p0 $0xF7A, s2;
	p2 =	seq.s32 @!p0 s5, $0x0  }
0x1f: {  	s9 =	smul.u32 $0xF7A, s1;
	s8 =	simm.s32 @!p0 $0x1BF5;
	p2 =	por !p2, p0  }
0x20: {  	[sflag:s8] =	ssyncset.s32 @!p0 $0xFFFFF086;
	s6 =	sadd.s32 @!p0 s3, s7;
	s7 =	simm.s32 @!p0 $0x108  }
0x21: {  	s3 =	sadd.s32 s3, s9;
	s6 =	sadd.s32 @!p0 $0x88, s6;
	s7 =	simm.s32 @p2 $0x1082  }
0x22: {  	[simem:s7], [sflag:s8] =	dma.local @!p0 [hbm:s6], $0xF7A  }
0x23: {  	s9 =	sor.u32 $0xD0000000, s2;
	s6 =	simm.s32 $0x108;
	_ =	swait.ge @!p0 [sflag:s8], $0x0  }
0x24: {  	s3 =	sadd.s32 $0x88, s3;
	s6 =	simm.s32 @!p1 $0x1082;
	[sflag:s4] =	ssyncset.s32 $0xFFFFF086  }
0x25: {  	[simem:s6], [sflag:s4] =	dma.local [hbm:s3], $0xF7A  }
0x26: {  	[smem:$0x3F84] =	sst s1;
	(tag) =	ssettag s2;
	_ =	strace s9  }
0x27: {  	s1 =	sld [smem:$0x3F94]  }
0x28: {  	s2 =	sld [smem:$0x3F95]  }
0x29: {  	s4 =	sld [smem:$0x3F97]  }
0x2a: {  	p0 =	seq.s32 s5, $0x0;
	s5 =	sld [smem:$0x3F98]  }
0x2b: {  	s6 =	sld [smem:$0x3F99]  }
0x2c: {  	s7 =	sld [smem:$0x3F9A]  }
0x2d: {  	s3 =	simm.s32 $0x108;
	s8 =	sld [smem:$0x3F9B]  }
0x2e: {  	s3 =	simm.s32 @!p0 $0x1082;
	s9 =	sld [smem:$0x3F9C]  }
0x2f: {  	lr =	sadd.s32 s0, s3;
	s0 =	sld [smem:$0x3F93]  }
0x30: {  	s3 =	sld [smem:$0x3F96]  }
0x31: {  	[smem:$0x3F9F] =	sst s10  }
0x32: {  	s10 =	sld [smem:$0x3F9D];
	_ =	sdelay $0x3  }
0x33: {  	p0 =	seq.s32 s10, $0x1;
	s10 =	sld [smem:$0x3F9F];
	_ =	sdelay $0x3  }
0x34: {  	[smem:$0x3F9F] =	sst s10  }
0x35: {  	s10 =	sld [smem:$0x3F9E];
	_ =	sdelay $0x3  }
0x36: {  	p1 =	seq.s32 s10, $0x1;
	s10 =	sld [smem:$0x3F9F];
	_ =	sdelay $0x3  }
0x37: {  	[smem:$0x3F9F] =	sst s10  }
0x38: {  	s10 =	sld [smem:$0x3FA0]  }
0x39: {  	_ = 	snop;
	(pc) =	sbr.ind lr, $3  }
0x3a: {  	_ = 	snop  }
0x3b: {  	_ = 	snop  }
0x3c: {  	p2 =	seq.s32 s10, $0x1;
	s10 =	sld [smem:$0x3F9F]  }
0x3d: {  	_ =	shalt  }
0x3e: {  	_ =	shalt  }
0x3f: {  	_ =	shalt  }
0x40: {  	_ =	shalt  }
0x41: {  	_ =	shalt  }
0x42: {  	_ =	shalt  }
0x43: {  	_ =	shalt  }
0x44: {  	_ =	shalt  }
0x45: {  	_ =	shalt  }
0x46: {  	_ =	shalt  }
0x47: {  	_ =	shalt  }
0x48: {  	_ =	shalt  }
0x49: {  	_ =	shalt  }
0x4a: {  	_ =	shalt  }
0x4b: {  	_ =	shalt  }
0x4c: {  	_ =	shalt  }
0x4d: {  	_ =	shalt  }
0x4e: {  	_ =	shalt  }
0x4f: {  	_ =	shalt  }
0x50: {  	_ =	shalt  }
0x51: {  	_ =	shalt  }
0x52: {  	_ =	shalt  }
0x53: {  	_ =	shalt  }
0x54: {  	_ =	shalt  }
0x55: {  	_ =	shalt  }
0x56: {  	_ =	shalt  }
0x57: {  	_ =	shalt  }
0x58: {  	_ =	shalt  }
0x59: {  	_ =	shalt  }
0x5a: {  	_ =	shalt  }
0x5b: {  	_ =	shalt  }
0x5c: {  	_ =	shalt  }
0x5d: {  	_ =	shalt  }
0x5e: {  	_ =	shalt  }
0x5f: {  	_ =	shalt  }
0x60: {  	_ =	shalt  }
0x61: {  	_ =	shalt  }
0x62: {  	_ =	shalt  }
0x63: {  	_ =	shalt  }
0x64: {  	_ =	shalt  }
0x65: {  	_ =	shalt  }
0x66: {  	_ =	shalt  }
0x67: {  	_ =	shalt  }
0x68: {  	_ =	shalt  }
0x69: {  	_ =	shalt  }
0x6a: {  	_ =	shalt  }
0x6b: {  	_ =	shalt  }
0x6c: {  	_ =	shalt  }
0x6d: {  	_ =	shalt  }
0x6e: {  	_ =	shalt  }
0x6f: {  	_ =	shalt  }
0x70: {  	_ =	shalt  }
0x71: {  	_ =	shalt  }
0x72: {  	_ =	shalt  }
0x73: {  	_ =	shalt  }
0x74: {  	_ =	shalt  }
0x75: {  	_ =	shalt  }
0x76: {  	_ =	shalt  }
0x77: {  	_ =	shalt  }
0x78: {  	_ =	shalt  }
0x79: {  	_ =	shalt  }
0x7a: {  	_ =	shalt  }
0x7b: {  	_ =	shalt  }
0x7c: {  	_ =	shalt  }
0x7d: {  	_ =	shalt  }
0x7e: {  	_ =	shalt  }
0x7f: {  	_ =	shalt  }
0x80: {  	_ =	shalt  }
0x81: {  	_ =	shalt  }
0x82: {  	_ =	shalt  }
0x83: {  	_ =	shalt  }
0x84: {  	_ =	shalt  }
0x85: {  	_ =	shalt  }
0x86: {  	_ =	shalt  }
0x87: {  	_ =	shalt  }
.Lfunc_end0:
.L_simem_size_0:
called_computation.1_lowered:
.L_overlay_start_0:
0x88: {  	s2 =	sld [smem:$0x3FD9]  }
0x89: {  	s3 =	sld [smem:$0x3FFE];
	_ =	sdelay $0x1  }
0x8a: {  	s1 =	srdreg.scid  }
0x8b: {  	s0 =	sand.u32 $0x1, s1  }
0x8c: {  	s17 =	sshll.u32 s0, $0xA;
	s2 =	sadd.s32 s3, s2  }
0x8d: {  	s2 =	sadd.s32 s2, s17  }
0x8e: {  	[smem:$0x3FAB] =	sst s2  }
0x8f: {  	_ = 	snop  }
0x90: {  	s2 =	sld [smem:$0x3FD0];
	(tm) =	ssettm $0x1  }
0x91: {  	s18 =	sld [smem:$0x3FFB];
	_ =	sdelay $0x3  }
0x92: {  	_ =	strace s18  }
0x93: {  	s3 =	sld [smem:$0x3FFC];
	_ =	sdelay $0x3  }
0x94: {  	_ =	strace s3  }
0x95: {  	s3 =	sld [smem:$0x3FFD];
	_ =	sdelay $0x3  }
0x96: {  	_ =	strace s3  }
0x97: {  	_ =	strace $0x8FFFFFFF  }
0x98: {  	s19 =	sld [smem:$0x3FDB];
	_ =	sdelay $0x1  }
0x99: {  	s4 =	simm.s32 $_scs_section_size  }
0x9a: {  	s5 =	simm.s32 $_size__tile_overlayer_lowered;
	s6 =	simm.s32 $_tile_overlayer_lowered  }
0x9b: {  	s22 =	simm.s32 $0x1BFF;
	s21 =	sshll.u32 s6, $0x1;
	s3 =	sadd.s32 s4, s19  }
0x9c: {  	s7 =	simm.s32 $0x0;
	s20 =	sshll.u32 s5, $0x1;
	s5 =	sadd.s32 s21, s3  }
0x9d: {  	[timem:s7], [sflag:s22] =	dma.local [hbm:s5], s20  }
0x9e: {  	_ =	swait.ge [sflag:s22], s20  }
0x9f: {  	s4 =	ssub.s32 $0x0, s20;
	[sflag:s22] =	ssyncset.done $0x0  }
0xa0: {  	[sflag:s22] =	ssyncadd.s32 s4;
	_ =	sdelay $0x1  }
0xa1: {  	s23 =	simm.s32 $0x1B8B  }
0xa2: {  	_ =	swait.ge [sflag:s23], $0x1  }
0xa3: {  	[sflag:s23] =	ssyncset.done $0x0  }
0xa4: {  	s25 =	simm.s32 $0x1B8E;
	s24 =	sld [smem:$0x3FFE];
	[sflag:s23] =	ssyncadd.s32 $0xFFFFFFFF  }
0xa5: {  	s26 =	simm.s32 $execute0_lowered;
	[smem:$0x3FD2] =	sst s25  }
0xa6: {  	s5 =	sshll.u32 s26, $0x1;
	_ =	strace $0x80000049;
	[dreg:$0x1] =	wrdreg $0xFFFFFFFF  }
0xa7: {  	s28 =	simm.s32 $_size_execute0_lowered;
	s3 =	sadd.s32 s3, s5;
	[dreg:$0x0] =	wrdreg $0x0  }
0xa8: {  	s5 =	sshll.u32 s28, $0x1;
	[dreg:$0x2] =	wrdreg s3  }
0xa9: {  	[dreg:$0x3] =	wrdreg s5  }
0xaa: {  	[dreg:$0x4] =	wrdreg $0xC0  }
0xab: {  	_ =	task [dreg:s7], $0x5FFFF  }
0xac: {  	[dreg:$0x1] =	wrdreg $0xFFFFFFFF  }
0xad: {  	[dreg:$0x0] =	wrdreg $0x60  }
0xae: {  	[dreg:$0x2] =	wrdreg s24  }
0xaf: {  	[dreg:$0x3] =	wrdreg s2  }
0xb0: {  	[dreg:$0x4] =	wrdreg $0x51000  }
0xb1: {  	[dreg:$0x5] =	wrdreg $0x9  }
0xb2: {  	_ =	task.clear_ibuf [dreg:s7], $0x6FFFF;
	_ =	strace $0x90000049  }
0xb3: {  	s29 =	simm.s32 $0x9;
	_ =	strace $0x8000004B  }
0xb4: {  	_ =	swait.ge [sflag:s29], $0x1  }
0xb5: {  	[sflag:s29] =	ssyncadd.s32 $0xFFFFFFFF  }
0xb6: {  	_ =	strace $0x9000004B  }
0xb7: {  	_ =	sfence  }
0xb8: {  	s30 =	sld [smem:$0x0];
	_ =	sdelay $0x2  }
0xb9: {  	s31 =	sshll.u32 s1, $0xD;
	s1 =	sshrl.u32 s1, $0x2  }
0xba: {  	s3 =	sand.u32 $0x4000, s31;
	s1 =	sadd.s32 s1, s30  }
0xbb: {  	s0 =	sor.u32 s3, s0;
	s1 =	sshll.u32 s1, $0x11  }
0xbc: {  	s0 =	sor.u32 s1, s0  }
0xbd: {  	s0 =	sadd.s32 $0x8F2B, s0  }
0xbe: {  	[sflag:s0] =	ssyncadd.remote.s32 $0x1  }
0xbf: {  	_ =	sfence.sel $0xFFFF  }
0xc0: {  	[dreg:$0x0] =	wrdreg $0xFFFFFFFF;
	(pc) =	sbr.abs _section_cstart, $3  }
0xc1: {  	[dreg:$0x1] =	wrdreg $0xFFFFFFFF  }
0xc2: {  	_ =	task.clear_ibuf [dreg:s7], $0x2FFFF;
	_ =	strace $0x9FFFFFFF  }
0xc3: {  	(tm) =	ssettm $0x7FFFFFFF  }
tec
execute0_lowered:
.L_overlay_start_1:
0x0: {  	(tag) =	ssettag $0x1  }
0x1: {  	s0 =	rddreg [dreg:$0x0]  }
0x2: {  	s2 =	rddreg [dreg:$0x2];
	s16 =	stileid.u32  }
0x3: {  	s4 =	simm.s32 $0x0;
	s1 =	srdreg.scid;
	s3 =	smul.u32 $0x50000, s16  }
0x4: {  	[smem:$0x7FF] =	sst s4;
	s5 =	sadd.s32 $0x530E600, s0;
	s9 =	smul.u32 $0x2710, s16  }
0x5: {  	s1 =	sand.u32 $0x1, s1;
	s6 =	sadd.s32 $0x7600, s0;
	s12 =	smul.u32 $0x9C000, s16  }
0x6: {  	s0 =	sadd.s32 $0xC600, s0;
	s20 =	sshll.u32 s16, $0x6;
	s13 =	smul.u32 $0x4E000, s16  }
0x7: {  	p0 =	sne.s32 s16, $0xF;
	_ =	strace $0x8000004A;
	s7 =	ssub.s32 $0x2, s1  }
0x8: {  	s11 =	sshll.u32 s1, $0xC;
	s1 =	sshll.u32 s1, $0x9;
	s8 =	sshrl.u32 s7, $0x1  }
0x9: {  	s3 =	sshrl.u32 s3, $0x2;
	s21 =	sshrl.u32 s9, $0x3;
	s13 =	sshrl.u32 s13, $0x2  }
0xa: {  	s23 =	sor.u32 s11, s12;
	s1 =	sadd.s32 s1, s0;
	s29 =	sor.u32 $0x400, s11  }
0xb: {  	s10 =	ssub.s32 s7, s8;
	s3 =	sadd.s32 s3, s2;
	s7 =	sor.u32 $0x1C03, s20  }
0xc: {  	s8 =	sadd.s32 s6, s21;
	s24 =	sadd.s32 s13, s2;
	[dreg:$0x4] =	wrdreg s3  }
0xd: {  	s25 =	sshrl.u32 s23, $0x3;
	s13 =	sor.u32 s12, s29;
	[dreg:$0x5] =	wrdreg s8  }
0xe: {  	s20 =	sadd.s32 $0x138080, s1;
	s3 =	smul.u32 $0x9C4000, s16;
	[dreg:$0x7] =	wrdreg s24  }
0xf: {  	s26 =	sadd.s32 s0, s25;
	s13 =	sshrl.u32 s13, $0x3;
	[dreg:$0xc] =	wrdreg s20  }
0x10: {  	s25 =	smul.u32 $0x4E2, s16;
	s10 =	smax.u32 s10, $0x1;
	[dreg:$0x8] =	wrdreg s26  }
0x11: {  	s16 =	simm.s32 $0x2;
	s18 =	sadd.s32 s0, s13;
	[dreg:$0x13] =	wrdreg s10  }
0x12: {  	s26 =	sadd.s32 $0x138100, s1;
	s10 =	simm.s32 $0x2000;
	[dreg:$0xb] =	wrdreg s18  }
0x13: {  	s9 =	sor.u32 s11, s3;
	s15 =	sor.u32 s3, s29;
	[dreg:$0x10] =	wrdreg s26  }
0x14: {  	s6 =	sadd.s32 s25, s6;
	s14 =	sshrl.u32 s9, $0x3;
	s18 =	sadd.s32 $0x28000, s9  }
0x15: {  	s8 =	sadd.s32 $0x14000, s9;
	s22 =	sadd.s32 s5, s14;
	[dreg:$0x14] =	wrdreg s18  }
0x16: {  	s20 =	sadd.s32 $0x14C00, s9;
	s14 =	sadd.s32 $0x138000, s1;
	[dreg:$0x6] =	wrdreg s22  }
0x17: {  	s18 =	simm.s32 $0x0;
	[dreg:$0x9] =	wrdreg s14;
	s14 =	sshrl.u32 s15, $0x3  }
0x18: {  	s15 =	sor.u32 $0x800, s11;
	s11 =	sor.u32 $0xC00, s11;
	s17 =	sadd.s32 s5, s14  }
0x19: {  	s19 =	sor.u32 s3, s15;
	s21 =	sor.u32 s12, s15;
	s3 =	sor.u32 s3, s11  }
0x1a: {  	s11 =	sor.u32 s12, s11;
	s14 =	sadd.s32 $0x28800, s9;
	s15 =	sadd.s32 $0x14800, s9  }
0x1b: {  	[dreg:$0xa] =	wrdreg s17;
	s13 =	sshrl.u32 s19, $0x3;
	s23 =	sshrl.u32 s21, $0x3  }
0x1c: {  	s3 =	sshrl.u32 s3, $0x3;
	s11 =	sshrl.u32 s11, $0x3;
	s17 =	sshrl.u32 s15, $0x3  }
0x1d: {  	s19 =	sadd.s32 $0x28C00, s9;
	s15 =	simm.s32 $0x50;
	s22 =	sadd.s32 s5, s13  }
0x1e: {  	s24 =	sadd.s32 s0, s23;
	s0 =	sadd.s32 s0, s11;
	s29 =	sadd.s32 s5, s3  }
0x1f: {  	s3 =	sadd.s32 $0x138180, s1;
	s1 =	sshrl.u32 s8, $0x3;
	[dreg:$0xd] =	wrdreg s22  }
0x20: {  	s11 =	sadd.s32 $0x28400, s9;
	s23 =	sadd.s32 $0x14, s6;
	[dreg:$0xe] =	wrdreg s24  }
0x21: {  	s13 =	sadd.s32 $0x14400, s9;
	s30 =	sadd.s32 s17, s5;
	[dreg:$0xf] =	wrdreg s0  }
0x22: {  	s21 =	sshrl.u32 s19, $0x3;
	s6 =	simm.s32 $0x3;
	[dreg:$0x11] =	wrdreg s29  }
0x23: {  	s9 =	simm.s32 $0x400;
	[dreg:$0x12] =	wrdreg s3;
	s24 =	sadd.s32 s1, s5  }
0x24: {  	s12 =	sshrl.u32 s11, $0x3;
	s0 =	sshrl.u32 s13, $0x3;
	s1 =	sshrl.u32 s14, $0x3  }
0x25: {  	s22 =	sshrl.u32 s20, $0x3;
	s31 =	sadd.s32 s21, s5;
	s29 =	sadd.s32 $0x138000, s2  }
0x26: {  	s11 =	simm.s32 $0x100;
	s13 =	simm.s32 $0x2900;
	s14 =	simm.s32 $0x1  }
0x27: {  	s25 =	sadd.s32 s12, s5;
	s26 =	sadd.s32 s0, s5;
	s28 =	sadd.s32 s1, s5  }
0x28: {  	s0 =	sadd.s32 s22, s5;
	[dreg:$0x15] =	wrdreg s29;
	s12 =	simm.s32 $0x80  }
.LBB2_1:
0x29: {  	s1 =	rddreg [dreg:$0x4]  }
0x2a: {  	s17 =	rddreg [dreg:$0x1];
	s19 =	sshrl.u32 s1, $0x3  }
0x2b: {  	[spmem:s19], [sflag:s7] =	dma.local [hbm:s17], $0x2800  }
0x2c: {  	_ =	swait.ge [sflag:s6], $0x2800  }
0x2d: {  	[sflag:s6] =	ssyncset.done $0x0  }
0x2e: {  	[sflag:s6] =	ssyncadd.s32 $0xFFFFD800  }
0x2f: {  	[bflag:$0x0] =	sbarrier.arrive $0xFFFF  }
0x30: {  	s20 =	rddreg [dreg:$0x5]  }
0x31: {  	[tilespmem:s4], [sflag:$0x1] =	stream.linear.gather [hbm4b:s20+s4], $0x50, $0x38;
	[tilespmem:$0x19100] =	vst v63  }
0x32: {  	s21 =	rddreg [dreg:$0x6]  }
0x33: {  	[tilespmem:s11], [sflag:$0x1] =	stream.strided.gather [hbm4b:s21+s9], $0x2800, s10, s9, $0x38;
	[tilespmem:$0x19100] =	vst v63  }
0x34: {  	s20 =	sadd.s32 $0xFFFFFFF6, s23  }
0x35: {  	[tilespmem:s12], [sflag:$0x2] =	stream.linear.gather [hbm4b:s20+s4], $0x50, $0x38;
	[tilespmem:$0x19100] =	vst v63  }
0x36: {  	s22 =	sadd.s32 $0x0, s24  }
0x37: {  	[tilespmem:s13], [sflag:$0x2] =	stream.strided.gather [hbm4b:s22+s9], $0x2800, s10, s9, $0x38;
	[tilespmem:$0x19100] =	vst v63  }
0x38: {  	_ =	swait.ge [sflag:s14], $0x50  }
0x39: {  	[sflag:s14] =	ssyncset.done $0x0  }
0x3a: {  	[sflag:s14] =	ssyncadd.s32 $0xFFFFFFB0  }
0x3b: {  	_ =	swait.ge [sflag:s14], $0x2800  }
0x3c: {  	[sflag:s14] =	ssyncset.done $0x0  }
0x3d: {  	[sflag:s14] =	ssyncadd.s32 $0xFFFFD800  }
0x3e: {  	[spmem:s2] =	stream.indirect.scatter.add.f32 [tilespmem:s11], [sflag:$0x3], $0x80, s4, s15, $0xb8;
	[tilespmem:$0x19100] =	vst v63  }
0x3f: {  	_ =	swait.ge [sflag:s6], $0x2800  }
0x40: {  	[sflag:s6] =	ssyncset.done $0x0;
	s3 =	rddreg [dreg:$0x14]  }
0x41: {  	[sflag:s6] =	ssyncadd.s32 $0xFFFFD800;
	s29 =	sshrl.u32 s3, $0x3  }
0x42: {  	[tilespmem:s4], [sflag:$0x1] =	stream.linear.gather [hbm4b:s23+s4], $0x50, $0x38;
	[tilespmem:$0x19100] =	vst v63  }
0x43: {  	s1 =	sadd.s32 s5, s29  }
0x44: {  	[tilespmem:s11], [sflag:$0x1] =	stream.strided.gather [hbm4b:s1+s9], $0x2800, s10, s9, $0x38;
	[tilespmem:$0x19100] =	vst v63  }
0x45: {  	_ =	swait.ge [sflag:s16], $0x50  }
0x46: {  	[sflag:s16] =	ssyncset.done $0x0  }
0x47: {  	[sflag:s16] =	ssyncadd.s32 $0xFFFFFFB0  }
0x48: {  	_ =	swait.ge [sflag:s16], $0x2800  }
0x49: {  	[sflag:s16] =	ssyncset.done $0x0  }
0x4a: {  	[sflag:s16] =	ssyncadd.s32 $0xFFFFD800  }
0x4b: {  	[spmem:s2] =	stream.indirect.scatter.add.f32 [tilespmem:s13], [sflag:$0x3], $0x80, s12, s15, $0xb8;
	[tilespmem:$0x19100] =	vst v63  }
0x4c: {  	s21 =	sadd.s32 $0x14, s23;
	_ =	swait.ge [sflag:s6], $0x2800  }
0x4d: {  	s22 =	simm.s32 $0xA000;
	s1 =	simm.s32 $0x5000;
	[sflag:s6] =	ssyncset.done $0x0  }
.LBB2_2:
0x4e: {  	s29 =	sadd.s32 $0xFFFFFFF6, s21  }
0x4f: {  	[sflag:s6] =	ssyncadd.s32 $0xFFFFD800;
	s3 =	sadd.s32 $0x28000, s3;
	s17 =	smov.u32 s22  }
0x50: {  	[tilespmem:s12], [sflag:$0x2] =	stream.linear.gather [hbm4b:s29+s4], $0x50, $0x38;
	[tilespmem:$0x19100] =	vst v63  }
0x51: {  	p1 =	sne.s32 s22, $0x131000;
	s22 =	sadd.s32 $0x5000, s22;
	s1 =	sadd.s32 s1, s24  }
0x52: {  	[tilespmem:s13], [sflag:$0x2] =	stream.strided.gather [hbm4b:s1+s9], $0x2800, s10, s9, $0x38;
	[tilespmem:$0x19100] =	vst v63  }
0x53: {  	s1 =	smov.u32 s17;
	_ =	swait.ge [sflag:s14], $0x50  }
0x54: {  	[sflag:s14] =	ssyncset.done $0x0  }
0x55: {  	[sflag:s14] =	ssyncadd.s32 $0xFFFFFFB0  }
0x56: {  	_ =	swait.ge [sflag:s14], $0x2800  }
0x57: {  	[sflag:s14] =	ssyncset.done $0x0  }
0x58: {  	[sflag:s14] =	ssyncadd.s32 $0xFFFFD800  }
0x59: {  	[spmem:s2] =	stream.indirect.scatter.add.f32 [tilespmem:s11], [sflag:$0x3], $0x80, s4, s15, $0xb8;
	[tilespmem:$0x19100] =	vst v63  }
0x5a: {  	_ =	swait.ge [sflag:s6], $0x2800  }
0x5b: {  	[sflag:s6] =	ssyncset.done $0x0  }
0x5c: {  	s17 =	sshrl.u32 s3, $0x3;
	[sflag:s6] =	ssyncadd.s32 $0xFFFFD800  }
0x5d: {  	[tilespmem:s4], [sflag:$0x1] =	stream.linear.gather [hbm4b:s21+s4], $0x50, $0x38;
	[tilespmem:$0x19100] =	vst v63  }
0x5e: {  	s17 =	sadd.s32 s5, s17  }
0x5f: {  	[tilespmem:s11], [sflag:$0x1] =	stream.strided.gather [hbm4b:s17+s9], $0x2800, s10, s9, $0x38;
	[tilespmem:$0x19100] =	vst v63  }
0x60: {  	_ =	swait.ge [sflag:s16], $0x50  }
0x61: {  	[sflag:s16] =	ssyncset.done $0x0  }
0x62: {  	[sflag:s16] =	ssyncadd.s32 $0xFFFFFFB0  }
0x63: {  	_ =	swait.ge [sflag:s16], $0x2800  }
.Ltmp0:
0x64: {  	[sflag:s16] =	ssyncset.done $0x0;
	(pc) =	sbr.rel @p1 .LBB2_2-.Ltmp0, $4  }
0x65: {  	[sflag:s16] =	ssyncadd.s32 $0xFFFFD800  }
0x66: {  	[spmem:s2] =	stream.indirect.scatter.add.f32 [tilespmem:s13], [sflag:$0x3], $0x80, s12, s15, $0xb8;
	[tilespmem:$0x19100] =	vst v63  }
0x67: {  	_ =	swait.ge [sflag:s6], $0x2800  }
0x68: {  	s21 =	sadd.s32 $0x14, s21;
	[sflag:s6] =	ssyncset.done $0x0  }
0x69: {  	s17 =	sadd.s32 $0xFFFFFFF6, s21;
	[sflag:s6] =	ssyncadd.s32 $0xFFFFD800  }
0x6a: {  	[tilespmem:s12], [sflag:$0x2] =	stream.linear.gather [hbm4b:s17+s4], $0x50, $0x38;
	[tilespmem:$0x19100] =	vst v63  }
0x6b: {  	s1 =	sadd.s32 s1, s24  }
0x6c: {  	[tilespmem:s13], [sflag:$0x2] =	stream.strided.gather [hbm4b:s1+s9], $0x2800, s10, s9, $0x38;
	[tilespmem:$0x19100] =	vst v63  }
0x6d: {  	_ =	swait.ge [sflag:s14], $0x50  }
0x6e: {  	[sflag:s14] =	ssyncset.done $0x0  }
0x6f: {  	[sflag:s14] =	ssyncadd.s32 $0xFFFFFFB0  }
0x70: {  	_ =	swait.ge [sflag:s14], $0x2800  }
0x71: {  	[sflag:s14] =	ssyncset.done $0x0  }
0x72: {  	[sflag:s14] =	ssyncadd.s32 $0xFFFFD800  }
0x73: {  	[spmem:s2] =	stream.indirect.scatter.add.f32 [tilespmem:s11], [sflag:$0x3], $0x80, s4, s15, $0xb8;
	[tilespmem:$0x19100] =	vst v63  }
0x74: {  	_ =	swait.ge [sflag:s6], $0x2800  }
0x75: {  	s3 =	sadd.s32 $0x28000, s3;
	[sflag:s6] =	ssyncset.done $0x0  }
0x76: {  	s1 =	sshrl.u32 s3, $0x3;
	[sflag:s6] =	ssyncadd.s32 $0xFFFFD800  }
0x77: {  	[tilespmem:s4], [sflag:$0x1] =	stream.linear.gather [hbm4b:s21+s4], $0x50, $0x38;
	[tilespmem:$0x19100] =	vst v63  }
0x78: {  	s1 =	sadd.s32 s5, s1  }
0x79: {  	[tilespmem:s11], [sflag:$0x1] =	stream.strided.gather [hbm4b:s1+s9], $0x2800, s10, s9, $0x38;
	[tilespmem:$0x19100] =	vst v63  }
0x7a: {  	_ =	swait.ge [sflag:s16], $0x50  }
0x7b: {  	[sflag:s16] =	ssyncset.done $0x0  }
0x7c: {  	[sflag:s16] =	ssyncadd.s32 $0xFFFFFFB0  }
0x7d: {  	_ =	swait.ge [sflag:s16], $0x2800  }
0x7e: {  	[sflag:s16] =	ssyncset.done $0x0  }
0x7f: {  	[sflag:s16] =	ssyncadd.s32 $0xFFFFD800  }
0x80: {  	[spmem:s2] =	stream.indirect.scatter.add.f32 [tilespmem:s13], [sflag:$0x3], $0x80, s12, s15, $0xb8;
	[tilespmem:$0x19100] =	vst v63  }
0x81: {  	_ =	swait.ge [sflag:s6], $0x2800  }
0x82: {  	[sflag:s6] =	ssyncset.done $0x0  }
0x83: {  	[sflag:s6] =	ssyncadd.s32 $0xFFFFD800  }
0x84: {  	_ =	swait.ge [sflag:s14], $0x50  }
0x85: {  	[sflag:s14] =	ssyncset.done $0x0  }
0x86: {  	[sflag:s14] =	ssyncadd.s32 $0xFFFFFFB0  }
0x87: {  	_ =	swait.ge [sflag:s14], $0x2800  }
0x88: {  	[sflag:s14] =	ssyncset.done $0x0  }
0x89: {  	[sflag:s14] =	ssyncadd.s32 $0xFFFFD800  }
0x8a: {  	[spmem:s2] =	stream.indirect.scatter.add.f32 [tilespmem:s11], [sflag:$0x3], $0x80, s4, s15, $0xb8;
	[tilespmem:$0x19100] =	vst v63  }
0x8b: {  	_ =	swait.ge [sflag:s6], $0x2800  }
0x8c: {  	[sflag:s6] =	ssyncset.done $0x0  }
0x8d: {  	[sflag:s6] =	ssyncadd.s32 $0xFFFFD800  }
0x8e: {  	[bflag:$0x0] =	sbarrier.arrive $0xFFFF  }
0x8f: {  	s8 =	rddreg [dreg:$0x7]  }
0x90: {  	s21 =	simm.s32 $0x8;
	s17 =	rddreg [dreg:$0x8];
	s22 =	sshrl.u32 s8, $0x3  }
0x91: {  	[hbm:s17@s9], [sflag:s7] =	dma.strided [spmem:s22@s12], $0x2700, s21, $0x10   }
0x92: {  	_ =	swait.ge [sflag:s6], $0x2700  }
0x93: {  	s3 =	simm.s32 @!p0 $0x400;
	s1 =	rddreg [dreg:$0x15]  }
0x94: {  	s17 =	simm.s32 @!p0 $0x80;
	[sflag:s6] =	ssyncset.done $0x0;
	s8 =	rddreg [dreg:$0x9]  }
0x95: {  	[sflag:s6] =	ssyncadd.s32 $0xFFFFD900;
	s21 =	sshrl.u32 @!p0 s1, $0x3;
	s1 =	simm.s32 @!p0 $0x8  }
0x96: {  	[hbm:s8@s3], [sflag:s7] =	dma.strided @!p0 [spmem:s21@s17], $0x100, s1, $0x10   }
0x97: {  	s1 =	simm.s32 @!p0 $0x3  }
0x98: {  	_ =	swait.ge @!p0 [sflag:s1], $0x100  }
0x99: {  	[sflag:s1] =	ssyncset.done @!p0 $0x0  }
0x9a: {  	[sflag:s1] =	ssyncadd.s32 @!p0 $0xFFFFFF00  }
0x9b: {  	[bflag:$0x0] =	sbarrier.arrive $0xFFFF  }
0x9c: {  	s3 =	rddreg [dreg:$0x1]  }
0x9d: {  	[spmem:s19], [sflag:s7] =	dma.local [hbm:s3], $0x2800  }
0x9e: {  	_ =	swait.ge [sflag:s6], $0x2800  }
0x9f: {  	[sflag:s6] =	ssyncset.done $0x0  }
0xa0: {  	[sflag:s6] =	ssyncadd.s32 $0xFFFFD800  }
0xa1: {  	[bflag:$0x0] =	sbarrier.arrive $0xFFFF  }
0xa2: {  	s8 =	simm.s32 $0x0;
	s17 =	rddreg [dreg:$0x5]  }
0xa3: {  	[tilespmem:s8], [sflag:$0x1] =	stream.linear.gather [hbm4b:s17+s8], $0x50, $0x38;
	[tilespmem:$0x19100] =	vst v63  }
0xa4: {  	s3 =	rddreg [dreg:$0xa]  }
0xa5: {  	[tilespmem:s11], [sflag:$0x1] =	stream.strided.gather [hbm4b:s3+s9], $0x2800, s10, s9, $0x38;
	[tilespmem:$0x19100] =	vst v63  }
0xa6: {  	_ = 	snop  }
0xa7: {  	[tilespmem:s12], [sflag:$0x2] =	stream.linear.gather [hbm4b:s20+s4], $0x50, $0x38;
	[tilespmem:$0x19100] =	vst v63  }
0xa8: {  	s8 =	sadd.s32 $0x0, s26  }
0xa9: {  	[tilespmem:s13], [sflag:$0x2] =	stream.strided.gather [hbm4b:s8+s9], $0x2800, s10, s9, $0x38;
	[tilespmem:$0x19100] =	vst v63  }
0xaa: {  	_ =	swait.ge [sflag:s14], $0x50  }
0xab: {  	[sflag:s14] =	ssyncset.done $0x0  }
0xac: {  	[sflag:s14] =	ssyncadd.s32 $0xFFFFFFB0  }
0xad: {  	_ =	swait.ge [sflag:s14], $0x2800  }
0xae: {  	[sflag:s14] =	ssyncset.done $0x0  }
0xaf: {  	[sflag:s14] =	ssyncadd.s32 $0xFFFFD800  }
0xb0: {  	[spmem:s2] =	stream.indirect.scatter.add.f32 [tilespmem:s11], [sflag:$0x3], $0x80, s4, s15, $0xb8;
	[tilespmem:$0x19100] =	vst v63  }
0xb1: {  	_ =	swait.ge [sflag:s6], $0x2800  }
0xb2: {  	[sflag:s6] =	ssyncset.done $0x0  }
0xb3: {  	[sflag:s6] =	ssyncadd.s32 $0xFFFFD800  }
0xb4: {  	[tilespmem:s4], [sflag:$0x1] =	stream.linear.gather [hbm4b:s23+s4], $0x50, $0x38;
	[tilespmem:$0x19100] =	vst v63  }
0xb5: {  	s17 =	sadd.s32 $0x0, s25  }
0xb6: {  	[tilespmem:s11], [sflag:$0x1] =	stream.strided.gather [hbm4b:s17+s9], $0x2800, s10, s9, $0x38;
	[tilespmem:$0x19100] =	vst v63  }
0xb7: {  	_ =	swait.ge [sflag:s16], $0x50  }
0xb8: {  	[sflag:s16] =	ssyncset.done $0x0  }
0xb9: {  	[sflag:s16] =	ssyncadd.s32 $0xFFFFFFB0  }
0xba: {  	_ =	swait.ge [sflag:s16], $0x2800  }
0xbb: {  	[sflag:s16] =	ssyncset.done $0x0  }
0xbc: {  	[sflag:s16] =	ssyncadd.s32 $0xFFFFD800  }
0xbd: {  	[spmem:s2] =	stream.indirect.scatter.add.f32 [tilespmem:s13], [sflag:$0x3], $0x80, s12, s15, $0xb8;
	[tilespmem:$0x19100] =	vst v63  }
0xbe: {  	s29 =	simm.s32 $0xA000;
	_ =	swait.ge [sflag:s6], $0x2800  }
0xbf: {  	s1 =	sadd.s32 $0x14, s23;
	s3 =	simm.s32 $0x5000;
	[sflag:s6] =	ssyncset.done $0x0  }
.LBB2_4:
0xc0: {  	p1 =	sne.s32 s29, $0x131000;
	s17 =	sadd.s32 $0xFFFFFFF6, s1;
	[sflag:s6] =	ssyncadd.s32 $0xFFFFD800  }
0xc1: {  	[tilespmem:s12], [sflag:$0x2] =	stream.linear.gather [hbm4b:s17+s4], $0x50, $0x38;
	[tilespmem:$0x19100] =	vst v63  }
0xc2: {  	s8 =	smov.u32 s29;
	s29 =	sadd.s32 $0x5000, s29;
	s17 =	sadd.s32 s3, s26  }
0xc3: {  	[tilespmem:s13], [sflag:$0x2] =	stream.strided.gather [hbm4b:s17+s9], $0x2800, s10, s9, $0x38;
	[tilespmem:$0x19100] =	vst v63  }
0xc4: {  	_ =	swait.ge [sflag:s14], $0x50  }
0xc5: {  	[sflag:s14] =	ssyncset.done $0x0  }
0xc6: {  	[sflag:s14] =	ssyncadd.s32 $0xFFFFFFB0  }
0xc7: {  	_ =	swait.ge [sflag:s14], $0x2800  }
0xc8: {  	[sflag:s14] =	ssyncset.done $0x0  }
0xc9: {  	[sflag:s14] =	ssyncadd.s32 $0xFFFFD800  }
0xca: {  	[spmem:s2] =	stream.indirect.scatter.add.f32 [tilespmem:s11], [sflag:$0x3], $0x80, s4, s15, $0xb8;
	[tilespmem:$0x19100] =	vst v63  }
0xcb: {  	_ =	swait.ge [sflag:s6], $0x2800  }
0xcc: {  	[sflag:s6] =	ssyncset.done $0x0  }
0xcd: {  	[sflag:s6] =	ssyncadd.s32 $0xFFFFD800  }
0xce: {  	[tilespmem:s4], [sflag:$0x1] =	stream.linear.gather [hbm4b:s1+s4], $0x50, $0x38;
	[tilespmem:$0x19100] =	vst v63  }
0xcf: {  	s17 =	sadd.s32 s3, s25;
	s3 =	smov.u32 s8  }
0xd0: {  	[tilespmem:s11], [sflag:$0x1] =	stream.strided.gather [hbm4b:s17+s9], $0x2800, s10, s9, $0x38;
	[tilespmem:$0x19100] =	vst v63  }
0xd1: {  	_ =	swait.ge [sflag:s16], $0x50  }
0xd2: {  	[sflag:s16] =	ssyncset.done $0x0  }
0xd3: {  	[sflag:s16] =	ssyncadd.s32 $0xFFFFFFB0  }
0xd4: {  	_ =	swait.ge [sflag:s16], $0x2800  }
.Ltmp1:
0xd5: {  	[sflag:s16] =	ssyncset.done $0x0;
	(pc) =	sbr.rel @p1 .LBB2_4-.Ltmp1, $4  }
0xd6: {  	[sflag:s16] =	ssyncadd.s32 $0xFFFFD800  }
0xd7: {  	[spmem:s2] =	stream.indirect.scatter.add.f32 [tilespmem:s13], [sflag:$0x3], $0x80, s12, s15, $0xb8;
	[tilespmem:$0x19100] =	vst v63  }
0xd8: {  	_ =	swait.ge [sflag:s6], $0x2800  }
0xd9: {  	s1 =	sadd.s32 $0x14, s1;
	[sflag:s6] =	ssyncset.done $0x0  }
0xda: {  	s8 =	sadd.s32 $0xFFFFFFF6, s1;
	[sflag:s6] =	ssyncadd.s32 $0xFFFFD800  }
0xdb: {  	[tilespmem:s12], [sflag:$0x2] =	stream.linear.gather [hbm4b:s8+s4], $0x50, $0x38;
	[tilespmem:$0x19100] =	vst v63  }
0xdc: {  	s17 =	sadd.s32 s3, s26  }
0xdd: {  	[tilespmem:s13], [sflag:$0x2] =	stream.strided.gather [hbm4b:s17+s9], $0x2800, s10, s9, $0x38;
	[tilespmem:$0x19100] =	vst v63  }
0xde: {  	_ =	swait.ge [sflag:s14], $0x50  }
0xdf: {  	[sflag:s14] =	ssyncset.done $0x0  }
0xe0: {  	[sflag:s14] =	ssyncadd.s32 $0xFFFFFFB0  }
0xe1: {  	_ =	swait.ge [sflag:s14], $0x2800  }
0xe2: {  	[sflag:s14] =	ssyncset.done $0x0  }
0xe3: {  	[sflag:s14] =	ssyncadd.s32 $0xFFFFD800  }
0xe4: {  	[spmem:s2] =	stream.indirect.scatter.add.f32 [tilespmem:s11], [sflag:$0x3], $0x80, s4, s15, $0xb8;
	[tilespmem:$0x19100] =	vst v63  }
0xe5: {  	_ =	swait.ge [sflag:s6], $0x2800  }
0xe6: {  	[sflag:s6] =	ssyncset.done $0x0  }
0xe7: {  	[sflag:s6] =	ssyncadd.s32 $0xFFFFD800  }
0xe8: {  	[tilespmem:s4], [sflag:$0x1] =	stream.linear.gather [hbm4b:s1+s4], $0x50, $0x38;
	[tilespmem:$0x19100] =	vst v63  }
0xe9: {  	s3 =	sadd.s32 s3, s25  }
0xea: {  	[tilespmem:s11], [sflag:$0x1] =	stream.strided.gather [hbm4b:s3+s9], $0x2800, s10, s9, $0x38;
	[tilespmem:$0x19100] =	vst v63  }
0xeb: {  	_ =	swait.ge [sflag:s16], $0x50  }
0xec: {  	[sflag:s16] =	ssyncset.done $0x0  }
0xed: {  	[sflag:s16] =	ssyncadd.s32 $0xFFFFFFB0  }
0xee: {  	_ =	swait.ge [sflag:s16], $0x2800  }
0xef: {  	[sflag:s16] =	ssyncset.done $0x0  }
0xf0: {  	[sflag:s16] =	ssyncadd.s32 $0xFFFFD800  }
0xf1: {  	[spmem:s2] =	stream.indirect.scatter.add.f32 [tilespmem:s13], [sflag:$0x3], $0x80, s12, s15, $0xb8;
	[tilespmem:$0x19100] =	vst v63  }
0xf2: {  	_ =	swait.ge [sflag:s6], $0x2800  }
0xf3: {  	[sflag:s6] =	ssyncset.done $0x0  }
0xf4: {  	[sflag:s6] =	ssyncadd.s32 $0xFFFFD800  }
0xf5: {  	_ =	swait.ge [sflag:s14], $0x50  }
0xf6: {  	[sflag:s14] =	ssyncset.done $0x0  }
0xf7: {  	[sflag:s14] =	ssyncadd.s32 $0xFFFFFFB0  }
0xf8: {  	_ =	swait.ge [sflag:s14], $0x2800  }
0xf9: {  	[sflag:s14] =	ssyncset.done $0x0  }
0xfa: {  	[sflag:s14] =	ssyncadd.s32 $0xFFFFD800  }
0xfb: {  	[spmem:s2] =	stream.indirect.scatter.add.f32 [tilespmem:s11], [sflag:$0x3], $0x80, s4, s15, $0xb8;
	[tilespmem:$0x19100] =	vst v63  }
0xfc: {  	_ =	swait.ge [sflag:s6], $0x2800  }
0xfd: {  	[sflag:s6] =	ssyncset.done $0x0  }
0xfe: {  	[sflag:s6] =	ssyncadd.s32 $0xFFFFD800  }
0xff: {  	[bflag:$0x0] =	sbarrier.arrive $0xFFFF  }
0x100: {  	s17 =	simm.s32 $0x8;
	s8 =	rddreg [dreg:$0xb]  }
0x101: {  	[hbm:s8@s9], [sflag:s7] =	dma.strided [spmem:s22@s12], $0x2700, s17, $0x10   }
0x102: {  	_ =	swait.ge [sflag:s6], $0x2700  }
0x103: {  	s1 =	simm.s32 @!p0 $0x8;
	s3 =	simm.s32 @!p0 $0x400;
	[sflag:s6] =	ssyncset.done $0x0  }
0x104: {  	s8 =	simm.s32 @!p0 $0x80;
	s17 =	rddreg [dreg:$0xc];
	[sflag:s6] =	ssyncadd.s32 $0xFFFFD900  }
0x105: {  	[hbm:s17@s3], [sflag:s7] =	dma.strided @!p0 [spmem:s21@s8], $0x100, s1, $0x10   }
0x106: {  	s1 =	simm.s32 @!p0 $0x3  }
0x107: {  	_ =	swait.ge @!p0 [sflag:s1], $0x100  }
0x108: {  	[sflag:s1] =	ssyncset.done @!p0 $0x0  }
0x109: {  	[sflag:s1] =	ssyncadd.s32 @!p0 $0xFFFFFF00  }
0x10a: {  	[bflag:$0x0] =	sbarrier.arrive $0xFFFF  }
0x10b: {  	s3 =	rddreg [dreg:$0x1]  }
0x10c: {  	[spmem:s19], [sflag:s7] =	dma.local [hbm:s3], $0x2800  }
0x10d: {  	_ =	swait.ge [sflag:s6], $0x2800  }
0x10e: {  	[sflag:s6] =	ssyncset.done $0x0  }
0x10f: {  	[sflag:s6] =	ssyncadd.s32 $0xFFFFD800  }
0x110: {  	[bflag:$0x0] =	sbarrier.arrive $0xFFFF  }
0x111: {  	s8 =	simm.s32 $0x0;
	s17 =	rddreg [dreg:$0x5]  }
0x112: {  	[tilespmem:s8], [sflag:$0x1] =	stream.linear.gather [hbm4b:s17+s8], $0x50, $0x38;
	[tilespmem:$0x19100] =	vst v63  }
0x113: {  	s3 =	rddreg [dreg:$0xd]  }
0x114: {  	[tilespmem:s11], [sflag:$0x1] =	stream.strided.gather [hbm4b:s3+s9], $0x2800, s10, s9, $0x38;
	[tilespmem:$0x19100] =	vst v63  }
0x115: {  	_ = 	snop  }
0x116: {  	[tilespmem:s12], [sflag:$0x2] =	stream.linear.gather [hbm4b:s20+s4], $0x50, $0x38;
	[tilespmem:$0x19100] =	vst v63  }
0x117: {  	s8 =	sadd.s32 $0x0, s30  }
0x118: {  	[tilespmem:s13], [sflag:$0x2] =	stream.strided.gather [hbm4b:s8+s9], $0x2800, s10, s9, $0x38;
	[tilespmem:$0x19100] =	vst v63  }
0x119: {  	_ =	swait.ge [sflag:s14], $0x50  }
0x11a: {  	[sflag:s14] =	ssyncset.done $0x0  }
0x11b: {  	[sflag:s14] =	ssyncadd.s32 $0xFFFFFFB0  }
0x11c: {  	_ =	swait.ge [sflag:s14], $0x2800  }
0x11d: {  	[sflag:s14] =	ssyncset.done $0x0  }
0x11e: {  	[sflag:s14] =	ssyncadd.s32 $0xFFFFD800  }
0x11f: {  	[spmem:s2] =	stream.indirect.scatter.add.f32 [tilespmem:s11], [sflag:$0x3], $0x80, s4, s15, $0xb8;
	[tilespmem:$0x19100] =	vst v63  }
0x120: {  	_ =	swait.ge [sflag:s6], $0x2800  }
0x121: {  	[sflag:s6] =	ssyncset.done $0x0  }
0x122: {  	[sflag:s6] =	ssyncadd.s32 $0xFFFFD800  }
0x123: {  	[tilespmem:s4], [sflag:$0x1] =	stream.linear.gather [hbm4b:s23+s4], $0x50, $0x38;
	[tilespmem:$0x19100] =	vst v63  }
0x124: {  	s17 =	sadd.s32 $0x0, s28  }
0x125: {  	[tilespmem:s11], [sflag:$0x1] =	stream.strided.gather [hbm4b:s17+s9], $0x2800, s10, s9, $0x38;
	[tilespmem:$0x19100] =	vst v63  }
0x126: {  	_ =	swait.ge [sflag:s16], $0x50  }
0x127: {  	[sflag:s16] =	ssyncset.done $0x0  }
0x128: {  	[sflag:s16] =	ssyncadd.s32 $0xFFFFFFB0  }
0x129: {  	_ =	swait.ge [sflag:s16], $0x2800  }
0x12a: {  	[sflag:s16] =	ssyncset.done $0x0  }
0x12b: {  	[sflag:s16] =	ssyncadd.s32 $0xFFFFD800  }
0x12c: {  	[spmem:s2] =	stream.indirect.scatter.add.f32 [tilespmem:s13], [sflag:$0x3], $0x80, s12, s15, $0xb8;
	[tilespmem:$0x19100] =	vst v63  }
0x12d: {  	s29 =	simm.s32 $0xA000;
	_ =	swait.ge [sflag:s6], $0x2800  }
0x12e: {  	s1 =	sadd.s32 $0x14, s23;
	s3 =	simm.s32 $0x5000;
	[sflag:s6] =	ssyncset.done $0x0  }
.LBB2_6:
0x12f: {  	p1 =	sne.s32 s29, $0x131000;
	s8 =	sadd.s32 $0xFFFFFFF6, s1;
	[sflag:s6] =	ssyncadd.s32 $0xFFFFD800  }
0x130: {  	[tilespmem:s12], [sflag:$0x2] =	stream.linear.gather [hbm4b:s8+s4], $0x50, $0x38;
	[tilespmem:$0x19100] =	vst v63  }
0x131: {  	s17 =	smov.u32 s29;
	s29 =	sadd.s32 $0x5000, s29;
	s8 =	sadd.s32 s3, s30  }
0x132: {  	[tilespmem:s13], [sflag:$0x2] =	stream.strided.gather [hbm4b:s8+s9], $0x2800, s10, s9, $0x38;
	[tilespmem:$0x19100] =	vst v63  }
0x133: {  	_ =	swait.ge [sflag:s14], $0x50  }
0x134: {  	[sflag:s14] =	ssyncset.done $0x0  }
0x135: {  	[sflag:s14] =	ssyncadd.s32 $0xFFFFFFB0  }
0x136: {  	_ =	swait.ge [sflag:s14], $0x2800  }
0x137: {  	[sflag:s14] =	ssyncset.done $0x0  }
0x138: {  	[sflag:s14] =	ssyncadd.s32 $0xFFFFD800  }
0x139: {  	[spmem:s2] =	stream.indirect.scatter.add.f32 [tilespmem:s11], [sflag:$0x3], $0x80, s4, s15, $0xb8;
	[tilespmem:$0x19100] =	vst v63  }
0x13a: {  	_ =	swait.ge [sflag:s6], $0x2800  }
0x13b: {  	[sflag:s6] =	ssyncset.done $0x0  }
0x13c: {  	[sflag:s6] =	ssyncadd.s32 $0xFFFFD800  }
0x13d: {  	[tilespmem:s4], [sflag:$0x1] =	stream.linear.gather [hbm4b:s1+s4], $0x50, $0x38;
	[tilespmem:$0x19100] =	vst v63  }
0x13e: {  	s8 =	sadd.s32 s3, s28;
	s3 =	smov.u32 s17  }
0x13f: {  	[tilespmem:s11], [sflag:$0x1] =	stream.strided.gather [hbm4b:s8+s9], $0x2800, s10, s9, $0x38;
	[tilespmem:$0x19100] =	vst v63  }
0x140: {  	_ =	swait.ge [sflag:s16], $0x50  }
0x141: {  	[sflag:s16] =	ssyncset.done $0x0  }
0x142: {  	[sflag:s16] =	ssyncadd.s32 $0xFFFFFFB0  }
0x143: {  	_ =	swait.ge [sflag:s16], $0x2800  }
.Ltmp2:
0x144: {  	[sflag:s16] =	ssyncset.done $0x0;
	(pc) =	sbr.rel @p1 .LBB2_6-.Ltmp2, $4  }
0x145: {  	[sflag:s16] =	ssyncadd.s32 $0xFFFFD800  }
0x146: {  	[spmem:s2] =	stream.indirect.scatter.add.f32 [tilespmem:s13], [sflag:$0x3], $0x80, s12, s15, $0xb8;
	[tilespmem:$0x19100] =	vst v63  }
0x147: {  	_ =	swait.ge [sflag:s6], $0x2800  }
0x148: {  	s1 =	sadd.s32 $0x14, s1;
	[sflag:s6] =	ssyncset.done $0x0  }
0x149: {  	s8 =	sadd.s32 $0xFFFFFFF6, s1;
	[sflag:s6] =	ssyncadd.s32 $0xFFFFD800  }
0x14a: {  	[tilespmem:s12], [sflag:$0x2] =	stream.linear.gather [hbm4b:s8+s4], $0x50, $0x38;
	[tilespmem:$0x19100] =	vst v63  }
0x14b: {  	s29 =	sadd.s32 s3, s30  }
0x14c: {  	[tilespmem:s13], [sflag:$0x2] =	stream.strided.gather [hbm4b:s29+s9], $0x2800, s10, s9, $0x38;
	[tilespmem:$0x19100] =	vst v63  }
0x14d: {  	_ =	swait.ge [sflag:s14], $0x50  }
0x14e: {  	[sflag:s14] =	ssyncset.done $0x0  }
0x14f: {  	[sflag:s14] =	ssyncadd.s32 $0xFFFFFFB0  }
0x150: {  	_ =	swait.ge [sflag:s14], $0x2800  }
0x151: {  	[sflag:s14] =	ssyncset.done $0x0  }
0x152: {  	[sflag:s14] =	ssyncadd.s32 $0xFFFFD800  }
0x153: {  	[spmem:s2] =	stream.indirect.scatter.add.f32 [tilespmem:s11], [sflag:$0x3], $0x80, s4, s15, $0xb8;
	[tilespmem:$0x19100] =	vst v63  }
0x154: {  	_ =	swait.ge [sflag:s6], $0x2800  }
0x155: {  	[sflag:s6] =	ssyncset.done $0x0  }
0x156: {  	[sflag:s6] =	ssyncadd.s32 $0xFFFFD800  }
0x157: {  	[tilespmem:s4], [sflag:$0x1] =	stream.linear.gather [hbm4b:s1+s4], $0x50, $0x38;
	[tilespmem:$0x19100] =	vst v63  }
0x158: {  	s8 =	sadd.s32 s3, s28  }
0x159: {  	[tilespmem:s11], [sflag:$0x1] =	stream.strided.gather [hbm4b:s8+s9], $0x2800, s10, s9, $0x38;
	[tilespmem:$0x19100] =	vst v63  }
0x15a: {  	_ =	swait.ge [sflag:s16], $0x50  }
0x15b: {  	[sflag:s16] =	ssyncset.done $0x0  }
0x15c: {  	[sflag:s16] =	ssyncadd.s32 $0xFFFFFFB0  }
0x15d: {  	_ =	swait.ge [sflag:s16], $0x2800  }
0x15e: {  	[sflag:s16] =	ssyncset.done $0x0  }
0x15f: {  	[sflag:s16] =	ssyncadd.s32 $0xFFFFD800  }
0x160: {  	[spmem:s2] =	stream.indirect.scatter.add.f32 [tilespmem:s13], [sflag:$0x3], $0x80, s12, s15, $0xb8;
	[tilespmem:$0x19100] =	vst v63  }
0x161: {  	_ =	swait.ge [sflag:s6], $0x2800  }
0x162: {  	[sflag:s6] =	ssyncset.done $0x0  }
0x163: {  	[sflag:s6] =	ssyncadd.s32 $0xFFFFD800  }
0x164: {  	_ =	swait.ge [sflag:s14], $0x50  }
0x165: {  	[sflag:s14] =	ssyncset.done $0x0  }
0x166: {  	[sflag:s14] =	ssyncadd.s32 $0xFFFFFFB0  }
0x167: {  	_ =	swait.ge [sflag:s14], $0x2800  }
0x168: {  	[sflag:s14] =	ssyncset.done $0x0  }
0x169: {  	[sflag:s14] =	ssyncadd.s32 $0xFFFFD800  }
0x16a: {  	[spmem:s2] =	stream.indirect.scatter.add.f32 [tilespmem:s11], [sflag:$0x3], $0x80, s4, s15, $0xb8;
	[tilespmem:$0x19100] =	vst v63  }
0x16b: {  	_ =	swait.ge [sflag:s6], $0x2800  }
0x16c: {  	[sflag:s6] =	ssyncset.done $0x0  }
0x16d: {  	[sflag:s6] =	ssyncadd.s32 $0xFFFFD800  }
0x16e: {  	[bflag:$0x0] =	sbarrier.arrive $0xFFFF  }
0x16f: {  	s29 =	simm.s32 $0x8;
	s17 =	rddreg [dreg:$0xe]  }
0x170: {  	[hbm:s17@s9], [sflag:s7] =	dma.strided [spmem:s22@s12], $0x2700, s29, $0x10   }
0x171: {  	_ =	swait.ge [sflag:s6], $0x2700  }
0x172: {  	s3 =	simm.s32 @!p0 $0x400;
	s1 =	simm.s32 @!p0 $0x8;
	[sflag:s6] =	ssyncset.done $0x0  }
0x173: {  	s8 =	simm.s32 @!p0 $0x80;
	s17 =	rddreg [dreg:$0x10];
	[sflag:s6] =	ssyncadd.s32 $0xFFFFD900  }
0x174: {  	[hbm:s17@s3], [sflag:s7] =	dma.strided @!p0 [spmem:s21@s8], $0x100, s1, $0x10   }
0x175: {  	s1 =	simm.s32 @!p0 $0x3  }
0x176: {  	_ =	swait.ge @!p0 [sflag:s1], $0x100  }
0x177: {  	[sflag:s1] =	ssyncset.done @!p0 $0x0  }
0x178: {  	[sflag:s1] =	ssyncadd.s32 @!p0 $0xFFFFFF00  }
0x179: {  	[bflag:$0x0] =	sbarrier.arrive $0xFFFF  }
0x17a: {  	s3 =	rddreg [dreg:$0x1]  }
0x17b: {  	[spmem:s19], [sflag:s7] =	dma.local [hbm:s3], $0x2800  }
0x17c: {  	_ =	swait.ge [sflag:s6], $0x2800  }
0x17d: {  	[sflag:s6] =	ssyncset.done $0x0  }
0x17e: {  	[sflag:s6] =	ssyncadd.s32 $0xFFFFD800  }
0x17f: {  	[bflag:$0x0] =	sbarrier.arrive $0xFFFF  }
0x180: {  	s8 =	simm.s32 $0x0;
	s17 =	rddreg [dreg:$0x5]  }
0x181: {  	[tilespmem:s8], [sflag:$0x1] =	stream.linear.gather [hbm4b:s17+s8], $0x50, $0x38;
	[tilespmem:$0x19100] =	vst v63  }
0x182: {  	s19 =	rddreg [dreg:$0x11]  }
0x183: {  	[tilespmem:s11], [sflag:$0x1] =	stream.strided.gather [hbm4b:s19+s9], $0x2800, s10, s9, $0x38;
	[tilespmem:$0x19100] =	vst v63  }
0x184: {  	_ = 	snop  }
0x185: {  	[tilespmem:s12], [sflag:$0x2] =	stream.linear.gather [hbm4b:s20+s4], $0x50, $0x38;
	[tilespmem:$0x19100] =	vst v63  }
0x186: {  	s20 =	sadd.s32 $0x0, s0  }
0x187: {  	[tilespmem:s13], [sflag:$0x2] =	stream.strided.gather [hbm4b:s20+s9], $0x2800, s10, s9, $0x38;
	[tilespmem:$0x19100] =	vst v63  }
0x188: {  	_ =	swait.ge [sflag:s14], $0x50  }
0x189: {  	[sflag:s14] =	ssyncset.done $0x0  }
0x18a: {  	[sflag:s14] =	ssyncadd.s32 $0xFFFFFFB0  }
0x18b: {  	_ =	swait.ge [sflag:s14], $0x2800  }
0x18c: {  	[sflag:s14] =	ssyncset.done $0x0  }
0x18d: {  	[sflag:s14] =	ssyncadd.s32 $0xFFFFD800  }
0x18e: {  	[spmem:s2] =	stream.indirect.scatter.add.f32 [tilespmem:s11], [sflag:$0x3], $0x80, s4, s15, $0xb8;
	[tilespmem:$0x19100] =	vst v63  }
0x18f: {  	_ =	swait.ge [sflag:s6], $0x2800  }
0x190: {  	[sflag:s6] =	ssyncset.done $0x0  }
0x191: {  	[sflag:s6] =	ssyncadd.s32 $0xFFFFD800  }
0x192: {  	[tilespmem:s4], [sflag:$0x1] =	stream.linear.gather [hbm4b:s23+s4], $0x50, $0x38;
	[tilespmem:$0x19100] =	vst v63  }
0x193: {  	s29 =	sadd.s32 $0x0, s31  }
0x194: {  	[tilespmem:s11], [sflag:$0x1] =	stream.strided.gather [hbm4b:s29+s9], $0x2800, s10, s9, $0x38;
	[tilespmem:$0x19100] =	vst v63  }
0x195: {  	_ =	swait.ge [sflag:s16], $0x50  }
0x196: {  	[sflag:s16] =	ssyncset.done $0x0  }
0x197: {  	[sflag:s16] =	ssyncadd.s32 $0xFFFFFFB0  }
0x198: {  	_ =	swait.ge [sflag:s16], $0x2800  }
0x199: {  	[sflag:s16] =	ssyncset.done $0x0  }
0x19a: {  	[sflag:s16] =	ssyncadd.s32 $0xFFFFD800  }
0x19b: {  	[spmem:s2] =	stream.indirect.scatter.add.f32 [tilespmem:s13], [sflag:$0x3], $0x80, s12, s15, $0xb8;
	[tilespmem:$0x19100] =	vst v63  }
0x19c: {  	s1 =	sadd.s32 $0x14, s23;
	_ =	swait.ge [sflag:s6], $0x2800  }
0x19d: {  	s3 =	simm.s32 $0x5000;
	s19 =	simm.s32 $0xA000;
	[sflag:s6] =	ssyncset.done $0x0  }
.LBB2_8:
0x19e: {  	p1 =	sne.s32 s19, $0x131000;
	s8 =	sadd.s32 $0xFFFFFFF6, s1;
	[sflag:s6] =	ssyncadd.s32 $0xFFFFD800  }
0x19f: {  	[tilespmem:s12], [sflag:$0x2] =	stream.linear.gather [hbm4b:s8+s4], $0x50, $0x38;
	[tilespmem:$0x19100] =	vst v63  }
0x1a0: {  	s17 =	smov.u32 s19;
	s19 =	sadd.s32 $0x5000, s19;
	s8 =	sadd.s32 s3, s0  }
0x1a1: {  	[tilespmem:s13], [sflag:$0x2] =	stream.strided.gather [hbm4b:s8+s9], $0x2800, s10, s9, $0x38;
	[tilespmem:$0x19100] =	vst v63  }
0x1a2: {  	_ =	swait.ge [sflag:s14], $0x50  }
0x1a3: {  	[sflag:s14] =	ssyncset.done $0x0  }
0x1a4: {  	[sflag:s14] =	ssyncadd.s32 $0xFFFFFFB0  }
0x1a5: {  	_ =	swait.ge [sflag:s14], $0x2800  }
0x1a6: {  	[sflag:s14] =	ssyncset.done $0x0  }
0x1a7: {  	[sflag:s14] =	ssyncadd.s32 $0xFFFFD800  }
0x1a8: {  	[spmem:s2] =	stream.indirect.scatter.add.f32 [tilespmem:s11], [sflag:$0x3], $0x80, s4, s15, $0xb8;
	[tilespmem:$0x19100] =	vst v63  }
0x1a9: {  	_ =	swait.ge [sflag:s6], $0x2800  }
0x1aa: {  	[sflag:s6] =	ssyncset.done $0x0  }
0x1ab: {  	[sflag:s6] =	ssyncadd.s32 $0xFFFFD800  }
0x1ac: {  	[tilespmem:s4], [sflag:$0x1] =	stream.linear.gather [hbm4b:s1+s4], $0x50, $0x38;
	[tilespmem:$0x19100] =	vst v63  }
0x1ad: {  	s8 =	sadd.s32 s3, s31;
	s3 =	smov.u32 s17  }
0x1ae: {  	[tilespmem:s11], [sflag:$0x1] =	stream.strided.gather [hbm4b:s8+s9], $0x2800, s10, s9, $0x38;
	[tilespmem:$0x19100] =	vst v63  }
0x1af: {  	_ =	swait.ge [sflag:s16], $0x50  }
0x1b0: {  	[sflag:s16] =	ssyncset.done $0x0  }
0x1b1: {  	[sflag:s16] =	ssyncadd.s32 $0xFFFFFFB0  }
0x1b2: {  	_ =	swait.ge [sflag:s16], $0x2800  }
.Ltmp3:
0x1b3: {  	[sflag:s16] =	ssyncset.done $0x0;
	(pc) =	sbr.rel @p1 .LBB2_8-.Ltmp3, $4  }
0x1b4: {  	[sflag:s16] =	ssyncadd.s32 $0xFFFFD800  }
0x1b5: {  	[spmem:s2] =	stream.indirect.scatter.add.f32 [tilespmem:s13], [sflag:$0x3], $0x80, s12, s15, $0xb8;
	[tilespmem:$0x19100] =	vst v63  }
0x1b6: {  	_ =	swait.ge [sflag:s6], $0x2800  }
0x1b7: {  	s1 =	sadd.s32 $0x14, s1;
	[sflag:s6] =	ssyncset.done $0x0  }
0x1b8: {  	s8 =	sadd.s32 $0xFFFFFFF6, s1;
	[sflag:s6] =	ssyncadd.s32 $0xFFFFD800  }
0x1b9: {  	[tilespmem:s12], [sflag:$0x2] =	stream.linear.gather [hbm4b:s8+s4], $0x50, $0x38;
	[tilespmem:$0x19100] =	vst v63  }
0x1ba: {  	s29 =	sadd.s32 s3, s0  }
0x1bb: {  	[tilespmem:s13], [sflag:$0x2] =	stream.strided.gather [hbm4b:s29+s9], $0x2800, s10, s9, $0x38;
	[tilespmem:$0x19100] =	vst v63  }
0x1bc: {  	_ =	swait.ge [sflag:s14], $0x50  }
0x1bd: {  	[sflag:s14] =	ssyncset.done $0x0  }
0x1be: {  	[sflag:s14] =	ssyncadd.s32 $0xFFFFFFB0  }
0x1bf: {  	_ =	swait.ge [sflag:s14], $0x2800  }
0x1c0: {  	[sflag:s14] =	ssyncset.done $0x0  }
0x1c1: {  	[sflag:s14] =	ssyncadd.s32 $0xFFFFD800  }
0x1c2: {  	[spmem:s2] =	stream.indirect.scatter.add.f32 [tilespmem:s11], [sflag:$0x3], $0x80, s4, s15, $0xb8;
	[tilespmem:$0x19100] =	vst v63  }
0x1c3: {  	_ =	swait.ge [sflag:s6], $0x2800  }
0x1c4: {  	[sflag:s6] =	ssyncset.done $0x0  }
0x1c5: {  	[sflag:s6] =	ssyncadd.s32 $0xFFFFD800  }
0x1c6: {  	[tilespmem:s4], [sflag:$0x1] =	stream.linear.gather [hbm4b:s1+s4], $0x50, $0x38;
	[tilespmem:$0x19100] =	vst v63  }
0x1c7: {  	s17 =	sadd.s32 s3, s31  }
0x1c8: {  	[tilespmem:s11], [sflag:$0x1] =	stream.strided.gather [hbm4b:s17+s9], $0x2800, s10, s9, $0x38;
	[tilespmem:$0x19100] =	vst v63  }
0x1c9: {  	_ =	swait.ge [sflag:s16], $0x50  }
0x1ca: {  	[sflag:s16] =	ssyncset.done $0x0  }
0x1cb: {  	[sflag:s16] =	ssyncadd.s32 $0xFFFFFFB0  }
0x1cc: {  	_ =	swait.ge [sflag:s16], $0x2800  }
0x1cd: {  	[sflag:s16] =	ssyncset.done $0x0  }
0x1ce: {  	[sflag:s16] =	ssyncadd.s32 $0xFFFFD800  }
0x1cf: {  	[spmem:s2] =	stream.indirect.scatter.add.f32 [tilespmem:s13], [sflag:$0x3], $0x80, s12, s15, $0xb8;
	[tilespmem:$0x19100] =	vst v63  }
0x1d0: {  	_ =	swait.ge [sflag:s6], $0x2800  }
0x1d1: {  	[sflag:s6] =	ssyncset.done $0x0  }
0x1d2: {  	[sflag:s6] =	ssyncadd.s32 $0xFFFFD800  }
0x1d3: {  	_ =	swait.ge [sflag:s14], $0x50  }
0x1d4: {  	[sflag:s14] =	ssyncset.done $0x0  }
0x1d5: {  	[sflag:s14] =	ssyncadd.s32 $0xFFFFFFB0  }
0x1d6: {  	_ =	swait.ge [sflag:s14], $0x2800  }
0x1d7: {  	[sflag:s14] =	ssyncset.done $0x0  }
0x1d8: {  	[sflag:s14] =	ssyncadd.s32 $0xFFFFD800  }
0x1d9: {  	[spmem:s2] =	stream.indirect.scatter.add.f32 [tilespmem:s11], [sflag:$0x3], $0x80, s4, s15, $0xb8;
	[tilespmem:$0x19100] =	vst v63  }
0x1da: {  	_ =	swait.ge [sflag:s6], $0x2800  }
0x1db: {  	[sflag:s6] =	ssyncset.done $0x0  }
0x1dc: {  	[sflag:s6] =	ssyncadd.s32 $0xFFFFD800  }
0x1dd: {  	[bflag:$0x0] =	sbarrier.arrive $0xFFFF  }
0x1de: {  	s20 =	simm.s32 $0x8;
	s19 =	rddreg [dreg:$0xf]  }
0x1df: {  	[hbm:s19@s9], [sflag:s7] =	dma.strided [spmem:s22@s12], $0x2700, s20, $0x10   }
0x1e0: {  	_ =	swait.ge [sflag:s6], $0x2700  }
0x1e1: {  	s3 =	simm.s32 @!p0 $0x400;
	s8 =	simm.s32 @!p0 $0x80;
	[sflag:s6] =	ssyncset.done $0x0  }
0x1e2: {  	s1 =	simm.s32 @!p0 $0x8;
	s17 =	rddreg [dreg:$0x12];
	[sflag:s6] =	ssyncadd.s32 $0xFFFFD900  }
0x1e3: {  	[hbm:s17@s3], [sflag:s7] =	dma.strided @!p0 [spmem:s21@s8], $0x100, s1, $0x10   }
0x1e4: {  	s1 =	simm.s32 @!p0 $0x3  }
0x1e5: {  	_ =	swait.ge @!p0 [sflag:s1], $0x100  }
0x1e6: {  	s18 =	sadd.s32 $0x1, s18;
	s29 =	rddreg [dreg:$0x13]  }
0x1e7: {  	p1 =	sne.s32 s18, s29  }
.Ltmp4:
0x1e8: {  	_ = 	snop;
	(pc) =	sbr.rel @p1 .LBB2_1-.Ltmp4, $3  }
0x1e9: {  	[sflag:s1] =	ssyncset.done @!p0 $0x0  }
0x1ea: {  	[sflag:s1] =	ssyncadd.s32 @!p0 $0xFFFFFF00  }
0x1eb: {  	[bflag:$0x0] =	sbarrier.arrive $0xFFFF;
	_ =	sdelay $0x1  }
0x1ec: {  	_ =	sfence.sel $0x180000  }
0x1ed: {  	[bflag:$0x0] =	sbarrier.arrive $0xFFFF  }
0x1ee: {  	_ =	strace $0x9000004A  }
0x1ef: {  	s0 =	stileid.u32;
	[bflag:$0x2] =	sbarrier.arrive $0xFFFF  }
0x1f0: {  	p0 =	sne.s32 s0, $0x0;
	s0 =	rddreg [dreg:$0x3]  }
0x1f1: {  	s0 =	sadd.s32 @!p0 $0x100000, s0  }
0x1f2: {  	[sflag:s0] =	ssyncadd.tile.s32 @!p0 $0x1;
	_ =	shalt  }
.Lfunc_end2:
_tile_overlayer_lowered:
.L_overlay_start_2:
0x1f3: {  	(tag) =	ssettag $0x2  }
0x1f4: {  	s0 =	rddreg [dreg:$0x0];
	s2 =	stileid.u32  }
0x1f5: {  	s1 =	rddreg [dreg:$0x1];
	p0 =	sne.s32 s2, $0x0  }
0x1f6: {  	s3 =	rddreg [dreg:$0x2];
	[bflag:$0x3] =	sbarrier.arrive $0xFFFF;
	s2 =	simm.s32 @!p0 $0x1C03  }
0x1f7: {  	[timem:s3], [sflag:s2] =	dma.local @!p0 [hbm:s0], s1  }
0x1f8: {  	s0 =	simm.s32 @!p0 $0x3  }
0x1f9: {  	_ =	swait.ge @!p0 [sflag:s0], s1  }
0x1fa: {  	s1 =	ssub.s32 @!p0 $0x0, s1;
	[sflag:s0] =	ssyncset.done @!p0 $0x0  }
0x1fb: {  	[sflag:s0] =	ssyncadd.s32 @!p0 s1  }
0x1fc: {  	[bflag:$0x3] =	sbarrier.arrive $0xFFFF  }
0x1fd: {  	_ =	shalt  }

// kernel: kernel.19.cloned.1.call-start
scs
__scs_entry_jumppad:
0x0: {  	(pc) =	sbr.rel $0x88, $3  }
0x1: {  	(tag) =	ssettag $0x0;
	lr =	simm.s32 $0x1  }
0x2: {  	[smem:$0x3F84] =	sst lr;
	_ =	strace $0xD0000000  }
0x3: {  	_ = 	snop  }
0x4: {  	_ = 	snop  }
0x5: {  	_ = 	snop  }
0x6: {  	_ = 	snop  }
0x7: {  	_ = 	snop  }
__scs_overlays_trampoline_lowered:
0x8: {  	[smem:$0x3F93] =	sst s0  }
0x9: {  	[smem:$0x3F94] =	sst s1  }
0xa: {  	[smem:$0x3F95] =	sst s2  }
0xb: {  	[smem:$0x3F96] =	sst s3  }
0xc: {  	[smem:$0x3F97] =	sst s4  }
0xd: {  	[smem:$0x3F98] =	sst s5  }
0xe: {  	[smem:$0x3F99] =	sst s6  }
0xf: {  	[smem:$0x3F9A] =	sst s7  }
0x10: {  	[smem:$0x3F9B] =	sst s8  }
0x11: {  	[smem:$0x3F9C] =	sst s9;
	s0 =	simm.s32 @!p0 $0x0  }
0x12: {  	s1 =	sld [smem:$0x3F82];
	s0 =	simm.s32 @p0 $0x1  }
0x13: {  	[smem:$0x3F9D] =	sst s0;
	s0 =	simm.s32 @!p1 $0x0  }
0x14: {  	s2 =	sld [smem:$0x3F81];
	s0 =	simm.s32 @p1 $0x1  }
0x15: {  	[smem:$0x3F9E] =	sst s0;
	s0 =	simm.s32 @!p2 $0x0  }
0x16: {  	s3 =	sld [smem:$0x3FDB];
	s0 =	simm.s32 @p2 $0x1  }
0x17: {  	s4 =	simm.s32 $0x1BF5;
	[smem:$0x3FA0] =	sst s0  }
0x18: {  	s0 =	sld [smem:$0x3F83];
	_ =	swait.ge [sflag:s4], $0x0  }
0x19: {  	s7 =	sld [smem:$0x3F84]  }
0x1a: {  	s8 =	sadd.s32 $0xFFFFE003, lr  }
0x1b: {  	s9 =	sadd.s32 $0xFFFFFEF7, lr;
	s5 =	simm.s32 $0xFFFFFFFF;
	p2 =	slt.u32 s8, $0xFFFFF086  }
0x1c: {  	p1 =	slt.u32 s9, $0xF7A;
	s5 =	simm.s32 @!p2 $0x0  }
0x1d: {  	s5 =	simm.s32 @p1 $0x1;
	p0 =	seq.s32 s7, s2  }
0x1e: {  	s7 =	smul.u32 @!p0 $0xF7A, s2;
	p2 =	seq.s32 @!p0 s5, $0x0  }
0x1f: {  	s9 =	smul.u32 $0xF7A, s1;
	s8 =	simm.s32 @!p0 $0x1BF5;
	p2 =	por !p2, p0  }
0x20: {  	[sflag:s8] =	ssyncset.s32 @!p0 $0xFFFFF086;
	s6 =	sadd.s32 @!p0 s3, s7;
	s7 =	simm.s32 @!p0 $0x108  }
0x21: {  	s3 =	sadd.s32 s3, s9;
	s6 =	sadd.s32 @!p0 $0x88, s6;
	s7 =	simm.s32 @p2 $0x1082  }
0x22: {  	[simem:s7], [sflag:s8] =	dma.local @!p0 [hbm:s6], $0xF7A  }
0x23: {  	s9 =	sor.u32 $0xD0000000, s2;
	s6 =	simm.s32 $0x108;
	_ =	swait.ge @!p0 [sflag:s8], $0x0  }
0x24: {  	s3 =	sadd.s32 $0x88, s3;
	s6 =	simm.s32 @!p1 $0x1082;
	[sflag:s4] =	ssyncset.s32 $0xFFFFF086  }
0x25: {  	[simem:s6], [sflag:s4] =	dma.local [hbm:s3], $0xF7A  }
0x26: {  	[smem:$0x3F84] =	sst s1;
	(tag) =	ssettag s2;
	_ =	strace s9  }
0x27: {  	s1 =	sld [smem:$0x3F94]  }
0x28: {  	s2 =	sld [smem:$0x3F95]  }
0x29: {  	s4 =	sld [smem:$0x3F97]  }
0x2a: {  	p0 =	seq.s32 s5, $0x0;
	s5 =	sld [smem:$0x3F98]  }
0x2b: {  	s6 =	sld [smem:$0x3F99]  }
0x2c: {  	s7 =	sld [smem:$0x3F9A]  }
0x2d: {  	s3 =	simm.s32 $0x108;
	s8 =	sld [smem:$0x3F9B]  }
0x2e: {  	s3 =	simm.s32 @!p0 $0x1082;
	s9 =	sld [smem:$0x3F9C]  }
0x2f: {  	lr =	sadd.s32 s0, s3;
	s0 =	sld [smem:$0x3F93]  }
0x30: {  	s3 =	sld [smem:$0x3F96]  }
0x31: {  	[smem:$0x3F9F] =	sst s10  }
0x32: {  	s10 =	sld [smem:$0x3F9D];
	_ =	sdelay $0x3  }
0x33: {  	p0 =	seq.s32 s10, $0x1;
	s10 =	sld [smem:$0x3F9F];
	_ =	sdelay $0x3  }
0x34: {  	[smem:$0x3F9F] =	sst s10  }
0x35: {  	s10 =	sld [smem:$0x3F9E];
	_ =	sdelay $0x3  }
0x36: {  	p1 =	seq.s32 s10, $0x1;
	s10 =	sld [smem:$0x3F9F];
	_ =	sdelay $0x3  }
0x37: {  	[smem:$0x3F9F] =	sst s10  }
0x38: {  	s10 =	sld [smem:$0x3FA0]  }
0x39: {  	_ = 	snop;
	(pc) =	sbr.ind lr, $3  }
0x3a: {  	_ = 	snop  }
0x3b: {  	_ = 	snop  }
0x3c: {  	p2 =	seq.s32 s10, $0x1;
	s10 =	sld [smem:$0x3F9F]  }
0x3d: {  	_ =	shalt  }
0x3e: {  	_ =	shalt  }
0x3f: {  	_ =	shalt  }
0x40: {  	_ =	shalt  }
0x41: {  	_ =	shalt  }
0x42: {  	_ =	shalt  }
0x43: {  	_ =	shalt  }
0x44: {  	_ =	shalt  }
0x45: {  	_ =	shalt  }
0x46: {  	_ =	shalt  }
0x47: {  	_ =	shalt  }
0x48: {  	_ =	shalt  }
0x49: {  	_ =	shalt  }
0x4a: {  	_ =	shalt  }
0x4b: {  	_ =	shalt  }
0x4c: {  	_ =	shalt  }
0x4d: {  	_ =	shalt  }
0x4e: {  	_ =	shalt  }
0x4f: {  	_ =	shalt  }
0x50: {  	_ =	shalt  }
0x51: {  	_ =	shalt  }
0x52: {  	_ =	shalt  }
0x53: {  	_ =	shalt  }
0x54: {  	_ =	shalt  }
0x55: {  	_ =	shalt  }
0x56: {  	_ =	shalt  }
0x57: {  	_ =	shalt  }
0x58: {  	_ =	shalt  }
0x59: {  	_ =	shalt  }
0x5a: {  	_ =	shalt  }
0x5b: {  	_ =	shalt  }
0x5c: {  	_ =	shalt  }
0x5d: {  	_ =	shalt  }
0x5e: {  	_ =	shalt  }
0x5f: {  	_ =	shalt  }
0x60: {  	_ =	shalt  }
0x61: {  	_ =	shalt  }
0x62: {  	_ =	shalt  }
0x63: {  	_ =	shalt  }
0x64: {  	_ =	shalt  }
0x65: {  	_ =	shalt  }
0x66: {  	_ =	shalt  }
0x67: {  	_ =	shalt  }
0x68: {  	_ =	shalt  }
0x69: {  	_ =	shalt  }
0x6a: {  	_ =	shalt  }
0x6b: {  	_ =	shalt  }
0x6c: {  	_ =	shalt  }
0x6d: {  	_ =	shalt  }
0x6e: {  	_ =	shalt  }
0x6f: {  	_ =	shalt  }
0x70: {  	_ =	shalt  }
0x71: {  	_ =	shalt  }
0x72: {  	_ =	shalt  }
0x73: {  	_ =	shalt  }
0x74: {  	_ =	shalt  }
0x75: {  	_ =	shalt  }
0x76: {  	_ =	shalt  }
0x77: {  	_ =	shalt  }
0x78: {  	_ =	shalt  }
0x79: {  	_ =	shalt  }
0x7a: {  	_ =	shalt  }
0x7b: {  	_ =	shalt  }
0x7c: {  	_ =	shalt  }
0x7d: {  	_ =	shalt  }
0x7e: {  	_ =	shalt  }
0x7f: {  	_ =	shalt  }
0x80: {  	_ =	shalt  }
0x81: {  	_ =	shalt  }
0x82: {  	_ =	shalt  }
0x83: {  	_ =	shalt  }
0x84: {  	_ =	shalt  }
0x85: {  	_ =	shalt  }
0x86: {  	_ =	shalt  }
0x87: {  	_ =	shalt  }
.Lfunc_end0:
.L_simem_size_0:
called_computation.2_lowered:
.L_overlay_start_0:
0x88: {  	s2 =	sld [smem:$0x3FD9]  }
0x89: {  	s3 =	sld [smem:$0x3FFE];
	_ =	sdelay $0x1  }
0x8a: {  	s1 =	srdreg.scid  }
0x8b: {  	s0 =	sand.u32 $0x1, s1  }
0x8c: {  	s16 =	sshll.u32 s0, $0xA;
	s2 =	sadd.s32 s3, s2  }
0x8d: {  	s2 =	sadd.s32 s2, s16  }
0x8e: {  	[smem:$0x3FAB] =	sst s2  }
0x8f: {  	_ = 	snop  }
0x90: {  	(tm) =	ssettm $0x1  }
0x91: {  	s17 =	sld [smem:$0x3FFB];
	_ =	sdelay $0x3  }
0x92: {  	_ =	strace s17  }
0x93: {  	s2 =	sld [smem:$0x3FFC];
	_ =	sdelay $0x3  }
0x94: {  	_ =	strace s2  }
0x95: {  	s2 =	sld [smem:$0x3FFD];
	_ =	sdelay $0x3  }
0x96: {  	_ =	strace s2  }
0x97: {  	_ =	strace $0x8FFFFFFF  }
0x98: {  	s18 =	sld [smem:$0x3FDB];
	_ =	sdelay $0x1  }
0x99: {  	s19 =	simm.s32 $_scs_section_size  }
0x9a: {  	s4 =	simm.s32 $_size__tile_overlayer_lowered;
	s5 =	simm.s32 $_tile_overlayer_lowered  }
0x9b: {  	s22 =	simm.s32 $0x1BFF;
	s21 =	sshll.u32 s5, $0x1;
	s2 =	sadd.s32 s19, s18  }
0x9c: {  	s6 =	simm.s32 $0x0;
	s20 =	sshll.u32 s4, $0x1;
	s4 =	sadd.s32 s21, s2  }
0x9d: {  	[timem:s6], [sflag:s22] =	dma.local [hbm:s4], s20  }
0x9e: {  	_ =	swait.ge [sflag:s22], s20  }
0x9f: {  	s3 =	ssub.s32 $0x0, s20;
	[sflag:s22] =	ssyncset.done $0x0  }
0xa0: {  	[sflag:s22] =	ssyncadd.s32 s3;
	_ =	sdelay $0x1  }
0xa1: {  	s23 =	simm.s32 $0x1B8B  }
0xa2: {  	_ =	swait.ge [sflag:s23], $0x1  }
0xa3: {  	[sflag:s23] =	ssyncset.done $0x0  }
0xa4: {  	s25 =	simm.s32 $0x1B8E;
	s24 =	sld [smem:$0x3FFE];
	[sflag:s23] =	ssyncadd.s32 $0xFFFFFFFF  }
0xa5: {  	s26 =	simm.s32 $execute0_lowered;
	[smem:$0x3FD2] =	sst s25  }
0xa6: {  	s4 =	sshll.u32 s26, $0x1;
	_ =	strace $0x8000004C;
	[dreg:$0x1] =	wrdreg $0xFFFFFFFF  }
0xa7: {  	s28 =	simm.s32 $_size_execute0_lowered;
	s2 =	sadd.s32 s2, s4;
	[dreg:$0x0] =	wrdreg $0x0  }
0xa8: {  	s4 =	sshll.u32 s28, $0x1;
	[dreg:$0x2] =	wrdreg s2  }
0xa9: {  	[dreg:$0x3] =	wrdreg s4  }
0xaa: {  	[dreg:$0x4] =	wrdreg $0xC0  }
0xab: {  	_ =	task [dreg:s6], $0x5FFFF  }
0xac: {  	[dreg:$0x1] =	wrdreg $0xFFFFFFFF  }
0xad: {  	[dreg:$0x0] =	wrdreg $0x60  }
0xae: {  	[dreg:$0x2] =	wrdreg s24  }
0xaf: {  	[dreg:$0x3] =	wrdreg $0x9  }
0xb0: {  	_ =	task.clear_ibuf [dreg:s6], $0x4FFFF;
	_ =	strace $0x9000004C  }
0xb1: {  	s29 =	simm.s32 $0x9;
	_ =	strace $0x8000004E  }
0xb2: {  	_ =	swait.ge [sflag:s29], $0x1  }
0xb3: {  	[sflag:s29] =	ssyncadd.s32 $0xFFFFFFFF  }
0xb4: {  	_ =	strace $0x9000004E  }
0xb5: {  	_ =	sfence  }
0xb6: {  	s30 =	sld [smem:$0x0];
	_ =	sdelay $0x2  }
0xb7: {  	s31 =	sshll.u32 s1, $0xD;
	s1 =	sshrl.u32 s1, $0x2  }
0xb8: {  	s3 =	sand.u32 $0x4000, s31;
	s1 =	sadd.s32 s1, s30  }
0xb9: {  	s0 =	sor.u32 s3, s0;
	s1 =	sshll.u32 s1, $0x11  }
0xba: {  	s0 =	sor.u32 s1, s0  }
0xbb: {  	s0 =	sadd.s32 $0x8F2B, s0  }
0xbc: {  	[sflag:s0] =	ssyncadd.remote.s32 $0x1  }
0xbd: {  	_ =	sfence.sel $0xFFFF  }
0xbe: {  	[dreg:$0x0] =	wrdreg $0xFFFFFFFF;
	(pc) =	sbr.abs _section_cstart, $3  }
0xbf: {  	[dreg:$0x1] =	wrdreg $0xFFFFFFFF  }
0xc0: {  	_ =	task.clear_ibuf [dreg:s6], $0x2FFFF;
	_ =	strace $0x9FFFFFFF  }
0xc1: {  	(tm) =	ssettm $0x7FFFFFFF  }
tec
execute0_lowered:
.L_overlay_start_1:
0x0: {  	(tag) =	ssettag $0x1  }
0x1: {  	s0 =	rddreg [dreg:$0x0];
	s2 =	simm.s32 $0x0  }
0x2: {  	s1 =	srdreg.scid;
	s20 =	stileid.u32;
	s14 =	simm.s32 $0x80  }
0x3: {  	s15 =	simm.s32 $0x180;
	s16 =	simm.s32 $0x4A00;
	s17 =	simm.s32 $0x5200  }
0x4: {  	s21 =	simm.s32 $0x5A00;
	s29 =	simm.s32 $0x3;
	s31 =	simm.s32 $0x200  }
0x5: {  	s30 =	simm.s32 $0x2;
	[smem:$0x7FF] =	sst s2;
	s1 =	sand.u32 $0x1, s1  }
0x6: {  	s3 =	sshll.u32 s20, $0x1;
	s4 =	sadd.s32 $0x3B5E00, s0;
	s11 =	sadd.s32 $0x2600, s0  }
0x7: {  	s8 =	smul.u32 $0x1388000, s20;
	s12 =	sadd.s32 $0x7600, s0;
	s18 =	sadd.s32 $0x75F600, s0  }
0x8: {  	s19 =	sadd.s32 $0x2E6F600, s0;
	_ =	strace $0x8000004D;
	[dreg:$0x16] =	wrdreg s11  }
0x9: {  	s23 =	smul.u32 $0x271000, s20;
	s6 =	sor.u32 s1, s3;
	[dreg:$0x17] =	wrdreg s12  }
0xa: {  	s3 =	sadd.s32 $0x144E00, s0;
	s9 =	smul.u32 $0x9C4000, s1;
	[dreg:$0x6] =	wrdreg s14  }
0xb: {  	s5 =	ssub.s32 $0x2, s1;
	s25 =	smul.u32 $0x138800, s1;
	[dreg:$0x7] =	wrdreg s15  }
0xc: {  	s14 =	sadd.s32 $0x145400, s0;
	[dreg:$0x8] =	wrdreg s16;
	s15 =	sadd.s32 $0x145500, s0  }
0xd: {  	[dreg:$0x9] =	wrdreg s17;
	s16 =	sadd.s32 $0x3B5F00, s0;
	s1 =	smul.u32 $0x1388, s1  }
0xe: {  	[dreg:$0xa] =	wrdreg s21;
	s17 =	sadd.s32 $0x3B6000, s0;
	s7 =	smul.u32 $0x1388, s6  }
0xf: {  	s10 =	sshrl.u32 s5, $0x1;
	s26 =	sadd.s32 s23, s18;
	s6 =	smul.u32 $0x9C4000, s6  }
0x10: {  	s5 =	ssub.s32 s5, s10;
	s10 =	sadd.s32 s23, s19;
	s23 =	simm.s32 $0x6A00  }
0x11: {  	s8 =	sadd.s32 s9, s8;
	[dreg:$0xc] =	wrdreg s23;
	s23 =	simm.s32 $0xDA00  }
0x12: {  	s7 =	sshrl.u32 s7, $0x3;
	s5 =	smax.u32 s5, $0x1;
	[dreg:$0x11] =	wrdreg s23  }
0x13: {  	s9 =	sadd.s32 $0x144F00, s0;
	s22 =	sadd.s32 s11, s7;
	[dreg:$0x1c] =	wrdreg s5  }
0x14: {  	s8 =	sshrl.u32 s8, $0x3;
	s7 =	sadd.s32 s12, s7;
	[dreg:$0x18] =	wrdreg s22  }
0x15: {  	s6 =	sshrl.u32 s6, $0x3;
	s24 =	sadd.s32 s8, s19;
	[dreg:$0x19] =	wrdreg s7  }
0x16: {  	s8 =	sadd.s32 s8, s18;
	s12 =	sadd.s32 s25, s10;
	[dreg:$0x2] =	wrdreg s24  }
0x17: {  	s10 =	sadd.s32 $0x145000, s0;
	[dreg:$0x3] =	wrdreg s8;
	s13 =	sadd.s32 $0x800, s12  }
0x18: {  	s11 =	sadd.s32 $0x145100, s0;
	s22 =	simm.s32 $0x6200;
	[dreg:$0x5] =	wrdreg s13  }
0x19: {  	s6 =	sadd.s32 $0x138000, s6;
	s24 =	simm.s32 $0x7200;
	[dreg:$0xb] =	wrdreg s22  }
0x1a: {  	s7 =	sadd.s32 s25, s26;
	s25 =	simm.s32 $0x7A00;
	[dreg:$0xd] =	wrdreg s24  }
0x1b: {  	s23 =	sadd.s32 $0x3B6400, s0;
	s21 =	sadd.s32 s18, s6;
	[dreg:$0xe] =	wrdreg s25  }
0x1c: {  	s5 =	simm.s32 $0x1200;
	s26 =	simm.s32 $0xCA00;
	[dreg:$0x1a] =	wrdreg s21  }
0x1d: {  	s12 =	sadd.s32 $0x145200, s0;
	s6 =	sadd.s32 s19, s6;
	[dreg:$0xf] =	wrdreg s26  }
0x1e: {  	s8 =	simm.s32 $0xF200;
	s18 =	simm.s32 $0xFA00;
	[dreg:$0x1b] =	wrdreg s6  }
0x1f: {  	s7 =	sadd.s32 $0x800, s7;
	s13 =	sadd.s32 $0x145300, s0;
	[dreg:$0x14] =	wrdreg s8  }
0x20: {  	s22 =	simm.s32 $0xD200;
	s24 =	smul.u32 $0x2710, s20;
	[dreg:$0x15] =	wrdreg s18  }
0x21: {  	s25 =	simm.s32 $0xE200;
	s26 =	simm.s32 $0xEA00;
	[dreg:$0x4] =	wrdreg s7  }
0x22: {  	s20 =	sadd.s32 $0x3B6100, s0;
	s21 =	sadd.s32 $0x3B6200, s0;
	[dreg:$0x10] =	wrdreg s22  }
0x23: {  	s8 =	simm.s32 $0x100;
	s6 =	simm.s32 $0x4200;
	[dreg:$0x12] =	wrdreg s25  }
0x24: {  	s18 =	simm.s32 $0xC200;
	[dreg:$0x13] =	wrdreg s26;
	s22 =	sadd.s32 $0x3B6300, s0  }
0x25: {  	s7 =	simm.s32 $0x1A00;
	s1 =	sadd.s32 s1, s24;
	s24 =	sadd.s32 $0x3B6500, s0  }
0x26: {  	v0 =	vlaneseq.u32;
	s0 =	simm.s32 $0x0;
	s19 =	sshrl.u32 s1, $0x3;
	s25 =	sadd.s32 $0x8, s1  }
0x27: {  	v1 =	vshrl.u32 v0, $0x3;
	s1 =	simm.s32 $0xA00;
	[dreg:$0x1d] =	wrdreg s0;
	s26 =	sadd.s32 $0x2, s19  }
0x28: {  	vm0 =	vmmov $0xffff;
	v0 =	vand.u32 $0x7, v0;
	v1 =	vmul.u32 $0x8, v1;
	s28 =	sshrl.u32 s25, $0x3;
	s19 =	simm.s32 $0x8200;
	s25 =	simm.s32 $0x1  }
.LBB2_1:
0x29: {  	s0 =	rddreg [dreg:$0x18]  }
0x2a: {  	[tilespmem:s2], [sflag:$0x3] =	stream.linear.gather [hbm4b:s0+s2], $0x8, $0x38;
	[tilespmem:$0x10200] =	vst v63  }
0x2b: {  	_ =	swait.ge [sflag:s29], $0x8  }
0x2c: {  	[sflag:s29] =	ssyncset.done $0x0  }
0x2d: {  	s0 =	rddreg [dreg:$0x19];
	[sflag:s29] =	ssyncadd.s32 $0xFFFFFFF8  }
0x2e: {  	[tilespmem:s8], [sflag:$0x3] =	stream.linear.gather [hbm4b:s0+s2], $0x8, $0x38;
	[tilespmem:$0x10200] =	vst v63  }
0x2f: {  	_ =	swait.ge [sflag:s29], $0x8  }
0x30: {  	[sflag:s29] =	ssyncset.done $0x0  }
0x31: {  	[sflag:s29] =	ssyncadd.s32 $0xFFFFFFF8  }
0x32: {  	v2 =	vld.msk [tilespmem:$0x0], $0xff;
	_ =	sdelay $0x4  }
0x33: {  	v3 =	vshll.u32 v2, $0x4  }
0x34: {  	v2 =	vand.u32 $0x7, v2;
	v3 =	vand.u32 $0xFFFFFF80, v3  }
0x35: {  	v2 =	vor.u32 v2, v3  }
0x36: {  	v2 =	vperm.xlane v2, v0;
	_ =	sdelay $0x1  }
0x37: {  	v2 =	vadd.s32 v1, v2;
	_ =	sdelay $0x4  }
0x38: {  	[tilespmem:s31], [sflag:$0x1] =	stream.indirect_vreg.gather [hbm4b:s3+s2], $0x80, v2, vm0, $0xb8;
	[tilespmem:$0x10200] =	vst v63  }
0x39: {  	_ = 	snop  }
0x3a: {  	[tilespmem:s1], [sflag:$0x1] =	stream.indirect_vreg.gather [hbm4b:s9+s2], $0x80, v2, vm0, $0xb8;
	[tilespmem:$0x10200] =	vst v63  }
0x3b: {  	_ = 	snop  }
0x3c: {  	[tilespmem:s5], [sflag:$0x1] =	stream.indirect_vreg.gather [hbm4b:s10+s2], $0x80, v2, vm0, $0xb8;
	[tilespmem:$0x10200] =	vst v63  }
0x3d: {  	_ = 	snop  }
0x3e: {  	[tilespmem:s7], [sflag:$0x1] =	stream.indirect_vreg.gather [hbm4b:s11+s2], $0x80, v2, vm0, $0xb8;
	[tilespmem:$0x10200] =	vst v63  }
0x3f: {  	s5 =	simm.s32 $0x2200  }
0x40: {  	[tilespmem:s5], [sflag:$0x1] =	stream.indirect_vreg.gather [hbm4b:s12+s2], $0x80, v2, vm0, $0xb8;
	[tilespmem:$0x10200] =	vst v63  }
0x41: {  	s7 =	simm.s32 $0x2A00  }
0x42: {  	[tilespmem:s7], [sflag:$0x1] =	stream.indirect_vreg.gather [hbm4b:s13+s2], $0x80, v2, vm0, $0xb8;
	[tilespmem:$0x10200] =	vst v63  }
0x43: {  	s8 =	simm.s32 $0x3200  }
0x44: {  	[tilespmem:s8], [sflag:$0x1] =	stream.indirect_vreg.gather [hbm4b:s14+s2], $0x80, v2, vm0, $0xb8;
	[tilespmem:$0x10200] =	vst v63  }
0x45: {  	s1 =	simm.s32 $0x3A00  }
0x46: {  	[tilespmem:s1], [sflag:$0x1] =	stream.indirect_vreg.gather [hbm4b:s15+s2], $0x80, v2, vm0, $0xb8;
	[tilespmem:$0x10200] =	vst v63  }
0x47: {  	v2 =	vld.msk [tilespmem:$0x100], $0xff;
	_ =	sdelay $0x4  }
0x48: {  	v3 =	vshll.u32 v2, $0x4  }
0x49: {  	v2 =	vand.u32 $0x7, v2;
	v3 =	vand.u32 $0xFFFFFF80, v3  }
0x4a: {  	v2 =	vor.u32 v2, v3  }
0x4b: {  	v2 =	vperm.xlane v2, v0;
	_ =	sdelay $0x1  }
0x4c: {  	v2 =	vadd.s32 v1, v2;
	_ =	sdelay $0x4  }
0x4d: {  	[tilespmem:s19], [sflag:$0x1] =	stream.indirect_vreg.gather [hbm4b:s4+s2], $0x80, v2, vm0, $0xb8;
	[tilespmem:$0x10200] =	vst v63  }
0x4e: {  	s5 =	simm.s32 $0x8A00  }
0x4f: {  	[tilespmem:s5], [sflag:$0x1] =	stream.indirect_vreg.gather [hbm4b:s16+s2], $0x80, v2, vm0, $0xb8;
	[tilespmem:$0x10200] =	vst v63  }
0x50: {  	s7 =	simm.s32 $0x9200  }
0x51: {  	[tilespmem:s7], [sflag:$0x1] =	stream.indirect_vreg.gather [hbm4b:s17+s2], $0x80, v2, vm0, $0xb8;
	[tilespmem:$0x10200] =	vst v63  }
0x52: {  	s8 =	simm.s32 $0x9A00  }
0x53: {  	[tilespmem:s8], [sflag:$0x1] =	stream.indirect_vreg.gather [hbm4b:s20+s2], $0x80, v2, vm0, $0xb8;
	[tilespmem:$0x10200] =	vst v63  }
0x54: {  	s1 =	simm.s32 $0xA200  }
0x55: {  	[tilespmem:s1], [sflag:$0x1] =	stream.indirect_vreg.gather [hbm4b:s21+s2], $0x80, v2, vm0, $0xb8;
	[tilespmem:$0x10200] =	vst v63  }
0x56: {  	s5 =	simm.s32 $0xAA00  }
0x57: {  	[tilespmem:s5], [sflag:$0x1] =	stream.indirect_vreg.gather [hbm4b:s22+s2], $0x80, v2, vm0, $0xb8;
	[tilespmem:$0x10200] =	vst v63  }
0x58: {  	s0 =	rddreg [dreg:$0x16];
	s7 =	simm.s32 $0xB200  }
0x59: {  	[tilespmem:s7], [sflag:$0x1] =	stream.indirect_vreg.gather [hbm4b:s23+s2], $0x80, v2, vm0, $0xb8;
	[tilespmem:$0x10200] =	vst v63  }
0x5a: {  	s8 =	simm.s32 $0xBA00;
	s1 =	rddreg [dreg:$0x17];
	s7 =	simm.s32 $0x0  }
0x5b: {  	[tilespmem:s8], [sflag:$0x1] =	stream.indirect_vreg.gather [hbm4b:s24+s2], $0x80, v2, vm0, $0xb8;
	[tilespmem:$0x10200] =	vst v63  }
.LBB2_2:
0x5c: {  	s5 =	rddreg [dreg:$0x6];
	s8 =	sadd.s32 s0, s28  }
0x5d: {  	[tilespmem:s5], [sflag:$0x3] =	stream.linear.gather [hbm4b:s8+s2], $0x8, $0x38;
	[tilespmem:$0x10200] =	vst v63  }
0x5e: {  	_ =	swait.ge [sflag:s29], $0x8  }
0x5f: {  	[sflag:s29] =	ssyncset.done $0x0  }
0x60: {  	s8 =	sadd.s32 s1, s28;
	s5 =	rddreg [dreg:$0x7];
	[sflag:s29] =	ssyncadd.s32 $0xFFFFFFF8  }
0x61: {  	[tilespmem:s5], [sflag:$0x3] =	stream.linear.gather [hbm4b:s8+s2], $0x8, $0x38;
	[tilespmem:$0x10200] =	vst v63  }
0x62: {  	_ =	swait.ge [sflag:s29], $0x8  }
0x63: {  	[sflag:s29] =	ssyncset.done $0x0  }
0x64: {  	[sflag:s29] =	ssyncadd.s32 $0xFFFFFFF8  }
0x65: {  	v2 =	vld.msk [tilespmem:$0x80], $0xff;
	_ =	sdelay $0x4  }
0x66: {  	v3 =	vshll.u32 v2, $0x4  }
0x67: {  	v2 =	vand.u32 $0x7, v2;
	v3 =	vand.u32 $0xFFFFFF80, v3  }
0x68: {  	v2 =	vor.u32 v2, v3  }
0x69: {  	v2 =	vperm.xlane v2, v0;
	_ =	sdelay $0x1  }
0x6a: {  	v2 =	vadd.s32 v1, v2;
	_ =	sdelay $0x4  }
0x6b: {  	[tilespmem:s6], [sflag:$0x2] =	stream.indirect_vreg.gather [hbm4b:s3+s2], $0x80, v2, vm0, $0xb8;
	[tilespmem:$0x10200] =	vst v63  }
0x6c: {  	s5 =	rddreg [dreg:$0x8]  }
0x6d: {  	[tilespmem:s5], [sflag:$0x2] =	stream.indirect_vreg.gather [hbm4b:s9+s2], $0x80, v2, vm0, $0xb8;
	[tilespmem:$0x10200] =	vst v63  }
0x6e: {  	s8 =	rddreg [dreg:$0x9]  }
0x6f: {  	[tilespmem:s8], [sflag:$0x2] =	stream.indirect_vreg.gather [hbm4b:s10+s2], $0x80, v2, vm0, $0xb8;
	[tilespmem:$0x10200] =	vst v63  }
0x70: {  	s5 =	rddreg [dreg:$0xa]  }
0x71: {  	[tilespmem:s5], [sflag:$0x2] =	stream.indirect_vreg.gather [hbm4b:s11+s2], $0x80, v2, vm0, $0xb8;
	[tilespmem:$0x10200] =	vst v63  }
0x72: {  	s8 =	rddreg [dreg:$0xb]  }
0x73: {  	[tilespmem:s8], [sflag:$0x2] =	stream.indirect_vreg.gather [hbm4b:s12+s2], $0x80, v2, vm0, $0xb8;
	[tilespmem:$0x10200] =	vst v63  }
0x74: {  	s5 =	rddreg [dreg:$0xc]  }
0x75: {  	[tilespmem:s5], [sflag:$0x2] =	stream.indirect_vreg.gather [hbm4b:s13+s2], $0x80, v2, vm0, $0xb8;
	[tilespmem:$0x10200] =	vst v63  }
0x76: {  	s8 =	rddreg [dreg:$0xd]  }
0x77: {  	[tilespmem:s8], [sflag:$0x2] =	stream.indirect_vreg.gather [hbm4b:s14+s2], $0x80, v2, vm0, $0xb8;
	[tilespmem:$0x10200] =	vst v63  }
0x78: {  	s5 =	rddreg [dreg:$0xe]  }
0x79: {  	[tilespmem:s5], [sflag:$0x2] =	stream.indirect_vreg.gather [hbm4b:s15+s2], $0x80, v2, vm0, $0xb8;
	[tilespmem:$0x10200] =	vst v63  }
0x7a: {  	v2 =	vld.msk [tilespmem:$0x180], $0xff;
	_ =	sdelay $0x4  }
0x7b: {  	v3 =	vshll.u32 v2, $0x4  }
0x7c: {  	v2 =	vand.u32 $0x7, v2;
	v3 =	vand.u32 $0xFFFFFF80, v3  }
0x7d: {  	v2 =	vor.u32 v2, v3  }
0x7e: {  	v2 =	vperm.xlane v2, v0;
	_ =	sdelay $0x1  }
0x7f: {  	v2 =	vadd.s32 v1, v2;
	_ =	sdelay $0x4  }
0x80: {  	[tilespmem:s18], [sflag:$0x2] =	stream.indirect_vreg.gather [hbm4b:s4+s2], $0x80, v2, vm0, $0xb8;
	[tilespmem:$0x10200] =	vst v63  }
0x81: {  	s5 =	rddreg [dreg:$0xf]  }
0x82: {  	[tilespmem:s5], [sflag:$0x2] =	stream.indirect_vreg.gather [hbm4b:s16+s2], $0x80, v2, vm0, $0xb8;
	[tilespmem:$0x10200] =	vst v63  }
0x83: {  	s8 =	rddreg [dreg:$0x10]  }
0x84: {  	[tilespmem:s8], [sflag:$0x2] =	stream.indirect_vreg.gather [hbm4b:s17+s2], $0x80, v2, vm0, $0xb8;
	[tilespmem:$0x10200] =	vst v63  }
0x85: {  	s5 =	rddreg [dreg:$0x11]  }
0x86: {  	[tilespmem:s5], [sflag:$0x2] =	stream.indirect_vreg.gather [hbm4b:s20+s2], $0x80, v2, vm0, $0xb8;
	[tilespmem:$0x10200] =	vst v63  }
0x87: {  	s8 =	rddreg [dreg:$0x12]  }
0x88: {  	[tilespmem:s8], [sflag:$0x2] =	stream.indirect_vreg.gather [hbm4b:s21+s2], $0x80, v2, vm0, $0xb8;
	[tilespmem:$0x10200] =	vst v63  }
0x89: {  	s5 =	rddreg [dreg:$0x13]  }
0x8a: {  	[tilespmem:s5], [sflag:$0x2] =	stream.indirect_vreg.gather [hbm4b:s22+s2], $0x80, v2, vm0, $0xb8;
	[tilespmem:$0x10200] =	vst v63  }
0x8b: {  	s8 =	rddreg [dreg:$0x14]  }
0x8c: {  	[tilespmem:s8], [sflag:$0x2] =	stream.indirect_vreg.gather [hbm4b:s23+s2], $0x80, v2, vm0, $0xb8;
	[tilespmem:$0x10200] =	vst v63  }
0x8d: {  	s5 =	rddreg [dreg:$0x15]  }
0x8e: {  	[tilespmem:s5], [sflag:$0x2] =	stream.indirect_vreg.gather [hbm4b:s24+s2], $0x80, v2, vm0, $0xb8;
	[tilespmem:$0x10200] =	vst v63  }
0x8f: {  	_ =	swait.ge [sflag:s25], $0x4000  }
0x90: {  	[sflag:s25] =	ssyncset.done $0x0  }
0x91: {  	[sflag:s25] =	ssyncadd.s32 $0xFFFFC000  }
0x92: {  	_ =	swait.ge [sflag:s25], $0x4000  }
0x93: {  	s5 =	rddreg [dreg:$0x3];
	[sflag:s25] =	ssyncset.done $0x0  }
0x94: {  	[sflag:s25] =	ssyncadd.s32 $0xFFFFC000;
	s5 =	sadd.s32 s7, s5  }
0x95: {  	[hbm4b:s5+s2] =	stream.linear.scatter [tilespmem:s31], [sflag:$0x3], $0x4000, $0x38;
	[tilespmem:$0x10200] =	vst v63  }
0x96: {  	_ =	swait.ge [sflag:s29], $0x4000  }
0x97: {  	s5 =	rddreg [dreg:$0x2];
	[sflag:s29] =	ssyncset.done $0x0  }
0x98: {  	[sflag:s29] =	ssyncadd.s32 $0xFFFFC000;
	s5 =	sadd.s32 s7, s5  }
0x99: {  	[hbm4b:s5+s2] =	stream.linear.scatter [tilespmem:s19], [sflag:$0x3], $0x4000, $0x38;
	[tilespmem:$0x10200] =	vst v63  }
0x9a: {  	_ =	swait.ge [sflag:s29], $0x4000  }
0x9b: {  	[sflag:s29] =	ssyncset.done $0x0  }
0x9c: {  	s5 =	sadd.s32 s0, s26;
	[sflag:s29] =	ssyncadd.s32 $0xFFFFC000  }
0x9d: {  	[tilespmem:s2], [sflag:$0x3] =	stream.linear.gather [hbm4b:s5+s2], $0x8, $0x38;
	[tilespmem:$0x10200] =	vst v63  }
0x9e: {  	_ =	swait.ge [sflag:s29], $0x8  }
0x9f: {  	[sflag:s29] =	ssyncset.done $0x0  }
0xa0: {  	s8 =	simm.s32 $0x100;
	s5 =	sadd.s32 s1, s26;
	[sflag:s29] =	ssyncadd.s32 $0xFFFFFFF8  }
0xa1: {  	[tilespmem:s8], [sflag:$0x3] =	stream.linear.gather [hbm4b:s5+s2], $0x8, $0x38;
	[tilespmem:$0x10200] =	vst v63  }
0xa2: {  	_ =	swait.ge [sflag:s29], $0x8  }
0xa3: {  	[sflag:s29] =	ssyncset.done $0x0  }
0xa4: {  	[sflag:s29] =	ssyncadd.s32 $0xFFFFFFF8  }
0xa5: {  	v2 =	vld.msk [tilespmem:$0x0], $0xff;
	_ =	sdelay $0x4  }
0xa6: {  	v3 =	vshll.u32 v2, $0x4  }
0xa7: {  	v2 =	vand.u32 $0x7, v2;
	v3 =	vand.u32 $0xFFFFFF80, v3  }
0xa8: {  	v2 =	vor.u32 v2, v3  }
0xa9: {  	v2 =	vperm.xlane v2, v0;
	_ =	sdelay $0x1  }
0xaa: {  	v2 =	vadd.s32 v1, v2;
	_ =	sdelay $0x4  }
0xab: {  	[tilespmem:s31], [sflag:$0x1] =	stream.indirect_vreg.gather [hbm4b:s3+s2], $0x80, v2, vm0, $0xb8;
	[tilespmem:$0x10200] =	vst v63  }
0xac: {  	s5 =	simm.s32 $0xA00  }
0xad: {  	[tilespmem:s5], [sflag:$0x1] =	stream.indirect_vreg.gather [hbm4b:s9+s2], $0x80, v2, vm0, $0xb8;
	[tilespmem:$0x10200] =	vst v63  }
0xae: {  	s5 =	simm.s32 $0x1200  }
0xaf: {  	[tilespmem:s5], [sflag:$0x1] =	stream.indirect_vreg.gather [hbm4b:s10+s2], $0x80, v2, vm0, $0xb8;
	[tilespmem:$0x10200] =	vst v63  }
0xb0: {  	s5 =	simm.s32 $0x1A00  }
0xb1: {  	[tilespmem:s5], [sflag:$0x1] =	stream.indirect_vreg.gather [hbm4b:s11+s2], $0x80, v2, vm0, $0xb8;
	[tilespmem:$0x10200] =	vst v63  }
0xb2: {  	s5 =	simm.s32 $0x2200  }
0xb3: {  	[tilespmem:s5], [sflag:$0x1] =	stream.indirect_vreg.gather [hbm4b:s12+s2], $0x80, v2, vm0, $0xb8;
	[tilespmem:$0x10200] =	vst v63  }
0xb4: {  	s5 =	simm.s32 $0x2A00  }
0xb5: {  	[tilespmem:s5], [sflag:$0x1] =	stream.indirect_vreg.gather [hbm4b:s13+s2], $0x80, v2, vm0, $0xb8;
	[tilespmem:$0x10200] =	vst v63  }
0xb6: {  	s5 =	simm.s32 $0x3200  }
0xb7: {  	[tilespmem:s5], [sflag:$0x1] =	stream.indirect_vreg.gather [hbm4b:s14+s2], $0x80, v2, vm0, $0xb8;
	[tilespmem:$0x10200] =	vst v63  }
0xb8: {  	s5 =	simm.s32 $0x3A00  }
0xb9: {  	[tilespmem:s5], [sflag:$0x1] =	stream.indirect_vreg.gather [hbm4b:s15+s2], $0x80, v2, vm0, $0xb8;
	[tilespmem:$0x10200] =	vst v63  }
0xba: {  	v2 =	vld.msk [tilespmem:$0x100], $0xff;
	_ =	sdelay $0x4  }
0xbb: {  	v3 =	vshll.u32 v2, $0x4  }
0xbc: {  	v2 =	vand.u32 $0x7, v2;
	v3 =	vand.u32 $0xFFFFFF80, v3  }
0xbd: {  	v2 =	vor.u32 v2, v3  }
0xbe: {  	v2 =	vperm.xlane v2, v0;
	_ =	sdelay $0x1  }
0xbf: {  	v2 =	vadd.s32 v1, v2;
	_ =	sdelay $0x4  }
0xc0: {  	[tilespmem:s19], [sflag:$0x1] =	stream.indirect_vreg.gather [hbm4b:s4+s2], $0x80, v2, vm0, $0xb8;
	[tilespmem:$0x10200] =	vst v63  }
0xc1: {  	s5 =	simm.s32 $0x8A00  }
0xc2: {  	[tilespmem:s5], [sflag:$0x1] =	stream.indirect_vreg.gather [hbm4b:s16+s2], $0x80, v2, vm0, $0xb8;
	[tilespmem:$0x10200] =	vst v63  }
0xc3: {  	s5 =	simm.s32 $0x9200  }
0xc4: {  	[tilespmem:s5], [sflag:$0x1] =	stream.indirect_vreg.gather [hbm4b:s17+s2], $0x80, v2, vm0, $0xb8;
	[tilespmem:$0x10200] =	vst v63  }
0xc5: {  	s5 =	simm.s32 $0x9A00  }
0xc6: {  	[tilespmem:s5], [sflag:$0x1] =	stream.indirect_vreg.gather [hbm4b:s20+s2], $0x80, v2, vm0, $0xb8;
	[tilespmem:$0x10200] =	vst v63  }
0xc7: {  	s5 =	simm.s32 $0xA200  }
0xc8: {  	[tilespmem:s5], [sflag:$0x1] =	stream.indirect_vreg.gather [hbm4b:s21+s2], $0x80, v2, vm0, $0xb8;
	[tilespmem:$0x10200] =	vst v63  }
0xc9: {  	s5 =	simm.s32 $0xAA00  }
0xca: {  	[tilespmem:s5], [sflag:$0x1] =	stream.indirect_vreg.gather [hbm4b:s22+s2], $0x80, v2, vm0, $0xb8;
	[tilespmem:$0x10200] =	vst v63  }
0xcb: {  	s5 =	simm.s32 $0xB200  }
0xcc: {  	[tilespmem:s5], [sflag:$0x1] =	stream.indirect_vreg.gather [hbm4b:s23+s2], $0x80, v2, vm0, $0xb8;
	[tilespmem:$0x10200] =	vst v63  }
0xcd: {  	s5 =	simm.s32 $0xBA00  }
0xce: {  	[tilespmem:s5], [sflag:$0x1] =	stream.indirect_vreg.gather [hbm4b:s24+s2], $0x80, v2, vm0, $0xb8;
	[tilespmem:$0x10200] =	vst v63  }
0xcf: {  	_ =	swait.ge [sflag:s30], $0x4000  }
0xd0: {  	[sflag:s30] =	ssyncset.done $0x0  }
0xd1: {  	[sflag:s30] =	ssyncadd.s32 $0xFFFFC000  }
0xd2: {  	_ =	swait.ge [sflag:s30], $0x4000  }
0xd3: {  	s5 =	rddreg [dreg:$0x4];
	[sflag:s30] =	ssyncset.done $0x0  }
0xd4: {  	[sflag:s30] =	ssyncadd.s32 $0xFFFFC000;
	s5 =	sadd.s32 s7, s5  }
0xd5: {  	[hbm4b:s5+s2] =	stream.linear.scatter [tilespmem:s6], [sflag:$0x3], $0x4000, $0x38;
	[tilespmem:$0x10200] =	vst v63  }
0xd6: {  	_ =	swait.ge [sflag:s29], $0x4000  }
0xd7: {  	p0 =	sne.s32 s7, $0x137000;
	s5 =	rddreg [dreg:$0x5];
	[sflag:s29] =	ssyncset.done $0x0  }
.Ltmp0:
0xd8: {  	[sflag:s29] =	ssyncadd.s32 $0xFFFFC000;
	s5 =	sadd.s32 s7, s5;
	(pc) =	sbr.rel @p0 .LBB2_2-.Ltmp0, $4  }
0xd9: {  	[hbm4b:s5+s2] =	stream.linear.scatter [tilespmem:s18], [sflag:$0x3], $0x4000, $0x38;
	[tilespmem:$0x10200] =	vst v63  }
0xda: {  	_ =	swait.ge [sflag:s29], $0x4000  }
0xdb: {  	s0 =	sadd.s32 $0x2, s0;
	[sflag:s29] =	ssyncset.done $0x0  }
0xdc: {  	s1 =	sadd.s32 $0x2, s1;
	s7 =	sadd.s32 $0x1000, s7;
	[sflag:s29] =	ssyncadd.s32 $0xFFFFC000  }
0xdd: {  	_ =	swait.ge [sflag:s25], $0x4000  }
0xde: {  	[sflag:s25] =	ssyncset.done $0x0  }
0xdf: {  	[sflag:s25] =	ssyncadd.s32 $0xFFFFC000  }
0xe0: {  	_ =	swait.ge [sflag:s25], $0x4000  }
0xe1: {  	[sflag:s25] =	ssyncset.done $0x0  }
0xe2: {  	s0 =	rddreg [dreg:$0x1a];
	[sflag:s25] =	ssyncadd.s32 $0xFFFFC000  }
0xe3: {  	[hbm4b:s0+s2] =	stream.linear.scatter [tilespmem:s31], [sflag:$0x3], $0x4000, $0x38;
	[tilespmem:$0x10200] =	vst v63  }
0xe4: {  	_ =	swait.ge [sflag:s29], $0x4000  }
0xe5: {  	[sflag:s29] =	ssyncset.done $0x0  }
0xe6: {  	s5 =	rddreg [dreg:$0x1b];
	[sflag:s29] =	ssyncadd.s32 $0xFFFFC000  }
0xe7: {  	[hbm4b:s5+s2] =	stream.linear.scatter [tilespmem:s19], [sflag:$0x3], $0x4000, $0x38;
	[tilespmem:$0x10200] =	vst v63  }
0xe8: {  	_ =	swait.ge [sflag:s29], $0x4000  }
0xe9: {  	s1 =	rddreg [dreg:$0x1d]  }
0xea: {  	s7 =	rddreg [dreg:$0x1c];
	s1 =	sadd.s32 $0x1, s1  }
0xeb: {  	p0 =	sne.s32 s1, s7  }
.Ltmp1:
0xec: {  	_ = 	snop;
	(pc) =	sbr.rel @p0 .LBB2_1-.Ltmp1, $4  }
0xed: {  	_ = 	snop  }
0xee: {  	[sflag:s29] =	ssyncset.done $0x0  }
0xef: {  	s5 =	simm.s32 $0x1200;
	[sflag:s29] =	ssyncadd.s32 $0xFFFFC000  }
0xf0: {  	[dreg:$0x1d] =	wrdreg s1;
	s1 =	simm.s32 $0xA00;
	s7 =	simm.s32 $0x1A00  }
0xf1: {  	_ =	sfence.sel $0x180000  }
0xf2: {  	[bflag:$0x0] =	sbarrier.arrive $0xFFFF  }
0xf3: {  	_ =	strace $0x9000004D  }
0xf4: {  	s0 =	stileid.u32;
	[bflag:$0x2] =	sbarrier.arrive $0xFFFF  }
0xf5: {  	p0 =	sne.s32 s0, $0x0;
	s0 =	rddreg [dreg:$0x1]  }
0xf6: {  	s0 =	sadd.s32 @!p0 $0x100000, s0  }
0xf7: {  	[sflag:s0] =	ssyncadd.tile.s32 @!p0 $0x1;
	_ =	shalt  }
.Lfunc_end2:
_tile_overlayer_lowered:
.L_overlay_start_2:
0xf8: {  	(tag) =	ssettag $0x2  }
0xf9: {  	s0 =	rddreg [dreg:$0x0];
	s2 =	stileid.u32  }
0xfa: {  	s1 =	rddreg [dreg:$0x1];
	p0 =	sne.s32 s2, $0x0  }
0xfb: {  	s3 =	rddreg [dreg:$0x2];
	[bflag:$0x3] =	sbarrier.arrive $0xFFFF;
	s2 =	simm.s32 @!p0 $0x1C03  }
0xfc: {  	[timem:s3], [sflag:s2] =	dma.local @!p0 [hbm:s0], s1  }
0xfd: {  	s0 =	simm.s32 @!p0 $0x3  }
0xfe: {  	_ =	swait.ge @!p0 [sflag:s0], s1  }
0xff: {  	s1 =	ssub.s32 @!p0 $0x0, s1;
	[sflag:s0] =	ssyncset.done @!p0 $0x0  }
0x100: {  	[sflag:s0] =	ssyncadd.s32 @!p0 s1  }
0x101: {  	[bflag:$0x3] =	sbarrier.arrive $0xFFFF  }
0x102: {  	_ =	shalt  }

// kernel: kernel.22.cloned.1.call-start
scs
__scs_entry_jumppad:
0x0: {  	(pc) =	sbr.rel $0x88, $3  }
0x1: {  	(tag) =	ssettag $0x0;
	lr =	simm.s32 $0x1  }
0x2: {  	[smem:$0x3F84] =	sst lr;
	_ =	strace $0xD0000000  }
0x3: {  	_ = 	snop  }
0x4: {  	_ = 	snop  }
0x5: {  	_ = 	snop  }
0x6: {  	_ = 	snop  }
0x7: {  	_ = 	snop  }
__scs_overlays_trampoline_lowered:
0x8: {  	[smem:$0x3F93] =	sst s0  }
0x9: {  	[smem:$0x3F94] =	sst s1  }
0xa: {  	[smem:$0x3F95] =	sst s2  }
0xb: {  	[smem:$0x3F96] =	sst s3  }
0xc: {  	[smem:$0x3F97] =	sst s4  }
0xd: {  	[smem:$0x3F98] =	sst s5  }
0xe: {  	[smem:$0x3F99] =	sst s6  }
0xf: {  	[smem:$0x3F9A] =	sst s7  }
0x10: {  	[smem:$0x3F9B] =	sst s8  }
0x11: {  	[smem:$0x3F9C] =	sst s9;
	s0 =	simm.s32 @!p0 $0x0  }
0x12: {  	s1 =	sld [smem:$0x3F82];
	s0 =	simm.s32 @p0 $0x1  }
0x13: {  	[smem:$0x3F9D] =	sst s0;
	s0 =	simm.s32 @!p1 $0x0  }
0x14: {  	s2 =	sld [smem:$0x3F81];
	s0 =	simm.s32 @p1 $0x1  }
0x15: {  	[smem:$0x3F9E] =	sst s0;
	s0 =	simm.s32 @!p2 $0x0  }
0x16: {  	s3 =	sld [smem:$0x3FDB];
	s0 =	simm.s32 @p2 $0x1  }
0x17: {  	s4 =	simm.s32 $0x1BF5;
	[smem:$0x3FA0] =	sst s0  }
0x18: {  	s0 =	sld [smem:$0x3F83];
	_ =	swait.ge [sflag:s4], $0x0  }
0x19: {  	s7 =	sld [smem:$0x3F84]  }
0x1a: {  	s8 =	sadd.s32 $0xFFFFE003, lr  }
0x1b: {  	s9 =	sadd.s32 $0xFFFFFEF7, lr;
	s5 =	simm.s32 $0xFFFFFFFF;
	p2 =	slt.u32 s8, $0xFFFFF086  }
0x1c: {  	p1 =	slt.u32 s9, $0xF7A;
	s5 =	simm.s32 @!p2 $0x0  }
0x1d: {  	s5 =	simm.s32 @p1 $0x1;
	p0 =	seq.s32 s7, s2  }
0x1e: {  	s7 =	smul.u32 @!p0 $0xF7A, s2;
	p2 =	seq.s32 @!p0 s5, $0x0  }
0x1f: {  	s9 =	smul.u32 $0xF7A, s1;
	s8 =	simm.s32 @!p0 $0x1BF5;
	p2 =	por !p2, p0  }
0x20: {  	[sflag:s8] =	ssyncset.s32 @!p0 $0xFFFFF086;
	s6 =	sadd.s32 @!p0 s3, s7;
	s7 =	simm.s32 @!p0 $0x108  }
0x21: {  	s3 =	sadd.s32 s3, s9;
	s6 =	sadd.s32 @!p0 $0x88, s6;
	s7 =	simm.s32 @p2 $0x1082  }
0x22: {  	[simem:s7], [sflag:s8] =	dma.local @!p0 [hbm:s6], $0xF7A  }
0x23: {  	s9 =	sor.u32 $0xD0000000, s2;
	s6 =	simm.s32 $0x108;
	_ =	swait.ge @!p0 [sflag:s8], $0x0  }
0x24: {  	s3 =	sadd.s32 $0x88, s3;
	s6 =	simm.s32 @!p1 $0x1082;
	[sflag:s4] =	ssyncset.s32 $0xFFFFF086  }
0x25: {  	[simem:s6], [sflag:s4] =	dma.local [hbm:s3], $0xF7A  }
0x26: {  	[smem:$0x3F84] =	sst s1;
	(tag) =	ssettag s2;
	_ =	strace s9  }
0x27: {  	s1 =	sld [smem:$0x3F94]  }
0x28: {  	s2 =	sld [smem:$0x3F95]  }
0x29: {  	s4 =	sld [smem:$0x3F97]  }
0x2a: {  	p0 =	seq.s32 s5, $0x0;
	s5 =	sld [smem:$0x3F98]  }
0x2b: {  	s6 =	sld [smem:$0x3F99]  }
0x2c: {  	s7 =	sld [smem:$0x3F9A]  }
0x2d: {  	s3 =	simm.s32 $0x108;
	s8 =	sld [smem:$0x3F9B]  }
0x2e: {  	s3 =	simm.s32 @!p0 $0x1082;
	s9 =	sld [smem:$0x3F9C]  }
0x2f: {  	lr =	sadd.s32 s0, s3;
	s0 =	sld [smem:$0x3F93]  }
0x30: {  	s3 =	sld [smem:$0x3F96]  }
0x31: {  	[smem:$0x3F9F] =	sst s10  }
0x32: {  	s10 =	sld [smem:$0x3F9D];
	_ =	sdelay $0x3  }
0x33: {  	p0 =	seq.s32 s10, $0x1;
	s10 =	sld [smem:$0x3F9F];
	_ =	sdelay $0x3  }
0x34: {  	[smem:$0x3F9F] =	sst s10  }
0x35: {  	s10 =	sld [smem:$0x3F9E];
	_ =	sdelay $0x3  }
0x36: {  	p1 =	seq.s32 s10, $0x1;
	s10 =	sld [smem:$0x3F9F];
	_ =	sdelay $0x3  }
0x37: {  	[smem:$0x3F9F] =	sst s10  }
0x38: {  	s10 =	sld [smem:$0x3FA0]  }
0x39: {  	_ = 	snop;
	(pc) =	sbr.ind lr, $3  }
0x3a: {  	_ = 	snop  }
0x3b: {  	_ = 	snop  }
0x3c: {  	p2 =	seq.s32 s10, $0x1;
	s10 =	sld [smem:$0x3F9F]  }
0x3d: {  	_ =	shalt  }
0x3e: {  	_ =	shalt  }
0x3f: {  	_ =	shalt  }
0x40: {  	_ =	shalt  }
0x41: {  	_ =	shalt  }
0x42: {  	_ =	shalt  }
0x43: {  	_ =	shalt  }
0x44: {  	_ =	shalt  }
0x45: {  	_ =	shalt  }
0x46: {  	_ =	shalt  }
0x47: {  	_ =	shalt  }
0x48: {  	_ =	shalt  }
0x49: {  	_ =	shalt  }
0x4a: {  	_ =	shalt  }
0x4b: {  	_ =	shalt  }
0x4c: {  	_ =	shalt  }
0x4d: {  	_ =	shalt  }
0x4e: {  	_ =	shalt  }
0x4f: {  	_ =	shalt  }
0x50: {  	_ =	shalt  }
0x51: {  	_ =	shalt  }
0x52: {  	_ =	shalt  }
0x53: {  	_ =	shalt  }
0x54: {  	_ =	shalt  }
0x55: {  	_ =	shalt  }
0x56: {  	_ =	shalt  }
0x57: {  	_ =	shalt  }
0x58: {  	_ =	shalt  }
0x59: {  	_ =	shalt  }
0x5a: {  	_ =	shalt  }
0x5b: {  	_ =	shalt  }
0x5c: {  	_ =	shalt  }
0x5d: {  	_ =	shalt  }
0x5e: {  	_ =	shalt  }
0x5f: {  	_ =	shalt  }
0x60: {  	_ =	shalt  }
0x61: {  	_ =	shalt  }
0x62: {  	_ =	shalt  }
0x63: {  	_ =	shalt  }
0x64: {  	_ =	shalt  }
0x65: {  	_ =	shalt  }
0x66: {  	_ =	shalt  }
0x67: {  	_ =	shalt  }
0x68: {  	_ =	shalt  }
0x69: {  	_ =	shalt  }
0x6a: {  	_ =	shalt  }
0x6b: {  	_ =	shalt  }
0x6c: {  	_ =	shalt  }
0x6d: {  	_ =	shalt  }
0x6e: {  	_ =	shalt  }
0x6f: {  	_ =	shalt  }
0x70: {  	_ =	shalt  }
0x71: {  	_ =	shalt  }
0x72: {  	_ =	shalt  }
0x73: {  	_ =	shalt  }
0x74: {  	_ =	shalt  }
0x75: {  	_ =	shalt  }
0x76: {  	_ =	shalt  }
0x77: {  	_ =	shalt  }
0x78: {  	_ =	shalt  }
0x79: {  	_ =	shalt  }
0x7a: {  	_ =	shalt  }
0x7b: {  	_ =	shalt  }
0x7c: {  	_ =	shalt  }
0x7d: {  	_ =	shalt  }
0x7e: {  	_ =	shalt  }
0x7f: {  	_ =	shalt  }
0x80: {  	_ =	shalt  }
0x81: {  	_ =	shalt  }
0x82: {  	_ =	shalt  }
0x83: {  	_ =	shalt  }
0x84: {  	_ =	shalt  }
0x85: {  	_ =	shalt  }
0x86: {  	_ =	shalt  }
0x87: {  	_ =	shalt  }
.Lfunc_end0:
.L_simem_size_0:
called_computation.3_lowered:
.L_overlay_start_0:
0x88: {  	s2 =	sld [smem:$0x3FD9]  }
0x89: {  	s3 =	sld [smem:$0x3FFE];
	_ =	sdelay $0x1  }
0x8a: {  	s1 =	srdreg.scid  }
0x8b: {  	s0 =	sand.u32 $0x1, s1  }
0x8c: {  	s17 =	sshll.u32 s0, $0xA;
	s2 =	sadd.s32 s3, s2  }
0x8d: {  	s2 =	sadd.s32 s2, s17  }
0x8e: {  	[smem:$0x3FAB] =	sst s2  }
0x8f: {  	_ = 	snop  }
0x90: {  	s2 =	sld [smem:$0x3FD0];
	(tm) =	ssettm $0x1  }
0x91: {  	s18 =	sld [smem:$0x3FFB];
	_ =	sdelay $0x3  }
0x92: {  	_ =	strace s18  }
0x93: {  	s3 =	sld [smem:$0x3FFC];
	_ =	sdelay $0x3  }
0x94: {  	_ =	strace s3  }
0x95: {  	s3 =	sld [smem:$0x3FFD];
	_ =	sdelay $0x3  }
0x96: {  	_ =	strace s3  }
0x97: {  	_ =	strace $0x8FFFFFFF  }
0x98: {  	s19 =	sld [smem:$0x3FDB];
	_ =	sdelay $0x1  }
0x99: {  	s4 =	simm.s32 $_scs_section_size  }
0x9a: {  	s5 =	simm.s32 $_size__tile_overlayer_lowered;
	s6 =	simm.s32 $_tile_overlayer_lowered  }
0x9b: {  	s22 =	simm.s32 $0x1BFF;
	s21 =	sshll.u32 s6, $0x1;
	s3 =	sadd.s32 s4, s19  }
0x9c: {  	s7 =	simm.s32 $0x0;
	s20 =	sshll.u32 s5, $0x1;
	s5 =	sadd.s32 s21, s3  }
0x9d: {  	[timem:s7], [sflag:s22] =	dma.local [hbm:s5], s20  }
0x9e: {  	_ =	swait.ge [sflag:s22], s20  }
0x9f: {  	s4 =	ssub.s32 $0x0, s20;
	[sflag:s22] =	ssyncset.done $0x0  }
0xa0: {  	[sflag:s22] =	ssyncadd.s32 s4;
	_ =	sdelay $0x1  }
0xa1: {  	s23 =	simm.s32 $0x1B8B  }
0xa2: {  	_ =	swait.ge [sflag:s23], $0x1  }
0xa3: {  	[sflag:s23] =	ssyncset.done $0x0  }
0xa4: {  	s25 =	simm.s32 $0x1B8E;
	s24 =	sld [smem:$0x3FFE];
	[sflag:s23] =	ssyncadd.s32 $0xFFFFFFFF  }
0xa5: {  	s26 =	simm.s32 $execute0_lowered;
	[smem:$0x3FD2] =	sst s25  }
0xa6: {  	s5 =	sshll.u32 s26, $0x1;
	_ =	strace $0x8000004F;
	[dreg:$0x1] =	wrdreg $0xFFFFFFFF  }
0xa7: {  	s28 =	simm.s32 $_size_execute0_lowered;
	s3 =	sadd.s32 s3, s5;
	[dreg:$0x0] =	wrdreg $0x0  }
0xa8: {  	s5 =	sshll.u32 s28, $0x1;
	[dreg:$0x2] =	wrdreg s3  }
0xa9: {  	[dreg:$0x3] =	wrdreg s5  }
0xaa: {  	[dreg:$0x4] =	wrdreg $0xC0  }
0xab: {  	_ =	task [dreg:s7], $0x5FFFF  }
0xac: {  	[dreg:$0x1] =	wrdreg $0xFFFFFFFF  }
0xad: {  	[dreg:$0x0] =	wrdreg $0x60  }
0xae: {  	[dreg:$0x2] =	wrdreg s24  }
0xaf: {  	[dreg:$0x3] =	wrdreg s2  }
0xb0: {  	[dreg:$0x4] =	wrdreg $0x51000  }
0xb1: {  	[dreg:$0x5] =	wrdreg $0x9  }
0xb2: {  	_ =	task.clear_ibuf [dreg:s7], $0x6FFFF;
	_ =	strace $0x9000004F  }
0xb3: {  	s29 =	simm.s32 $0x9;
	_ =	strace $0x80000051  }
0xb4: {  	_ =	swait.ge [sflag:s29], $0x1  }
0xb5: {  	[sflag:s29] =	ssyncadd.s32 $0xFFFFFFFF  }
0xb6: {  	_ =	strace $0x90000051  }
0xb7: {  	_ =	sfence  }
0xb8: {  	s30 =	sld [smem:$0x0];
	_ =	sdelay $0x2  }
0xb9: {  	s31 =	sshll.u32 s1, $0xD;
	s1 =	sshrl.u32 s1, $0x2  }
0xba: {  	s3 =	sand.u32 $0x4000, s31;
	s1 =	sadd.s32 s1, s30  }
0xbb: {  	s0 =	sor.u32 s3, s0;
	s1 =	sshll.u32 s1, $0x11  }
0xbc: {  	s0 =	sor.u32 s1, s0  }
0xbd: {  	s0 =	sadd.s32 $0x8F2B, s0  }
0xbe: {  	[sflag:s0] =	ssyncadd.remote.s32 $0x1  }
0xbf: {  	_ =	sfence.sel $0xFFFF  }
0xc0: {  	[dreg:$0x0] =	wrdreg $0xFFFFFFFF;
	(pc) =	sbr.abs _section_cstart, $3  }
0xc1: {  	[dreg:$0x1] =	wrdreg $0xFFFFFFFF  }
0xc2: {  	_ =	task.clear_ibuf [dreg:s7], $0x2FFFF;
	_ =	strace $0x9FFFFFFF  }
0xc3: {  	(tm) =	ssettm $0x7FFFFFFF  }
tec
execute0_lowered:
.L_overlay_start_1:
0x0: {  	(tag) =	ssettag $0x1  }
0x1: {  	s0 =	rddreg [dreg:$0x0]  }
0x2: {  	s2 =	rddreg [dreg:$0x2];
	s16 =	stileid.u32  }
0x3: {  	s4 =	simm.s32 $0x0;
	s1 =	srdreg.scid;
	s3 =	smul.u32 $0x50000, s16  }
0x4: {  	[smem:$0x7FF] =	sst s4;
	s5 =	sadd.s32 $0x557F600, s0;
	s9 =	smul.u32 $0x2710, s16  }
0x5: {  	s1 =	sand.u32 $0x1, s1;
	s6 =	sadd.s32 $0x7600, s0;
	s12 =	smul.u32 $0x9C000, s16  }
0x6: {  	s0 =	sadd.s32 $0xC600, s0;
	s20 =	sshll.u32 s16, $0x6;
	s13 =	smul.u32 $0x4E000, s16  }
0x7: {  	p0 =	sne.s32 s16, $0xF;
	_ =	strace $0x80000050;
	s7 =	ssub.s32 $0x2, s1  }
0x8: {  	s11 =	sshll.u32 s1, $0xC;
	s1 =	sshll.u32 s1, $0x9;
	s8 =	sshrl.u32 s7, $0x1  }
0x9: {  	s3 =	sshrl.u32 s3, $0x2;
	s21 =	sshrl.u32 s9, $0x3;
	s13 =	sshrl.u32 s13, $0x2  }
0xa: {  	s23 =	sor.u32 s11, s12;
	s1 =	sadd.s32 s1, s0;
	s29 =	sor.u32 $0x400, s11  }
0xb: {  	s10 =	ssub.s32 s7, s8;
	s3 =	sadd.s32 s3, s2;
	s7 =	sor.u32 $0x1C03, s20  }
0xc: {  	s8 =	sadd.s32 s6, s21;
	s24 =	sadd.s32 s13, s2;
	[dreg:$0x4] =	wrdreg s3  }
0xd: {  	s25 =	sshrl.u32 s23, $0x3;
	s13 =	sor.u32 s12, s29;
	[dreg:$0x5] =	wrdreg s8  }
0xe: {  	s20 =	sadd.s32 $0x138080, s1;
	s3 =	smul.u32 $0x9C4000, s16;
	[dreg:$0x7] =	wrdreg s24  }
0xf: {  	s26 =	sadd.s32 s0, s25;
	s13 =	sshrl.u32 s13, $0x3;
	[dreg:$0xc] =	wrdreg s20  }
0x10: {  	s25 =	smul.u32 $0x4E2, s16;
	s10 =	smax.u32 s10, $0x1;
	[dreg:$0x8] =	wrdreg s26  }
0x11: {  	s16 =	simm.s32 $0x2;
	s18 =	sadd.s32 s0, s13;
	[dreg:$0x13] =	wrdreg s10  }
0x12: {  	s26 =	sadd.s32 $0x138100, s1;
	s10 =	simm.s32 $0x2000;
	[dreg:$0xb] =	wrdreg s18  }
0x13: {  	s9 =	sor.u32 s11, s3;
	s15 =	sor.u32 s3, s29;
	[dreg:$0x10] =	wrdreg s26  }
0x14: {  	s6 =	sadd.s32 s25, s6;
	s14 =	sshrl.u32 s9, $0x3;
	s18 =	sadd.s32 $0x28000, s9  }
0x15: {  	s8 =	sadd.s32 $0x14000, s9;
	s22 =	sadd.s32 s5, s14;
	[dreg:$0x14] =	wrdreg s18  }
0x16: {  	s20 =	sadd.s32 $0x14C00, s9;
	s14 =	sadd.s32 $0x138000, s1;
	[dreg:$0x6] =	wrdreg s22  }
0x17: {  	s18 =	simm.s32 $0x0;
	[dreg:$0x9] =	wrdreg s14;
	s14 =	sshrl.u32 s15, $0x3  }
0x18: {  	s15 =	sor.u32 $0x800, s11;
	s11 =	sor.u32 $0xC00, s11;
	s17 =	sadd.s32 s5, s14  }
0x19: {  	s19 =	sor.u32 s3, s15;
	s21 =	sor.u32 s12, s15;
	s3 =	sor.u32 s3, s11  }
0x1a: {  	s11 =	sor.u32 s12, s11;
	s14 =	sadd.s32 $0x28800, s9;
	s15 =	sadd.s32 $0x14800, s9  }
0x1b: {  	[dreg:$0xa] =	wrdreg s17;
	s13 =	sshrl.u32 s19, $0x3;
	s23 =	sshrl.u32 s21, $0x3  }
0x1c: {  	s3 =	sshrl.u32 s3, $0x3;
	s11 =	sshrl.u32 s11, $0x3;
	s17 =	sshrl.u32 s15, $0x3  }
0x1d: {  	s19 =	sadd.s32 $0x28C00, s9;
	s15 =	simm.s32 $0x50;
	s22 =	sadd.s32 s5, s13  }
0x1e: {  	s24 =	sadd.s32 s0, s23;
	s0 =	sadd.s32 s0, s11;
	s29 =	sadd.s32 s5, s3  }
0x1f: {  	s3 =	sadd.s32 $0x138180, s1;
	s1 =	sshrl.u32 s8, $0x3;
	[dreg:$0xd] =	wrdreg s22  }
0x20: {  	s11 =	sadd.s32 $0x28400, s9;
	s23 =	sadd.s32 $0x14, s6;
	[dreg:$0xe] =	wrdreg s24  }
0x21: {  	s13 =	sadd.s32 $0x14400, s9;
	s30 =	sadd.s32 s17, s5;
	[dreg:$0xf] =	wrdreg s0  }
0x22: {  	s21 =	sshrl.u32 s19, $0x3;
	s6 =	simm.s32 $0x3;
	[dreg:$0x11] =	wrdreg s29  }
0x23: {  	s9 =	simm.s32 $0x400;
	[dreg:$0x12] =	wrdreg s3;
	s24 =	sadd.s32 s1, s5  }
0x24: {  	s12 =	sshrl.u32 s11, $0x3;
	s0 =	sshrl.u32 s13, $0x3;
	s1 =	sshrl.u32 s14, $0x3  }
0x25: {  	s22 =	sshrl.u32 s20, $0x3;
	s31 =	sadd.s32 s21, s5;
	s29 =	sadd.s32 $0x138000, s2  }
0x26: {  	s11 =	simm.s32 $0x100;
	s13 =	simm.s32 $0x2900;
	s14 =	simm.s32 $0x1  }
0x27: {  	s25 =	sadd.s32 s12, s5;
	s26 =	sadd.s32 s0, s5;
	s28 =	sadd.s32 s1, s5  }
0x28: {  	s0 =	sadd.s32 s22, s5;
	[dreg:$0x15] =	wrdreg s29;
	s12 =	simm.s32 $0x80  }
.LBB2_1:
0x29: {  	s1 =	rddreg [dreg:$0x4]  }
0x2a: {  	s17 =	rddreg [dreg:$0x1];
	s19 =	sshrl.u32 s1, $0x3  }
0x2b: {  	[spmem:s19], [sflag:s7] =	dma.local [hbm:s17], $0x2800  }
0x2c: {  	_ =	swait.ge [sflag:s6], $0x2800  }
0x2d: {  	[sflag:s6] =	ssyncset.done $0x0  }
0x2e: {  	[sflag:s6] =	ssyncadd.s32 $0xFFFFD800  }
0x2f: {  	[bflag:$0x0] =	sbarrier.arrive $0xFFFF  }
0x30: {  	s20 =	rddreg [dreg:$0x5]  }
0x31: {  	[tilespmem:s4], [sflag:$0x1] =	stream.linear.gather [hbm4b:s20+s4], $0x50, $0x38;
	[tilespmem:$0x19100] =	vst v63  }
0x32: {  	s21 =	rddreg [dreg:$0x6]  }
0x33: {  	[tilespmem:s11], [sflag:$0x1] =	stream.strided.gather [hbm4b:s21+s9], $0x2800, s10, s9, $0x38;
	[tilespmem:$0x19100] =	vst v63  }
0x34: {  	s20 =	sadd.s32 $0xFFFFFFF6, s23  }
0x35: {  	[tilespmem:s12], [sflag:$0x2] =	stream.linear.gather [hbm4b:s20+s4], $0x50, $0x38;
	[tilespmem:$0x19100] =	vst v63  }
0x36: {  	s22 =	sadd.s32 $0x0, s24  }
0x37: {  	[tilespmem:s13], [sflag:$0x2] =	stream.strided.gather [hbm4b:s22+s9], $0x2800, s10, s9, $0x38;
	[tilespmem:$0x19100] =	vst v63  }
0x38: {  	_ =	swait.ge [sflag:s14], $0x50  }
0x39: {  	[sflag:s14] =	ssyncset.done $0x0  }
0x3a: {  	[sflag:s14] =	ssyncadd.s32 $0xFFFFFFB0  }
0x3b: {  	_ =	swait.ge [sflag:s14], $0x2800  }
0x3c: {  	[sflag:s14] =	ssyncset.done $0x0  }
0x3d: {  	[sflag:s14] =	ssyncadd.s32 $0xFFFFD800  }
0x3e: {  	[spmem:s2] =	stream.indirect.scatter.add.f32 [tilespmem:s11], [sflag:$0x3], $0x80, s4, s15, $0xb8;
	[tilespmem:$0x19100] =	vst v63  }
0x3f: {  	_ =	swait.ge [sflag:s6], $0x2800  }
0x40: {  	[sflag:s6] =	ssyncset.done $0x0;
	s3 =	rddreg [dreg:$0x14]  }
0x41: {  	[sflag:s6] =	ssyncadd.s32 $0xFFFFD800;
	s29 =	sshrl.u32 s3, $0x3  }
0x42: {  	[tilespmem:s4], [sflag:$0x1] =	stream.linear.gather [hbm4b:s23+s4], $0x50, $0x38;
	[tilespmem:$0x19100] =	vst v63  }
0x43: {  	s1 =	sadd.s32 s5, s29  }
0x44: {  	[tilespmem:s11], [sflag:$0x1] =	stream.strided.gather [hbm4b:s1+s9], $0x2800, s10, s9, $0x38;
	[tilespmem:$0x19100] =	vst v63  }
0x45: {  	_ =	swait.ge [sflag:s16], $0x50  }
0x46: {  	[sflag:s16] =	ssyncset.done $0x0  }
0x47: {  	[sflag:s16] =	ssyncadd.s32 $0xFFFFFFB0  }
0x48: {  	_ =	swait.ge [sflag:s16], $0x2800  }
0x49: {  	[sflag:s16] =	ssyncset.done $0x0  }
0x4a: {  	[sflag:s16] =	ssyncadd.s32 $0xFFFFD800  }
0x4b: {  	[spmem:s2] =	stream.indirect.scatter.add.f32 [tilespmem:s13], [sflag:$0x3], $0x80, s12, s15, $0xb8;
	[tilespmem:$0x19100] =	vst v63  }
0x4c: {  	s21 =	sadd.s32 $0x14, s23;
	_ =	swait.ge [sflag:s6], $0x2800  }
0x4d: {  	s22 =	simm.s32 $0xA000;
	s1 =	simm.s32 $0x5000;
	[sflag:s6] =	ssyncset.done $0x0  }
.LBB2_2:
0x4e: {  	s29 =	sadd.s32 $0xFFFFFFF6, s21  }
0x4f: {  	[sflag:s6] =	ssyncadd.s32 $0xFFFFD800;
	s3 =	sadd.s32 $0x28000, s3;
	s17 =	smov.u32 s22  }
0x50: {  	[tilespmem:s12], [sflag:$0x2] =	stream.linear.gather [hbm4b:s29+s4], $0x50, $0x38;
	[tilespmem:$0x19100] =	vst v63  }
0x51: {  	p1 =	sne.s32 s22, $0x131000;
	s22 =	sadd.s32 $0x5000, s22;
	s1 =	sadd.s32 s1, s24  }
0x52: {  	[tilespmem:s13], [sflag:$0x2] =	stream.strided.gather [hbm4b:s1+s9], $0x2800, s10, s9, $0x38;
	[tilespmem:$0x19100] =	vst v63  }
0x53: {  	s1 =	smov.u32 s17;
	_ =	swait.ge [sflag:s14], $0x50  }
0x54: {  	[sflag:s14] =	ssyncset.done $0x0  }
0x55: {  	[sflag:s14] =	ssyncadd.s32 $0xFFFFFFB0  }
0x56: {  	_ =	swait.ge [sflag:s14], $0x2800  }
0x57: {  	[sflag:s14] =	ssyncset.done $0x0  }
0x58: {  	[sflag:s14] =	ssyncadd.s32 $0xFFFFD800  }
0x59: {  	[spmem:s2] =	stream.indirect.scatter.add.f32 [tilespmem:s11], [sflag:$0x3], $0x80, s4, s15, $0xb8;
	[tilespmem:$0x19100] =	vst v63  }
0x5a: {  	_ =	swait.ge [sflag:s6], $0x2800  }
0x5b: {  	[sflag:s6] =	ssyncset.done $0x0  }
0x5c: {  	s17 =	sshrl.u32 s3, $0x3;
	[sflag:s6] =	ssyncadd.s32 $0xFFFFD800  }
0x5d: {  	[tilespmem:s4], [sflag:$0x1] =	stream.linear.gather [hbm4b:s21+s4], $0x50, $0x38;
	[tilespmem:$0x19100] =	vst v63  }
0x5e: {  	s17 =	sadd.s32 s5, s17  }
0x5f: {  	[tilespmem:s11], [sflag:$0x1] =	stream.strided.gather [hbm4b:s17+s9], $0x2800, s10, s9, $0x38;
	[tilespmem:$0x19100] =	vst v63  }
0x60: {  	_ =	swait.ge [sflag:s16], $0x50  }
0x61: {  	[sflag:s16] =	ssyncset.done $0x0  }
0x62: {  	[sflag:s16] =	ssyncadd.s32 $0xFFFFFFB0  }
0x63: {  	_ =	swait.ge [sflag:s16], $0x2800  }
.Ltmp0:
0x64: {  	[sflag:s16] =	ssyncset.done $0x0;
	(pc) =	sbr.rel @p1 .LBB2_2-.Ltmp0, $4  }
0x65: {  	[sflag:s16] =	ssyncadd.s32 $0xFFFFD800  }
0x66: {  	[spmem:s2] =	stream.indirect.scatter.add.f32 [tilespmem:s13], [sflag:$0x3], $0x80, s12, s15, $0xb8;
	[tilespmem:$0x19100] =	vst v63  }
0x67: {  	_ =	swait.ge [sflag:s6], $0x2800  }
0x68: {  	s21 =	sadd.s32 $0x14, s21;
	[sflag:s6] =	ssyncset.done $0x0  }
0x69: {  	s17 =	sadd.s32 $0xFFFFFFF6, s21;
	[sflag:s6] =	ssyncadd.s32 $0xFFFFD800  }
0x6a: {  	[tilespmem:s12], [sflag:$0x2] =	stream.linear.gather [hbm4b:s17+s4], $0x50, $0x38;
	[tilespmem:$0x19100] =	vst v63  }
0x6b: {  	s1 =	sadd.s32 s1, s24  }
0x6c: {  	[tilespmem:s13], [sflag:$0x2] =	stream.strided.gather [hbm4b:s1+s9], $0x2800, s10, s9, $0x38;
	[tilespmem:$0x19100] =	vst v63  }
0x6d: {  	_ =	swait.ge [sflag:s14], $0x50  }
0x6e: {  	[sflag:s14] =	ssyncset.done $0x0  }
0x6f: {  	[sflag:s14] =	ssyncadd.s32 $0xFFFFFFB0  }
0x70: {  	_ =	swait.ge [sflag:s14], $0x2800  }
0x71: {  	[sflag:s14] =	ssyncset.done $0x0  }
0x72: {  	[sflag:s14] =	ssyncadd.s32 $0xFFFFD800  }
0x73: {  	[spmem:s2] =	stream.indirect.scatter.add.f32 [tilespmem:s11], [sflag:$0x3], $0x80, s4, s15, $0xb8;
	[tilespmem:$0x19100] =	vst v63  }
0x74: {  	_ =	swait.ge [sflag:s6], $0x2800  }
0x75: {  	s3 =	sadd.s32 $0x28000, s3;
	[sflag:s6] =	ssyncset.done $0x0  }
0x76: {  	s1 =	sshrl.u32 s3, $0x3;
	[sflag:s6] =	ssyncadd.s32 $0xFFFFD800  }
0x77: {  	[tilespmem:s4], [sflag:$0x1] =	stream.linear.gather [hbm4b:s21+s4], $0x50, $0x38;
	[tilespmem:$0x19100] =	vst v63  }
0x78: {  	s1 =	sadd.s32 s5, s1  }
0x79: {  	[tilespmem:s11], [sflag:$0x1] =	stream.strided.gather [hbm4b:s1+s9], $0x2800, s10, s9, $0x38;
	[tilespmem:$0x19100] =	vst v63  }
0x7a: {  	_ =	swait.ge [sflag:s16], $0x50  }
0x7b: {  	[sflag:s16] =	ssyncset.done $0x0  }
0x7c: {  	[sflag:s16] =	ssyncadd.s32 $0xFFFFFFB0  }
0x7d: {  	_ =	swait.ge [sflag:s16], $0x2800  }
0x7e: {  	[sflag:s16] =	ssyncset.done $0x0  }
0x7f: {  	[sflag:s16] =	ssyncadd.s32 $0xFFFFD800  }
0x80: {  	[spmem:s2] =	stream.indirect.scatter.add.f32 [tilespmem:s13], [sflag:$0x3], $0x80, s12, s15, $0xb8;
	[tilespmem:$0x19100] =	vst v63  }
0x81: {  	_ =	swait.ge [sflag:s6], $0x2800  }
0x82: {  	[sflag:s6] =	ssyncset.done $0x0  }
0x83: {  	[sflag:s6] =	ssyncadd.s32 $0xFFFFD800  }
0x84: {  	_ =	swait.ge [sflag:s14], $0x50  }
0x85: {  	[sflag:s14] =	ssyncset.done $0x0  }
0x86: {  	[sflag:s14] =	ssyncadd.s32 $0xFFFFFFB0  }
0x87: {  	_ =	swait.ge [sflag:s14], $0x2800  }
0x88: {  	[sflag:s14] =	ssyncset.done $0x0  }
0x89: {  	[sflag:s14] =	ssyncadd.s32 $0xFFFFD800  }
0x8a: {  	[spmem:s2] =	stream.indirect.scatter.add.f32 [tilespmem:s11], [sflag:$0x3], $0x80, s4, s15, $0xb8;
	[tilespmem:$0x19100] =	vst v63  }
0x8b: {  	_ =	swait.ge [sflag:s6], $0x2800  }
0x8c: {  	[sflag:s6] =	ssyncset.done $0x0  }
0x8d: {  	[sflag:s6] =	ssyncadd.s32 $0xFFFFD800  }
0x8e: {  	[bflag:$0x0] =	sbarrier.arrive $0xFFFF  }
0x8f: {  	s8 =	rddreg [dreg:$0x7]  }
0x90: {  	s21 =	simm.s32 $0x8;
	s17 =	rddreg [dreg:$0x8];
	s22 =	sshrl.u32 s8, $0x3  }
0x91: {  	[hbm:s17@s9], [sflag:s7] =	dma.strided [spmem:s22@s12], $0x2700, s21, $0x10   }
0x92: {  	_ =	swait.ge [sflag:s6], $0x2700  }
0x93: {  	s3 =	simm.s32 @!p0 $0x400;
	s1 =	rddreg [dreg:$0x15]  }
0x94: {  	s17 =	simm.s32 @!p0 $0x80;
	[sflag:s6] =	ssyncset.done $0x0;
	s8 =	rddreg [dreg:$0x9]  }
0x95: {  	[sflag:s6] =	ssyncadd.s32 $0xFFFFD900;
	s21 =	sshrl.u32 @!p0 s1, $0x3;
	s1 =	simm.s32 @!p0 $0x8  }
0x96: {  	[hbm:s8@s3], [sflag:s7] =	dma.strided @!p0 [spmem:s21@s17], $0x100, s1, $0x10   }
0x97: {  	s1 =	simm.s32 @!p0 $0x3  }
0x98: {  	_ =	swait.ge @!p0 [sflag:s1], $0x100  }
0x99: {  	[sflag:s1] =	ssyncset.done @!p0 $0x0  }
0x9a: {  	[sflag:s1] =	ssyncadd.s32 @!p0 $0xFFFFFF00  }
0x9b: {  	[bflag:$0x0] =	sbarrier.arrive $0xFFFF  }
0x9c: {  	s3 =	rddreg [dreg:$0x1]  }
0x9d: {  	[spmem:s19], [sflag:s7] =	dma.local [hbm:s3], $0x2800  }
0x9e: {  	_ =	swait.ge [sflag:s6], $0x2800  }
0x9f: {  	[sflag:s6] =	ssyncset.done $0x0  }
0xa0: {  	[sflag:s6] =	ssyncadd.s32 $0xFFFFD800  }
0xa1: {  	[bflag:$0x0] =	sbarrier.arrive $0xFFFF  }
0xa2: {  	s8 =	simm.s32 $0x0;
	s17 =	rddreg [dreg:$0x5]  }
0xa3: {  	[tilespmem:s8], [sflag:$0x1] =	stream.linear.gather [hbm4b:s17+s8], $0x50, $0x38;
	[tilespmem:$0x19100] =	vst v63  }
0xa4: {  	s3 =	rddreg [dreg:$0xa]  }
0xa5: {  	[tilespmem:s11], [sflag:$0x1] =	stream.strided.gather [hbm4b:s3+s9], $0x2800, s10, s9, $0x38;
	[tilespmem:$0x19100] =	vst v63  }
0xa6: {  	_ = 	snop  }
0xa7: {  	[tilespmem:s12], [sflag:$0x2] =	stream.linear.gather [hbm4b:s20+s4], $0x50, $0x38;
	[tilespmem:$0x19100] =	vst v63  }
0xa8: {  	s8 =	sadd.s32 $0x0, s26  }
0xa9: {  	[tilespmem:s13], [sflag:$0x2] =	stream.strided.gather [hbm4b:s8+s9], $0x2800, s10, s9, $0x38;
	[tilespmem:$0x19100] =	vst v63  }
0xaa: {  	_ =	swait.ge [sflag:s14], $0x50  }
0xab: {  	[sflag:s14] =	ssyncset.done $0x0  }
0xac: {  	[sflag:s14] =	ssyncadd.s32 $0xFFFFFFB0  }
0xad: {  	_ =	swait.ge [sflag:s14], $0x2800  }
0xae: {  	[sflag:s14] =	ssyncset.done $0x0  }
0xaf: {  	[sflag:s14] =	ssyncadd.s32 $0xFFFFD800  }
0xb0: {  	[spmem:s2] =	stream.indirect.scatter.add.f32 [tilespmem:s11], [sflag:$0x3], $0x80, s4, s15, $0xb8;
	[tilespmem:$0x19100] =	vst v63  }
0xb1: {  	_ =	swait.ge [sflag:s6], $0x2800  }
0xb2: {  	[sflag:s6] =	ssyncset.done $0x0  }
0xb3: {  	[sflag:s6] =	ssyncadd.s32 $0xFFFFD800  }
0xb4: {  	[tilespmem:s4], [sflag:$0x1] =	stream.linear.gather [hbm4b:s23+s4], $0x50, $0x38;
	[tilespmem:$0x19100] =	vst v63  }
0xb5: {  	s17 =	sadd.s32 $0x0, s25  }
0xb6: {  	[tilespmem:s11], [sflag:$0x1] =	stream.strided.gather [hbm4b:s17+s9], $0x2800, s10, s9, $0x38;
	[tilespmem:$0x19100] =	vst v63  }
0xb7: {  	_ =	swait.ge [sflag:s16], $0x50  }
0xb8: {  	[sflag:s16] =	ssyncset.done $0x0  }
0xb9: {  	[sflag:s16] =	ssyncadd.s32 $0xFFFFFFB0  }
0xba: {  	_ =	swait.ge [sflag:s16], $0x2800  }
0xbb: {  	[sflag:s16] =	ssyncset.done $0x0  }
0xbc: {  	[sflag:s16] =	ssyncadd.s32 $0xFFFFD800  }
0xbd: {  	[spmem:s2] =	stream.indirect.scatter.add.f32 [tilespmem:s13], [sflag:$0x3], $0x80, s12, s15, $0xb8;
	[tilespmem:$0x19100] =	vst v63  }
0xbe: {  	s29 =	simm.s32 $0xA000;
	_ =	swait.ge [sflag:s6], $0x2800  }
0xbf: {  	s1 =	sadd.s32 $0x14, s23;
	s3 =	simm.s32 $0x5000;
	[sflag:s6] =	ssyncset.done $0x0  }
.LBB2_4:
0xc0: {  	p1 =	sne.s32 s29, $0x131000;
	s17 =	sadd.s32 $0xFFFFFFF6, s1;
	[sflag:s6] =	ssyncadd.s32 $0xFFFFD800  }
0xc1: {  	[tilespmem:s12], [sflag:$0x2] =	stream.linear.gather [hbm4b:s17+s4], $0x50, $0x38;
	[tilespmem:$0x19100] =	vst v63  }
0xc2: {  	s8 =	smov.u32 s29;
	s29 =	sadd.s32 $0x5000, s29;
	s17 =	sadd.s32 s3, s26  }
0xc3: {  	[tilespmem:s13], [sflag:$0x2] =	stream.strided.gather [hbm4b:s17+s9], $0x2800, s10, s9, $0x38;
	[tilespmem:$0x19100] =	vst v63  }
0xc4: {  	_ =	swait.ge [sflag:s14], $0x50  }
0xc5: {  	[sflag:s14] =	ssyncset.done $0x0  }
0xc6: {  	[sflag:s14] =	ssyncadd.s32 $0xFFFFFFB0  }
0xc7: {  	_ =	swait.ge [sflag:s14], $0x2800  }
0xc8: {  	[sflag:s14] =	ssyncset.done $0x0  }
0xc9: {  	[sflag:s14] =	ssyncadd.s32 $0xFFFFD800  }
0xca: {  	[spmem:s2] =	stream.indirect.scatter.add.f32 [tilespmem:s11], [sflag:$0x3], $0x80, s4, s15, $0xb8;
	[tilespmem:$0x19100] =	vst v63  }
0xcb: {  	_ =	swait.ge [sflag:s6], $0x2800  }
0xcc: {  	[sflag:s6] =	ssyncset.done $0x0  }
0xcd: {  	[sflag:s6] =	ssyncadd.s32 $0xFFFFD800  }
0xce: {  	[tilespmem:s4], [sflag:$0x1] =	stream.linear.gather [hbm4b:s1+s4], $0x50, $0x38;
	[tilespmem:$0x19100] =	vst v63  }
0xcf: {  	s17 =	sadd.s32 s3, s25;
	s3 =	smov.u32 s8  }
0xd0: {  	[tilespmem:s11], [sflag:$0x1] =	stream.strided.gather [hbm4b:s17+s9], $0x2800, s10, s9, $0x38;
	[tilespmem:$0x19100] =	vst v63  }
0xd1: {  	_ =	swait.ge [sflag:s16], $0x50  }
0xd2: {  	[sflag:s16] =	ssyncset.done $0x0  }
0xd3: {  	[sflag:s16] =	ssyncadd.s32 $0xFFFFFFB0  }
0xd4: {  	_ =	swait.ge [sflag:s16], $0x2800  }
.Ltmp1:
0xd5: {  	[sflag:s16] =	ssyncset.done $0x0;
	(pc) =	sbr.rel @p1 .LBB2_4-.Ltmp1, $4  }
0xd6: {  	[sflag:s16] =	ssyncadd.s32 $0xFFFFD800  }
0xd7: {  	[spmem:s2] =	stream.indirect.scatter.add.f32 [tilespmem:s13], [sflag:$0x3], $0x80, s12, s15, $0xb8;
	[tilespmem:$0x19100] =	vst v63  }
0xd8: {  	_ =	swait.ge [sflag:s6], $0x2800  }
0xd9: {  	s1 =	sadd.s32 $0x14, s1;
	[sflag:s6] =	ssyncset.done $0x0  }
0xda: {  	s8 =	sadd.s32 $0xFFFFFFF6, s1;
	[sflag:s6] =	ssyncadd.s32 $0xFFFFD800  }
0xdb: {  	[tilespmem:s12], [sflag:$0x2] =	stream.linear.gather [hbm4b:s8+s4], $0x50, $0x38;
	[tilespmem:$0x19100] =	vst v63  }
0xdc: {  	s17 =	sadd.s32 s3, s26  }
0xdd: {  	[tilespmem:s13], [sflag:$0x2] =	stream.strided.gather [hbm4b:s17+s9], $0x2800, s10, s9, $0x38;
	[tilespmem:$0x19100] =	vst v63  }
0xde: {  	_ =	swait.ge [sflag:s14], $0x50  }
0xdf: {  	[sflag:s14] =	ssyncset.done $0x0  }
0xe0: {  	[sflag:s14] =	ssyncadd.s32 $0xFFFFFFB0  }
0xe1: {  	_ =	swait.ge [sflag:s14], $0x2800  }
0xe2: {  	[sflag:s14] =	ssyncset.done $0x0  }
0xe3: {  	[sflag:s14] =	ssyncadd.s32 $0xFFFFD800  }
0xe4: {  	[spmem:s2] =	stream.indirect.scatter.add.f32 [tilespmem:s11], [sflag:$0x3], $0x80, s4, s15, $0xb8;
	[tilespmem:$0x19100] =	vst v63  }
0xe5: {  	_ =	swait.ge [sflag:s6], $0x2800  }
0xe6: {  	[sflag:s6] =	ssyncset.done $0x0  }
0xe7: {  	[sflag:s6] =	ssyncadd.s32 $0xFFFFD800  }
0xe8: {  	[tilespmem:s4], [sflag:$0x1] =	stream.linear.gather [hbm4b:s1+s4], $0x50, $0x38;
	[tilespmem:$0x19100] =	vst v63  }
0xe9: {  	s3 =	sadd.s32 s3, s25  }
0xea: {  	[tilespmem:s11], [sflag:$0x1] =	stream.strided.gather [hbm4b:s3+s9], $0x2800, s10, s9, $0x38;
	[tilespmem:$0x19100] =	vst v63  }
0xeb: {  	_ =	swait.ge [sflag:s16], $0x50  }
0xec: {  	[sflag:s16] =	ssyncset.done $0x0  }
0xed: {  	[sflag:s16] =	ssyncadd.s32 $0xFFFFFFB0  }
0xee: {  	_ =	swait.ge [sflag:s16], $0x2800  }
0xef: {  	[sflag:s16] =	ssyncset.done $0x0  }
0xf0: {  	[sflag:s16] =	ssyncadd.s32 $0xFFFFD800  }
0xf1: {  	[spmem:s2] =	stream.indirect.scatter.add.f32 [tilespmem:s13], [sflag:$0x3], $0x80, s12, s15, $0xb8;
	[tilespmem:$0x19100] =	vst v63  }
0xf2: {  	_ =	swait.ge [sflag:s6], $0x2800  }
0xf3: {  	[sflag:s6] =	ssyncset.done $0x0  }
0xf4: {  	[sflag:s6] =	ssyncadd.s32 $0xFFFFD800  }
0xf5: {  	_ =	swait.ge [sflag:s14], $0x50  }
0xf6: {  	[sflag:s14] =	ssyncset.done $0x0  }
0xf7: {  	[sflag:s14] =	ssyncadd.s32 $0xFFFFFFB0  }
0xf8: {  	_ =	swait.ge [sflag:s14], $0x2800  }
0xf9: {  	[sflag:s14] =	ssyncset.done $0x0  }
0xfa: {  	[sflag:s14] =	ssyncadd.s32 $0xFFFFD800  }
0xfb: {  	[spmem:s2] =	stream.indirect.scatter.add.f32 [tilespmem:s11], [sflag:$0x3], $0x80, s4, s15, $0xb8;
	[tilespmem:$0x19100] =	vst v63  }
0xfc: {  	_ =	swait.ge [sflag:s6], $0x2800  }
0xfd: {  	[sflag:s6] =	ssyncset.done $0x0  }
0xfe: {  	[sflag:s6] =	ssyncadd.s32 $0xFFFFD800  }
0xff: {  	[bflag:$0x0] =	sbarrier.arrive $0xFFFF  }
0x100: {  	s17 =	simm.s32 $0x8;
	s8 =	rddreg [dreg:$0xb]  }
0x101: {  	[hbm:s8@s9], [sflag:s7] =	dma.strided [spmem:s22@s12], $0x2700, s17, $0x10   }
0x102: {  	_ =	swait.ge [sflag:s6], $0x2700  }
0x103: {  	s1 =	simm.s32 @!p0 $0x8;
	s3 =	simm.s32 @!p0 $0x400;
	[sflag:s6] =	ssyncset.done $0x0  }
0x104: {  	s8 =	simm.s32 @!p0 $0x80;
	s17 =	rddreg [dreg:$0xc];
	[sflag:s6] =	ssyncadd.s32 $0xFFFFD900  }
0x105: {  	[hbm:s17@s3], [sflag:s7] =	dma.strided @!p0 [spmem:s21@s8], $0x100, s1, $0x10   }
0x106: {  	s1 =	simm.s32 @!p0 $0x3  }
0x107: {  	_ =	swait.ge @!p0 [sflag:s1], $0x100  }
0x108: {  	[sflag:s1] =	ssyncset.done @!p0 $0x0  }
0x109: {  	[sflag:s1] =	ssyncadd.s32 @!p0 $0xFFFFFF00  }
0x10a: {  	[bflag:$0x0] =	sbarrier.arrive $0xFFFF  }
0x10b: {  	s3 =	rddreg [dreg:$0x1]  }
0x10c: {  	[spmem:s19], [sflag:s7] =	dma.local [hbm:s3], $0x2800  }
0x10d: {  	_ =	swait.ge [sflag:s6], $0x2800  }
0x10e: {  	[sflag:s6] =	ssyncset.done $0x0  }
0x10f: {  	[sflag:s6] =	ssyncadd.s32 $0xFFFFD800  }
0x110: {  	[bflag:$0x0] =	sbarrier.arrive $0xFFFF  }
0x111: {  	s8 =	simm.s32 $0x0;
	s17 =	rddreg [dreg:$0x5]  }
0x112: {  	[tilespmem:s8], [sflag:$0x1] =	stream.linear.gather [hbm4b:s17+s8], $0x50, $0x38;
	[tilespmem:$0x19100] =	vst v63  }
0x113: {  	s3 =	rddreg [dreg:$0xd]  }
0x114: {  	[tilespmem:s11], [sflag:$0x1] =	stream.strided.gather [hbm4b:s3+s9], $0x2800, s10, s9, $0x38;
	[tilespmem:$0x19100] =	vst v63  }
0x115: {  	_ = 	snop  }
0x116: {  	[tilespmem:s12], [sflag:$0x2] =	stream.linear.gather [hbm4b:s20+s4], $0x50, $0x38;
	[tilespmem:$0x19100] =	vst v63  }
0x117: {  	s8 =	sadd.s32 $0x0, s30  }
0x118: {  	[tilespmem:s13], [sflag:$0x2] =	stream.strided.gather [hbm4b:s8+s9], $0x2800, s10, s9, $0x38;
	[tilespmem:$0x19100] =	vst v63  }
0x119: {  	_ =	swait.ge [sflag:s14], $0x50  }
0x11a: {  	[sflag:s14] =	ssyncset.done $0x0  }
0x11b: {  	[sflag:s14] =	ssyncadd.s32 $0xFFFFFFB0  }
0x11c: {  	_ =	swait.ge [sflag:s14], $0x2800  }
0x11d: {  	[sflag:s14] =	ssyncset.done $0x0  }
0x11e: {  	[sflag:s14] =	ssyncadd.s32 $0xFFFFD800  }
0x11f: {  	[spmem:s2] =	stream.indirect.scatter.add.f32 [tilespmem:s11], [sflag:$0x3], $0x80, s4, s15, $0xb8;
	[tilespmem:$0x19100] =	vst v63  }
0x120: {  	_ =	swait.ge [sflag:s6], $0x2800  }
0x121: {  	[sflag:s6] =	ssyncset.done $0x0  }
0x122: {  	[sflag:s6] =	ssyncadd.s32 $0xFFFFD800  }
0x123: {  	[tilespmem:s4], [sflag:$0x1] =	stream.linear.gather [hbm4b:s23+s4], $0x50, $0x38;
	[tilespmem:$0x19100] =	vst v63  }
0x124: {  	s17 =	sadd.s32 $0x0, s28  }
0x125: {  	[tilespmem:s11], [sflag:$0x1] =	stream.strided.gather [hbm4b:s17+s9], $0x2800, s10, s9, $0x38;
	[tilespmem:$0x19100] =	vst v63  }
0x126: {  	_ =	swait.ge [sflag:s16], $0x50  }
0x127: {  	[sflag:s16] =	ssyncset.done $0x0  }
0x128: {  	[sflag:s16] =	ssyncadd.s32 $0xFFFFFFB0  }
0x129: {  	_ =	swait.ge [sflag:s16], $0x2800  }
0x12a: {  	[sflag:s16] =	ssyncset.done $0x0  }
0x12b: {  	[sflag:s16] =	ssyncadd.s32 $0xFFFFD800  }
0x12c: {  	[spmem:s2] =	stream.indirect.scatter.add.f32 [tilespmem:s13], [sflag:$0x3], $0x80, s12, s15, $0xb8;
	[tilespmem:$0x19100] =	vst v63  }
0x12d: {  	s29 =	simm.s32 $0xA000;
	_ =	swait.ge [sflag:s6], $0x2800  }
0x12e: {  	s1 =	sadd.s32 $0x14, s23;
	s3 =	simm.s32 $0x5000;
	[sflag:s6] =	ssyncset.done $0x0  }
.LBB2_6:
0x12f: {  	p1 =	sne.s32 s29, $0x131000;
	s8 =	sadd.s32 $0xFFFFFFF6, s1;
	[sflag:s6] =	ssyncadd.s32 $0xFFFFD800  }
0x130: {  	[tilespmem:s12], [sflag:$0x2] =	stream.linear.gather [hbm4b:s8+s4], $0x50, $0x38;
	[tilespmem:$0x19100] =	vst v63  }
0x131: {  	s17 =	smov.u32 s29;
	s29 =	sadd.s32 $0x5000, s29;
	s8 =	sadd.s32 s3, s30  }
0x132: {  	[tilespmem:s13], [sflag:$0x2] =	stream.strided.gather [hbm4b:s8+s9], $0x2800, s10, s9, $0x38;
	[tilespmem:$0x19100] =	vst v63  }
0x133: {  	_ =	swait.ge [sflag:s14], $0x50  }
0x134: {  	[sflag:s14] =	ssyncset.done $0x0  }
0x135: {  	[sflag:s14] =	ssyncadd.s32 $0xFFFFFFB0  }
0x136: {  	_ =	swait.ge [sflag:s14], $0x2800  }
0x137: {  	[sflag:s14] =	ssyncset.done $0x0  }
0x138: {  	[sflag:s14] =	ssyncadd.s32 $0xFFFFD800  }
0x139: {  	[spmem:s2] =	stream.indirect.scatter.add.f32 [tilespmem:s11], [sflag:$0x3], $0x80, s4, s15, $0xb8;
	[tilespmem:$0x19100] =	vst v63  }
0x13a: {  	_ =	swait.ge [sflag:s6], $0x2800  }
0x13b: {  	[sflag:s6] =	ssyncset.done $0x0  }
0x13c: {  	[sflag:s6] =	ssyncadd.s32 $0xFFFFD800  }
0x13d: {  	[tilespmem:s4], [sflag:$0x1] =	stream.linear.gather [hbm4b:s1+s4], $0x50, $0x38;
	[tilespmem:$0x19100] =	vst v63  }
0x13e: {  	s8 =	sadd.s32 s3, s28;
	s3 =	smov.u32 s17  }
0x13f: {  	[tilespmem:s11], [sflag:$0x1] =	stream.strided.gather [hbm4b:s8+s9], $0x2800, s10, s9, $0x38;
	[tilespmem:$0x19100] =	vst v63  }
0x140: {  	_ =	swait.ge [sflag:s16], $0x50  }
0x141: {  	[sflag:s16] =	ssyncset.done $0x0  }
0x142: {  	[sflag:s16] =	ssyncadd.s32 $0xFFFFFFB0  }
0x143: {  	_ =	swait.ge [sflag:s16], $0x2800  }
.Ltmp2:
0x144: {  	[sflag:s16] =	ssyncset.done $0x0;
	(pc) =	sbr.rel @p1 .LBB2_6-.Ltmp2, $4  }
0x145: {  	[sflag:s16] =	ssyncadd.s32 $0xFFFFD800  }
0x146: {  	[spmem:s2] =	stream.indirect.scatter.add.f32 [tilespmem:s13], [sflag:$0x3], $0x80, s12, s15, $0xb8;
	[tilespmem:$0x19100] =	vst v63  }
0x147: {  	_ =	swait.ge [sflag:s6], $0x2800  }
0x148: {  	s1 =	sadd.s32 $0x14, s1;
	[sflag:s6] =	ssyncset.done $0x0  }
0x149: {  	s8 =	sadd.s32 $0xFFFFFFF6, s1;
	[sflag:s6] =	ssyncadd.s32 $0xFFFFD800  }
0x14a: {  	[tilespmem:s12], [sflag:$0x2] =	stream.linear.gather [hbm4b:s8+s4], $0x50, $0x38;
	[tilespmem:$0x19100] =	vst v63  }
0x14b: {  	s29 =	sadd.s32 s3, s30  }
0x14c: {  	[tilespmem:s13], [sflag:$0x2] =	stream.strided.gather [hbm4b:s29+s9], $0x2800, s10, s9, $0x38;
	[tilespmem:$0x19100] =	vst v63  }
0x14d: {  	_ =	swait.ge [sflag:s14], $0x50  }
0x14e: {  	[sflag:s14] =	ssyncset.done $0x0  }
0x14f: {  	[sflag:s14] =	ssyncadd.s32 $0xFFFFFFB0  }
0x150: {  	_ =	swait.ge [sflag:s14], $0x2800  }
0x151: {  	[sflag:s14] =	ssyncset.done $0x0  }
0x152: {  	[sflag:s14] =	ssyncadd.s32 $0xFFFFD800  }
0x153: {  	[spmem:s2] =	stream.indirect.scatter.add.f32 [tilespmem:s11], [sflag:$0x3], $0x80, s4, s15, $0xb8;
	[tilespmem:$0x19100] =	vst v63  }
0x154: {  	_ =	swait.ge [sflag:s6], $0x2800  }
0x155: {  	[sflag:s6] =	ssyncset.done $0x0  }
0x156: {  	[sflag:s6] =	ssyncadd.s32 $0xFFFFD800  }
0x157: {  	[tilespmem:s4], [sflag:$0x1] =	stream.linear.gather [hbm4b:s1+s4], $0x50, $0x38;
	[tilespmem:$0x19100] =	vst v63  }
0x158: {  	s8 =	sadd.s32 s3, s28  }
0x159: {  	[tilespmem:s11], [sflag:$0x1] =	stream.strided.gather [hbm4b:s8+s9], $0x2800, s10, s9, $0x38;
	[tilespmem:$0x19100] =	vst v63  }
0x15a: {  	_ =	swait.ge [sflag:s16], $0x50  }
0x15b: {  	[sflag:s16] =	ssyncset.done $0x0  }
0x15c: {  	[sflag:s16] =	ssyncadd.s32 $0xFFFFFFB0  }
0x15d: {  	_ =	swait.ge [sflag:s16], $0x2800  }
0x15e: {  	[sflag:s16] =	ssyncset.done $0x0  }
0x15f: {  	[sflag:s16] =	ssyncadd.s32 $0xFFFFD800  }
0x160: {  	[spmem:s2] =	stream.indirect.scatter.add.f32 [tilespmem:s13], [sflag:$0x3], $0x80, s12, s15, $0xb8;
	[tilespmem:$0x19100] =	vst v63  }
0x161: {  	_ =	swait.ge [sflag:s6], $0x2800  }
0x162: {  	[sflag:s6] =	ssyncset.done $0x0  }
0x163: {  	[sflag:s6] =	ssyncadd.s32 $0xFFFFD800  }
0x164: {  	_ =	swait.ge [sflag:s14], $0x50  }
0x165: {  	[sflag:s14] =	ssyncset.done $0x0  }
0x166: {  	[sflag:s14] =	ssyncadd.s32 $0xFFFFFFB0  }
0x167: {  	_ =	swait.ge [sflag:s14], $0x2800  }
0x168: {  	[sflag:s14] =	ssyncset.done $0x0  }
0x169: {  	[sflag:s14] =	ssyncadd.s32 $0xFFFFD800  }
0x16a: {  	[spmem:s2] =	stream.indirect.scatter.add.f32 [tilespmem:s11], [sflag:$0x3], $0x80, s4, s15, $0xb8;
	[tilespmem:$0x19100] =	vst v63  }
0x16b: {  	_ =	swait.ge [sflag:s6], $0x2800  }
0x16c: {  	[sflag:s6] =	ssyncset.done $0x0  }
0x16d: {  	[sflag:s6] =	ssyncadd.s32 $0xFFFFD800  }
0x16e: {  	[bflag:$0x0] =	sbarrier.arrive $0xFFFF  }
0x16f: {  	s29 =	simm.s32 $0x8;
	s17 =	rddreg [dreg:$0xe]  }
0x170: {  	[hbm:s17@s9], [sflag:s7] =	dma.strided [spmem:s22@s12], $0x2700, s29, $0x10   }
0x171: {  	_ =	swait.ge [sflag:s6], $0x2700  }
0x172: {  	s3 =	simm.s32 @!p0 $0x400;
	s1 =	simm.s32 @!p0 $0x8;
	[sflag:s6] =	ssyncset.done $0x0  }
0x173: {  	s8 =	simm.s32 @!p0 $0x80;
	s17 =	rddreg [dreg:$0x10];
	[sflag:s6] =	ssyncadd.s32 $0xFFFFD900  }
0x174: {  	[hbm:s17@s3], [sflag:s7] =	dma.strided @!p0 [spmem:s21@s8], $0x100, s1, $0x10   }
0x175: {  	s1 =	simm.s32 @!p0 $0x3  }
0x176: {  	_ =	swait.ge @!p0 [sflag:s1], $0x100  }
0x177: {  	[sflag:s1] =	ssyncset.done @!p0 $0x0  }
0x178: {  	[sflag:s1] =	ssyncadd.s32 @!p0 $0xFFFFFF00  }
0x179: {  	[bflag:$0x0] =	sbarrier.arrive $0xFFFF  }
0x17a: {  	s3 =	rddreg [dreg:$0x1]  }
0x17b: {  	[spmem:s19], [sflag:s7] =	dma.local [hbm:s3], $0x2800  }
0x17c: {  	_ =	swait.ge [sflag:s6], $0x2800  }
0x17d: {  	[sflag:s6] =	ssyncset.done $0x0  }
0x17e: {  	[sflag:s6] =	ssyncadd.s32 $0xFFFFD800  }
0x17f: {  	[bflag:$0x0] =	sbarrier.arrive $0xFFFF  }
0x180: {  	s8 =	simm.s32 $0x0;
	s17 =	rddreg [dreg:$0x5]  }
0x181: {  	[tilespmem:s8], [sflag:$0x1] =	stream.linear.gather [hbm4b:s17+s8], $0x50, $0x38;
	[tilespmem:$0x19100] =	vst v63  }
0x182: {  	s19 =	rddreg [dreg:$0x11]  }
0x183: {  	[tilespmem:s11], [sflag:$0x1] =	stream.strided.gather [hbm4b:s19+s9], $0x2800, s10, s9, $0x38;
	[tilespmem:$0x19100] =	vst v63  }
0x184: {  	_ = 	snop  }
0x185: {  	[tilespmem:s12], [sflag:$0x2] =	stream.linear.gather [hbm4b:s20+s4], $0x50, $0x38;
	[tilespmem:$0x19100] =	vst v63  }
0x186: {  	s20 =	sadd.s32 $0x0, s0  }
0x187: {  	[tilespmem:s13], [sflag:$0x2] =	stream.strided.gather [hbm4b:s20+s9], $0x2800, s10, s9, $0x38;
	[tilespmem:$0x19100] =	vst v63  }
0x188: {  	_ =	swait.ge [sflag:s14], $0x50  }
0x189: {  	[sflag:s14] =	ssyncset.done $0x0  }
0x18a: {  	[sflag:s14] =	ssyncadd.s32 $0xFFFFFFB0  }
0x18b: {  	_ =	swait.ge [sflag:s14], $0x2800  }
0x18c: {  	[sflag:s14] =	ssyncset.done $0x0  }
0x18d: {  	[sflag:s14] =	ssyncadd.s32 $0xFFFFD800  }
0x18e: {  	[spmem:s2] =	stream.indirect.scatter.add.f32 [tilespmem:s11], [sflag:$0x3], $0x80, s4, s15, $0xb8;
	[tilespmem:$0x19100] =	vst v63  }
0x18f: {  	_ =	swait.ge [sflag:s6], $0x2800  }
0x190: {  	[sflag:s6] =	ssyncset.done $0x0  }
0x191: {  	[sflag:s6] =	ssyncadd.s32 $0xFFFFD800  }
0x192: {  	[tilespmem:s4], [sflag:$0x1] =	stream.linear.gather [hbm4b:s23+s4], $0x50, $0x38;
	[tilespmem:$0x19100] =	vst v63  }
0x193: {  	s29 =	sadd.s32 $0x0, s31  }
0x194: {  	[tilespmem:s11], [sflag:$0x1] =	stream.strided.gather [hbm4b:s29+s9], $0x2800, s10, s9, $0x38;
	[tilespmem:$0x19100] =	vst v63  }
0x195: {  	_ =	swait.ge [sflag:s16], $0x50  }
0x196: {  	[sflag:s16] =	ssyncset.done $0x0  }
0x197: {  	[sflag:s16] =	ssyncadd.s32 $0xFFFFFFB0  }
0x198: {  	_ =	swait.ge [sflag:s16], $0x2800  }
0x199: {  	[sflag:s16] =	ssyncset.done $0x0  }
0x19a: {  	[sflag:s16] =	ssyncadd.s32 $0xFFFFD800  }
0x19b: {  	[spmem:s2] =	stream.indirect.scatter.add.f32 [tilespmem:s13], [sflag:$0x3], $0x80, s12, s15, $0xb8;
	[tilespmem:$0x19100] =	vst v63  }
0x19c: {  	s1 =	sadd.s32 $0x14, s23;
	_ =	swait.ge [sflag:s6], $0x2800  }
0x19d: {  	s3 =	simm.s32 $0x5000;
	s19 =	simm.s32 $0xA000;
	[sflag:s6] =	ssyncset.done $0x0  }
.LBB2_8:
0x19e: {  	p1 =	sne.s32 s19, $0x131000;
	s8 =	sadd.s32 $0xFFFFFFF6, s1;
	[sflag:s6] =	ssyncadd.s32 $0xFFFFD800  }
0x19f: {  	[tilespmem:s12], [sflag:$0x2] =	stream.linear.gather [hbm4b:s8+s4], $0x50, $0x38;
	[tilespmem:$0x19100] =	vst v63  }
0x1a0: {  	s17 =	smov.u32 s19;
	s19 =	sadd.s32 $0x5000, s19;
	s8 =	sadd.s32 s3, s0  }
0x1a1: {  	[tilespmem:s13], [sflag:$0x2] =	stream.strided.gather [hbm4b:s8+s9], $0x2800, s10, s9, $0x38;
	[tilespmem:$0x19100] =	vst v63  }
0x1a2: {  	_ =	swait.ge [sflag:s14], $0x50  }
0x1a3: {  	[sflag:s14] =	ssyncset.done $0x0  }
0x1a4: {  	[sflag:s14] =	ssyncadd.s32 $0xFFFFFFB0  }
0x1a5: {  	_ =	swait.ge [sflag:s14], $0x2800  }
0x1a6: {  	[sflag:s14] =	ssyncset.done $0x0  }
0x1a7: {  	[sflag:s14] =	ssyncadd.s32 $0xFFFFD800  }
0x1a8: {  	[spmem:s2] =	stream.indirect.scatter.add.f32 [tilespmem:s11], [sflag:$0x3], $0x80, s4, s15, $0xb8;
	[tilespmem:$0x19100] =	vst v63  }
0x1a9: {  	_ =	swait.ge [sflag:s6], $0x2800  }
0x1aa: {  	[sflag:s6] =	ssyncset.done $0x0  }
0x1ab: {  	[sflag:s6] =	ssyncadd.s32 $0xFFFFD800  }
0x1ac: {  	[tilespmem:s4], [sflag:$0x1] =	stream.linear.gather [hbm4b:s1+s4], $0x50, $0x38;
	[tilespmem:$0x19100] =	vst v63  }
0x1ad: {  	s8 =	sadd.s32 s3, s31;
	s3 =	smov.u32 s17  }
0x1ae: {  	[tilespmem:s11], [sflag:$0x1] =	stream.strided.gather [hbm4b:s8+s9], $0x2800, s10, s9, $0x38;
	[tilespmem:$0x19100] =	vst v63  }
0x1af: {  	_ =	swait.ge [sflag:s16], $0x50  }
0x1b0: {  	[sflag:s16] =	ssyncset.done $0x0  }
0x1b1: {  	[sflag:s16] =	ssyncadd.s32 $0xFFFFFFB0  }
0x1b2: {  	_ =	swait.ge [sflag:s16], $0x2800  }
.Ltmp3:
0x1b3: {  	[sflag:s16] =	ssyncset.done $0x0;
	(pc) =	sbr.rel @p1 .LBB2_8-.Ltmp3, $4  }
0x1b4: {  	[sflag:s16] =	ssyncadd.s32 $0xFFFFD800  }
0x1b5: {  	[spmem:s2] =	stream.indirect.scatter.add.f32 [tilespmem:s13], [sflag:$0x3], $0x80, s12, s15, $0xb8;
	[tilespmem:$0x19100] =	vst v63  }
0x1b6: {  	_ =	swait.ge [sflag:s6], $0x2800  }
0x1b7: {  	s1 =	sadd.s32 $0x14, s1;
	[sflag:s6] =	ssyncset.done $0x0  }
0x1b8: {  	s8 =	sadd.s32 $0xFFFFFFF6, s1;
	[sflag:s6] =	ssyncadd.s32 $0xFFFFD800  }
0x1b9: {  	[tilespmem:s12], [sflag:$0x2] =	stream.linear.gather [hbm4b:s8+s4], $0x50, $0x38;
	[tilespmem:$0x19100] =	vst v63  }
0x1ba: {  	s29 =	sadd.s32 s3, s0  }
0x1bb: {  	[tilespmem:s13], [sflag:$0x2] =	stream.strided.gather [hbm4b:s29+s9], $0x2800, s10, s9, $0x38;
	[tilespmem:$0x19100] =	vst v63  }
0x1bc: {  	_ =	swait.ge [sflag:s14], $0x50  }
0x1bd: {  	[sflag:s14] =	ssyncset.done $0x0  }
0x1be: {  	[sflag:s14] =	ssyncadd.s32 $0xFFFFFFB0  }
0x1bf: {  	_ =	swait.ge [sflag:s14], $0x2800  }
0x1c0: {  	[sflag:s14] =	ssyncset.done $0x0  }
0x1c1: {  	[sflag:s14] =	ssyncadd.s32 $0xFFFFD800  }
0x1c2: {  	[spmem:s2] =	stream.indirect.scatter.add.f32 [tilespmem:s11], [sflag:$0x3], $0x80, s4, s15, $0xb8;
	[tilespmem:$0x19100] =	vst v63  }
0x1c3: {  	_ =	swait.ge [sflag:s6], $0x2800  }
0x1c4: {  	[sflag:s6] =	ssyncset.done $0x0  }
0x1c5: {  	[sflag:s6] =	ssyncadd.s32 $0xFFFFD800  }
0x1c6: {  	[tilespmem:s4], [sflag:$0x1] =	stream.linear.gather [hbm4b:s1+s4], $0x50, $0x38;
	[tilespmem:$0x19100] =	vst v63  }
0x1c7: {  	s17 =	sadd.s32 s3, s31  }
0x1c8: {  	[tilespmem:s11], [sflag:$0x1] =	stream.strided.gather [hbm4b:s17+s9], $0x2800, s10, s9, $0x38;
	[tilespmem:$0x19100] =	vst v63  }
0x1c9: {  	_ =	swait.ge [sflag:s16], $0x50  }
0x1ca: {  	[sflag:s16] =	ssyncset.done $0x0  }
0x1cb: {  	[sflag:s16] =	ssyncadd.s32 $0xFFFFFFB0  }
0x1cc: {  	_ =	swait.ge [sflag:s16], $0x2800  }
0x1cd: {  	[sflag:s16] =	ssyncset.done $0x0  }
0x1ce: {  	[sflag:s16] =	ssyncadd.s32 $0xFFFFD800  }
0x1cf: {  	[spmem:s2] =	stream.indirect.scatter.add.f32 [tilespmem:s13], [sflag:$0x3], $0x80, s12, s15, $0xb8;
	[tilespmem:$0x19100] =	vst v63  }
0x1d0: {  	_ =	swait.ge [sflag:s6], $0x2800  }
0x1d1: {  	[sflag:s6] =	ssyncset.done $0x0  }
0x1d2: {  	[sflag:s6] =	ssyncadd.s32 $0xFFFFD800  }
0x1d3: {  	_ =	swait.ge [sflag:s14], $0x50  }
0x1d4: {  	[sflag:s14] =	ssyncset.done $0x0  }
0x1d5: {  	[sflag:s14] =	ssyncadd.s32 $0xFFFFFFB0  }
0x1d6: {  	_ =	swait.ge [sflag:s14], $0x2800  }
0x1d7: {  	[sflag:s14] =	ssyncset.done $0x0  }
0x1d8: {  	[sflag:s14] =	ssyncadd.s32 $0xFFFFD800  }
0x1d9: {  	[spmem:s2] =	stream.indirect.scatter.add.f32 [tilespmem:s11], [sflag:$0x3], $0x80, s4, s15, $0xb8;
	[tilespmem:$0x19100] =	vst v63  }
0x1da: {  	_ =	swait.ge [sflag:s6], $0x2800  }
0x1db: {  	[sflag:s6] =	ssyncset.done $0x0  }
0x1dc: {  	[sflag:s6] =	ssyncadd.s32 $0xFFFFD800  }
0x1dd: {  	[bflag:$0x0] =	sbarrier.arrive $0xFFFF  }
0x1de: {  	s20 =	simm.s32 $0x8;
	s19 =	rddreg [dreg:$0xf]  }
0x1df: {  	[hbm:s19@s9], [sflag:s7] =	dma.strided [spmem:s22@s12], $0x2700, s20, $0x10   }
0x1e0: {  	_ =	swait.ge [sflag:s6], $0x2700  }
0x1e1: {  	s3 =	simm.s32 @!p0 $0x400;
	s8 =	simm.s32 @!p0 $0x80;
	[sflag:s6] =	ssyncset.done $0x0  }
0x1e2: {  	s1 =	simm.s32 @!p0 $0x8;
	s17 =	rddreg [dreg:$0x12];
	[sflag:s6] =	ssyncadd.s32 $0xFFFFD900  }
0x1e3: {  	[hbm:s17@s3], [sflag:s7] =	dma.strided @!p0 [spmem:s21@s8], $0x100, s1, $0x10   }
0x1e4: {  	s1 =	simm.s32 @!p0 $0x3  }
0x1e5: {  	_ =	swait.ge @!p0 [sflag:s1], $0x100  }
0x1e6: {  	s18 =	sadd.s32 $0x1, s18;
	s29 =	rddreg [dreg:$0x13]  }
0x1e7: {  	p1 =	sne.s32 s18, s29  }
.Ltmp4:
0x1e8: {  	_ = 	snop;
	(pc) =	sbr.rel @p1 .LBB2_1-.Ltmp4, $3  }
0x1e9: {  	[sflag:s1] =	ssyncset.done @!p0 $0x0  }
0x1ea: {  	[sflag:s1] =	ssyncadd.s32 @!p0 $0xFFFFFF00  }
0x1eb: {  	[bflag:$0x0] =	sbarrier.arrive $0xFFFF;
	_ =	sdelay $0x1  }
0x1ec: {  	_ =	sfence.sel $0x180000  }
0x1ed: {  	[bflag:$0x0] =	sbarrier.arrive $0xFFFF  }
0x1ee: {  	_ =	strace $0x90000050  }
0x1ef: {  	s0 =	stileid.u32;
	[bflag:$0x2] =	sbarrier.arrive $0xFFFF  }
0x1f0: {  	p0 =	sne.s32 s0, $0x0;
	s0 =	rddreg [dreg:$0x3]  }
0x1f1: {  	s0 =	sadd.s32 @!p0 $0x100000, s0  }
0x1f2: {  	[sflag:s0] =	ssyncadd.tile.s32 @!p0 $0x1;
	_ =	shalt  }
.Lfunc_end2:
_tile_overlayer_lowered:
.L_overlay_start_2:
0x1f3: {  	(tag) =	ssettag $0x2  }
0x1f4: {  	s0 =	rddreg [dreg:$0x0];
	s2 =	stileid.u32  }
0x1f5: {  	s1 =	rddreg [dreg:$0x1];
	p0 =	sne.s32 s2, $0x0  }
0x1f6: {  	s3 =	rddreg [dreg:$0x2];
	[bflag:$0x3] =	sbarrier.arrive $0xFFFF;
	s2 =	simm.s32 @!p0 $0x1C03  }
0x1f7: {  	[timem:s3], [sflag:s2] =	dma.local @!p0 [hbm:s0], s1  }
0x1f8: {  	s0 =	simm.s32 @!p0 $0x3  }
0x1f9: {  	_ =	swait.ge @!p0 [sflag:s0], s1  }
0x1fa: {  	s1 =	ssub.s32 @!p0 $0x0, s1;
	[sflag:s0] =	ssyncset.done @!p0 $0x0  }
0x1fb: {  	[sflag:s0] =	ssyncadd.s32 @!p0 s1  }
0x1fc: {  	[bflag:$0x3] =	sbarrier.arrive $0xFFFF  }
0x1fd: {  	_ =	shalt  }

</sc_bundles>
